<compile_context>
chip_gen: v7x
topology: tpu7x:2x2x1
jax: 0.10.2.dev20260603
libtpu: 0.0.44.dev20260713+nightly
codegen_flags: <defaults>
</compile_context>

<pallas_src>
import dataclasses
import functools

import jax
import jax.numpy as jnp
from jax import lax
from jax.experimental import pallas as pl
from jax.experimental.pallas import tpu as pltpu
from jax.experimental.pallas import tpu_sc as plsc

N = 10000
E = 160000
FIN = 128
H1 = 2
C1 = 128
COUT = 64
NEG = 0.2
EPS = 1e-5

NS = 16
LANES = 16
K = 80
G = K // LANES
SCW = 128
CH = 200

R1 = 3400
P1_STARTS = (0, 3400, 6800)
P1_SIZES = (3400, 3400, 3200)

R2 = 2600
P2_OFFS = (0, 2600)
P2_SIZES = (2600, 2400)

_MESH = plsc.VectorSubcoreMesh(
    core_axis_name="c", subcore_axis_name="s", num_cores=2, num_subcores=NS
)

_SC_PARAMS = pltpu.CompilerParams()
if "needs_layout_passes" in pltpu.CompilerParams.__dataclass_fields__:
    _SC_PARAMS = dataclasses.replace(_SC_PARAMS, needs_layout_passes=False)


def _dot(a, b):
    return jnp.dot(a, b, preferred_element_type=jnp.float32,
                   precision=lax.Precision.HIGHEST)


def _lin1_body(x_ref, wl_ref, wr_ref, xl_ref, xr_ref):
    x = x_ref[...]
    xl_ref[...] = _dot(x, wl_ref[...])
    xr_ref[...] = _dot(x, wr_ref[...])


def _lin1(x, Wl1, Wr1):
    nblk = 10
    blk = N // nblk
    return pl.pallas_call(
        _lin1_body,
        grid=(nblk, H1),
        in_specs=[
            pl.BlockSpec((blk, FIN), lambda i, h: (i, 0)),
            pl.BlockSpec((FIN, C1), lambda i, h: (0, h)),
            pl.BlockSpec((FIN, C1), lambda i, h: (0, h)),
        ],
        out_specs=[
            pl.BlockSpec((blk, C1), lambda i, h: (h * nblk + i, 0)),
            pl.BlockSpec((blk, C1), lambda i, h: (h * nblk + i, 0)),
        ],
        out_shape=[
            jax.ShapeDtypeStruct((H1 * N, C1), jnp.float32),
            jax.ShapeDtypeStruct((H1 * N, C1), jnp.float32),
        ],
    )(x, Wl1, Wr1)


def _zero_bufs(zbuf, wbuf):
    zero = jnp.zeros((LANES,), jnp.float32)
    iota16 = lax.iota(jnp.int32, LANES)

    @pl.loop(0, CH)
    def _(r):
        rowv = jnp.full((LANES,), r, jnp.int32)

        @pl.loop(0, SCW, step=LANES)
        def _(cc):
            plsc.store_scatter(zbuf, [rowv, iota16 + cc], zero)

    @pl.loop(0, K)
    def _(r):
        rowv = jnp.full((LANES,), r, jnp.int32)

        @pl.loop(0, SCW, step=LANES)
        def _(cc):
            plsc.store_scatter(wbuf, [rowv, iota16 + cc], zero)


def _zero_acc(zbuf, acc_sh, s, nch):
    for b in range((nch + NS - 1) // NS):
        idx = s + NS * b

        @pl.when(idx < nch)
        def _():
            pltpu.sync_copy(zbuf, acc_sh.at[pl.ds(idx * CH, CH)])


def _copy_acc(acc_sh, dst_view, s, nch):
    for b in range((nch + NS - 1) // NS):
        idx = s + NS * b

        @pl.when(idx < nch)
        def _():
            pltpu.sync_copy(acc_sh.at[pl.ds(idx * CH, CH)],
                            dst_view.at[pl.ds(idx * CH, CH)])


def _attn_weigh(bufA, bufB, wbuf, att_v, iota16, ncols, boff,
                den_t, dstv, ex_all, e0, excol):
    rows = [iota16 + (j * LANES) for j in range(G)]

    def col_body(ccc, alphas):
        colv = jnp.full((LANES,), ccc, jnp.int32)
        av = plsc.load_gather(att_v, [colv])
        out = []
        for j in range(G):
            a = plsc.load_gather(bufA, [rows[j], colv])
            b = plsc.load_gather(bufB, [rows[j], colv + boff])
            z = a + b
            m = jnp.maximum(z, NEG * z)
            out.append(alphas[j] + av * m)
        return tuple(out)

    zeros = tuple(jnp.zeros((LANES,), jnp.float32) for _ in range(G))
    alphas = lax.fori_loop(0, ncols, col_body, zeros, unroll=2)
    exs = [jnp.exp(alphas[j]) for j in range(G)]
    for j in range(G):
        ex_all[pl.ds(e0 + j * LANES, LANES)] = exs[j]
    if excol:
        excolv = jnp.full((LANES,), ncols, jnp.int32)
        for j in range(G):
            plsc.store_scatter(wbuf, [rows[j], excolv], exs[j])
    if den_t is not None:
        for j in range(G):
            dst16 = dstv[pl.ds(e0 + j * LANES, LANES)]
            plsc.addupdate_scatter(den_t, [dst16], exs[j])

    def col_body2(ccc, carry):
        colv = jnp.full((LANES,), ccc, jnp.int32)
        for j in range(G):
            a = plsc.load_gather(bufA, [rows[j], colv])
            plsc.store_scatter(wbuf, [rows[j], colv], a * exs[j])
        return carry

    lax.fori_loop(0, ncols, col_body2, jnp.int32(0), unroll=2)


def _reweigh(bufA, wbuf, iota16, ncols, ex_all, e0, excol):
    rows = [iota16 + (j * LANES) for j in range(G)]
    exs = [ex_all[pl.ds(e0 + j * LANES, LANES)] for j in range(G)]
    if excol:
        excolv = jnp.full((LANES,), ncols, jnp.int32)
        for j in range(G):
            plsc.store_scatter(wbuf, [rows[j], excolv], exs[j])

    def col_body(ccc, carry):
        colv = jnp.full((LANES,), ccc, jnp.int32)
        for j in range(G):
            a = plsc.load_gather(bufA, [rows[j], colv])
            plsc.store_scatter(wbuf, [rows[j], colv], a * exs[j])
        return carry

    lax.fori_loop(0, ncols, col_body, jnp.int32(0), unroll=2)


def _edge1(xl_flat, xr_flat, src, dst, att1):
    per_tile = E // NS

    @functools.partial(
        pl.kernel,
        out_type=[
            jax.ShapeDtypeStruct((H1, N, SCW), jnp.float32),
            jax.ShapeDtypeStruct((H1 * NS * N,), jnp.float32),
        ],
        mesh=_MESH,
        compiler_params=_SC_PARAMS,
        scratch_types=[
            pltpu.VMEM((C1,), jnp.float32),
            pltpu.VMEM((per_tile,), jnp.int32),
            pltpu.VMEM((per_tile,), jnp.int32),
            pltpu.VMEM((per_tile,), jnp.float32),
            pltpu.VMEM((K,), jnp.int32),
            pltpu.VMEM((K,), jnp.int32),
            pltpu.VMEM((K,), jnp.int32),
            pltpu.VMEM((K, C1), jnp.float32),
            pltpu.VMEM((K, C1), jnp.float32),
            pltpu.VMEM((K, SCW), jnp.float32),
            pltpu.VMEM((CH, SCW), jnp.float32),
            pltpu.VMEM((N,), jnp.float32),
            pltpu.VMEM_SHARED((R1 + 8, SCW), jnp.float32),
        ],
    )
    def k(xl_hbm, xr_hbm, src_hbm, dst_hbm, att_hbm, acc_hbm, den_hbm,
          att_v, src_all, dst_all, ex_all, idxl, idxr, dsc, bufA, bufB,
          wbuf, zbuf, den_t, acc_sh):
        c = lax.axis_index("c")
        s = lax.axis_index("s")
        cN = c * N
        pltpu.sync_copy(att_hbm.at[c], att_v)

        ebase = s * per_tile
        pltpu.sync_copy(src_hbm.at[pl.ds(ebase, per_tile)], src_all)
        pltpu.sync_copy(dst_hbm.at[pl.ds(ebase, per_tile)], dst_all)

        zero = jnp.zeros((LANES,), jnp.float32)

        @pl.loop(0, N, step=LANES)
        def _(i):
            den_t[pl.ds(i, LANES)] = zero

        _zero_bufs(zbuf, wbuf)

        iota16 = lax.iota(jnp.int32, LANES)

        for p, (row0, size) in enumerate(zip(P1_STARTS, P1_SIZES)):
            nch = size // CH
            _zero_acc(zbuf, acc_sh, s, nch)
            plsc.subcore_barrier()

            @pl.loop(0, per_tile, step=K)
            def _(e0, p=p, row0=row0, size=size):
                for j in range(G):
                    sl = pl.ds(e0 + j * LANES, LANES)
                    ov = pl.ds(j * LANES, LANES)
                    sv = src_all[sl]
                    dv = dst_all[sl]
                    idxl[ov] = sv + cN
                    if p == 0:
                        idxr[ov] = dv + cN
                    dl = dv - row0
                    ok = (dl >= 0) & (dl < size)
                    dsc[ov] = jnp.where(ok, dl, R1)
                pltpu.sync_copy(xl_hbm.at[idxl], bufA)
                if p == 0:
                    pltpu.sync_copy(xr_hbm.at[idxr], bufB)
                    _attn_weigh(bufA, bufB, wbuf, att_v, iota16, C1, 0,
                                den_t, dst_all, ex_all, e0, False)
                else:
                    _reweigh(bufA, wbuf, iota16, C1, ex_all, e0, False)
                pltpu.sync_copy(wbuf, acc_sh.at[dsc], add=True)

            plsc.subcore_barrier()
            _copy_acc(acc_sh, acc_hbm.at[c, pl.ds(row0, size)], s, nch)
            plsc.subcore_barrier()

        pltpu.sync_copy(den_t, den_hbm.at[pl.ds((c * NS + s) * N, N)])

    return k(xl_flat, xr_flat, src, dst, att1)


def _edge2(h2, src, dst, att2):
    per_tile = E // NS

    @functools.partial(
        pl.kernel,
        out_type=jax.ShapeDtypeStruct((N, SCW), jnp.float32),
        mesh=_MESH,
        compiler_params=_SC_PARAMS,
        scratch_types=[
            pltpu.VMEM((COUT,), jnp.float32),
            pltpu.VMEM((per_tile,), jnp.int32),
            pltpu.VMEM((per_tile,), jnp.int32),
            pltpu.VMEM((per_tile,), jnp.float32),
            pltpu.VMEM((K,), jnp.int32),
            pltpu.VMEM((K,), jnp.int32),
            pltpu.VMEM((K,), jnp.int32),
            pltpu.VMEM((K, SCW), jnp.float32),
            pltpu.VMEM((K, SCW), jnp.float32),
            pltpu.VMEM((K, SCW), jnp.float32),
            pltpu.VMEM((CH, SCW), jnp.float32),
            pltpu.VMEM_SHARED((R2 + 8, SCW), jnp.float32),
        ],
    )
    def k(h2_hbm, src_hbm, dst_hbm, att_hbm, acc_hbm,
          att_v, src_all, dst_all, ex_all, srcv, dstv, dsc, bufA, bufB,
          wbuf, zbuf, acc_sh):
        c = lax.axis_index("c")
        s = lax.axis_index("s")
        cH = c * (N // 2)
        pltpu.sync_copy(att_hbm.at[0], att_v)

        ebase = s * per_tile
        pltpu.sync_copy(src_hbm.at[pl.ds(ebase, per_tile)], src_all)
        pltpu.sync_copy(dst_hbm.at[pl.ds(ebase, per_tile)], dst_all)

        _zero_bufs(zbuf, wbuf)

        iota16 = lax.iota(jnp.int32, LANES)

        for p, (poff, size) in enumerate(zip(P2_OFFS, P2_SIZES)):
            nch = size // CH
            row0 = cH + poff
            _zero_acc(zbuf, acc_sh, s, nch)
            plsc.subcore_barrier()

            @pl.loop(0, per_tile, step=K)
            def _(e0, p=p, row0=row0, size=size):
                for j in range(G):
                    sl = pl.ds(e0 + j * LANES, LANES)
                    ov = pl.ds(j * LANES, LANES)
                    sv = src_all[sl]
                    dv = dst_all[sl]
                    srcv[ov] = sv
                    if p == 0:
                        dstv[ov] = dv
                    dl = dv - row0
                    ok = (dl >= 0) & (dl < size)
                    dsc[ov] = jnp.where(ok, dl, R2)
                pltpu.sync_copy(h2_hbm.at[srcv], bufA)
                if p == 0:
                    pltpu.sync_copy(h2_hbm.at[dstv], bufB)
                    _attn_weigh(bufA, bufB, wbuf, att_v, iota16, COUT, COUT,
                                None, None, ex_all, e0, True)
                else:
                    _reweigh(bufA, wbuf, iota16, COUT, ex_all, e0, True)
                pltpu.sync_copy(wbuf, acc_sh.at[dsc], add=True)

            plsc.subcore_barrier()
            _copy_acc(acc_sh, acc_hbm.at[pl.ds(row0, size)], s, nch)
            plsc.subcore_barrier()

    return k(h2, src, dst, att2)


def _mid_body(acc_ref, den_ref, b1_ref, g_ref, be_ref, rm_ref, rv_ref,
              wl_ref, wr_ref, h2_ref):
    d = jnp.sum(den_ref[...], axis=2)
    h0 = acc_ref[0] / (d[:, 0:1] + 1e-16)
    h1 = acc_ref[1] / (d[:, 1:2] + 1e-16)
    h = jnp.concatenate([h0, h1], axis=1) + b1_ref[...]
    scale = g_ref[...] / jnp.sqrt(rv_ref[...] + EPS)
    h = (h - rm_ref[...]) * scale + be_ref[...]
    h = jnp.maximum(h, 0.0)
    h2_ref[...] = jnp.concatenate(
        [_dot(h, wl_ref[...]), _dot(h, wr_ref[...])], axis=1)


def _mid(acc1, den1, b1, gamma, beta, rmean, rvar, Wl2, Wr2):
    nblk = 10
    blk = N // nblk
    vec = lambda i: (0, 0)
    return pl.pallas_call(
        _mid_body,
        grid=(nblk,),
        in_specs=[
            pl.BlockSpec((H1, blk, SCW), lambda i: (0, i, 0)),
            pl.BlockSpec((blk, H1, NS), lambda i: (i, 0, 0)),
            pl.BlockSpec((1, H1 * C1), vec),
            pl.BlockSpec((1, H1 * C1), vec),
            pl.BlockSpec((1, H1 * C1), vec),
            pl.BlockSpec((1, H1 * C1), vec),
            pl.BlockSpec((1, H1 * C1), vec),
            pl.BlockSpec((H1 * C1, COUT), vec),
            pl.BlockSpec((H1 * C1, COUT), vec),
        ],
        out_specs=pl.BlockSpec((blk, 2 * COUT), lambda i: (i, 0)),
        out_shape=jax.ShapeDtypeStruct((N, 2 * COUT), jnp.float32),
    )(acc1, den1, b1.reshape(1, -1), gamma.reshape(1, -1), beta.reshape(1, -1),
      rmean.reshape(1, -1), rvar.reshape(1, -1), Wl2, Wr2)


def _final_body(acc_ref, b2_ref, out_ref):
    a = acc_ref[...]
    o = a[:, :COUT] / (a[:, COUT:COUT + 1] + 1e-16) + b2_ref[...]
    m = jnp.max(o, axis=1, keepdims=True)
    lse = m + jnp.log(jnp.sum(jnp.exp(o - m), axis=1, keepdims=True))
    out_ref[...] = o - lse


def _final(acc2, b2):
    nblk = 10
    blk = N // nblk
    return pl.pallas_call(
        _final_body,
        grid=(nblk,),
        in_specs=[
            pl.BlockSpec((blk, SCW), lambda i: (i, 0)),
            pl.BlockSpec((1, COUT), lambda i: (0, 0)),
        ],
        out_specs=pl.BlockSpec((blk, COUT), lambda i: (i, 0)),
        out_shape=jax.ShapeDtypeStruct((N, COUT), jnp.float32),
    )(acc2, b2.reshape(1, -1))


def kernel(x, edge_index, Wl1, Wr1, att1, b1, gamma, beta, rmean, rvar,
           Wl2, Wr2, att2, b2):
    src = edge_index[0]
    dst = edge_index[1]
    xl_flat, xr_flat = _lin1(x, Wl1, Wr1)
    acc1, den1_flat = _edge1(xl_flat, xr_flat, src, dst, att1)
    den1 = den1_flat.reshape(H1, NS, N).transpose(2, 0, 1)
    h2 = _mid(acc1, den1, b1, gamma, beta, rmean, rvar, Wl2, Wr2)
    acc2 = _edge2(h2, src, dst, att2)
    return _final(acc2, b2)

# --- scband reference (transcript-rebuilt; emitter-appended) ---
"""Pipeline reference for scband-gatv2-80796924772835 (READ-ONLY COPY).

The authoritative reference and input builder live on the scoring server;
editing this copy changes nothing except your own understanding.
"""

import jax, jax.numpy as jnp
import numpy as np

N = 10000
E = 160000
FIN = 128
H1 = 2
C1 = 128
COUT = 64
NEG = 0.2
EPS = 1e-5


def setup_inputs(seed: int = 0) -> dict:
    key = jax.random.key(seed)
    ks = jax.random.split(key, 10)
    x = jax.random.normal(ks[0], (N, FIN), dtype=jnp.float32)
    edge_index = jax.random.randint(ks[1], (2, E), 0, N)
    Wl1 = 0.1 * jax.random.normal(ks[2], (FIN, H1 * C1), dtype=jnp.float32)
    Wr1 = 0.1 * jax.random.normal(ks[3], (FIN, H1 * C1), dtype=jnp.float32)
    att1 = 0.1 * jax.random.normal(ks[4], (H1, C1), dtype=jnp.float32)
    b1 = jnp.zeros((H1 * C1,), dtype=jnp.float32)
    gamma = jnp.ones((H1 * C1,), dtype=jnp.float32)
    beta = jnp.zeros((H1 * C1,), dtype=jnp.float32)
    rmean = jnp.zeros((H1 * C1,), dtype=jnp.float32)
    rvar = jnp.ones((H1 * C1,), dtype=jnp.float32)
    Wl2 = 0.1 * jax.random.normal(ks[5], (H1 * C1, COUT), dtype=jnp.float32)
    Wr2 = 0.1 * jax.random.normal(ks[6], (H1 * C1, COUT), dtype=jnp.float32)
    att2 = 0.1 * jax.random.normal(ks[7], (1, COUT), dtype=jnp.float32)
    b2 = jnp.zeros((COUT,), dtype=jnp.float32)
    return dict(x=x, edge_index=edge_index, Wl1=Wl1, Wr1=Wr1, att1=att1, b1=b1,
                gamma=gamma, beta=beta, rmean=rmean, rvar=rvar,
                Wl2=Wl2, Wr2=Wr2, att2=att2, b2=b2)


def _gatv2_conv(x, src, dst, Wl, Wr, att, bias, H, C, concat):
    # PyG GATv2Conv: x_l = lin_l(x_src), x_r = lin_r(x_dst)
    n = x.shape[0]
    xl = (x @ Wl).reshape(n, H, C)
    xr = (x @ Wr).reshape(n, H, C)
    m = jax.nn.leaky_relu(xl[src] + xr[dst], NEG)            # [E, H, C]
    alpha = jnp.einsum('ehc,hc->eh', m, att)                 # [E, H]
    # softmax over incoming edges of each dst node (numerically stable)
    amax = jax.lax.stop_gradient(jax.ops.segment_max(alpha, dst, num_segments=n))
    amax = jnp.where(jnp.isfinite(amax), amax, 0.0)
    ex = jnp.exp(alpha - amax[dst])
    den = jax.ops.segment_sum(ex, dst, num_segments=n)
    coef = ex / (den[dst] + 1e-16)                           # [E, H]
    out = jax.ops.segment_sum(xl[src] * coef[:, :, None], dst, num_segments=n)  # [N, H, C]
    out = out.reshape(n, H * C) if concat else out.mean(axis=1)
    return out + bias


def reference(x, edge_index, Wl1, Wr1, att1, b1, gamma, beta, rmean, rvar, Wl2, Wr2, att2, b2):
    src, dst = edge_index[0], edge_index[1]
    h = _gatv2_conv(x, src, dst, Wl1, Wr1, att1, b1, H1, C1, True)
    # BatchNorm1d in eval mode (running stats)
    h = (h - rmean) / jnp.sqrt(rvar + EPS) * gamma + beta
    h = jax.nn.relu(h)
    # dropout is identity in eval mode
    h = _gatv2_conv(h, src, dst, Wl2, Wr2, att2, b2, 1, COUT, False)
    return jax.nn.log_softmax(h, axis=-1)

if __name__ == "__main__":
    import jax
    _d = setup_inputs()
    print(jax.jit(kernel)(*tuple(_d.values())))

</pallas_src>

<mosaic_0001>
#map = affine_map<(d0, d1) -> (0, 0)>
#map1 = affine_map<(d0, d1) -> (0)>
#map2 = affine_map<(d0, d1) -> (0, 0, 0)>
module attributes {stable_mosaic.version = 14 : i64} {
  func.func @k(%arg0: i32, %arg1: i32, %arg2: memref<20000x128xf32, #tpu.memory_space<hbm>>, %arg3: memref<20000x128xf32, #tpu.memory_space<hbm>>, %arg4: memref<160000xi32, #tpu.memory_space<hbm>>, %arg5: memref<160000xi32, #tpu.memory_space<hbm>>, %arg6: memref<2x128xf32, #tpu.memory_space<hbm>>, %arg7: memref<2x10000x128xf32, #tpu.memory_space<hbm>>, %arg8: memref<320000xf32, #tpu.memory_space<hbm>>, %arg9: memref<128xf32, #tpu.memory_space<vmem>>, %arg10: memref<10000xi32, #tpu.memory_space<vmem>>, %arg11: memref<10000xi32, #tpu.memory_space<vmem>>, %arg12: memref<10000xf32, #tpu.memory_space<vmem>>, %arg13: memref<80xi32, #tpu.memory_space<vmem>>, %arg14: memref<80xi32, #tpu.memory_space<vmem>>, %arg15: memref<80xi32, #tpu.memory_space<vmem>>, %arg16: memref<80x128xf32, #tpu.memory_space<vmem>>, %arg17: memref<80x128xf32, #tpu.memory_space<vmem>>, %arg18: memref<80x128xf32, #tpu.memory_space<vmem>>, %arg19: memref<200x128xf32, #tpu.memory_space<vmem>>, %arg20: memref<10000xf32, #tpu.memory_space<vmem>>, %arg21: memref<3408x128xf32, #tpu.memory_space<vmem_shared>>) attributes {dimension_semantics = [#tpu.dimension_semantics<core_parallel>, #tpu.dimension_semantics<subcore_parallel>], iteration_bounds = array<i64: 2, 16>, scalar_prefetch = 0 : i64, scratch_operands = 13 : i64, tpu.core_type = #tpu.core_type<sc_vector_subcore>, window_params = [{transform_indices = #map}, {transform_indices = #map}, {transform_indices = #map1}, {transform_indices = #map1}, {transform_indices = #map}, {transform_indices = #map2}, {transform_indices = #map1}]} {
    %mul3A = arith.constant 10000 : i32
    %mul3A_0 = arith.muli %arg0, %mul3A : i32
    "tpu.region"() ({
      %run_scoped3A = tpu.sem_alloc : memref<!tpu.dma_semaphore, #tpu.memory_space<semaphore_mem>>
      %dma_start3A = arith.constant 0 : i32
      %dma_start3A_115 = tpu.memref_slice %arg6[%arg0, %dma_start3A] : memref<2x128xf32, #tpu.memory_space<hbm>> -> memref<1x128xf32, #tpu.memory_space<hbm>>
      %dma_start3A_116 = tpu.memref_squeeze %dma_start3A_115 : memref<1x128xf32, #tpu.memory_space<hbm>> -> memref<128xf32, #tpu.memory_space<hbm>>
      %dma_start3A_117 = arith.constant 0 : i32
      %dma_start3A_118 = tpu.memref_slice %arg6[%arg0, %dma_start3A_117] : memref<2x128xf32, #tpu.memory_space<hbm>> -> memref<1x128xf32, #tpu.memory_space<hbm>>
      %dma_start3A_119 = tpu.memref_squeeze %dma_start3A_118 : memref<1x128xf32, #tpu.memory_space<hbm>> -> memref<128xf32, #tpu.memory_space<hbm>>
      tpu.enqueue_dma source(%dma_start3A_119 : memref<128xf32, #tpu.memory_space<hbm>>) target(%arg9 : memref<128xf32, #tpu.memory_space<vmem>>) target_semaphore(%run_scoped3A : memref<!tpu.dma_semaphore, #tpu.memory_space<semaphore_mem>>)
      %dma_wait3A = arith.constant 0 : i32
      %dma_wait3A_120 = tpu.memref_slice %arg6[%arg0, %dma_wait3A] : memref<2x128xf32, #tpu.memory_space<hbm>> -> memref<1x128xf32, #tpu.memory_space<hbm>>
      %dma_wait3A_121 = tpu.memref_squeeze %dma_wait3A_120 : memref<1x128xf32, #tpu.memory_space<hbm>> -> memref<128xf32, #tpu.memory_space<hbm>>
      %dma_wait3A_122 = arith.constant 0 : i32
      %dma_wait3A_123 = tpu.memref_slice %arg6[%arg0, %dma_wait3A_122] : memref<2x128xf32, #tpu.memory_space<hbm>> -> memref<1x128xf32, #tpu.memory_space<hbm>>
      %dma_wait3A_124 = tpu.memref_squeeze %dma_wait3A_123 : memref<1x128xf32, #tpu.memory_space<hbm>> -> memref<128xf32, #tpu.memory_space<hbm>>
      tpu.wait_dma2 semaphore(%run_scoped3A : memref<!tpu.dma_semaphore, #tpu.memory_space<semaphore_mem>>) src(%dma_wait3A_124 : memref<128xf32, #tpu.memory_space<hbm>>) dst(%arg9 : memref<128xf32, #tpu.memory_space<vmem>>)
      tpu.yield
    }) : () -> ()
    %mul3A_1 = arith.constant 10000 : i32
    %mul3A_2 = arith.muli %arg1, %mul3A_1 : i32
    "tpu.region"() ({
      %run_scoped3A = tpu.sem_alloc : memref<!tpu.dma_semaphore, #tpu.memory_space<semaphore_mem>>
      %dma_start3A = tpu.memref_slice %arg4[%mul3A_2] : memref<160000xi32, #tpu.memory_space<hbm>> -> memref<10000xi32, #tpu.memory_space<hbm>>
      %dma_start3A_115 = tpu.memref_slice %arg4[%mul3A_2] : memref<160000xi32, #tpu.memory_space<hbm>> -> memref<10000xi32, #tpu.memory_space<hbm>>
      tpu.enqueue_dma source(%dma_start3A_115 : memref<10000xi32, #tpu.memory_space<hbm>>) target(%arg10 : memref<10000xi32, #tpu.memory_space<vmem>>) target_semaphore(%run_scoped3A : memref<!tpu.dma_semaphore, #tpu.memory_space<semaphore_mem>>)
      %dma_wait3A = tpu.memref_slice %arg4[%mul3A_2] : memref<160000xi32, #tpu.memory_space<hbm>> -> memref<10000xi32, #tpu.memory_space<hbm>>
      %dma_wait3A_116 = tpu.memref_slice %arg4[%mul3A_2] : memref<160000xi32, #tpu.memory_space<hbm>> -> memref<10000xi32, #tpu.memory_space<hbm>>
      tpu.wait_dma2 semaphore(%run_scoped3A : memref<!tpu.dma_semaphore, #tpu.memory_space<semaphore_mem>>) src(%dma_wait3A_116 : memref<10000xi32, #tpu.memory_space<hbm>>) dst(%arg10 : memref<10000xi32, #tpu.memory_space<vmem>>)
      tpu.yield
    }) : () -> ()
    "tpu.region"() ({
      %run_scoped3A = tpu.sem_alloc : memref<!tpu.dma_semaphore, #tpu.memory_space<semaphore_mem>>
      %dma_start3A = tpu.memref_slice %arg5[%mul3A_2] : memref<160000xi32, #tpu.memory_space<hbm>> -> memref<10000xi32, #tpu.memory_space<hbm>>
      %dma_start3A_115 = tpu.memref_slice %arg5[%mul3A_2] : memref<160000xi32, #tpu.memory_space<hbm>> -> memref<10000xi32, #tpu.memory_space<hbm>>
      tpu.enqueue_dma source(%dma_start3A_115 : memref<10000xi32, #tpu.memory_space<hbm>>) target(%arg11 : memref<10000xi32, #tpu.memory_space<vmem>>) target_semaphore(%run_scoped3A : memref<!tpu.dma_semaphore, #tpu.memory_space<semaphore_mem>>)
      %dma_wait3A = tpu.memref_slice %arg5[%mul3A_2] : memref<160000xi32, #tpu.memory_space<hbm>> -> memref<10000xi32, #tpu.memory_space<hbm>>
      %dma_wait3A_116 = tpu.memref_slice %arg5[%mul3A_2] : memref<160000xi32, #tpu.memory_space<hbm>> -> memref<10000xi32, #tpu.memory_space<hbm>>
      tpu.wait_dma2 semaphore(%run_scoped3A : memref<!tpu.dma_semaphore, #tpu.memory_space<semaphore_mem>>) src(%dma_wait3A_116 : memref<10000xi32, #tpu.memory_space<hbm>>) dst(%arg11 : memref<10000xi32, #tpu.memory_space<vmem>>)
      tpu.yield
    }) : () -> ()
    %broadcast_in_dim3A = arith.constant 0.000000e+00 : f32
    %broadcast_in_dim3A_3 = vector.broadcast %broadcast_in_dim3A : f32 to vector<16xf32>
    %scan3A = arith.constant 0 : i32
    %scan3A_4 = arith.constant 625 : i32
    %scan3A_5 = arith.addi %scan3A, %scan3A_4 : i32
    %scan3A_6 = arith.constant 1 : i32
    scf.for %scan3A_115 = %scan3A to %scan3A_5 step %scan3A_6  : i32 {
      %mul3A_116 = arith.constant 16 : i32
      %mul3A_117 = arith.muli %scan3A_115, %mul3A_116 : i32
      %add3A_118 = arith.constant 0 : i32
      %add3A_119 = arith.addi %add3A_118, %mul3A_117 : i32
      %swap3A = arith.index_cast %add3A_119 : i32 to index
      %swap3A_120 = tpu.vector_load %arg20[%swap3A] {strides = array<i32>} : memref<10000xf32, #tpu.memory_space<vmem>>, vector<16xf32>,
      tpu.vector_store %arg20[%swap3A], %broadcast_in_dim3A_3 {strides = array<i32>} : memref<10000xf32, #tpu.memory_space<vmem>>, vector<16xf32>,
    }
    %scan3A_7 = arith.constant 625 : i32
    %broadcast_in_dim3A_8 = arith.constant 0.000000e+00 : f32
    %broadcast_in_dim3A_9 = vector.broadcast %broadcast_in_dim3A_8 : f32 to vector<16xf32>
    %iota3A = tpu.iota {dimensions = array<i32: 0>} : vector<16xi32>
    %scan3A_10 = arith.constant 0 : i32
    %scan3A_11 = arith.constant 200 : i32
    %scan3A_12 = arith.addi %scan3A_10, %scan3A_11 : i32
    %scan3A_13 = arith.constant 1 : i32
    scf.for %scan3A_115 = %scan3A_10 to %scan3A_12 step %scan3A_13  : i32 {
      %mul3A_116 = arith.constant 1 : i32
      %mul3A_117 = arith.muli %scan3A_115, %mul3A_116 : i32
      %add3A_118 = arith.constant 0 : i32
      %add3A_119 = arith.addi %add3A_118, %mul3A_117 : i32
      %broadcast_in_dim3A_120 = vector.broadcast %add3A_119 : i32 to vector<16xi32>
      %scan3A_121 = arith.constant 0 : i32
      %scan3A_122 = arith.constant 8 : i32
      %scan3A_123 = arith.addi %scan3A_121, %scan3A_122 : i32
      %scan3A_124 = arith.constant 1 : i32
      scf.for %scan3A_126 = %scan3A_121 to %scan3A_123 step %scan3A_124  : i32 {
        %mul3A_127 = arith.constant 16 : i32
        %mul3A_128 = arith.muli %scan3A_126, %mul3A_127 : i32
        %add3A_129 = arith.constant 0 : i32
        %add3A_130 = arith.addi %add3A_129, %mul3A_128 : i32
        %add3A_131 = vector.broadcast %add3A_130 : i32 to vector<16xi32>
        %add3A_132 = arith.addi %iota3A, %add3A_131 : vector<16xi32>
        tpu.vector_store_idx %arg19[%broadcast_in_dim3A_120, %add3A_132], %broadcast_in_dim3A_9 : memref<200x128xf32, #tpu.memory_space<vmem>>[vector<16xi32>, vector<16xi32>], vector<16xf32>,
      }
      %scan3A_125 = arith.constant 8 : i32
    }
    %scan3A_14 = arith.constant 200 : i32
    %scan3A_15 = arith.constant 0 : i32
    %scan3A_16 = arith.constant 80 : i32
    %scan3A_17 = arith.addi %scan3A_15, %scan3A_16 : i32
    %scan3A_18 = arith.constant 1 : i32
    scf.for %scan3A_115 = %scan3A_15 to %scan3A_17 step %scan3A_18  : i32 {
      %mul3A_116 = arith.constant 1 : i32
      %mul3A_117 = arith.muli %scan3A_115, %mul3A_116 : i32
      %add3A_118 = arith.constant 0 : i32
      %add3A_119 = arith.addi %add3A_118, %mul3A_117 : i32
      %broadcast_in_dim3A_120 = vector.broadcast %add3A_119 : i32 to vector<16xi32>
      %scan3A_121 = arith.constant 0 : i32
      %scan3A_122 = arith.constant 8 : i32
      %scan3A_123 = arith.addi %scan3A_121, %scan3A_122 : i32
      %scan3A_124 = arith.constant 1 : i32
      scf.for %scan3A_126 = %scan3A_121 to %scan3A_123 step %scan3A_124  : i32 {
        %mul3A_127 = arith.constant 16 : i32
        %mul3A_128 = arith.muli %scan3A_126, %mul3A_127 : i32
        %add3A_129 = arith.constant 0 : i32
        %add3A_130 = arith.addi %add3A_129, %mul3A_128 : i32
        %add3A_131 = vector.broadcast %add3A_130 : i32 to vector<16xi32>
        %add3A_132 = arith.addi %iota3A, %add3A_131 : vector<16xi32>
        tpu.vector_store_idx %arg18[%broadcast_in_dim3A_120, %add3A_132], %broadcast_in_dim3A_9 : memref<80x128xf32, #tpu.memory_space<vmem>>[vector<16xi32>, vector<16xi32>], vector<16xf32>,
      }
      %scan3A_125 = arith.constant 8 : i32
    }
    %scan3A_19 = arith.constant 80 : i32
    %iota3A_20 = tpu.iota {dimensions = array<i32: 0>} : vector<16xi32>
    %add3A = arith.constant 0 : i32
    %add3A_21 = arith.addi %arg1, %add3A : i32
    %lt3A = arith.constant 17 : i32
    %lt3A_22 = arith.cmpi slt, %add3A_21, %lt3A : i32
    %convert_element_type3A = arith.extui %lt3A_22 : i1 to i32
    %cond3A = arith.constant 0 : i32
    %cond3A_23 = arith.cmpi ne, %convert_element_type3A, %cond3A : i32
    scf.if %cond3A_23 {
      %mul3A_115 = arith.constant 200 : i32
      %mul3A_116 = arith.muli %add3A_21, %mul3A_115 : i32
      "tpu.region"() ({
        %run_scoped3A = tpu.sem_alloc : memref<!tpu.dma_semaphore, #tpu.memory_space<semaphore_mem>>
        %dma_start3A = arith.constant 0 : i32
        %dma_start3A_117 = tpu.memref_slice %arg21[%mul3A_116, %dma_start3A] : memref<3408x128xf32, #tpu.memory_space<vmem_shared>> -> memref<200x128xf32, #tpu.memory_space<vmem_shared>>
        %dma_start3A_118 = arith.constant 0 : i32
        %dma_start3A_119 = tpu.memref_slice %arg21[%mul3A_116, %dma_start3A_118] : memref<3408x128xf32, #tpu.memory_space<vmem_shared>> -> memref<200x128xf32, #tpu.memory_space<vmem_shared>>
        tpu.enqueue_dma source(%arg19 : memref<200x128xf32, #tpu.memory_space<vmem>>) target(%dma_start3A_119 : memref<200x128xf32, #tpu.memory_space<vmem_shared>>) target_semaphore(%run_scoped3A : memref<!tpu.dma_semaphore, #tpu.memory_space<semaphore_mem>>)
        %dma_wait3A = arith.constant 0 : i32
        %dma_wait3A_120 = tpu.memref_slice %arg21[%mul3A_116, %dma_wait3A] : memref<3408x128xf32, #tpu.memory_space<vmem_shared>> -> memref<200x128xf32, #tpu.memory_space<vmem_shared>>
        %dma_wait3A_121 = arith.constant 0 : i32
        %dma_wait3A_122 = tpu.memref_slice %arg21[%mul3A_116, %dma_wait3A_121] : memref<3408x128xf32, #tpu.memory_space<vmem_shared>> -> memref<200x128xf32, #tpu.memory_space<vmem_shared>>
        tpu.wait_dma2 semaphore(%run_scoped3A : memref<!tpu.dma_semaphore, #tpu.memory_space<semaphore_mem>>) src(%arg19 : memref<200x128xf32, #tpu.memory_space<vmem>>) dst(%dma_wait3A_122 : memref<200x128xf32, #tpu.memory_space<vmem_shared>>)
        tpu.yield
      }) : () -> ()
    } else {
    }
    %add3A_24 = arith.constant 16 : i32
    %add3A_25 = arith.addi %arg1, %add3A_24 : i32
    %lt3A_26 = arith.constant 17 : i32
    %lt3A_27 = arith.cmpi slt, %add3A_25, %lt3A_26 : i32
    %convert_element_type3A_28 = arith.extui %lt3A_27 : i1 to i32
    %cond3A_29 = arith.constant 0 : i32
    %cond3A_30 = arith.cmpi ne, %convert_element_type3A_28, %cond3A_29 : i32
    scf.if %cond3A_30 {
      %mul3A_115 = arith.constant 200 : i32
      %mul3A_116 = arith.muli %add3A_25, %mul3A_115 : i32
      "tpu.region"() ({
        %run_scoped3A = tpu.sem_alloc : memref<!tpu.dma_semaphore, #tpu.memory_space<semaphore_mem>>
        %dma_start3A = arith.constant 0 : i32
        %dma_start3A_117 = tpu.memref_slice %arg21[%mul3A_116, %dma_start3A] : memref<3408x128xf32, #tpu.memory_space<vmem_shared>> -> memref<200x128xf32, #tpu.memory_space<vmem_shared>>
        %dma_start3A_118 = arith.constant 0 : i32
        %dma_start3A_119 = tpu.memref_slice %arg21[%mul3A_116, %dma_start3A_118] : memref<3408x128xf32, #tpu.memory_space<vmem_shared>> -> memref<200x128xf32, #tpu.memory_space<vmem_shared>>
        tpu.enqueue_dma source(%arg19 : memref<200x128xf32, #tpu.memory_space<vmem>>) target(%dma_start3A_119 : memref<200x128xf32, #tpu.memory_space<vmem_shared>>) target_semaphore(%run_scoped3A : memref<!tpu.dma_semaphore, #tpu.memory_space<semaphore_mem>>)
        %dma_wait3A = arith.constant 0 : i32
        %dma_wait3A_120 = tpu.memref_slice %arg21[%mul3A_116, %dma_wait3A] : memref<3408x128xf32, #tpu.memory_space<vmem_shared>> -> memref<200x128xf32, #tpu.memory_space<vmem_shared>>
        %dma_wait3A_121 = arith.constant 0 : i32
        %dma_wait3A_122 = tpu.memref_slice %arg21[%mul3A_116, %dma_wait3A_121] : memref<3408x128xf32, #tpu.memory_space<vmem_shared>> -> memref<200x128xf32, #tpu.memory_space<vmem_shared>>
        tpu.wait_dma2 semaphore(%run_scoped3A : memref<!tpu.dma_semaphore, #tpu.memory_space<semaphore_mem>>) src(%arg19 : memref<200x128xf32, #tpu.memory_space<vmem>>) dst(%dma_wait3A_122 : memref<200x128xf32, #tpu.memory_space<vmem_shared>>)
        tpu.yield
      }) : () -> ()
    } else {
    }
    %barrier3A = arith.constant 0 : index
    tpu.barrier barrier_id(%barrier3A)
    %scan3A_31 = arith.constant 0 : i32
    %scan3A_32 = arith.constant 125 : i32
    %scan3A_33 = arith.addi %scan3A_31, %scan3A_32 : i32
    %scan3A_34 = arith.constant 1 : i32
    scf.for %scan3A_115 = %scan3A_31 to %scan3A_33 step %scan3A_34  : i32 {
      %mul3A_116 = arith.constant 80 : i32
      %mul3A_117 = arith.muli %scan3A_115, %mul3A_116 : i32
      %add3A_118 = arith.constant 0 : i32
      %add3A_119 = arith.addi %add3A_118, %mul3A_117 : i32
      %add3A_120 = arith.constant 0 : i32
      %add3A_121 = arith.addi %add3A_119, %add3A_120 : i32
      %get3A = arith.index_cast %add3A_121 : i32 to index
      %get3A_122 = tpu.vector_load %arg10[%get3A] {strides = array<i32>} : memref<10000xi32, #tpu.memory_space<vmem>>, vector<16xi32>,
      %get3A_123 = arith.index_cast %add3A_121 : i32 to index
      %get3A_124 = tpu.vector_load %arg11[%get3A_123] {strides = array<i32>} : memref<10000xi32, #tpu.memory_space<vmem>>, vector<16xi32>,
      %add3A_125 = vector.broadcast %mul3A_0 : i32 to vector<16xi32>
      %add3A_126 = arith.addi %get3A_122, %add3A_125 : vector<16xi32>
      %swap3A = arith.constant 0 : index
      %swap3A_127 = tpu.vector_load %arg13[%swap3A] {strides = array<i32>} : memref<80xi32, #tpu.memory_space<vmem>>, vector<16xi32>,
      tpu.vector_store %arg13[%swap3A], %add3A_126 {strides = array<i32>} : memref<80xi32, #tpu.memory_space<vmem>>, vector<16xi32>,
      %add3A_128 = vector.broadcast %mul3A_0 : i32 to vector<16xi32>
      %add3A_129 = arith.addi %get3A_124, %add3A_128 : vector<16xi32>
      %swap3A_130 = arith.constant 0 : index
      %swap3A_131 = tpu.vector_load %arg14[%swap3A_130] {strides = array<i32>} : memref<80xi32, #tpu.memory_space<vmem>>, vector<16xi32>,
      tpu.vector_store %arg14[%swap3A_130], %add3A_129 {strides = array<i32>} : memref<80xi32, #tpu.memory_space<vmem>>, vector<16xi32>,
      %sub3A = arith.constant 0 : i32
      %sub3A_132 = vector.broadcast %sub3A : i32 to vector<16xi32>
      %sub3A_133 = arith.subi %get3A_124, %sub3A_132 : vector<16xi32>
      %ge3A = arith.constant 0 : i32
      %ge3A_134 = vector.broadcast %ge3A : i32 to vector<16xi32>
      %ge3A_135 = arith.cmpi sge, %sub3A_133, %ge3A_134 : vector<16xi32>
      %lt3A_136 = arith.constant 3400 : i32
      %lt3A_137 = vector.broadcast %lt3A_136 : i32 to vector<16xi32>
      %lt3A_138 = arith.cmpi slt, %sub3A_133, %lt3A_137 : vector<16xi32>
      %and3A = arith.andi %ge3A_135, %lt3A_138 : vector<16xi1>
      %jit3A = arith.constant 3400 : i32
      %broadcast_in_dim3A_139 = vector.broadcast %jit3A : i32 to vector<16xi32>
      %select_n3A = arith.select %and3A, %sub3A_133, %broadcast_in_dim3A_139 : vector<16xi1>, vector<16xi32>
      %swap3A_140 = arith.constant 0 : index
      %swap3A_141 = tpu.vector_load %arg15[%swap3A_140] {strides = array<i32>} : memref<80xi32, #tpu.memory_space<vmem>>, vector<16xi32>,
      tpu.vector_store %arg15[%swap3A_140], %select_n3A {strides = array<i32>} : memref<80xi32, #tpu.memory_space<vmem>>, vector<16xi32>,
      %add3A_142 = arith.constant 16 : i32
      %add3A_143 = arith.addi %add3A_119, %add3A_142 : i32
      %get3A_144 = arith.index_cast %add3A_143 : i32 to index
      %get3A_145 = tpu.vector_load %arg10[%get3A_144] {strides = array<i32>} : memref<10000xi32, #tpu.memory_space<vmem>>, vector<16xi32>,
      %get3A_146 = arith.index_cast %add3A_143 : i32 to index
      %get3A_147 = tpu.vector_load %arg11[%get3A_146] {strides = array<i32>} : memref<10000xi32, #tpu.memory_space<vmem>>, vector<16xi32>,
      %add3A_148 = vector.broadcast %mul3A_0 : i32 to vector<16xi32>
      %add3A_149 = arith.addi %get3A_145, %add3A_148 : vector<16xi32>
      %swap3A_150 = arith.constant 16 : index
      %swap3A_151 = tpu.vector_load %arg13[%swap3A_150] {strides = array<i32>} : memref<80xi32, #tpu.memory_space<vmem>>, vector<16xi32>,
      tpu.vector_store %arg13[%swap3A_150], %add3A_149 {strides = array<i32>} : memref<80xi32, #tpu.memory_space<vmem>>, vector<16xi32>,
      %add3A_152 = vector.broadcast %mul3A_0 : i32 to vector<16xi32>
      %add3A_153 = arith.addi %get3A_147, %add3A_152 : vector<16xi32>
      %swap3A_154 = arith.constant 16 : index
      %swap3A_155 = tpu.vector_load %arg14[%swap3A_154] {strides = array<i32>} : memref<80xi32, #tpu.memory_space<vmem>>, vector<16xi32>,
      tpu.vector_store %arg14[%swap3A_154], %add3A_153 {strides = array<i32>} : memref<80xi32, #tpu.memory_space<vmem>>, vector<16xi32>,
      %sub3A_156 = arith.constant 0 : i32
      %sub3A_157 = vector.broadcast %sub3A_156 : i32 to vector<16xi32>
      %sub3A_158 = arith.subi %get3A_147, %sub3A_157 : vector<16xi32>
      %ge3A_159 = arith.constant 0 : i32
      %ge3A_160 = vector.broadcast %ge3A_159 : i32 to vector<16xi32>
      %ge3A_161 = arith.cmpi sge, %sub3A_158, %ge3A_160 : vector<16xi32>
      %lt3A_162 = arith.constant 3400 : i32
      %lt3A_163 = vector.broadcast %lt3A_162 : i32 to vector<16xi32>
      %lt3A_164 = arith.cmpi slt, %sub3A_158, %lt3A_163 : vector<16xi32>
      %and3A_165 = arith.andi %ge3A_161, %lt3A_164 : vector<16xi1>
      %jit3A_166 = arith.constant 3400 : i32
      %broadcast_in_dim3A_167 = vector.broadcast %jit3A_166 : i32 to vector<16xi32>
      %select_n3A_168 = arith.select %and3A_165, %sub3A_158, %broadcast_in_dim3A_167 : vector<16xi1>, vector<16xi32>
      %swap3A_169 = arith.constant 16 : index
      %swap3A_170 = tpu.vector_load %arg15[%swap3A_169] {strides = array<i32>} : memref<80xi32, #tpu.memory_space<vmem>>, vector<16xi32>,
      tpu.vector_store %arg15[%swap3A_169], %select_n3A_168 {strides = array<i32>} : memref<80xi32, #tpu.memory_space<vmem>>, vector<16xi32>,
      %add3A_171 = arith.constant 32 : i32
      %add3A_172 = arith.addi %add3A_119, %add3A_171 : i32
      %get3A_173 = arith.index_cast %add3A_172 : i32 to index
      %get3A_174 = tpu.vector_load %arg10[%get3A_173] {strides = array<i32>} : memref<10000xi32, #tpu.memory_space<vmem>>, vector<16xi32>,
      %get3A_175 = arith.index_cast %add3A_172 : i32 to index
      %get3A_176 = tpu.vector_load %arg11[%get3A_175] {strides = array<i32>} : memref<10000xi32, #tpu.memory_space<vmem>>, vector<16xi32>,
      %add3A_177 = vector.broadcast %mul3A_0 : i32 to vector<16xi32>
      %add3A_178 = arith.addi %get3A_174, %add3A_177 : vector<16xi32>
      %swap3A_179 = arith.constant 32 : index
      %swap3A_180 = tpu.vector_load %arg13[%swap3A_179] {strides = array<i32>} : memref<80xi32, #tpu.memory_space<vmem>>, vector<16xi32>,
      tpu.vector_store %arg13[%swap3A_179], %add3A_178 {strides = array<i32>} : memref<80xi32, #tpu.memory_space<vmem>>, vector<16xi32>,
      %add3A_181 = vector.broadcast %mul3A_0 : i32 to vector<16xi32>
      %add3A_182 = arith.addi %get3A_176, %add3A_181 : vector<16xi32>
      %swap3A_183 = arith.constant 32 : index
      %swap3A_184 = tpu.vector_load %arg14[%swap3A_183] {strides = array<i32>} : memref<80xi32, #tpu.memory_space<vmem>>, vector<16xi32>,
      tpu.vector_store %arg14[%swap3A_183], %add3A_182 {strides = array<i32>} : memref<80xi32, #tpu.memory_space<vmem>>, vector<16xi32>,
      %sub3A_185 = arith.constant 0 : i32
      %sub3A_186 = vector.broadcast %sub3A_185 : i32 to vector<16xi32>
      %sub3A_187 = arith.subi %get3A_176, %sub3A_186 : vector<16xi32>
      %ge3A_188 = arith.constant 0 : i32
      %ge3A_189 = vector.broadcast %ge3A_188 : i32 to vector<16xi32>
      %ge3A_190 = arith.cmpi sge, %sub3A_187, %ge3A_189 : vector<16xi32>
      %lt3A_191 = arith.constant 3400 : i32
      %lt3A_192 = vector.broadcast %lt3A_191 : i32 to vector<16xi32>
      %lt3A_193 = arith.cmpi slt, %sub3A_187, %lt3A_192 : vector<16xi32>
      %and3A_194 = arith.andi %ge3A_190, %lt3A_193 : vector<16xi1>
      %jit3A_195 = arith.constant 3400 : i32
      %broadcast_in_dim3A_196 = vector.broadcast %jit3A_195 : i32 to vector<16xi32>
      %select_n3A_197 = arith.select %and3A_194, %sub3A_187, %broadcast_in_dim3A_196 : vector<16xi1>, vector<16xi32>
      %swap3A_198 = arith.constant 32 : index
      %swap3A_199 = tpu.vector_load %arg15[%swap3A_198] {strides = array<i32>} : memref<80xi32, #tpu.memory_space<vmem>>, vector<16xi32>,
      tpu.vector_store %arg15[%swap3A_198], %select_n3A_197 {strides = array<i32>} : memref<80xi32, #tpu.memory_space<vmem>>, vector<16xi32>,
      %add3A_200 = arith.constant 48 : i32
      %add3A_201 = arith.addi %add3A_119, %add3A_200 : i32
      %get3A_202 = arith.index_cast %add3A_201 : i32 to index
      %get3A_203 = tpu.vector_load %arg10[%get3A_202] {strides = array<i32>} : memref<10000xi32, #tpu.memory_space<vmem>>, vector<16xi32>,
      %get3A_204 = arith.index_cast %add3A_201 : i32 to index
      %get3A_205 = tpu.vector_load %arg11[%get3A_204] {strides = array<i32>} : memref<10000xi32, #tpu.memory_space<vmem>>, vector<16xi32>,
      %add3A_206 = vector.broadcast %mul3A_0 : i32 to vector<16xi32>
      %add3A_207 = arith.addi %get3A_203, %add3A_206 : vector<16xi32>
      %swap3A_208 = arith.constant 48 : index
      %swap3A_209 = tpu.vector_load %arg13[%swap3A_208] {strides = array<i32>} : memref<80xi32, #tpu.memory_space<vmem>>, vector<16xi32>,
      tpu.vector_store %arg13[%swap3A_208], %add3A_207 {strides = array<i32>} : memref<80xi32, #tpu.memory_space<vmem>>, vector<16xi32>,
      %add3A_210 = vector.broadcast %mul3A_0 : i32 to vector<16xi32>
      %add3A_211 = arith.addi %get3A_205, %add3A_210 : vector<16xi32>
      %swap3A_212 = arith.constant 48 : index
      %swap3A_213 = tpu.vector_load %arg14[%swap3A_212] {strides = array<i32>} : memref<80xi32, #tpu.memory_space<vmem>>, vector<16xi32>,
      tpu.vector_store %arg14[%swap3A_212], %add3A_211 {strides = array<i32>} : memref<80xi32, #tpu.memory_space<vmem>>, vector<16xi32>,
      %sub3A_214 = arith.constant 0 : i32
      %sub3A_215 = vector.broadcast %sub3A_214 : i32 to vector<16xi32>
      %sub3A_216 = arith.subi %get3A_205, %sub3A_215 : vector<16xi32>
      %ge3A_217 = arith.constant 0 : i32
      %ge3A_218 = vector.broadcast %ge3A_217 : i32 to vector<16xi32>
      %ge3A_219 = arith.cmpi sge, %sub3A_216, %ge3A_218 : vector<16xi32>
      %lt3A_220 = arith.constant 3400 : i32
      %lt3A_221 = vector.broadcast %lt3A_220 : i32 to vector<16xi32>
      %lt3A_222 = arith.cmpi slt, %sub3A_216, %lt3A_221 : vector<16xi32>
      %and3A_223 = arith.andi %ge3A_219, %lt3A_222 : vector<16xi1>
      %jit3A_224 = arith.constant 3400 : i32
      %broadcast_in_dim3A_225 = vector.broadcast %jit3A_224 : i32 to vector<16xi32>
      %select_n3A_226 = arith.select %and3A_223, %sub3A_216, %broadcast_in_dim3A_225 : vector<16xi1>, vector<16xi32>
      %swap3A_227 = arith.constant 48 : index
      %swap3A_228 = tpu.vector_load %arg15[%swap3A_227] {strides = array<i32>} : memref<80xi32, #tpu.memory_space<vmem>>, vector<16xi32>,
      tpu.vector_store %arg15[%swap3A_227], %select_n3A_226 {strides = array<i32>} : memref<80xi32, #tpu.memory_space<vmem>>, vector<16xi32>,
      %add3A_229 = arith.constant 64 : i32
      %add3A_230 = arith.addi %add3A_119, %add3A_229 : i32
      %get3A_231 = arith.index_cast %add3A_230 : i32 to index
      %get3A_232 = tpu.vector_load %arg10[%get3A_231] {strides = array<i32>} : memref<10000xi32, #tpu.memory_space<vmem>>, vector<16xi32>,
      %get3A_233 = arith.index_cast %add3A_230 : i32 to index
      %get3A_234 = tpu.vector_load %arg11[%get3A_233] {strides = array<i32>} : memref<10000xi32, #tpu.memory_space<vmem>>, vector<16xi32>,
      %add3A_235 = vector.broadcast %mul3A_0 : i32 to vector<16xi32>
      %add3A_236 = arith.addi %get3A_232, %add3A_235 : vector<16xi32>
      %swap3A_237 = arith.constant 64 : index
      %swap3A_238 = tpu.vector_load %arg13[%swap3A_237] {strides = array<i32>} : memref<80xi32, #tpu.memory_space<vmem>>, vector<16xi32>,
      tpu.vector_store %arg13[%swap3A_237], %add3A_236 {strides = array<i32>} : memref<80xi32, #tpu.memory_space<vmem>>, vector<16xi32>,
      %add3A_239 = vector.broadcast %mul3A_0 : i32 to vector<16xi32>
      %add3A_240 = arith.addi %get3A_234, %add3A_239 : vector<16xi32>
      %swap3A_241 = arith.constant 64 : index
      %swap3A_242 = tpu.vector_load %arg14[%swap3A_241] {strides = array<i32>} : memref<80xi32, #tpu.memory_space<vmem>>, vector<16xi32>,
      tpu.vector_store %arg14[%swap3A_241], %add3A_240 {strides = array<i32>} : memref<80xi32, #tpu.memory_space<vmem>>, vector<16xi32>,
      %sub3A_243 = arith.constant 0 : i32
      %sub3A_244 = vector.broadcast %sub3A_243 : i32 to vector<16xi32>
      %sub3A_245 = arith.subi %get3A_234, %sub3A_244 : vector<16xi32>
      %ge3A_246 = arith.constant 0 : i32
      %ge3A_247 = vector.broadcast %ge3A_246 : i32 to vector<16xi32>
      %ge3A_248 = arith.cmpi sge, %sub3A_245, %ge3A_247 : vector<16xi32>
      %lt3A_249 = arith.constant 3400 : i32
      %lt3A_250 = vector.broadcast %lt3A_249 : i32 to vector<16xi32>
      %lt3A_251 = arith.cmpi slt, %sub3A_245, %lt3A_250 : vector<16xi32>
      %and3A_252 = arith.andi %ge3A_248, %lt3A_251 : vector<16xi1>
      %jit3A_253 = arith.constant 3400 : i32
      %broadcast_in_dim3A_254 = vector.broadcast %jit3A_253 : i32 to vector<16xi32>
      %select_n3A_255 = arith.select %and3A_252, %sub3A_245, %broadcast_in_dim3A_254 : vector<16xi1>, vector<16xi32>
      %swap3A_256 = arith.constant 64 : index
      %swap3A_257 = tpu.vector_load %arg15[%swap3A_256] {strides = array<i32>} : memref<80xi32, #tpu.memory_space<vmem>>, vector<16xi32>,
      tpu.vector_store %arg15[%swap3A_256], %select_n3A_255 {strides = array<i32>} : memref<80xi32, #tpu.memory_space<vmem>>, vector<16xi32>,
      "tpu.region"() ({
        %run_scoped3A = tpu.sem_alloc : memref<!tpu.dma_semaphore, #tpu.memory_space<semaphore_mem>>
        %dma_start3A = arith.constant 0 : i32
        %dma_start3A_339 = arith.constant 0 : i32
        %dma_start3A_340 = tpu.memref_slice %arg2[%dma_start3A, %dma_start3A_339] : memref<20000x128xf32, #tpu.memory_space<hbm>> -> memref<20000x128xf32, #tpu.memory_space<hbm>>
        tpu.enqueue_indirect_dma source(%dma_start3A_340 : memref<20000x128xf32, #tpu.memory_space<hbm>>) target(%arg16 : memref<80x128xf32, #tpu.memory_space<vmem>>) offsets(%arg13 : memref<80xi32, #tpu.memory_space<vmem>>) semaphore(%run_scoped3A : memref<!tpu.dma_semaphore, #tpu.memory_space<semaphore_mem>>)
        %dma_wait3A = arith.constant 0 : i32
        %dma_wait3A_341 = arith.constant 0 : i32
        %dma_wait3A_342 = tpu.memref_slice %arg2[%dma_wait3A, %dma_wait3A_341] : memref<20000x128xf32, #tpu.memory_space<hbm>> -> memref<20000x128xf32, #tpu.memory_space<hbm>>
        tpu.wait_indirect_dma semaphore(%run_scoped3A : memref<!tpu.dma_semaphore, #tpu.memory_space<semaphore_mem>>) src(%dma_wait3A_342 : memref<20000x128xf32, #tpu.memory_space<hbm>>) dst(%arg16 : memref<80x128xf32, #tpu.memory_space<vmem>>)
        tpu.yield
      }) : () -> ()
      "tpu.region"() ({
        %run_scoped3A = tpu.sem_alloc : memref<!tpu.dma_semaphore, #tpu.memory_space<semaphore_mem>>
        %dma_start3A = arith.constant 0 : i32
        %dma_start3A_339 = arith.constant 0 : i32
        %dma_start3A_340 = tpu.memref_slice %arg3[%dma_start3A, %dma_start3A_339] : memref<20000x128xf32, #tpu.memory_space<hbm>> -> memref<20000x128xf32, #tpu.memory_space<hbm>>
        tpu.enqueue_indirect_dma source(%dma_start3A_340 : memref<20000x128xf32, #tpu.memory_space<hbm>>) target(%arg17 : memref<80x128xf32, #tpu.memory_space<vmem>>) offsets(%arg14 : memref<80xi32, #tpu.memory_space<vmem>>) semaphore(%run_scoped3A : memref<!tpu.dma_semaphore, #tpu.memory_space<semaphore_mem>>)
        %dma_wait3A = arith.constant 0 : i32
        %dma_wait3A_341 = arith.constant 0 : i32
        %dma_wait3A_342 = tpu.memref_slice %arg3[%dma_wait3A, %dma_wait3A_341] : memref<20000x128xf32, #tpu.memory_space<hbm>> -> memref<20000x128xf32, #tpu.memory_space<hbm>>
        tpu.wait_indirect_dma semaphore(%run_scoped3A : memref<!tpu.dma_semaphore, #tpu.memory_space<semaphore_mem>>) src(%dma_wait3A_342 : memref<20000x128xf32, #tpu.memory_space<hbm>>) dst(%arg17 : memref<80x128xf32, #tpu.memory_space<vmem>>)
        tpu.yield
      }) : () -> ()
      %add3A_258 = arith.constant 0 : i32
      %add3A_259 = vector.broadcast %add3A_258 : i32 to vector<16xi32>
      %add3A_260 = arith.addi %iota3A_20, %add3A_259 : vector<16xi32>
      %add3A_261 = arith.constant 16 : i32
      %add3A_262 = vector.broadcast %add3A_261 : i32 to vector<16xi32>
      %add3A_263 = arith.addi %iota3A_20, %add3A_262 : vector<16xi32>
      %add3A_264 = arith.constant 32 : i32
      %add3A_265 = vector.broadcast %add3A_264 : i32 to vector<16xi32>
      %add3A_266 = arith.addi %iota3A_20, %add3A_265 : vector<16xi32>
      %add3A_267 = arith.constant 48 : i32
      %add3A_268 = vector.broadcast %add3A_267 : i32 to vector<16xi32>
      %add3A_269 = arith.addi %iota3A_20, %add3A_268 : vector<16xi32>
      %add3A_270 = arith.constant 64 : i32
      %add3A_271 = vector.broadcast %add3A_270 : i32 to vector<16xi32>
      %add3A_272 = arith.addi %iota3A_20, %add3A_271 : vector<16xi32>
      %broadcast_in_dim3A_273 = arith.constant 0.000000e+00 : f32
      %broadcast_in_dim3A_274 = vector.broadcast %broadcast_in_dim3A_273 : f32 to vector<16xf32>
      %broadcast_in_dim3A_275 = arith.constant 0.000000e+00 : f32
      %broadcast_in_dim3A_276 = vector.broadcast %broadcast_in_dim3A_275 : f32 to vector<16xf32>
      %broadcast_in_dim3A_277 = arith.constant 0.000000e+00 : f32
      %broadcast_in_dim3A_278 = vector.broadcast %broadcast_in_dim3A_277 : f32 to vector<16xf32>
      %broadcast_in_dim3A_279 = arith.constant 0.000000e+00 : f32
      %broadcast_in_dim3A_280 = vector.broadcast %broadcast_in_dim3A_279 : f32 to vector<16xf32>
      %broadcast_in_dim3A_281 = arith.constant 0.000000e+00 : f32
      %broadcast_in_dim3A_282 = vector.broadcast %broadcast_in_dim3A_281 : f32 to vector<16xf32>
      %scan3A_283 = arith.constant 0 : i32
      %scan3A_284 = arith.constant 128 : i32
      %scan3A_285 = arith.addi %scan3A_283, %scan3A_284 : i32
      %scan3A_286 = arith.constant 2 : i32
      %scan3A_287:5 = scf.for %scan3A_339 = %scan3A_283 to %scan3A_285 step %scan3A_286 iter_args(%scan3A_340 = %broadcast_in_dim3A_274, %scan3A_341 = %broadcast_in_dim3A_276, %scan3A_342 = %broadcast_in_dim3A_278, %scan3A_343 = %broadcast_in_dim3A_280, %scan3A_344 = %broadcast_in_dim3A_282) -> (vector<16xf32>, vector<16xf32>, vector<16xf32>, vector<16xf32>, vector<16xf32>)  : i32 {
        %broadcast_in_dim3A_345 = vector.broadcast %scan3A_339 : i32 to vector<16xi32>
        %gather3A = tpu.vector_load_idx %arg9[%broadcast_in_dim3A_345] : memref<128xf32, #tpu.memory_space<vmem>>[vector<16xi32>], vector<16xf32>,
        %gather3A_346 = tpu.vector_load_idx %arg16[%add3A_260, %broadcast_in_dim3A_345] : memref<80x128xf32, #tpu.memory_space<vmem>>[vector<16xi32>, vector<16xi32>], vector<16xf32>,
        %add3A_347 = arith.constant 0 : i32
        %add3A_348 = vector.broadcast %add3A_347 : i32 to vector<16xi32>
        %add3A_349 = arith.addi %broadcast_in_dim3A_345, %add3A_348 : vector<16xi32>
        %gather3A_350 = tpu.vector_load_idx %arg17[%add3A_260, %add3A_349] : memref<80x128xf32, #tpu.memory_space<vmem>>[vector<16xi32>, vector<16xi32>], vector<16xf32>,
        %add3A_351 = arith.addf %gather3A_346, %gather3A_350 : vector<16xf32>
        %mul3A_352 = arith.constant 2.000000e-01 : f32
        %mul3A_353 = vector.broadcast %mul3A_352 : f32 to vector<16xf32>
        %mul3A_354 = arith.mulf %mul3A_353, %add3A_351 : vector<16xf32>
        %max3A = arith.maximumf %add3A_351, %mul3A_354 : vector<16xf32>
        %mul3A_355 = arith.mulf %gather3A, %max3A : vector<16xf32>
        %add3A_356 = arith.addf %scan3A_340, %mul3A_355 : vector<16xf32>
        %gather3A_357 = tpu.vector_load_idx %arg16[%add3A_263, %broadcast_in_dim3A_345] : memref<80x128xf32, #tpu.memory_space<vmem>>[vector<16xi32>, vector<16xi32>], vector<16xf32>,
        %add3A_358 = arith.constant 0 : i32
        %add3A_359 = vector.broadcast %add3A_358 : i32 to vector<16xi32>
        %add3A_360 = arith.addi %broadcast_in_dim3A_345, %add3A_359 : vector<16xi32>
        %gather3A_361 = tpu.vector_load_idx %arg17[%add3A_263, %add3A_360] : memref<80x128xf32, #tpu.memory_space<vmem>>[vector<16xi32>, vector<16xi32>], vector<16xf32>,
        %add3A_362 = arith.addf %gather3A_357, %gather3A_361 : vector<16xf32>
        %mul3A_363 = arith.constant 2.000000e-01 : f32
        %mul3A_364 = vector.broadcast %mul3A_363 : f32 to vector<16xf32>
        %mul3A_365 = arith.mulf %mul3A_364, %add3A_362 : vector<16xf32>
        %max3A_366 = arith.maximumf %add3A_362, %mul3A_365 : vector<16xf32>
        %mul3A_367 = arith.mulf %gather3A, %max3A_366 : vector<16xf32>
        %add3A_368 = arith.addf %scan3A_341, %mul3A_367 : vector<16xf32>
        %gather3A_369 = tpu.vector_load_idx %arg16[%add3A_266, %broadcast_in_dim3A_345] : memref<80x128xf32, #tpu.memory_space<vmem>>[vector<16xi32>, vector<16xi32>], vector<16xf32>,
        %add3A_370 = arith.constant 0 : i32
        %add3A_371 = vector.broadcast %add3A_370 : i32 to vector<16xi32>
        %add3A_372 = arith.addi %broadcast_in_dim3A_345, %add3A_371 : vector<16xi32>
        %gather3A_373 = tpu.vector_load_idx %arg17[%add3A_266, %add3A_372] : memref<80x128xf32, #tpu.memory_space<vmem>>[vector<16xi32>, vector<16xi32>], vector<16xf32>,
        %add3A_374 = arith.addf %gather3A_369, %gather3A_373 : vector<16xf32>
        %mul3A_375 = arith.constant 2.000000e-01 : f32
        %mul3A_376 = vector.broadcast %mul3A_375 : f32 to vector<16xf32>
        %mul3A_377 = arith.mulf %mul3A_376, %add3A_374 : vector<16xf32>
        %max3A_378 = arith.maximumf %add3A_374, %mul3A_377 : vector<16xf32>
        %mul3A_379 = arith.mulf %gather3A, %max3A_378 : vector<16xf32>
        %add3A_380 = arith.addf %scan3A_342, %mul3A_379 : vector<16xf32>
        %gather3A_381 = tpu.vector_load_idx %arg16[%add3A_269, %broadcast_in_dim3A_345] : memref<80x128xf32, #tpu.memory_space<vmem>>[vector<16xi32>, vector<16xi32>], vector<16xf32>,
        %add3A_382 = arith.constant 0 : i32
        %add3A_383 = vector.broadcast %add3A_382 : i32 to vector<16xi32>
        %add3A_384 = arith.addi %broadcast_in_dim3A_345, %add3A_383 : vector<16xi32>
        %gather3A_385 = tpu.vector_load_idx %arg17[%add3A_269, %add3A_384] : memref<80x128xf32, #tpu.memory_space<vmem>>[vector<16xi32>, vector<16xi32>], vector<16xf32>,
        %add3A_386 = arith.addf %gather3A_381, %gather3A_385 : vector<16xf32>
        %mul3A_387 = arith.constant 2.000000e-01 : f32
        %mul3A_388 = vector.broadcast %mul3A_387 : f32 to vector<16xf32>
        %mul3A_389 = arith.mulf %mul3A_388, %add3A_386 : vector<16xf32>
        %max3A_390 = arith.maximumf %add3A_386, %mul3A_389 : vector<16xf32>
        %mul3A_391 = arith.mulf %gather3A, %max3A_390 : vector<16xf32>
        %add3A_392 = arith.addf %scan3A_343, %mul3A_391 : vector<16xf32>
        %gather3A_393 = tpu.vector_load_idx %arg16[%add3A_272, %broadcast_in_dim3A_345] : memref<80x128xf32, #tpu.memory_space<vmem>>[vector<16xi32>, vector<16xi32>], vector<16xf32>,
        %add3A_394 = arith.constant 0 : i32
        %add3A_395 = vector.broadcast %add3A_394 : i32 to vector<16xi32>
        %add3A_396 = arith.addi %broadcast_in_dim3A_345, %add3A_395 : vector<16xi32>
        %gather3A_397 = tpu.vector_load_idx %arg17[%add3A_272, %add3A_396] : memref<80x128xf32, #tpu.memory_space<vmem>>[vector<16xi32>, vector<16xi32>], vector<16xf32>,
        %add3A_398 = arith.addf %gather3A_393, %gather3A_397 : vector<16xf32>
        %mul3A_399 = arith.constant 2.000000e-01 : f32
        %mul3A_400 = vector.broadcast %mul3A_399 : f32 to vector<16xf32>
        %mul3A_401 = arith.mulf %mul3A_400, %add3A_398 : vector<16xf32>
        %max3A_402 = arith.maximumf %add3A_398, %mul3A_401 : vector<16xf32>
        %mul3A_403 = arith.mulf %gather3A, %max3A_402 : vector<16xf32>
        %add3A_404 = arith.addf %scan3A_344, %mul3A_403 : vector<16xf32>
        %scan3A_405 = arith.constant 1 : i32
        %scan3A_406 = arith.addi %scan3A_339, %scan3A_405 : i32
        %broadcast_in_dim3A_407 = vector.broadcast %scan3A_406 : i32 to vector<16xi32>
        %gather3A_408 = tpu.vector_load_idx %arg9[%broadcast_in_dim3A_407] : memref<128xf32, #tpu.memory_space<vmem>>[vector<16xi32>], vector<16xf32>,
        %gather3A_409 = tpu.vector_load_idx %arg16[%add3A_260, %broadcast_in_dim3A_407] : memref<80x128xf32, #tpu.memory_space<vmem>>[vector<16xi32>, vector<16xi32>], vector<16xf32>,
        %add3A_410 = arith.constant 0 : i32
        %add3A_411 = vector.broadcast %add3A_410 : i32 to vector<16xi32>
        %add3A_412 = arith.addi %broadcast_in_dim3A_407, %add3A_411 : vector<16xi32>
        %gather3A_413 = tpu.vector_load_idx %arg17[%add3A_260, %add3A_412] : memref<80x128xf32, #tpu.memory_space<vmem>>[vector<16xi32>, vector<16xi32>], vector<16xf32>,
        %add3A_414 = arith.addf %gather3A_409, %gather3A_413 : vector<16xf32>
        %mul3A_415 = arith.constant 2.000000e-01 : f32
        %mul3A_416 = vector.broadcast %mul3A_415 : f32 to vector<16xf32>
        %mul3A_417 = arith.mulf %mul3A_416, %add3A_414 : vector<16xf32>
        %max3A_418 = arith.maximumf %add3A_414, %mul3A_417 : vector<16xf32>
        %mul3A_419 = arith.mulf %gather3A_408, %max3A_418 : vector<16xf32>
        %add3A_420 = arith.addf %add3A_356, %mul3A_419 : vector<16xf32>
        %gather3A_421 = tpu.vector_load_idx %arg16[%add3A_263, %broadcast_in_dim3A_407] : memref<80x128xf32, #tpu.memory_space<vmem>>[vector<16xi32>, vector<16xi32>], vector<16xf32>,
        %add3A_422 = arith.constant 0 : i32
        %add3A_423 = vector.broadcast %add3A_422 : i32 to vector<16xi32>
        %add3A_424 = arith.addi %broadcast_in_dim3A_407, %add3A_423 : vector<16xi32>
        %gather3A_425 = tpu.vector_load_idx %arg17[%add3A_263, %add3A_424] : memref<80x128xf32, #tpu.memory_space<vmem>>[vector<16xi32>, vector<16xi32>], vector<16xf32>,
        %add3A_426 = arith.addf %gather3A_421, %gather3A_425 : vector<16xf32>
        %mul3A_427 = arith.constant 2.000000e-01 : f32
        %mul3A_428 = vector.broadcast %mul3A_427 : f32 to vector<16xf32>
        %mul3A_429 = arith.mulf %mul3A_428, %add3A_426 : vector<16xf32>
        %max3A_430 = arith.maximumf %add3A_426, %mul3A_429 : vector<16xf32>
        %mul3A_431 = arith.mulf %gather3A_408, %max3A_430 : vector<16xf32>
        %add3A_432 = arith.addf %add3A_368, %mul3A_431 : vector<16xf32>
        %gather3A_433 = tpu.vector_load_idx %arg16[%add3A_266, %broadcast_in_dim3A_407] : memref<80x128xf32, #tpu.memory_space<vmem>>[vector<16xi32>, vector<16xi32>], vector<16xf32>,
        %add3A_434 = arith.constant 0 : i32
        %add3A_435 = vector.broadcast %add3A_434 : i32 to vector<16xi32>
        %add3A_436 = arith.addi %broadcast_in_dim3A_407, %add3A_435 : vector<16xi32>
        %gather3A_437 = tpu.vector_load_idx %arg17[%add3A_266, %add3A_436] : memref<80x128xf32, #tpu.memory_space<vmem>>[vector<16xi32>, vector<16xi32>], vector<16xf32>,
        %add3A_438 = arith.addf %gather3A_433, %gather3A_437 : vector<16xf32>
        %mul3A_439 = arith.constant 2.000000e-01 : f32
        %mul3A_440 = vector.broadcast %mul3A_439 : f32 to vector<16xf32>
        %mul3A_441 = arith.mulf %mul3A_440, %add3A_438 : vector<16xf32>
        %max3A_442 = arith.maximumf %add3A_438, %mul3A_441 : vector<16xf32>
        %mul3A_443 = arith.mulf %gather3A_408, %max3A_442 : vector<16xf32>
        %add3A_444 = arith.addf %add3A_380, %mul3A_443 : vector<16xf32>
        %gather3A_445 = tpu.vector_load_idx %arg16[%add3A_269, %broadcast_in_dim3A_407] : memref<80x128xf32, #tpu.memory_space<vmem>>[vector<16xi32>, vector<16xi32>], vector<16xf32>,
        %add3A_446 = arith.constant 0 : i32
        %add3A_447 = vector.broadcast %add3A_446 : i32 to vector<16xi32>
        %add3A_448 = arith.addi %broadcast_in_dim3A_407, %add3A_447 : vector<16xi32>
        %gather3A_449 = tpu.vector_load_idx %arg17[%add3A_269, %add3A_448] : memref<80x128xf32, #tpu.memory_space<vmem>>[vector<16xi32>, vector<16xi32>], vector<16xf32>,
        %add3A_450 = arith.addf %gather3A_445, %gather3A_449 : vector<16xf32>
        %mul3A_451 = arith.constant 2.000000e-01 : f32
        %mul3A_452 = vector.broadcast %mul3A_451 : f32 to vector<16xf32>
        %mul3A_453 = arith.mulf %mul3A_452, %add3A_450 : vector<16xf32>
        %max3A_454 = arith.maximumf %add3A_450, %mul3A_453 : vector<16xf32>
        %mul3A_455 = arith.mulf %gather3A_408, %max3A_454 : vector<16xf32>
        %add3A_456 = arith.addf %add3A_392, %mul3A_455 : vector<16xf32>
        %gather3A_457 = tpu.vector_load_idx %arg16[%add3A_272, %broadcast_in_dim3A_407] : memref<80x128xf32, #tpu.memory_space<vmem>>[vector<16xi32>, vector<16xi32>], vector<16xf32>,
        %add3A_458 = arith.constant 0 : i32
        %add3A_459 = vector.broadcast %add3A_458 : i32 to vector<16xi32>
        %add3A_460 = arith.addi %broadcast_in_dim3A_407, %add3A_459 : vector<16xi32>
        %gather3A_461 = tpu.vector_load_idx %arg17[%add3A_272, %add3A_460] : memref<80x128xf32, #tpu.memory_space<vmem>>[vector<16xi32>, vector<16xi32>], vector<16xf32>,
        %add3A_462 = arith.addf %gather3A_457, %gather3A_461 : vector<16xf32>
        %mul3A_463 = arith.constant 2.000000e-01 : f32
        %mul3A_464 = vector.broadcast %mul3A_463 : f32 to vector<16xf32>
        %mul3A_465 = arith.mulf %mul3A_464, %add3A_462 : vector<16xf32>
        %max3A_466 = arith.maximumf %add3A_462, %mul3A_465 : vector<16xf32>
        %mul3A_467 = arith.mulf %gather3A_408, %max3A_466 : vector<16xf32>
        %add3A_468 = arith.addf %add3A_404, %mul3A_467 : vector<16xf32>
        scf.yield %add3A_420, %add3A_432, %add3A_444, %add3A_456, %add3A_468 : vector<16xf32>, vector<16xf32>, vector<16xf32>, vector<16xf32>, vector<16xf32>
      }
      %scan3A_288 = arith.constant 128 : i32
      %exp3A = math.exp %scan3A_287#0 : vector<16xf32>
      %exp3A_289 = math.exp %scan3A_287#1 : vector<16xf32>
      %exp3A_290 = math.exp %scan3A_287#2 : vector<16xf32>
      %exp3A_291 = math.exp %scan3A_287#3 : vector<16xf32>
      %exp3A_292 = math.exp %scan3A_287#4 : vector<16xf32>
      %add3A_293 = arith.constant 0 : i32
      %add3A_294 = arith.addi %add3A_119, %add3A_293 : i32
      %swap3A_295 = arith.index_cast %add3A_294 : i32 to index
      %swap3A_296 = tpu.vector_load %arg12[%swap3A_295] {strides = array<i32>} : memref<10000xf32, #tpu.memory_space<vmem>>, vector<16xf32>,
      tpu.vector_store %arg12[%swap3A_295], %exp3A {strides = array<i32>} : memref<10000xf32, #tpu.memory_space<vmem>>, vector<16xf32>,
      %add3A_297 = arith.constant 16 : i32
      %add3A_298 = arith.addi %add3A_119, %add3A_297 : i32
      %swap3A_299 = arith.index_cast %add3A_298 : i32 to index
      %swap3A_300 = tpu.vector_load %arg12[%swap3A_299] {strides = array<i32>} : memref<10000xf32, #tpu.memory_space<vmem>>, vector<16xf32>,
      tpu.vector_store %arg12[%swap3A_299], %exp3A_289 {strides = array<i32>} : memref<10000xf32, #tpu.memory_space<vmem>>, vector<16xf32>,
      %add3A_301 = arith.constant 32 : i32
      %add3A_302 = arith.addi %add3A_119, %add3A_301 : i32
      %swap3A_303 = arith.index_cast %add3A_302 : i32 to index
      %swap3A_304 = tpu.vector_load %arg12[%swap3A_303] {strides = array<i32>} : memref<10000xf32, #tpu.memory_space<vmem>>, vector<16xf32>,
      tpu.vector_store %arg12[%swap3A_303], %exp3A_290 {strides = array<i32>} : memref<10000xf32, #tpu.memory_space<vmem>>, vector<16xf32>,
      %add3A_305 = arith.constant 48 : i32
      %add3A_306 = arith.addi %add3A_119, %add3A_305 : i32
      %swap3A_307 = arith.index_cast %add3A_306 : i32 to index
      %swap3A_308 = tpu.vector_load %arg12[%swap3A_307] {strides = array<i32>} : memref<10000xf32, #tpu.memory_space<vmem>>, vector<16xf32>,
      tpu.vector_store %arg12[%swap3A_307], %exp3A_291 {strides = array<i32>} : memref<10000xf32, #tpu.memory_space<vmem>>, vector<16xf32>,
      %add3A_309 = arith.constant 64 : i32
      %add3A_310 = arith.addi %add3A_119, %add3A_309 : i32
      %swap3A_311 = arith.index_cast %add3A_310 : i32 to index
      %swap3A_312 = tpu.vector_load %arg12[%swap3A_311] {strides = array<i32>} : memref<10000xf32, #tpu.memory_space<vmem>>, vector<16xf32>,
      tpu.vector_store %arg12[%swap3A_311], %exp3A_292 {strides = array<i32>} : memref<10000xf32, #tpu.memory_space<vmem>>, vector<16xf32>,
      %add3A_313 = arith.constant 0 : i32
      %add3A_314 = arith.addi %add3A_119, %add3A_313 : i32
      %get3A_315 = arith.index_cast %add3A_314 : i32 to index
      %get3A_316 = tpu.vector_load %arg11[%get3A_315] {strides = array<i32>} : memref<10000xi32, #tpu.memory_space<vmem>>, vector<16xi32>,
      tpu.vector_store_idx %arg20[%get3A_316], %exp3A {add = true} : memref<10000xf32, #tpu.memory_space<vmem>>[vector<16xi32>], vector<16xf32>,
      %add3A_317 = arith.constant 16 : i32
      %add3A_318 = arith.addi %add3A_119, %add3A_317 : i32
      %get3A_319 = arith.index_cast %add3A_318 : i32 to index
      %get3A_320 = tpu.vector_load %arg11[%get3A_319] {strides = array<i32>} : memref<10000xi32, #tpu.memory_space<vmem>>, vector<16xi32>,
      tpu.vector_store_idx %arg20[%get3A_320], %exp3A_289 {add = true} : memref<10000xf32, #tpu.memory_space<vmem>>[vector<16xi32>], vector<16xf32>,
      %add3A_321 = arith.constant 32 : i32
      %add3A_322 = arith.addi %add3A_119, %add3A_321 : i32
      %get3A_323 = arith.index_cast %add3A_322 : i32 to index
      %get3A_324 = tpu.vector_load %arg11[%get3A_323] {strides = array<i32>} : memref<10000xi32, #tpu.memory_space<vmem>>, vector<16xi32>,
      tpu.vector_store_idx %arg20[%get3A_324], %exp3A_290 {add = true} : memref<10000xf32, #tpu.memory_space<vmem>>[vector<16xi32>], vector<16xf32>,
      %add3A_325 = arith.constant 48 : i32
      %add3A_326 = arith.addi %add3A_119, %add3A_325 : i32
      %get3A_327 = arith.index_cast %add3A_326 : i32 to index
      %get3A_328 = tpu.vector_load %arg11[%get3A_327] {strides = array<i32>} : memref<10000xi32, #tpu.memory_space<vmem>>, vector<16xi32>,
      tpu.vector_store_idx %arg20[%get3A_328], %exp3A_291 {add = true} : memref<10000xf32, #tpu.memory_space<vmem>>[vector<16xi32>], vector<16xf32>,
      %add3A_329 = arith.constant 64 : i32
      %add3A_330 = arith.addi %add3A_119, %add3A_329 : i32
      %get3A_331 = arith.index_cast %add3A_330 : i32 to index
      %get3A_332 = tpu.vector_load %arg11[%get3A_331] {strides = array<i32>} : memref<10000xi32, #tpu.memory_space<vmem>>, vector<16xi32>,
      tpu.vector_store_idx %arg20[%get3A_332], %exp3A_292 {add = true} : memref<10000xf32, #tpu.memory_space<vmem>>[vector<16xi32>], vector<16xf32>,
      %scan3A_333 = arith.constant 0 : i32
      %scan3A_334 = arith.constant 0 : i32
      %scan3A_335 = arith.constant 128 : i32
      %scan3A_336 = arith.addi %scan3A_334, %scan3A_335 : i32
      %scan3A_337 = arith.constant 2 : i32
      scf.for %scan3A_339 = %scan3A_334 to %scan3A_336 step %scan3A_337  : i32 {
        %broadcast_in_dim3A_340 = vector.broadcast %scan3A_339 : i32 to vector<16xi32>
        %gather3A = tpu.vector_load_idx %arg16[%add3A_260, %broadcast_in_dim3A_340] : memref<80x128xf32, #tpu.memory_space<vmem>>[vector<16xi32>, vector<16xi32>], vector<16xf32>,
        %mul3A_341 = arith.mulf %gather3A, %exp3A : vector<16xf32>
        tpu.vector_store_idx %arg18[%add3A_260, %broadcast_in_dim3A_340], %mul3A_341 : memref<80x128xf32, #tpu.memory_space<vmem>>[vector<16xi32>, vector<16xi32>], vector<16xf32>,
        %gather3A_342 = tpu.vector_load_idx %arg16[%add3A_263, %broadcast_in_dim3A_340] : memref<80x128xf32, #tpu.memory_space<vmem>>[vector<16xi32>, vector<16xi32>], vector<16xf32>,
        %mul3A_343 = arith.mulf %gather3A_342, %exp3A_289 : vector<16xf32>
        tpu.vector_store_idx %arg18[%add3A_263, %broadcast_in_dim3A_340], %mul3A_343 : memref<80x128xf32, #tpu.memory_space<vmem>>[vector<16xi32>, vector<16xi32>], vector<16xf32>,
        %gather3A_344 = tpu.vector_load_idx %arg16[%add3A_266, %broadcast_in_dim3A_340] : memref<80x128xf32, #tpu.memory_space<vmem>>[vector<16xi32>, vector<16xi32>], vector<16xf32>,
        %mul3A_345 = arith.mulf %gather3A_344, %exp3A_290 : vector<16xf32>
        tpu.vector_store_idx %arg18[%add3A_266, %broadcast_in_dim3A_340], %mul3A_345 : memref<80x128xf32, #tpu.memory_space<vmem>>[vector<16xi32>, vector<16xi32>], vector<16xf32>,
        %gather3A_346 = tpu.vector_load_idx %arg16[%add3A_269, %broadcast_in_dim3A_340] : memref<80x128xf32, #tpu.memory_space<vmem>>[vector<16xi32>, vector<16xi32>], vector<16xf32>,
        %mul3A_347 = arith.mulf %gather3A_346, %exp3A_291 : vector<16xf32>
        tpu.vector_store_idx %arg18[%add3A_269, %broadcast_in_dim3A_340], %mul3A_347 : memref<80x128xf32, #tpu.memory_space<vmem>>[vector<16xi32>, vector<16xi32>], vector<16xf32>,
        %gather3A_348 = tpu.vector_load_idx %arg16[%add3A_272, %broadcast_in_dim3A_340] : memref<80x128xf32, #tpu.memory_space<vmem>>[vector<16xi32>, vector<16xi32>], vector<16xf32>,
        %mul3A_349 = arith.mulf %gather3A_348, %exp3A_292 : vector<16xf32>
        tpu.vector_store_idx %arg18[%add3A_272, %broadcast_in_dim3A_340], %mul3A_349 : memref<80x128xf32, #tpu.memory_space<vmem>>[vector<16xi32>, vector<16xi32>], vector<16xf32>,
        %scan3A_350 = arith.constant 1 : i32
        %scan3A_351 = arith.addi %scan3A_339, %scan3A_350 : i32
        %broadcast_in_dim3A_352 = vector.broadcast %scan3A_351 : i32 to vector<16xi32>
        %gather3A_353 = tpu.vector_load_idx %arg16[%add3A_260, %broadcast_in_dim3A_352] : memref<80x128xf32, #tpu.memory_space<vmem>>[vector<16xi32>, vector<16xi32>], vector<16xf32>,
        %mul3A_354 = arith.mulf %gather3A_353, %exp3A : vector<16xf32>
        tpu.vector_store_idx %arg18[%add3A_260, %broadcast_in_dim3A_352], %mul3A_354 : memref<80x128xf32, #tpu.memory_space<vmem>>[vector<16xi32>, vector<16xi32>], vector<16xf32>,
        %gather3A_355 = tpu.vector_load_idx %arg16[%add3A_263, %broadcast_in_dim3A_352] : memref<80x128xf32, #tpu.memory_space<vmem>>[vector<16xi32>, vector<16xi32>], vector<16xf32>,
        %mul3A_356 = arith.mulf %gather3A_355, %exp3A_289 : vector<16xf32>
        tpu.vector_store_idx %arg18[%add3A_263, %broadcast_in_dim3A_352], %mul3A_356 : memref<80x128xf32, #tpu.memory_space<vmem>>[vector<16xi32>, vector<16xi32>], vector<16xf32>,
        %gather3A_357 = tpu.vector_load_idx %arg16[%add3A_266, %broadcast_in_dim3A_352] : memref<80x128xf32, #tpu.memory_space<vmem>>[vector<16xi32>, vector<16xi32>], vector<16xf32>,
        %mul3A_358 = arith.mulf %gather3A_357, %exp3A_290 : vector<16xf32>
        tpu.vector_store_idx %arg18[%add3A_266, %broadcast_in_dim3A_352], %mul3A_358 : memref<80x128xf32, #tpu.memory_space<vmem>>[vector<16xi32>, vector<16xi32>], vector<16xf32>,
        %gather3A_359 = tpu.vector_load_idx %arg16[%add3A_269, %broadcast_in_dim3A_352] : memref<80x128xf32, #tpu.memory_space<vmem>>[vector<16xi32>, vector<16xi32>], vector<16xf32>,
        %mul3A_360 = arith.mulf %gather3A_359, %exp3A_291 : vector<16xf32>
        tpu.vector_store_idx %arg18[%add3A_269, %broadcast_in_dim3A_352], %mul3A_360 : memref<80x128xf32, #tpu.memory_space<vmem>>[vector<16xi32>, vector<16xi32>], vector<16xf32>,
        %gather3A_361 = tpu.vector_load_idx %arg16[%add3A_272, %broadcast_in_dim3A_352] : memref<80x128xf32, #tpu.memory_space<vmem>>[vector<16xi32>, vector<16xi32>], vector<16xf32>,
        %mul3A_362 = arith.mulf %gather3A_361, %exp3A_292 : vector<16xf32>
        tpu.vector_store_idx %arg18[%add3A_272, %broadcast_in_dim3A_352], %mul3A_362 : memref<80x128xf32, #tpu.memory_space<vmem>>[vector<16xi32>, vector<16xi32>], vector<16xf32>,
      }
      %scan3A_338 = arith.constant 128 : i32
      "tpu.region"() ({
        %run_scoped3A = tpu.sem_alloc : memref<!tpu.dma_semaphore, #tpu.memory_space<semaphore_mem>>
        %dma_start3A = arith.constant 0 : i32
        %dma_start3A_339 = arith.constant 0 : i32
        %dma_start3A_340 = tpu.memref_slice %arg21[%dma_start3A, %dma_start3A_339] : memref<3408x128xf32, #tpu.memory_space<vmem_shared>> -> memref<3408x128xf32, #tpu.memory_space<vmem_shared>>
        tpu.enqueue_indirect_dma source(%arg18 : memref<80x128xf32, #tpu.memory_space<vmem>>) target(%dma_start3A_340 : memref<3408x128xf32, #tpu.memory_space<vmem_shared>>) offsets(%arg15 : memref<80xi32, #tpu.memory_space<vmem>>) semaphore(%run_scoped3A : memref<!tpu.dma_semaphore, #tpu.memory_space<semaphore_mem>>) {add = true}
        %dma_wait3A = arith.constant 0 : i32
        %dma_wait3A_341 = arith.constant 0 : i32
        %dma_wait3A_342 = tpu.memref_slice %arg21[%dma_wait3A, %dma_wait3A_341] : memref<3408x128xf32, #tpu.memory_space<vmem_shared>> -> memref<3408x128xf32, #tpu.memory_space<vmem_shared>>
        tpu.wait_indirect_dma semaphore(%run_scoped3A : memref<!tpu.dma_semaphore, #tpu.memory_space<semaphore_mem>>) src(%arg18 : memref<80x128xf32, #tpu.memory_space<vmem>>) dst(%dma_wait3A_342 : memref<3408x128xf32, #tpu.memory_space<vmem_shared>>)
        tpu.yield
      }) : () -> ()
    }
    %scan3A_35 = arith.constant 125 : i32
    %barrier3A_36 = arith.constant 0 : index
    tpu.barrier barrier_id(%barrier3A_36)
    %add3A_37 = arith.constant 0 : i32
    %add3A_38 = arith.addi %arg1, %add3A_37 : i32
    %lt3A_39 = arith.constant 17 : i32
    %lt3A_40 = arith.cmpi slt, %add3A_38, %lt3A_39 : i32
    %convert_element_type3A_41 = arith.extui %lt3A_40 : i1 to i32
    %cond3A_42 = arith.constant 0 : i32
    %cond3A_43 = arith.cmpi ne, %convert_element_type3A_41, %cond3A_42 : i32
    scf.if %cond3A_43 {
      %mul3A_115 = arith.constant 200 : i32
      %mul3A_116 = arith.muli %add3A_38, %mul3A_115 : i32
      %mul3A_117 = arith.constant 200 : i32
      %mul3A_118 = arith.muli %add3A_38, %mul3A_117 : i32
      "tpu.region"() ({
        %run_scoped3A = tpu.sem_alloc : memref<!tpu.dma_semaphore, #tpu.memory_space<semaphore_mem>>
        %dma_start3A = arith.constant 0 : i32
        %dma_start3A_119 = arith.constant 0 : i32
        %dma_start3A_120 = tpu.memref_slice %arg7[%arg0, %dma_start3A, %dma_start3A_119] : memref<2x10000x128xf32, #tpu.memory_space<hbm>> -> memref<1x3400x128xf32, #tpu.memory_space<hbm>>
        %dma_start3A_121 = tpu.memref_squeeze %dma_start3A_120 : memref<1x3400x128xf32, #tpu.memory_space<hbm>> -> memref<3400x128xf32, #tpu.memory_space<hbm>>
        %dma_start3A_122 = arith.constant 0 : i32
        %dma_start3A_123 = tpu.memref_slice %dma_start3A_121[%mul3A_118, %dma_start3A_122] : memref<3400x128xf32, #tpu.memory_space<hbm>> -> memref<200x128xf32, #tpu.memory_space<hbm>>
        %dma_start3A_124 = arith.constant 0 : i32
        %dma_start3A_125 = tpu.memref_slice %arg21[%mul3A_116, %dma_start3A_124] : memref<3408x128xf32, #tpu.memory_space<vmem_shared>> -> memref<200x128xf32, #tpu.memory_space<vmem_shared>>
        tpu.enqueue_dma source(%dma_start3A_125 : memref<200x128xf32, #tpu.memory_space<vmem_shared>>) target(%dma_start3A_123 : memref<200x128xf32, #tpu.memory_space<hbm>>) target_semaphore(%run_scoped3A : memref<!tpu.dma_semaphore, #tpu.memory_space<semaphore_mem>>)
        %dma_wait3A = arith.constant 0 : i32
        %dma_wait3A_126 = arith.constant 0 : i32
        %dma_wait3A_127 = tpu.memref_slice %arg7[%arg0, %dma_wait3A, %dma_wait3A_126] : memref<2x10000x128xf32, #tpu.memory_space<hbm>> -> memref<1x3400x128xf32, #tpu.memory_space<hbm>>
        %dma_wait3A_128 = tpu.memref_squeeze %dma_wait3A_127 : memref<1x3400x128xf32, #tpu.memory_space<hbm>> -> memref<3400x128xf32, #tpu.memory_space<hbm>>
        %dma_wait3A_129 = arith.constant 0 : i32
        %dma_wait3A_130 = tpu.memref_slice %dma_wait3A_128[%mul3A_118, %dma_wait3A_129] : memref<3400x128xf32, #tpu.memory_space<hbm>> -> memref<200x128xf32, #tpu.memory_space<hbm>>
        %dma_wait3A_131 = arith.constant 0 : i32
        %dma_wait3A_132 = tpu.memref_slice %arg21[%mul3A_116, %dma_wait3A_131] : memref<3408x128xf32, #tpu.memory_space<vmem_shared>> -> memref<200x128xf32, #tpu.memory_space<vmem_shared>>
        tpu.wait_dma2 semaphore(%run_scoped3A : memref<!tpu.dma_semaphore, #tpu.memory_space<semaphore_mem>>) src(%dma_wait3A_132 : memref<200x128xf32, #tpu.memory_space<vmem_shared>>) dst(%dma_wait3A_130 : memref<200x128xf32, #tpu.memory_space<hbm>>)
        tpu.yield
      }) : () -> ()
    } else {
    }
    %add3A_44 = arith.constant 16 : i32
    %add3A_45 = arith.addi %arg1, %add3A_44 : i32
    %lt3A_46 = arith.constant 17 : i32
    %lt3A_47 = arith.cmpi slt, %add3A_45, %lt3A_46 : i32
    %convert_element_type3A_48 = arith.extui %lt3A_47 : i1 to i32
    %cond3A_49 = arith.constant 0 : i32
    %cond3A_50 = arith.cmpi ne, %convert_element_type3A_48, %cond3A_49 : i32
    scf.if %cond3A_50 {
      %mul3A_115 = arith.constant 200 : i32
      %mul3A_116 = arith.muli %add3A_45, %mul3A_115 : i32
      %mul3A_117 = arith.constant 200 : i32
      %mul3A_118 = arith.muli %add3A_45, %mul3A_117 : i32
      "tpu.region"() ({
        %run_scoped3A = tpu.sem_alloc : memref<!tpu.dma_semaphore, #tpu.memory_space<semaphore_mem>>
        %dma_start3A = arith.constant 0 : i32
        %dma_start3A_119 = arith.constant 0 : i32
        %dma_start3A_120 = tpu.memref_slice %arg7[%arg0, %dma_start3A, %dma_start3A_119] : memref<2x10000x128xf32, #tpu.memory_space<hbm>> -> memref<1x3400x128xf32, #tpu.memory_space<hbm>>
        %dma_start3A_121 = tpu.memref_squeeze %dma_start3A_120 : memref<1x3400x128xf32, #tpu.memory_space<hbm>> -> memref<3400x128xf32, #tpu.memory_space<hbm>>
        %dma_start3A_122 = arith.constant 0 : i32
        %dma_start3A_123 = tpu.memref_slice %dma_start3A_121[%mul3A_118, %dma_start3A_122] : memref<3400x128xf32, #tpu.memory_space<hbm>> -> memref<200x128xf32, #tpu.memory_space<hbm>>
        %dma_start3A_124 = arith.constant 0 : i32
        %dma_start3A_125 = tpu.memref_slice %arg21[%mul3A_116, %dma_start3A_124] : memref<3408x128xf32, #tpu.memory_space<vmem_shared>> -> memref<200x128xf32, #tpu.memory_space<vmem_shared>>
        tpu.enqueue_dma source(%dma_start3A_125 : memref<200x128xf32, #tpu.memory_space<vmem_shared>>) target(%dma_start3A_123 : memref<200x128xf32, #tpu.memory_space<hbm>>) target_semaphore(%run_scoped3A : memref<!tpu.dma_semaphore, #tpu.memory_space<semaphore_mem>>)
        %dma_wait3A = arith.constant 0 : i32
        %dma_wait3A_126 = arith.constant 0 : i32
        %dma_wait3A_127 = tpu.memref_slice %arg7[%arg0, %dma_wait3A, %dma_wait3A_126] : memref<2x10000x128xf32, #tpu.memory_space<hbm>> -> memref<1x3400x128xf32, #tpu.memory_space<hbm>>
        %dma_wait3A_128 = tpu.memref_squeeze %dma_wait3A_127 : memref<1x3400x128xf32, #tpu.memory_space<hbm>> -> memref<3400x128xf32, #tpu.memory_space<hbm>>
        %dma_wait3A_129 = arith.constant 0 : i32
        %dma_wait3A_130 = tpu.memref_slice %dma_wait3A_128[%mul3A_118, %dma_wait3A_129] : memref<3400x128xf32, #tpu.memory_space<hbm>> -> memref<200x128xf32, #tpu.memory_space<hbm>>
        %dma_wait3A_131 = arith.constant 0 : i32
        %dma_wait3A_132 = tpu.memref_slice %arg21[%mul3A_116, %dma_wait3A_131] : memref<3408x128xf32, #tpu.memory_space<vmem_shared>> -> memref<200x128xf32, #tpu.memory_space<vmem_shared>>
        tpu.wait_dma2 semaphore(%run_scoped3A : memref<!tpu.dma_semaphore, #tpu.memory_space<semaphore_mem>>) src(%dma_wait3A_132 : memref<200x128xf32, #tpu.memory_space<vmem_shared>>) dst(%dma_wait3A_130 : memref<200x128xf32, #tpu.memory_space<hbm>>)
        tpu.yield
      }) : () -> ()
    } else {
    }
    %barrier3A_51 = arith.constant 0 : index
    tpu.barrier barrier_id(%barrier3A_51)
    %add3A_52 = arith.constant 0 : i32
    %add3A_53 = arith.addi %arg1, %add3A_52 : i32
    %lt3A_54 = arith.constant 17 : i32
    %lt3A_55 = arith.cmpi slt, %add3A_53, %lt3A_54 : i32
    %convert_element_type3A_56 = arith.extui %lt3A_55 : i1 to i32
    %cond3A_57 = arith.constant 0 : i32
    %cond3A_58 = arith.cmpi ne, %convert_element_type3A_56, %cond3A_57 : i32
    scf.if %cond3A_58 {
      %mul3A_115 = arith.constant 200 : i32
      %mul3A_116 = arith.muli %add3A_53, %mul3A_115 : i32
      "tpu.region"() ({
        %run_scoped3A = tpu.sem_alloc : memref<!tpu.dma_semaphore, #tpu.memory_space<semaphore_mem>>
        %dma_start3A = arith.constant 0 : i32
        %dma_start3A_117 = tpu.memref_slice %arg21[%mul3A_116, %dma_start3A] : memref<3408x128xf32, #tpu.memory_space<vmem_shared>> -> memref<200x128xf32, #tpu.memory_space<vmem_shared>>
        %dma_start3A_118 = arith.constant 0 : i32
        %dma_start3A_119 = tpu.memref_slice %arg21[%mul3A_116, %dma_start3A_118] : memref<3408x128xf32, #tpu.memory_space<vmem_shared>> -> memref<200x128xf32, #tpu.memory_space<vmem_shared>>
        tpu.enqueue_dma source(%arg19 : memref<200x128xf32, #tpu.memory_space<vmem>>) target(%dma_start3A_119 : memref<200x128xf32, #tpu.memory_space<vmem_shared>>) target_semaphore(%run_scoped3A : memref<!tpu.dma_semaphore, #tpu.memory_space<semaphore_mem>>)
        %dma_wait3A = arith.constant 0 : i32
        %dma_wait3A_120 = tpu.memref_slice %arg21[%mul3A_116, %dma_wait3A] : memref<3408x128xf32, #tpu.memory_space<vmem_shared>> -> memref<200x128xf32, #tpu.memory_space<vmem_shared>>
        %dma_wait3A_121 = arith.constant 0 : i32
        %dma_wait3A_122 = tpu.memref_slice %arg21[%mul3A_116, %dma_wait3A_121] : memref<3408x128xf32, #tpu.memory_space<vmem_shared>> -> memref<200x128xf32, #tpu.memory_space<vmem_shared>>
        tpu.wait_dma2 semaphore(%run_scoped3A : memref<!tpu.dma_semaphore, #tpu.memory_space<semaphore_mem>>) src(%arg19 : memref<200x128xf32, #tpu.memory_space<vmem>>) dst(%dma_wait3A_122 : memref<200x128xf32, #tpu.memory_space<vmem_shared>>)
        tpu.yield
      }) : () -> ()
    } else {
    }
    %add3A_59 = arith.constant 16 : i32
    %add3A_60 = arith.addi %arg1, %add3A_59 : i32
    %lt3A_61 = arith.constant 17 : i32
    %lt3A_62 = arith.cmpi slt, %add3A_60, %lt3A_61 : i32
    %convert_element_type3A_63 = arith.extui %lt3A_62 : i1 to i32
    %cond3A_64 = arith.constant 0 : i32
    %cond3A_65 = arith.cmpi ne, %convert_element_type3A_63, %cond3A_64 : i32
    scf.if %cond3A_65 {
      %mul3A_115 = arith.constant 200 : i32
      %mul3A_116 = arith.muli %add3A_60, %mul3A_115 : i32
      "tpu.region"() ({
        %run_scoped3A = tpu.sem_alloc : memref<!tpu.dma_semaphore, #tpu.memory_space<semaphore_mem>>
        %dma_start3A = arith.constant 0 : i32
        %dma_start3A_117 = tpu.memref_slice %arg21[%mul3A_116, %dma_start3A] : memref<3408x128xf32, #tpu.memory_space<vmem_shared>> -> memref<200x128xf32, #tpu.memory_space<vmem_shared>>
        %dma_start3A_118 = arith.constant 0 : i32
        %dma_start3A_119 = tpu.memref_slice %arg21[%mul3A_116, %dma_start3A_118] : memref<3408x128xf32, #tpu.memory_space<vmem_shared>> -> memref<200x128xf32, #tpu.memory_space<vmem_shared>>
        tpu.enqueue_dma source(%arg19 : memref<200x128xf32, #tpu.memory_space<vmem>>) target(%dma_start3A_119 : memref<200x128xf32, #tpu.memory_space<vmem_shared>>) target_semaphore(%run_scoped3A : memref<!tpu.dma_semaphore, #tpu.memory_space<semaphore_mem>>)
        %dma_wait3A = arith.constant 0 : i32
        %dma_wait3A_120 = tpu.memref_slice %arg21[%mul3A_116, %dma_wait3A] : memref<3408x128xf32, #tpu.memory_space<vmem_shared>> -> memref<200x128xf32, #tpu.memory_space<vmem_shared>>
        %dma_wait3A_121 = arith.constant 0 : i32
        %dma_wait3A_122 = tpu.memref_slice %arg21[%mul3A_116, %dma_wait3A_121] : memref<3408x128xf32, #tpu.memory_space<vmem_shared>> -> memref<200x128xf32, #tpu.memory_space<vmem_shared>>
        tpu.wait_dma2 semaphore(%run_scoped3A : memref<!tpu.dma_semaphore, #tpu.memory_space<semaphore_mem>>) src(%arg19 : memref<200x128xf32, #tpu.memory_space<vmem>>) dst(%dma_wait3A_122 : memref<200x128xf32, #tpu.memory_space<vmem_shared>>)
        tpu.yield
      }) : () -> ()
    } else {
    }
    %barrier3A_66 = arith.constant 0 : index
    tpu.barrier barrier_id(%barrier3A_66)
    %scan3A_67 = arith.constant 0 : i32
    %scan3A_68 = arith.constant 125 : i32
    %scan3A_69 = arith.addi %scan3A_67, %scan3A_68 : i32
    %scan3A_70 = arith.constant 1 : i32
    scf.for %scan3A_115 = %scan3A_67 to %scan3A_69 step %scan3A_70  : i32 {
      %mul3A_116 = arith.constant 80 : i32
      %mul3A_117 = arith.muli %scan3A_115, %mul3A_116 : i32
      %add3A_118 = arith.constant 0 : i32
      %add3A_119 = arith.addi %add3A_118, %mul3A_117 : i32
      %add3A_120 = arith.constant 0 : i32
      %add3A_121 = arith.addi %add3A_119, %add3A_120 : i32
      %get3A = arith.index_cast %add3A_121 : i32 to index
      %get3A_122 = tpu.vector_load %arg10[%get3A] {strides = array<i32>} : memref<10000xi32, #tpu.memory_space<vmem>>, vector<16xi32>,
      %get3A_123 = arith.index_cast %add3A_121 : i32 to index
      %get3A_124 = tpu.vector_load %arg11[%get3A_123] {strides = array<i32>} : memref<10000xi32, #tpu.memory_space<vmem>>, vector<16xi32>,
      %add3A_125 = vector.broadcast %mul3A_0 : i32 to vector<16xi32>
      %add3A_126 = arith.addi %get3A_122, %add3A_125 : vector<16xi32>
      %swap3A = arith.constant 0 : index
      %swap3A_127 = tpu.vector_load %arg13[%swap3A] {strides = array<i32>} : memref<80xi32, #tpu.memory_space<vmem>>, vector<16xi32>,
      tpu.vector_store %arg13[%swap3A], %add3A_126 {strides = array<i32>} : memref<80xi32, #tpu.memory_space<vmem>>, vector<16xi32>,
      %sub3A = arith.constant 3400 : i32
      %sub3A_128 = vector.broadcast %sub3A : i32 to vector<16xi32>
      %sub3A_129 = arith.subi %get3A_124, %sub3A_128 : vector<16xi32>
      %ge3A = arith.constant 0 : i32
      %ge3A_130 = vector.broadcast %ge3A : i32 to vector<16xi32>
      %ge3A_131 = arith.cmpi sge, %sub3A_129, %ge3A_130 : vector<16xi32>
      %lt3A_132 = arith.constant 3400 : i32
      %lt3A_133 = vector.broadcast %lt3A_132 : i32 to vector<16xi32>
      %lt3A_134 = arith.cmpi slt, %sub3A_129, %lt3A_133 : vector<16xi32>
      %and3A = arith.andi %ge3A_131, %lt3A_134 : vector<16xi1>
      %jit3A = arith.constant 3400 : i32
      %broadcast_in_dim3A_135 = vector.broadcast %jit3A : i32 to vector<16xi32>
      %select_n3A = arith.select %and3A, %sub3A_129, %broadcast_in_dim3A_135 : vector<16xi1>, vector<16xi32>
      %swap3A_136 = arith.constant 0 : index
      %swap3A_137 = tpu.vector_load %arg15[%swap3A_136] {strides = array<i32>} : memref<80xi32, #tpu.memory_space<vmem>>, vector<16xi32>,
      tpu.vector_store %arg15[%swap3A_136], %select_n3A {strides = array<i32>} : memref<80xi32, #tpu.memory_space<vmem>>, vector<16xi32>,
      %add3A_138 = arith.constant 16 : i32
      %add3A_139 = arith.addi %add3A_119, %add3A_138 : i32
      %get3A_140 = arith.index_cast %add3A_139 : i32 to index
      %get3A_141 = tpu.vector_load %arg10[%get3A_140] {strides = array<i32>} : memref<10000xi32, #tpu.memory_space<vmem>>, vector<16xi32>,
      %get3A_142 = arith.index_cast %add3A_139 : i32 to index
      %get3A_143 = tpu.vector_load %arg11[%get3A_142] {strides = array<i32>} : memref<10000xi32, #tpu.memory_space<vmem>>, vector<16xi32>,
      %add3A_144 = vector.broadcast %mul3A_0 : i32 to vector<16xi32>
      %add3A_145 = arith.addi %get3A_141, %add3A_144 : vector<16xi32>
      %swap3A_146 = arith.constant 16 : index
      %swap3A_147 = tpu.vector_load %arg13[%swap3A_146] {strides = array<i32>} : memref<80xi32, #tpu.memory_space<vmem>>, vector<16xi32>,
      tpu.vector_store %arg13[%swap3A_146], %add3A_145 {strides = array<i32>} : memref<80xi32, #tpu.memory_space<vmem>>, vector<16xi32>,
      %sub3A_148 = arith.constant 3400 : i32
      %sub3A_149 = vector.broadcast %sub3A_148 : i32 to vector<16xi32>
      %sub3A_150 = arith.subi %get3A_143, %sub3A_149 : vector<16xi32>
      %ge3A_151 = arith.constant 0 : i32
      %ge3A_152 = vector.broadcast %ge3A_151 : i32 to vector<16xi32>
      %ge3A_153 = arith.cmpi sge, %sub3A_150, %ge3A_152 : vector<16xi32>
      %lt3A_154 = arith.constant 3400 : i32
      %lt3A_155 = vector.broadcast %lt3A_154 : i32 to vector<16xi32>
      %lt3A_156 = arith.cmpi slt, %sub3A_150, %lt3A_155 : vector<16xi32>
      %and3A_157 = arith.andi %ge3A_153, %lt3A_156 : vector<16xi1>
      %jit3A_158 = arith.constant 3400 : i32
      %broadcast_in_dim3A_159 = vector.broadcast %jit3A_158 : i32 to vector<16xi32>
      %select_n3A_160 = arith.select %and3A_157, %sub3A_150, %broadcast_in_dim3A_159 : vector<16xi1>, vector<16xi32>
      %swap3A_161 = arith.constant 16 : index
      %swap3A_162 = tpu.vector_load %arg15[%swap3A_161] {strides = array<i32>} : memref<80xi32, #tpu.memory_space<vmem>>, vector<16xi32>,
      tpu.vector_store %arg15[%swap3A_161], %select_n3A_160 {strides = array<i32>} : memref<80xi32, #tpu.memory_space<vmem>>, vector<16xi32>,
      %add3A_163 = arith.constant 32 : i32
      %add3A_164 = arith.addi %add3A_119, %add3A_163 : i32
      %get3A_165 = arith.index_cast %add3A_164 : i32 to index
      %get3A_166 = tpu.vector_load %arg10[%get3A_165] {strides = array<i32>} : memref<10000xi32, #tpu.memory_space<vmem>>, vector<16xi32>,
      %get3A_167 = arith.index_cast %add3A_164 : i32 to index
      %get3A_168 = tpu.vector_load %arg11[%get3A_167] {strides = array<i32>} : memref<10000xi32, #tpu.memory_space<vmem>>, vector<16xi32>,
      %add3A_169 = vector.broadcast %mul3A_0 : i32 to vector<16xi32>
      %add3A_170 = arith.addi %get3A_166, %add3A_169 : vector<16xi32>
      %swap3A_171 = arith.constant 32 : index
      %swap3A_172 = tpu.vector_load %arg13[%swap3A_171] {strides = array<i32>} : memref<80xi32, #tpu.memory_space<vmem>>, vector<16xi32>,
      tpu.vector_store %arg13[%swap3A_171], %add3A_170 {strides = array<i32>} : memref<80xi32, #tpu.memory_space<vmem>>, vector<16xi32>,
      %sub3A_173 = arith.constant 3400 : i32
      %sub3A_174 = vector.broadcast %sub3A_173 : i32 to vector<16xi32>
      %sub3A_175 = arith.subi %get3A_168, %sub3A_174 : vector<16xi32>
      %ge3A_176 = arith.constant 0 : i32
      %ge3A_177 = vector.broadcast %ge3A_176 : i32 to vector<16xi32>
      %ge3A_178 = arith.cmpi sge, %sub3A_175, %ge3A_177 : vector<16xi32>
      %lt3A_179 = arith.constant 3400 : i32
      %lt3A_180 = vector.broadcast %lt3A_179 : i32 to vector<16xi32>
      %lt3A_181 = arith.cmpi slt, %sub3A_175, %lt3A_180 : vector<16xi32>
      %and3A_182 = arith.andi %ge3A_178, %lt3A_181 : vector<16xi1>
      %jit3A_183 = arith.constant 3400 : i32
      %broadcast_in_dim3A_184 = vector.broadcast %jit3A_183 : i32 to vector<16xi32>
      %select_n3A_185 = arith.select %and3A_182, %sub3A_175, %broadcast_in_dim3A_184 : vector<16xi1>, vector<16xi32>
      %swap3A_186 = arith.constant 32 : index
      %swap3A_187 = tpu.vector_load %arg15[%swap3A_186] {strides = array<i32>} : memref<80xi32, #tpu.memory_space<vmem>>, vector<16xi32>,
      tpu.vector_store %arg15[%swap3A_186], %select_n3A_185 {strides = array<i32>} : memref<80xi32, #tpu.memory_space<vmem>>, vector<16xi32>,
      %add3A_188 = arith.constant 48 : i32
      %add3A_189 = arith.addi %add3A_119, %add3A_188 : i32
      %get3A_190 = arith.index_cast %add3A_189 : i32 to index
      %get3A_191 = tpu.vector_load %arg10[%get3A_190] {strides = array<i32>} : memref<10000xi32, #tpu.memory_space<vmem>>, vector<16xi32>,
      %get3A_192 = arith.index_cast %add3A_189 : i32 to index
      %get3A_193 = tpu.vector_load %arg11[%get3A_192] {strides = array<i32>} : memref<10000xi32, #tpu.memory_space<vmem>>, vector<16xi32>,
      %add3A_194 = vector.broadcast %mul3A_0 : i32 to vector<16xi32>
      %add3A_195 = arith.addi %get3A_191, %add3A_194 : vector<16xi32>
      %swap3A_196 = arith.constant 48 : index
      %swap3A_197 = tpu.vector_load %arg13[%swap3A_196] {strides = array<i32>} : memref<80xi32, #tpu.memory_space<vmem>>, vector<16xi32>,
      tpu.vector_store %arg13[%swap3A_196], %add3A_195 {strides = array<i32>} : memref<80xi32, #tpu.memory_space<vmem>>, vector<16xi32>,
      %sub3A_198 = arith.constant 3400 : i32
      %sub3A_199 = vector.broadcast %sub3A_198 : i32 to vector<16xi32>
      %sub3A_200 = arith.subi %get3A_193, %sub3A_199 : vector<16xi32>
      %ge3A_201 = arith.constant 0 : i32
      %ge3A_202 = vector.broadcast %ge3A_201 : i32 to vector<16xi32>
      %ge3A_203 = arith.cmpi sge, %sub3A_200, %ge3A_202 : vector<16xi32>
      %lt3A_204 = arith.constant 3400 : i32
      %lt3A_205 = vector.broadcast %lt3A_204 : i32 to vector<16xi32>
      %lt3A_206 = arith.cmpi slt, %sub3A_200, %lt3A_205 : vector<16xi32>
      %and3A_207 = arith.andi %ge3A_203, %lt3A_206 : vector<16xi1>
      %jit3A_208 = arith.constant 3400 : i32
      %broadcast_in_dim3A_209 = vector.broadcast %jit3A_208 : i32 to vector<16xi32>
      %select_n3A_210 = arith.select %and3A_207, %sub3A_200, %broadcast_in_dim3A_209 : vector<16xi1>, vector<16xi32>
      %swap3A_211 = arith.constant 48 : index
      %swap3A_212 = tpu.vector_load %arg15[%swap3A_211] {strides = array<i32>} : memref<80xi32, #tpu.memory_space<vmem>>, vector<16xi32>,
      tpu.vector_store %arg15[%swap3A_211], %select_n3A_210 {strides = array<i32>} : memref<80xi32, #tpu.memory_space<vmem>>, vector<16xi32>,
      %add3A_213 = arith.constant 64 : i32
      %add3A_214 = arith.addi %add3A_119, %add3A_213 : i32
      %get3A_215 = arith.index_cast %add3A_214 : i32 to index
      %get3A_216 = tpu.vector_load %arg10[%get3A_215] {strides = array<i32>} : memref<10000xi32, #tpu.memory_space<vmem>>, vector<16xi32>,
      %get3A_217 = arith.index_cast %add3A_214 : i32 to index
      %get3A_218 = tpu.vector_load %arg11[%get3A_217] {strides = array<i32>} : memref<10000xi32, #tpu.memory_space<vmem>>, vector<16xi32>,
      %add3A_219 = vector.broadcast %mul3A_0 : i32 to vector<16xi32>
      %add3A_220 = arith.addi %get3A_216, %add3A_219 : vector<16xi32>
      %swap3A_221 = arith.constant 64 : index
      %swap3A_222 = tpu.vector_load %arg13[%swap3A_221] {strides = array<i32>} : memref<80xi32, #tpu.memory_space<vmem>>, vector<16xi32>,
      tpu.vector_store %arg13[%swap3A_221], %add3A_220 {strides = array<i32>} : memref<80xi32, #tpu.memory_space<vmem>>, vector<16xi32>,
      %sub3A_223 = arith.constant 3400 : i32
      %sub3A_224 = vector.broadcast %sub3A_223 : i32 to vector<16xi32>
      %sub3A_225 = arith.subi %get3A_218, %sub3A_224 : vector<16xi32>
      %ge3A_226 = arith.constant 0 : i32
      %ge3A_227 = vector.broadcast %ge3A_226 : i32 to vector<16xi32>
      %ge3A_228 = arith.cmpi sge, %sub3A_225, %ge3A_227 : vector<16xi32>
      %lt3A_229 = arith.constant 3400 : i32
      %lt3A_230 = vector.broadcast %lt3A_229 : i32 to vector<16xi32>
      %lt3A_231 = arith.cmpi slt, %sub3A_225, %lt3A_230 : vector<16xi32>
      %and3A_232 = arith.andi %ge3A_228, %lt3A_231 : vector<16xi1>
      %jit3A_233 = arith.constant 3400 : i32
      %broadcast_in_dim3A_234 = vector.broadcast %jit3A_233 : i32 to vector<16xi32>
      %select_n3A_235 = arith.select %and3A_232, %sub3A_225, %broadcast_in_dim3A_234 : vector<16xi1>, vector<16xi32>
      %swap3A_236 = arith.constant 64 : index
      %swap3A_237 = tpu.vector_load %arg15[%swap3A_236] {strides = array<i32>} : memref<80xi32, #tpu.memory_space<vmem>>, vector<16xi32>,
      tpu.vector_store %arg15[%swap3A_236], %select_n3A_235 {strides = array<i32>} : memref<80xi32, #tpu.memory_space<vmem>>, vector<16xi32>,
      "tpu.region"() ({
        %run_scoped3A = tpu.sem_alloc : memref<!tpu.dma_semaphore, #tpu.memory_space<semaphore_mem>>
        %dma_start3A = arith.constant 0 : i32
        %dma_start3A_279 = arith.constant 0 : i32
        %dma_start3A_280 = tpu.memref_slice %arg2[%dma_start3A, %dma_start3A_279] : memref<20000x128xf32, #tpu.memory_space<hbm>> -> memref<20000x128xf32, #tpu.memory_space<hbm>>
        tpu.enqueue_indirect_dma source(%dma_start3A_280 : memref<20000x128xf32, #tpu.memory_space<hbm>>) target(%arg16 : memref<80x128xf32, #tpu.memory_space<vmem>>) offsets(%arg13 : memref<80xi32, #tpu.memory_space<vmem>>) semaphore(%run_scoped3A : memref<!tpu.dma_semaphore, #tpu.memory_space<semaphore_mem>>)
        %dma_wait3A = arith.constant 0 : i32
        %dma_wait3A_281 = arith.constant 0 : i32
        %dma_wait3A_282 = tpu.memref_slice %arg2[%dma_wait3A, %dma_wait3A_281] : memref<20000x128xf32, #tpu.memory_space<hbm>> -> memref<20000x128xf32, #tpu.memory_space<hbm>>
        tpu.wait_indirect_dma semaphore(%run_scoped3A : memref<!tpu.dma_semaphore, #tpu.memory_space<semaphore_mem>>) src(%dma_wait3A_282 : memref<20000x128xf32, #tpu.memory_space<hbm>>) dst(%arg16 : memref<80x128xf32, #tpu.memory_space<vmem>>)
        tpu.yield
      }) : () -> ()
      %add3A_238 = arith.constant 0 : i32
      %add3A_239 = vector.broadcast %add3A_238 : i32 to vector<16xi32>
      %add3A_240 = arith.addi %iota3A_20, %add3A_239 : vector<16xi32>
      %add3A_241 = arith.constant 16 : i32
      %add3A_242 = vector.broadcast %add3A_241 : i32 to vector<16xi32>
      %add3A_243 = arith.addi %iota3A_20, %add3A_242 : vector<16xi32>
      %add3A_244 = arith.constant 32 : i32
      %add3A_245 = vector.broadcast %add3A_244 : i32 to vector<16xi32>
      %add3A_246 = arith.addi %iota3A_20, %add3A_245 : vector<16xi32>
      %add3A_247 = arith.constant 48 : i32
      %add3A_248 = vector.broadcast %add3A_247 : i32 to vector<16xi32>
      %add3A_249 = arith.addi %iota3A_20, %add3A_248 : vector<16xi32>
      %add3A_250 = arith.constant 64 : i32
      %add3A_251 = vector.broadcast %add3A_250 : i32 to vector<16xi32>
      %add3A_252 = arith.addi %iota3A_20, %add3A_251 : vector<16xi32>
      %add3A_253 = arith.constant 0 : i32
      %add3A_254 = arith.addi %add3A_119, %add3A_253 : i32
      %get3A_255 = arith.index_cast %add3A_254 : i32 to index
      %get3A_256 = tpu.vector_load %arg12[%get3A_255] {strides = array<i32>} : memref<10000xf32, #tpu.memory_space<vmem>>, vector<16xf32>,
      %add3A_257 = arith.constant 16 : i32
      %add3A_258 = arith.addi %add3A_119, %add3A_257 : i32
      %get3A_259 = arith.index_cast %add3A_258 : i32 to index
      %get3A_260 = tpu.vector_load %arg12[%get3A_259] {strides = array<i32>} : memref<10000xf32, #tpu.memory_space<vmem>>, vector<16xf32>,
      %add3A_261 = arith.constant 32 : i32
      %add3A_262 = arith.addi %add3A_119, %add3A_261 : i32
      %get3A_263 = arith.index_cast %add3A_262 : i32 to index
      %get3A_264 = tpu.vector_load %arg12[%get3A_263] {strides = array<i32>} : memref<10000xf32, #tpu.memory_space<vmem>>, vector<16xf32>,
      %add3A_265 = arith.constant 48 : i32
      %add3A_266 = arith.addi %add3A_119, %add3A_265 : i32
      %get3A_267 = arith.index_cast %add3A_266 : i32 to index
      %get3A_268 = tpu.vector_load %arg12[%get3A_267] {strides = array<i32>} : memref<10000xf32, #tpu.memory_space<vmem>>, vector<16xf32>,
      %add3A_269 = arith.constant 64 : i32
      %add3A_270 = arith.addi %add3A_119, %add3A_269 : i32
      %get3A_271 = arith.index_cast %add3A_270 : i32 to index
      %get3A_272 = tpu.vector_load %arg12[%get3A_271] {strides = array<i32>} : memref<10000xf32, #tpu.memory_space<vmem>>, vector<16xf32>,
      %scan3A_273 = arith.constant 0 : i32
      %scan3A_274 = arith.constant 0 : i32
      %scan3A_275 = arith.constant 128 : i32
      %scan3A_276 = arith.addi %scan3A_274, %scan3A_275 : i32
      %scan3A_277 = arith.constant 2 : i32
      scf.for %scan3A_279 = %scan3A_274 to %scan3A_276 step %scan3A_277  : i32 {
        %broadcast_in_dim3A_280 = vector.broadcast %scan3A_279 : i32 to vector<16xi32>
        %gather3A = tpu.vector_load_idx %arg16[%add3A_240, %broadcast_in_dim3A_280] : memref<80x128xf32, #tpu.memory_space<vmem>>[vector<16xi32>, vector<16xi32>], vector<16xf32>,
        %mul3A_281 = arith.mulf %gather3A, %get3A_256 : vector<16xf32>
        tpu.vector_store_idx %arg18[%add3A_240, %broadcast_in_dim3A_280], %mul3A_281 : memref<80x128xf32, #tpu.memory_space<vmem>>[vector<16xi32>, vector<16xi32>], vector<16xf32>,
        %gather3A_282 = tpu.vector_load_idx %arg16[%add3A_243, %broadcast_in_dim3A_280] : memref<80x128xf32, #tpu.memory_space<vmem>>[vector<16xi32>, vector<16xi32>], vector<16xf32>,
        %mul3A_283 = arith.mulf %gather3A_282, %get3A_260 : vector<16xf32>
        tpu.vector_store_idx %arg18[%add3A_243, %broadcast_in_dim3A_280], %mul3A_283 : memref<80x128xf32, #tpu.memory_space<vmem>>[vector<16xi32>, vector<16xi32>], vector<16xf32>,
        %gather3A_284 = tpu.vector_load_idx %arg16[%add3A_246, %broadcast_in_dim3A_280] : memref<80x128xf32, #tpu.memory_space<vmem>>[vector<16xi32>, vector<16xi32>], vector<16xf32>,
        %mul3A_285 = arith.mulf %gather3A_284, %get3A_264 : vector<16xf32>
        tpu.vector_store_idx %arg18[%add3A_246, %broadcast_in_dim3A_280], %mul3A_285 : memref<80x128xf32, #tpu.memory_space<vmem>>[vector<16xi32>, vector<16xi32>], vector<16xf32>,
        %gather3A_286 = tpu.vector_load_idx %arg16[%add3A_249, %broadcast_in_dim3A_280] : memref<80x128xf32, #tpu.memory_space<vmem>>[vector<16xi32>, vector<16xi32>], vector<16xf32>,
        %mul3A_287 = arith.mulf %gather3A_286, %get3A_268 : vector<16xf32>
        tpu.vector_store_idx %arg18[%add3A_249, %broadcast_in_dim3A_280], %mul3A_287 : memref<80x128xf32, #tpu.memory_space<vmem>>[vector<16xi32>, vector<16xi32>], vector<16xf32>,
        %gather3A_288 = tpu.vector_load_idx %arg16[%add3A_252, %broadcast_in_dim3A_280] : memref<80x128xf32, #tpu.memory_space<vmem>>[vector<16xi32>, vector<16xi32>], vector<16xf32>,
        %mul3A_289 = arith.mulf %gather3A_288, %get3A_272 : vector<16xf32>
        tpu.vector_store_idx %arg18[%add3A_252, %broadcast_in_dim3A_280], %mul3A_289 : memref<80x128xf32, #tpu.memory_space<vmem>>[vector<16xi32>, vector<16xi32>], vector<16xf32>,
        %scan3A_290 = arith.constant 1 : i32
        %scan3A_291 = arith.addi %scan3A_279, %scan3A_290 : i32
        %broadcast_in_dim3A_292 = vector.broadcast %scan3A_291 : i32 to vector<16xi32>
        %gather3A_293 = tpu.vector_load_idx %arg16[%add3A_240, %broadcast_in_dim3A_292] : memref<80x128xf32, #tpu.memory_space<vmem>>[vector<16xi32>, vector<16xi32>], vector<16xf32>,
        %mul3A_294 = arith.mulf %gather3A_293, %get3A_256 : vector<16xf32>
        tpu.vector_store_idx %arg18[%add3A_240, %broadcast_in_dim3A_292], %mul3A_294 : memref<80x128xf32, #tpu.memory_space<vmem>>[vector<16xi32>, vector<16xi32>], vector<16xf32>,
        %gather3A_295 = tpu.vector_load_idx %arg16[%add3A_243, %broadcast_in_dim3A_292] : memref<80x128xf32, #tpu.memory_space<vmem>>[vector<16xi32>, vector<16xi32>], vector<16xf32>,
        %mul3A_296 = arith.mulf %gather3A_295, %get3A_260 : vector<16xf32>
        tpu.vector_store_idx %arg18[%add3A_243, %broadcast_in_dim3A_292], %mul3A_296 : memref<80x128xf32, #tpu.memory_space<vmem>>[vector<16xi32>, vector<16xi32>], vector<16xf32>,
        %gather3A_297 = tpu.vector_load_idx %arg16[%add3A_246, %broadcast_in_dim3A_292] : memref<80x128xf32, #tpu.memory_space<vmem>>[vector<16xi32>, vector<16xi32>], vector<16xf32>,
        %mul3A_298 = arith.mulf %gather3A_297, %get3A_264 : vector<16xf32>
        tpu.vector_store_idx %arg18[%add3A_246, %broadcast_in_dim3A_292], %mul3A_298 : memref<80x128xf32, #tpu.memory_space<vmem>>[vector<16xi32>, vector<16xi32>], vector<16xf32>,
        %gather3A_299 = tpu.vector_load_idx %arg16[%add3A_249, %broadcast_in_dim3A_292] : memref<80x128xf32, #tpu.memory_space<vmem>>[vector<16xi32>, vector<16xi32>], vector<16xf32>,
        %mul3A_300 = arith.mulf %gather3A_299, %get3A_268 : vector<16xf32>
        tpu.vector_store_idx %arg18[%add3A_249, %broadcast_in_dim3A_292], %mul3A_300 : memref<80x128xf32, #tpu.memory_space<vmem>>[vector<16xi32>, vector<16xi32>], vector<16xf32>,
        %gather3A_301 = tpu.vector_load_idx %arg16[%add3A_252, %broadcast_in_dim3A_292] : memref<80x128xf32, #tpu.memory_space<vmem>>[vector<16xi32>, vector<16xi32>], vector<16xf32>,
        %mul3A_302 = arith.mulf %gather3A_301, %get3A_272 : vector<16xf32>
        tpu.vector_store_idx %arg18[%add3A_252, %broadcast_in_dim3A_292], %mul3A_302 : memref<80x128xf32, #tpu.memory_space<vmem>>[vector<16xi32>, vector<16xi32>], vector<16xf32>,
      }
      %scan3A_278 = arith.constant 128 : i32
      "tpu.region"() ({
        %run_scoped3A = tpu.sem_alloc : memref<!tpu.dma_semaphore, #tpu.memory_space<semaphore_mem>>
        %dma_start3A = arith.constant 0 : i32
        %dma_start3A_279 = arith.constant 0 : i32
        %dma_start3A_280 = tpu.memref_slice %arg21[%dma_start3A, %dma_start3A_279] : memref<3408x128xf32, #tpu.memory_space<vmem_shared>> -> memref<3408x128xf32, #tpu.memory_space<vmem_shared>>
        tpu.enqueue_indirect_dma source(%arg18 : memref<80x128xf32, #tpu.memory_space<vmem>>) target(%dma_start3A_280 : memref<3408x128xf32, #tpu.memory_space<vmem_shared>>) offsets(%arg15 : memref<80xi32, #tpu.memory_space<vmem>>) semaphore(%run_scoped3A : memref<!tpu.dma_semaphore, #tpu.memory_space<semaphore_mem>>) {add = true}
        %dma_wait3A = arith.constant 0 : i32
        %dma_wait3A_281 = arith.constant 0 : i32
        %dma_wait3A_282 = tpu.memref_slice %arg21[%dma_wait3A, %dma_wait3A_281] : memref<3408x128xf32, #tpu.memory_space<vmem_shared>> -> memref<3408x128xf32, #tpu.memory_space<vmem_shared>>
        tpu.wait_indirect_dma semaphore(%run_scoped3A : memref<!tpu.dma_semaphore, #tpu.memory_space<semaphore_mem>>) src(%arg18 : memref<80x128xf32, #tpu.memory_space<vmem>>) dst(%dma_wait3A_282 : memref<3408x128xf32, #tpu.memory_space<vmem_shared>>)
        tpu.yield
      }) : () -> ()
    }
    %scan3A_71 = arith.constant 125 : i32
    %barrier3A_72 = arith.constant 0 : index
    tpu.barrier barrier_id(%barrier3A_72)
    %add3A_73 = arith.constant 0 : i32
    %add3A_74 = arith.addi %arg1, %add3A_73 : i32
    %lt3A_75 = arith.constant 17 : i32
    %lt3A_76 = arith.cmpi slt, %add3A_74, %lt3A_75 : i32
    %convert_element_type3A_77 = arith.extui %lt3A_76 : i1 to i32
    %cond3A_78 = arith.constant 0 : i32
    %cond3A_79 = arith.cmpi ne, %convert_element_type3A_77, %cond3A_78 : i32
    scf.if %cond3A_79 {
      %mul3A_115 = arith.constant 200 : i32
      %mul3A_116 = arith.muli %add3A_74, %mul3A_115 : i32
      %mul3A_117 = arith.constant 200 : i32
      %mul3A_118 = arith.muli %add3A_74, %mul3A_117 : i32
      "tpu.region"() ({
        %run_scoped3A = tpu.sem_alloc : memref<!tpu.dma_semaphore, #tpu.memory_space<semaphore_mem>>
        %dma_start3A = arith.constant 3400 : i32
        %dma_start3A_119 = arith.constant 0 : i32
        %dma_start3A_120 = tpu.memref_slice %arg7[%arg0, %dma_start3A, %dma_start3A_119] : memref<2x10000x128xf32, #tpu.memory_space<hbm>> -> memref<1x3400x128xf32, #tpu.memory_space<hbm>>
        %dma_start3A_121 = tpu.memref_squeeze %dma_start3A_120 : memref<1x3400x128xf32, #tpu.memory_space<hbm>> -> memref<3400x128xf32, #tpu.memory_space<hbm>>
        %dma_start3A_122 = arith.constant 0 : i32
        %dma_start3A_123 = tpu.memref_slice %dma_start3A_121[%mul3A_118, %dma_start3A_122] : memref<3400x128xf32, #tpu.memory_space<hbm>> -> memref<200x128xf32, #tpu.memory_space<hbm>>
        %dma_start3A_124 = arith.constant 0 : i32
        %dma_start3A_125 = tpu.memref_slice %arg21[%mul3A_116, %dma_start3A_124] : memref<3408x128xf32, #tpu.memory_space<vmem_shared>> -> memref<200x128xf32, #tpu.memory_space<vmem_shared>>
        tpu.enqueue_dma source(%dma_start3A_125 : memref<200x128xf32, #tpu.memory_space<vmem_shared>>) target(%dma_start3A_123 : memref<200x128xf32, #tpu.memory_space<hbm>>) target_semaphore(%run_scoped3A : memref<!tpu.dma_semaphore, #tpu.memory_space<semaphore_mem>>)
        %dma_wait3A = arith.constant 3400 : i32
        %dma_wait3A_126 = arith.constant 0 : i32
        %dma_wait3A_127 = tpu.memref_slice %arg7[%arg0, %dma_wait3A, %dma_wait3A_126] : memref<2x10000x128xf32, #tpu.memory_space<hbm>> -> memref<1x3400x128xf32, #tpu.memory_space<hbm>>
        %dma_wait3A_128 = tpu.memref_squeeze %dma_wait3A_127 : memref<1x3400x128xf32, #tpu.memory_space<hbm>> -> memref<3400x128xf32, #tpu.memory_space<hbm>>
        %dma_wait3A_129 = arith.constant 0 : i32
        %dma_wait3A_130 = tpu.memref_slice %dma_wait3A_128[%mul3A_118, %dma_wait3A_129] : memref<3400x128xf32, #tpu.memory_space<hbm>> -> memref<200x128xf32, #tpu.memory_space<hbm>>
        %dma_wait3A_131 = arith.constant 0 : i32
        %dma_wait3A_132 = tpu.memref_slice %arg21[%mul3A_116, %dma_wait3A_131] : memref<3408x128xf32, #tpu.memory_space<vmem_shared>> -> memref<200x128xf32, #tpu.memory_space<vmem_shared>>
        tpu.wait_dma2 semaphore(%run_scoped3A : memref<!tpu.dma_semaphore, #tpu.memory_space<semaphore_mem>>) src(%dma_wait3A_132 : memref<200x128xf32, #tpu.memory_space<vmem_shared>>) dst(%dma_wait3A_130 : memref<200x128xf32, #tpu.memory_space<hbm>>)
        tpu.yield
      }) : () -> ()
    } else {
    }
    %add3A_80 = arith.constant 16 : i32
    %add3A_81 = arith.addi %arg1, %add3A_80 : i32
    %lt3A_82 = arith.constant 17 : i32
    %lt3A_83 = arith.cmpi slt, %add3A_81, %lt3A_82 : i32
    %convert_element_type3A_84 = arith.extui %lt3A_83 : i1 to i32
    %cond3A_85 = arith.constant 0 : i32
    %cond3A_86 = arith.cmpi ne, %convert_element_type3A_84, %cond3A_85 : i32
    scf.if %cond3A_86 {
      %mul3A_115 = arith.constant 200 : i32
      %mul3A_116 = arith.muli %add3A_81, %mul3A_115 : i32
      %mul3A_117 = arith.constant 200 : i32
      %mul3A_118 = arith.muli %add3A_81, %mul3A_117 : i32
      "tpu.region"() ({
        %run_scoped3A = tpu.sem_alloc : memref<!tpu.dma_semaphore, #tpu.memory_space<semaphore_mem>>
        %dma_start3A = arith.constant 3400 : i32
        %dma_start3A_119 = arith.constant 0 : i32
        %dma_start3A_120 = tpu.memref_slice %arg7[%arg0, %dma_start3A, %dma_start3A_119] : memref<2x10000x128xf32, #tpu.memory_space<hbm>> -> memref<1x3400x128xf32, #tpu.memory_space<hbm>>
        %dma_start3A_121 = tpu.memref_squeeze %dma_start3A_120 : memref<1x3400x128xf32, #tpu.memory_space<hbm>> -> memref<3400x128xf32, #tpu.memory_space<hbm>>
        %dma_start3A_122 = arith.constant 0 : i32
        %dma_start3A_123 = tpu.memref_slice %dma_start3A_121[%mul3A_118, %dma_start3A_122] : memref<3400x128xf32, #tpu.memory_space<hbm>> -> memref<200x128xf32, #tpu.memory_space<hbm>>
        %dma_start3A_124 = arith.constant 0 : i32
        %dma_start3A_125 = tpu.memref_slice %arg21[%mul3A_116, %dma_start3A_124] : memref<3408x128xf32, #tpu.memory_space<vmem_shared>> -> memref<200x128xf32, #tpu.memory_space<vmem_shared>>
        tpu.enqueue_dma source(%dma_start3A_125 : memref<200x128xf32, #tpu.memory_space<vmem_shared>>) target(%dma_start3A_123 : memref<200x128xf32, #tpu.memory_space<hbm>>) target_semaphore(%run_scoped3A : memref<!tpu.dma_semaphore, #tpu.memory_space<semaphore_mem>>)
        %dma_wait3A = arith.constant 3400 : i32
        %dma_wait3A_126 = arith.constant 0 : i32
        %dma_wait3A_127 = tpu.memref_slice %arg7[%arg0, %dma_wait3A, %dma_wait3A_126] : memref<2x10000x128xf32, #tpu.memory_space<hbm>> -> memref<1x3400x128xf32, #tpu.memory_space<hbm>>
        %dma_wait3A_128 = tpu.memref_squeeze %dma_wait3A_127 : memref<1x3400x128xf32, #tpu.memory_space<hbm>> -> memref<3400x128xf32, #tpu.memory_space<hbm>>
        %dma_wait3A_129 = arith.constant 0 : i32
        %dma_wait3A_130 = tpu.memref_slice %dma_wait3A_128[%mul3A_118, %dma_wait3A_129] : memref<3400x128xf32, #tpu.memory_space<hbm>> -> memref<200x128xf32, #tpu.memory_space<hbm>>
        %dma_wait3A_131 = arith.constant 0 : i32
        %dma_wait3A_132 = tpu.memref_slice %arg21[%mul3A_116, %dma_wait3A_131] : memref<3408x128xf32, #tpu.memory_space<vmem_shared>> -> memref<200x128xf32, #tpu.memory_space<vmem_shared>>
        tpu.wait_dma2 semaphore(%run_scoped3A : memref<!tpu.dma_semaphore, #tpu.memory_space<semaphore_mem>>) src(%dma_wait3A_132 : memref<200x128xf32, #tpu.memory_space<vmem_shared>>) dst(%dma_wait3A_130 : memref<200x128xf32, #tpu.memory_space<hbm>>)
        tpu.yield
      }) : () -> ()
    } else {
    }
    %barrier3A_87 = arith.constant 0 : index
    tpu.barrier barrier_id(%barrier3A_87)
    %add3A_88 = arith.constant 0 : i32
    %add3A_89 = arith.addi %arg1, %add3A_88 : i32
    %lt3A_90 = arith.constant 16 : i32
    %lt3A_91 = arith.cmpi slt, %add3A_89, %lt3A_90 : i32
    %convert_element_type3A_92 = arith.extui %lt3A_91 : i1 to i32
    %cond3A_93 = arith.constant 0 : i32
    %cond3A_94 = arith.cmpi ne, %convert_element_type3A_92, %cond3A_93 : i32
    scf.if %cond3A_94 {
      %mul3A_115 = arith.constant 200 : i32
      %mul3A_116 = arith.muli %add3A_89, %mul3A_115 : i32
      "tpu.region"() ({
        %run_scoped3A = tpu.sem_alloc : memref<!tpu.dma_semaphore, #tpu.memory_space<semaphore_mem>>
        %dma_start3A = arith.constant 0 : i32
        %dma_start3A_117 = tpu.memref_slice %arg21[%mul3A_116, %dma_start3A] : memref<3408x128xf32, #tpu.memory_space<vmem_shared>> -> memref<200x128xf32, #tpu.memory_space<vmem_shared>>
        %dma_start3A_118 = arith.constant 0 : i32
        %dma_start3A_119 = tpu.memref_slice %arg21[%mul3A_116, %dma_start3A_118] : memref<3408x128xf32, #tpu.memory_space<vmem_shared>> -> memref<200x128xf32, #tpu.memory_space<vmem_shared>>
        tpu.enqueue_dma source(%arg19 : memref<200x128xf32, #tpu.memory_space<vmem>>) target(%dma_start3A_119 : memref<200x128xf32, #tpu.memory_space<vmem_shared>>) target_semaphore(%run_scoped3A : memref<!tpu.dma_semaphore, #tpu.memory_space<semaphore_mem>>)
        %dma_wait3A = arith.constant 0 : i32
        %dma_wait3A_120 = tpu.memref_slice %arg21[%mul3A_116, %dma_wait3A] : memref<3408x128xf32, #tpu.memory_space<vmem_shared>> -> memref<200x128xf32, #tpu.memory_space<vmem_shared>>
        %dma_wait3A_121 = arith.constant 0 : i32
        %dma_wait3A_122 = tpu.memref_slice %arg21[%mul3A_116, %dma_wait3A_121] : memref<3408x128xf32, #tpu.memory_space<vmem_shared>> -> memref<200x128xf32, #tpu.memory_space<vmem_shared>>
        tpu.wait_dma2 semaphore(%run_scoped3A : memref<!tpu.dma_semaphore, #tpu.memory_space<semaphore_mem>>) src(%arg19 : memref<200x128xf32, #tpu.memory_space<vmem>>) dst(%dma_wait3A_122 : memref<200x128xf32, #tpu.memory_space<vmem_shared>>)
        tpu.yield
      }) : () -> ()
    } else {
    }
    %barrier3A_95 = arith.constant 0 : index
    tpu.barrier barrier_id(%barrier3A_95)
    %scan3A_96 = arith.constant 0 : i32
    %scan3A_97 = arith.constant 125 : i32
    %scan3A_98 = arith.addi %scan3A_96, %scan3A_97 : i32
    %scan3A_99 = arith.constant 1 : i32
    scf.for %scan3A_115 = %scan3A_96 to %scan3A_98 step %scan3A_99  : i32 {
      %mul3A_116 = arith.constant 80 : i32
      %mul3A_117 = arith.muli %scan3A_115, %mul3A_116 : i32
      %add3A_118 = arith.constant 0 : i32
      %add3A_119 = arith.addi %add3A_118, %mul3A_117 : i32
      %add3A_120 = arith.constant 0 : i32
      %add3A_121 = arith.addi %add3A_119, %add3A_120 : i32
      %get3A = arith.index_cast %add3A_121 : i32 to index
      %get3A_122 = tpu.vector_load %arg10[%get3A] {strides = array<i32>} : memref<10000xi32, #tpu.memory_space<vmem>>, vector<16xi32>,
      %get3A_123 = arith.index_cast %add3A_121 : i32 to index
      %get3A_124 = tpu.vector_load %arg11[%get3A_123] {strides = array<i32>} : memref<10000xi32, #tpu.memory_space<vmem>>, vector<16xi32>,
      %add3A_125 = vector.broadcast %mul3A_0 : i32 to vector<16xi32>
      %add3A_126 = arith.addi %get3A_122, %add3A_125 : vector<16xi32>
      %swap3A = arith.constant 0 : index
      %swap3A_127 = tpu.vector_load %arg13[%swap3A] {strides = array<i32>} : memref<80xi32, #tpu.memory_space<vmem>>, vector<16xi32>,
      tpu.vector_store %arg13[%swap3A], %add3A_126 {strides = array<i32>} : memref<80xi32, #tpu.memory_space<vmem>>, vector<16xi32>,
      %sub3A = arith.constant 6800 : i32
      %sub3A_128 = vector.broadcast %sub3A : i32 to vector<16xi32>
      %sub3A_129 = arith.subi %get3A_124, %sub3A_128 : vector<16xi32>
      %ge3A = arith.constant 0 : i32
      %ge3A_130 = vector.broadcast %ge3A : i32 to vector<16xi32>
      %ge3A_131 = arith.cmpi sge, %sub3A_129, %ge3A_130 : vector<16xi32>
      %lt3A_132 = arith.constant 3200 : i32
      %lt3A_133 = vector.broadcast %lt3A_132 : i32 to vector<16xi32>
      %lt3A_134 = arith.cmpi slt, %sub3A_129, %lt3A_133 : vector<16xi32>
      %and3A = arith.andi %ge3A_131, %lt3A_134 : vector<16xi1>
      %jit3A = arith.constant 3400 : i32
      %broadcast_in_dim3A_135 = vector.broadcast %jit3A : i32 to vector<16xi32>
      %select_n3A = arith.select %and3A, %sub3A_129, %broadcast_in_dim3A_135 : vector<16xi1>, vector<16xi32>
      %swap3A_136 = arith.constant 0 : index
      %swap3A_137 = tpu.vector_load %arg15[%swap3A_136] {strides = array<i32>} : memref<80xi32, #tpu.memory_space<vmem>>, vector<16xi32>,
      tpu.vector_store %arg15[%swap3A_136], %select_n3A {strides = array<i32>} : memref<80xi32, #tpu.memory_space<vmem>>, vector<16xi32>,
      %add3A_138 = arith.constant 16 : i32
      %add3A_139 = arith.addi %add3A_119, %add3A_138 : i32
      %get3A_140 = arith.index_cast %add3A_139 : i32 to index
      %get3A_141 = tpu.vector_load %arg10[%get3A_140] {strides = array<i32>} : memref<10000xi32, #tpu.memory_space<vmem>>, vector<16xi32>,
      %get3A_142 = arith.index_cast %add3A_139 : i32 to index
      %get3A_143 = tpu.vector_load %arg11[%get3A_142] {strides = array<i32>} : memref<10000xi32, #tpu.memory_space<vmem>>, vector<16xi32>,
      %add3A_144 = vector.broadcast %mul3A_0 : i32 to vector<16xi32>
      %add3A_145 = arith.addi %get3A_141, %add3A_144 : vector<16xi32>
      %swap3A_146 = arith.constant 16 : index
      %swap3A_147 = tpu.vector_load %arg13[%swap3A_146] {strides = array<i32>} : memref<80xi32, #tpu.memory_space<vmem>>, vector<16xi32>,
      tpu.vector_store %arg13[%swap3A_146], %add3A_145 {strides = array<i32>} : memref<80xi32, #tpu.memory_space<vmem>>, vector<16xi32>,
      %sub3A_148 = arith.constant 6800 : i32
      %sub3A_149 = vector.broadcast %sub3A_148 : i32 to vector<16xi32>
      %sub3A_150 = arith.subi %get3A_143, %sub3A_149 : vector<16xi32>
      %ge3A_151 = arith.constant 0 : i32
      %ge3A_152 = vector.broadcast %ge3A_151 : i32 to vector<16xi32>
      %ge3A_153 = arith.cmpi sge, %sub3A_150, %ge3A_152 : vector<16xi32>
      %lt3A_154 = arith.constant 3200 : i32
      %lt3A_155 = vector.broadcast %lt3A_154 : i32 to vector<16xi32>
      %lt3A_156 = arith.cmpi slt, %sub3A_150, %lt3A_155 : vector<16xi32>
      %and3A_157 = arith.andi %ge3A_153, %lt3A_156 : vector<16xi1>
      %jit3A_158 = arith.constant 3400 : i32
      %broadcast_in_dim3A_159 = vector.broadcast %jit3A_158 : i32 to vector<16xi32>
      %select_n3A_160 = arith.select %and3A_157, %sub3A_150, %broadcast_in_dim3A_159 : vector<16xi1>, vector<16xi32>
      %swap3A_161 = arith.constant 16 : index
      %swap3A_162 = tpu.vector_load %arg15[%swap3A_161] {strides = array<i32>} : memref<80xi32, #tpu.memory_space<vmem>>, vector<16xi32>,
      tpu.vector_store %arg15[%swap3A_161], %select_n3A_160 {strides = array<i32>} : memref<80xi32, #tpu.memory_space<vmem>>, vector<16xi32>,
      %add3A_163 = arith.constant 32 : i32
      %add3A_164 = arith.addi %add3A_119, %add3A_163 : i32
      %get3A_165 = arith.index_cast %add3A_164 : i32 to index
      %get3A_166 = tpu.vector_load %arg10[%get3A_165] {strides = array<i32>} : memref<10000xi32, #tpu.memory_space<vmem>>, vector<16xi32>,
      %get3A_167 = arith.index_cast %add3A_164 : i32 to index
      %get3A_168 = tpu.vector_load %arg11[%get3A_167] {strides = array<i32>} : memref<10000xi32, #tpu.memory_space<vmem>>, vector<16xi32>,
      %add3A_169 = vector.broadcast %mul3A_0 : i32 to vector<16xi32>
      %add3A_170 = arith.addi %get3A_166, %add3A_169 : vector<16xi32>
      %swap3A_171 = arith.constant 32 : index
      %swap3A_172 = tpu.vector_load %arg13[%swap3A_171] {strides = array<i32>} : memref<80xi32, #tpu.memory_space<vmem>>, vector<16xi32>,
      tpu.vector_store %arg13[%swap3A_171], %add3A_170 {strides = array<i32>} : memref<80xi32, #tpu.memory_space<vmem>>, vector<16xi32>,
      %sub3A_173 = arith.constant 6800 : i32
      %sub3A_174 = vector.broadcast %sub3A_173 : i32 to vector<16xi32>
      %sub3A_175 = arith.subi %get3A_168, %sub3A_174 : vector<16xi32>
      %ge3A_176 = arith.constant 0 : i32
      %ge3A_177 = vector.broadcast %ge3A_176 : i32 to vector<16xi32>
      %ge3A_178 = arith.cmpi sge, %sub3A_175, %ge3A_177 : vector<16xi32>
      %lt3A_179 = arith.constant 3200 : i32
      %lt3A_180 = vector.broadcast %lt3A_179 : i32 to vector<16xi32>
      %lt3A_181 = arith.cmpi slt, %sub3A_175, %lt3A_180 : vector<16xi32>
      %and3A_182 = arith.andi %ge3A_178, %lt3A_181 : vector<16xi1>
      %jit3A_183 = arith.constant 3400 : i32
      %broadcast_in_dim3A_184 = vector.broadcast %jit3A_183 : i32 to vector<16xi32>
      %select_n3A_185 = arith.select %and3A_182, %sub3A_175, %broadcast_in_dim3A_184 : vector<16xi1>, vector<16xi32>
      %swap3A_186 = arith.constant 32 : index
      %swap3A_187 = tpu.vector_load %arg15[%swap3A_186] {strides = array<i32>} : memref<80xi32, #tpu.memory_space<vmem>>, vector<16xi32>,
      tpu.vector_store %arg15[%swap3A_186], %select_n3A_185 {strides = array<i32>} : memref<80xi32, #tpu.memory_space<vmem>>, vector<16xi32>,
      %add3A_188 = arith.constant 48 : i32
      %add3A_189 = arith.addi %add3A_119, %add3A_188 : i32
      %get3A_190 = arith.index_cast %add3A_189 : i32 to index
      %get3A_191 = tpu.vector_load %arg10[%get3A_190] {strides = array<i32>} : memref<10000xi32, #tpu.memory_space<vmem>>, vector<16xi32>,
      %get3A_192 = arith.index_cast %add3A_189 : i32 to index
      %get3A_193 = tpu.vector_load %arg11[%get3A_192] {strides = array<i32>} : memref<10000xi32, #tpu.memory_space<vmem>>, vector<16xi32>,
      %add3A_194 = vector.broadcast %mul3A_0 : i32 to vector<16xi32>
      %add3A_195 = arith.addi %get3A_191, %add3A_194 : vector<16xi32>
      %swap3A_196 = arith.constant 48 : index
      %swap3A_197 = tpu.vector_load %arg13[%swap3A_196] {strides = array<i32>} : memref<80xi32, #tpu.memory_space<vmem>>, vector<16xi32>,
      tpu.vector_store %arg13[%swap3A_196], %add3A_195 {strides = array<i32>} : memref<80xi32, #tpu.memory_space<vmem>>, vector<16xi32>,
      %sub3A_198 = arith.constant 6800 : i32
      %sub3A_199 = vector.broadcast %sub3A_198 : i32 to vector<16xi32>
      %sub3A_200 = arith.subi %get3A_193, %sub3A_199 : vector<16xi32>
      %ge3A_201 = arith.constant 0 : i32
      %ge3A_202 = vector.broadcast %ge3A_201 : i32 to vector<16xi32>
      %ge3A_203 = arith.cmpi sge, %sub3A_200, %ge3A_202 : vector<16xi32>
      %lt3A_204 = arith.constant 3200 : i32
      %lt3A_205 = vector.broadcast %lt3A_204 : i32 to vector<16xi32>
      %lt3A_206 = arith.cmpi slt, %sub3A_200, %lt3A_205 : vector<16xi32>
      %and3A_207 = arith.andi %ge3A_203, %lt3A_206 : vector<16xi1>
      %jit3A_208 = arith.constant 3400 : i32
      %broadcast_in_dim3A_209 = vector.broadcast %jit3A_208 : i32 to vector<16xi32>
      %select_n3A_210 = arith.select %and3A_207, %sub3A_200, %broadcast_in_dim3A_209 : vector<16xi1>, vector<16xi32>
      %swap3A_211 = arith.constant 48 : index
      %swap3A_212 = tpu.vector_load %arg15[%swap3A_211] {strides = array<i32>} : memref<80xi32, #tpu.memory_space<vmem>>, vector<16xi32>,
      tpu.vector_store %arg15[%swap3A_211], %select_n3A_210 {strides = array<i32>} : memref<80xi32, #tpu.memory_space<vmem>>, vector<16xi32>,
      %add3A_213 = arith.constant 64 : i32
      %add3A_214 = arith.addi %add3A_119, %add3A_213 : i32
      %get3A_215 = arith.index_cast %add3A_214 : i32 to index
      %get3A_216 = tpu.vector_load %arg10[%get3A_215] {strides = array<i32>} : memref<10000xi32, #tpu.memory_space<vmem>>, vector<16xi32>,
      %get3A_217 = arith.index_cast %add3A_214 : i32 to index
      %get3A_218 = tpu.vector_load %arg11[%get3A_217] {strides = array<i32>} : memref<10000xi32, #tpu.memory_space<vmem>>, vector<16xi32>,
      %add3A_219 = vector.broadcast %mul3A_0 : i32 to vector<16xi32>
      %add3A_220 = arith.addi %get3A_216, %add3A_219 : vector<16xi32>
      %swap3A_221 = arith.constant 64 : index
      %swap3A_222 = tpu.vector_load %arg13[%swap3A_221] {strides = array<i32>} : memref<80xi32, #tpu.memory_space<vmem>>, vector<16xi32>,
      tpu.vector_store %arg13[%swap3A_221], %add3A_220 {strides = array<i32>} : memref<80xi32, #tpu.memory_space<vmem>>, vector<16xi32>,
      %sub3A_223 = arith.constant 6800 : i32
      %sub3A_224 = vector.broadcast %sub3A_223 : i32 to vector<16xi32>
      %sub3A_225 = arith.subi %get3A_218, %sub3A_224 : vector<16xi32>
      %ge3A_226 = arith.constant 0 : i32
      %ge3A_227 = vector.broadcast %ge3A_226 : i32 to vector<16xi32>
      %ge3A_228 = arith.cmpi sge, %sub3A_225, %ge3A_227 : vector<16xi32>
      %lt3A_229 = arith.constant 3200 : i32
      %lt3A_230 = vector.broadcast %lt3A_229 : i32 to vector<16xi32>
      %lt3A_231 = arith.cmpi slt, %sub3A_225, %lt3A_230 : vector<16xi32>
      %and3A_232 = arith.andi %ge3A_228, %lt3A_231 : vector<16xi1>
      %jit3A_233 = arith.constant 3400 : i32
      %broadcast_in_dim3A_234 = vector.broadcast %jit3A_233 : i32 to vector<16xi32>
      %select_n3A_235 = arith.select %and3A_232, %sub3A_225, %broadcast_in_dim3A_234 : vector<16xi1>, vector<16xi32>
      %swap3A_236 = arith.constant 64 : index
      %swap3A_237 = tpu.vector_load %arg15[%swap3A_236] {strides = array<i32>} : memref<80xi32, #tpu.memory_space<vmem>>, vector<16xi32>,
      tpu.vector_store %arg15[%swap3A_236], %select_n3A_235 {strides = array<i32>} : memref<80xi32, #tpu.memory_space<vmem>>, vector<16xi32>,
      "tpu.region"() ({
        %run_scoped3A = tpu.sem_alloc : memref<!tpu.dma_semaphore, #tpu.memory_space<semaphore_mem>>
        %dma_start3A = arith.constant 0 : i32
        %dma_start3A_279 = arith.constant 0 : i32
        %dma_start3A_280 = tpu.memref_slice %arg2[%dma_start3A, %dma_start3A_279] : memref<20000x128xf32, #tpu.memory_space<hbm>> -> memref<20000x128xf32, #tpu.memory_space<hbm>>
        tpu.enqueue_indirect_dma source(%dma_start3A_280 : memref<20000x128xf32, #tpu.memory_space<hbm>>) target(%arg16 : memref<80x128xf32, #tpu.memory_space<vmem>>) offsets(%arg13 : memref<80xi32, #tpu.memory_space<vmem>>) semaphore(%run_scoped3A : memref<!tpu.dma_semaphore, #tpu.memory_space<semaphore_mem>>)
        %dma_wait3A = arith.constant 0 : i32
        %dma_wait3A_281 = arith.constant 0 : i32
        %dma_wait3A_282 = tpu.memref_slice %arg2[%dma_wait3A, %dma_wait3A_281] : memref<20000x128xf32, #tpu.memory_space<hbm>> -> memref<20000x128xf32, #tpu.memory_space<hbm>>
        tpu.wait_indirect_dma semaphore(%run_scoped3A : memref<!tpu.dma_semaphore, #tpu.memory_space<semaphore_mem>>) src(%dma_wait3A_282 : memref<20000x128xf32, #tpu.memory_space<hbm>>) dst(%arg16 : memref<80x128xf32, #tpu.memory_space<vmem>>)
        tpu.yield
      }) : () -> ()
      %add3A_238 = arith.constant 0 : i32
      %add3A_239 = vector.broadcast %add3A_238 : i32 to vector<16xi32>
      %add3A_240 = arith.addi %iota3A_20, %add3A_239 : vector<16xi32>
      %add3A_241 = arith.constant 16 : i32
      %add3A_242 = vector.broadcast %add3A_241 : i32 to vector<16xi32>
      %add3A_243 = arith.addi %iota3A_20, %add3A_242 : vector<16xi32>
      %add3A_244 = arith.constant 32 : i32
      %add3A_245 = vector.broadcast %add3A_244 : i32 to vector<16xi32>
      %add3A_246 = arith.addi %iota3A_20, %add3A_245 : vector<16xi32>
      %add3A_247 = arith.constant 48 : i32
      %add3A_248 = vector.broadcast %add3A_247 : i32 to vector<16xi32>
      %add3A_249 = arith.addi %iota3A_20, %add3A_248 : vector<16xi32>
      %add3A_250 = arith.constant 64 : i32
      %add3A_251 = vector.broadcast %add3A_250 : i32 to vector<16xi32>
      %add3A_252 = arith.addi %iota3A_20, %add3A_251 : vector<16xi32>
      %add3A_253 = arith.constant 0 : i32
      %add3A_254 = arith.addi %add3A_119, %add3A_253 : i32
      %get3A_255 = arith.index_cast %add3A_254 : i32 to index
      %get3A_256 = tpu.vector_load %arg12[%get3A_255] {strides = array<i32>} : memref<10000xf32, #tpu.memory_space<vmem>>, vector<16xf32>,
      %add3A_257 = arith.constant 16 : i32
      %add3A_258 = arith.addi %add3A_119, %add3A_257 : i32
      %get3A_259 = arith.index_cast %add3A_258 : i32 to index
      %get3A_260 = tpu.vector_load %arg12[%get3A_259] {strides = array<i32>} : memref<10000xf32, #tpu.memory_space<vmem>>, vector<16xf32>,
      %add3A_261 = arith.constant 32 : i32
      %add3A_262 = arith.addi %add3A_119, %add3A_261 : i32
      %get3A_263 = arith.index_cast %add3A_262 : i32 to index
      %get3A_264 = tpu.vector_load %arg12[%get3A_263] {strides = array<i32>} : memref<10000xf32, #tpu.memory_space<vmem>>, vector<16xf32>,
      %add3A_265 = arith.constant 48 : i32
      %add3A_266 = arith.addi %add3A_119, %add3A_265 : i32
      %get3A_267 = arith.index_cast %add3A_266 : i32 to index
      %get3A_268 = tpu.vector_load %arg12[%get3A_267] {strides = array<i32>} : memref<10000xf32, #tpu.memory_space<vmem>>, vector<16xf32>,
      %add3A_269 = arith.constant 64 : i32
      %add3A_270 = arith.addi %add3A_119, %add3A_269 : i32
      %get3A_271 = arith.index_cast %add3A_270 : i32 to index
      %get3A_272 = tpu.vector_load %arg12[%get3A_271] {strides = array<i32>} : memref<10000xf32, #tpu.memory_space<vmem>>, vector<16xf32>,
      %scan3A_273 = arith.constant 0 : i32
      %scan3A_274 = arith.constant 0 : i32
      %scan3A_275 = arith.constant 128 : i32
      %scan3A_276 = arith.addi %scan3A_274, %scan3A_275 : i32
      %scan3A_277 = arith.constant 2 : i32
      scf.for %scan3A_279 = %scan3A_274 to %scan3A_276 step %scan3A_277  : i32 {
        %broadcast_in_dim3A_280 = vector.broadcast %scan3A_279 : i32 to vector<16xi32>
        %gather3A = tpu.vector_load_idx %arg16[%add3A_240, %broadcast_in_dim3A_280] : memref<80x128xf32, #tpu.memory_space<vmem>>[vector<16xi32>, vector<16xi32>], vector<16xf32>,
        %mul3A_281 = arith.mulf %gather3A, %get3A_256 : vector<16xf32>
        tpu.vector_store_idx %arg18[%add3A_240, %broadcast_in_dim3A_280], %mul3A_281 : memref<80x128xf32, #tpu.memory_space<vmem>>[vector<16xi32>, vector<16xi32>], vector<16xf32>,
        %gather3A_282 = tpu.vector_load_idx %arg16[%add3A_243, %broadcast_in_dim3A_280] : memref<80x128xf32, #tpu.memory_space<vmem>>[vector<16xi32>, vector<16xi32>], vector<16xf32>,
        %mul3A_283 = arith.mulf %gather3A_282, %get3A_260 : vector<16xf32>
        tpu.vector_store_idx %arg18[%add3A_243, %broadcast_in_dim3A_280], %mul3A_283 : memref<80x128xf32, #tpu.memory_space<vmem>>[vector<16xi32>, vector<16xi32>], vector<16xf32>,
        %gather3A_284 = tpu.vector_load_idx %arg16[%add3A_246, %broadcast_in_dim3A_280] : memref<80x128xf32, #tpu.memory_space<vmem>>[vector<16xi32>, vector<16xi32>], vector<16xf32>,
        %mul3A_285 = arith.mulf %gather3A_284, %get3A_264 : vector<16xf32>
        tpu.vector_store_idx %arg18[%add3A_246, %broadcast_in_dim3A_280], %mul3A_285 : memref<80x128xf32, #tpu.memory_space<vmem>>[vector<16xi32>, vector<16xi32>], vector<16xf32>,
        %gather3A_286 = tpu.vector_load_idx %arg16[%add3A_249, %broadcast_in_dim3A_280] : memref<80x128xf32, #tpu.memory_space<vmem>>[vector<16xi32>, vector<16xi32>], vector<16xf32>,
        %mul3A_287 = arith.mulf %gather3A_286, %get3A_268 : vector<16xf32>
        tpu.vector_store_idx %arg18[%add3A_249, %broadcast_in_dim3A_280], %mul3A_287 : memref<80x128xf32, #tpu.memory_space<vmem>>[vector<16xi32>, vector<16xi32>], vector<16xf32>,
        %gather3A_288 = tpu.vector_load_idx %arg16[%add3A_252, %broadcast_in_dim3A_280] : memref<80x128xf32, #tpu.memory_space<vmem>>[vector<16xi32>, vector<16xi32>], vector<16xf32>,
        %mul3A_289 = arith.mulf %gather3A_288, %get3A_272 : vector<16xf32>
        tpu.vector_store_idx %arg18[%add3A_252, %broadcast_in_dim3A_280], %mul3A_289 : memref<80x128xf32, #tpu.memory_space<vmem>>[vector<16xi32>, vector<16xi32>], vector<16xf32>,
        %scan3A_290 = arith.constant 1 : i32
        %scan3A_291 = arith.addi %scan3A_279, %scan3A_290 : i32
        %broadcast_in_dim3A_292 = vector.broadcast %scan3A_291 : i32 to vector<16xi32>
        %gather3A_293 = tpu.vector_load_idx %arg16[%add3A_240, %broadcast_in_dim3A_292] : memref<80x128xf32, #tpu.memory_space<vmem>>[vector<16xi32>, vector<16xi32>], vector<16xf32>,
        %mul3A_294 = arith.mulf %gather3A_293, %get3A_256 : vector<16xf32>
        tpu.vector_store_idx %arg18[%add3A_240, %broadcast_in_dim3A_292], %mul3A_294 : memref<80x128xf32, #tpu.memory_space<vmem>>[vector<16xi32>, vector<16xi32>], vector<16xf32>,
        %gather3A_295 = tpu.vector_load_idx %arg16[%add3A_243, %broadcast_in_dim3A_292] : memref<80x128xf32, #tpu.memory_space<vmem>>[vector<16xi32>, vector<16xi32>], vector<16xf32>,
        %mul3A_296 = arith.mulf %gather3A_295, %get3A_260 : vector<16xf32>
        tpu.vector_store_idx %arg18[%add3A_243, %broadcast_in_dim3A_292], %mul3A_296 : memref<80x128xf32, #tpu.memory_space<vmem>>[vector<16xi32>, vector<16xi32>], vector<16xf32>,
        %gather3A_297 = tpu.vector_load_idx %arg16[%add3A_246, %broadcast_in_dim3A_292] : memref<80x128xf32, #tpu.memory_space<vmem>>[vector<16xi32>, vector<16xi32>], vector<16xf32>,
        %mul3A_298 = arith.mulf %gather3A_297, %get3A_264 : vector<16xf32>
        tpu.vector_store_idx %arg18[%add3A_246, %broadcast_in_dim3A_292], %mul3A_298 : memref<80x128xf32, #tpu.memory_space<vmem>>[vector<16xi32>, vector<16xi32>], vector<16xf32>,
        %gather3A_299 = tpu.vector_load_idx %arg16[%add3A_249, %broadcast_in_dim3A_292] : memref<80x128xf32, #tpu.memory_space<vmem>>[vector<16xi32>, vector<16xi32>], vector<16xf32>,
        %mul3A_300 = arith.mulf %gather3A_299, %get3A_268 : vector<16xf32>
        tpu.vector_store_idx %arg18[%add3A_249, %broadcast_in_dim3A_292], %mul3A_300 : memref<80x128xf32, #tpu.memory_space<vmem>>[vector<16xi32>, vector<16xi32>], vector<16xf32>,
        %gather3A_301 = tpu.vector_load_idx %arg16[%add3A_252, %broadcast_in_dim3A_292] : memref<80x128xf32, #tpu.memory_space<vmem>>[vector<16xi32>, vector<16xi32>], vector<16xf32>,
        %mul3A_302 = arith.mulf %gather3A_301, %get3A_272 : vector<16xf32>
        tpu.vector_store_idx %arg18[%add3A_252, %broadcast_in_dim3A_292], %mul3A_302 : memref<80x128xf32, #tpu.memory_space<vmem>>[vector<16xi32>, vector<16xi32>], vector<16xf32>,
      }
      %scan3A_278 = arith.constant 128 : i32
      "tpu.region"() ({
        %run_scoped3A = tpu.sem_alloc : memref<!tpu.dma_semaphore, #tpu.memory_space<semaphore_mem>>
        %dma_start3A = arith.constant 0 : i32
        %dma_start3A_279 = arith.constant 0 : i32
        %dma_start3A_280 = tpu.memref_slice %arg21[%dma_start3A, %dma_start3A_279] : memref<3408x128xf32, #tpu.memory_space<vmem_shared>> -> memref<3408x128xf32, #tpu.memory_space<vmem_shared>>
        tpu.enqueue_indirect_dma source(%arg18 : memref<80x128xf32, #tpu.memory_space<vmem>>) target(%dma_start3A_280 : memref<3408x128xf32, #tpu.memory_space<vmem_shared>>) offsets(%arg15 : memref<80xi32, #tpu.memory_space<vmem>>) semaphore(%run_scoped3A : memref<!tpu.dma_semaphore, #tpu.memory_space<semaphore_mem>>) {add = true}
        %dma_wait3A = arith.constant 0 : i32
        %dma_wait3A_281 = arith.constant 0 : i32
        %dma_wait3A_282 = tpu.memref_slice %arg21[%dma_wait3A, %dma_wait3A_281] : memref<3408x128xf32, #tpu.memory_space<vmem_shared>> -> memref<3408x128xf32, #tpu.memory_space<vmem_shared>>
        tpu.wait_indirect_dma semaphore(%run_scoped3A : memref<!tpu.dma_semaphore, #tpu.memory_space<semaphore_mem>>) src(%arg18 : memref<80x128xf32, #tpu.memory_space<vmem>>) dst(%dma_wait3A_282 : memref<3408x128xf32, #tpu.memory_space<vmem_shared>>)
        tpu.yield
      }) : () -> ()
    }
    %scan3A_100 = arith.constant 125 : i32
    %barrier3A_101 = arith.constant 0 : index
    tpu.barrier barrier_id(%barrier3A_101)
    %add3A_102 = arith.constant 0 : i32
    %add3A_103 = arith.addi %arg1, %add3A_102 : i32
    %lt3A_104 = arith.constant 16 : i32
    %lt3A_105 = arith.cmpi slt, %add3A_103, %lt3A_104 : i32
    %convert_element_type3A_106 = arith.extui %lt3A_105 : i1 to i32
    %cond3A_107 = arith.constant 0 : i32
    %cond3A_108 = arith.cmpi ne, %convert_element_type3A_106, %cond3A_107 : i32
    scf.if %cond3A_108 {
      %mul3A_115 = arith.constant 200 : i32
      %mul3A_116 = arith.muli %add3A_103, %mul3A_115 : i32
      %mul3A_117 = arith.constant 200 : i32
      %mul3A_118 = arith.muli %add3A_103, %mul3A_117 : i32
      "tpu.region"() ({
        %run_scoped3A = tpu.sem_alloc : memref<!tpu.dma_semaphore, #tpu.memory_space<semaphore_mem>>
        %dma_start3A = arith.constant 6800 : i32
        %dma_start3A_119 = arith.constant 0 : i32
        %dma_start3A_120 = tpu.memref_slice %arg7[%arg0, %dma_start3A, %dma_start3A_119] : memref<2x10000x128xf32, #tpu.memory_space<hbm>> -> memref<1x3200x128xf32, #tpu.memory_space<hbm>>
        %dma_start3A_121 = tpu.memref_squeeze %dma_start3A_120 : memref<1x3200x128xf32, #tpu.memory_space<hbm>> -> memref<3200x128xf32, #tpu.memory_space<hbm>>
        %dma_start3A_122 = arith.constant 0 : i32
        %dma_start3A_123 = tpu.memref_slice %dma_start3A_121[%mul3A_118, %dma_start3A_122] : memref<3200x128xf32, #tpu.memory_space<hbm>> -> memref<200x128xf32, #tpu.memory_space<hbm>>
        %dma_start3A_124 = arith.constant 0 : i32
        %dma_start3A_125 = tpu.memref_slice %arg21[%mul3A_116, %dma_start3A_124] : memref<3408x128xf32, #tpu.memory_space<vmem_shared>> -> memref<200x128xf32, #tpu.memory_space<vmem_shared>>
        tpu.enqueue_dma source(%dma_start3A_125 : memref<200x128xf32, #tpu.memory_space<vmem_shared>>) target(%dma_start3A_123 : memref<200x128xf32, #tpu.memory_space<hbm>>) target_semaphore(%run_scoped3A : memref<!tpu.dma_semaphore, #tpu.memory_space<semaphore_mem>>)
        %dma_wait3A = arith.constant 6800 : i32
        %dma_wait3A_126 = arith.constant 0 : i32
        %dma_wait3A_127 = tpu.memref_slice %arg7[%arg0, %dma_wait3A, %dma_wait3A_126] : memref<2x10000x128xf32, #tpu.memory_space<hbm>> -> memref<1x3200x128xf32, #tpu.memory_space<hbm>>
        %dma_wait3A_128 = tpu.memref_squeeze %dma_wait3A_127 : memref<1x3200x128xf32, #tpu.memory_space<hbm>> -> memref<3200x128xf32, #tpu.memory_space<hbm>>
        %dma_wait3A_129 = arith.constant 0 : i32
        %dma_wait3A_130 = tpu.memref_slice %dma_wait3A_128[%mul3A_118, %dma_wait3A_129] : memref<3200x128xf32, #tpu.memory_space<hbm>> -> memref<200x128xf32, #tpu.memory_space<hbm>>
        %dma_wait3A_131 = arith.constant 0 : i32
        %dma_wait3A_132 = tpu.memref_slice %arg21[%mul3A_116, %dma_wait3A_131] : memref<3408x128xf32, #tpu.memory_space<vmem_shared>> -> memref<200x128xf32, #tpu.memory_space<vmem_shared>>
        tpu.wait_dma2 semaphore(%run_scoped3A : memref<!tpu.dma_semaphore, #tpu.memory_space<semaphore_mem>>) src(%dma_wait3A_132 : memref<200x128xf32, #tpu.memory_space<vmem_shared>>) dst(%dma_wait3A_130 : memref<200x128xf32, #tpu.memory_space<hbm>>)
        tpu.yield
      }) : () -> ()
    } else {
    }
    %barrier3A_109 = arith.constant 0 : index
    tpu.barrier barrier_id(%barrier3A_109)
    %mul3A_110 = arith.constant 16 : i32
    %mul3A_111 = arith.muli %arg0, %mul3A_110 : i32
    %add3A_112 = arith.addi %mul3A_111, %arg1 : i32
    %mul3A_113 = arith.constant 10000 : i32
    %mul3A_114 = arith.muli %add3A_112, %mul3A_113 : i32
    "tpu.region"() ({
      %run_scoped3A = tpu.sem_alloc : memref<!tpu.dma_semaphore, #tpu.memory_space<semaphore_mem>>
      %dma_start3A = tpu.memref_slice %arg8[%mul3A_114] : memref<320000xf32, #tpu.memory_space<hbm>> -> memref<10000xf32, #tpu.memory_space<hbm>>
      %dma_start3A_115 = tpu.memref_slice %arg8[%mul3A_114] : memref<320000xf32, #tpu.memory_space<hbm>> -> memref<10000xf32, #tpu.memory_space<hbm>>
      tpu.enqueue_dma source(%arg20 : memref<10000xf32, #tpu.memory_space<vmem>>) target(%dma_start3A_115 : memref<10000xf32, #tpu.memory_space<hbm>>) target_semaphore(%run_scoped3A : memref<!tpu.dma_semaphore, #tpu.memory_space<semaphore_mem>>)
      %dma_wait3A = tpu.memref_slice %arg8[%mul3A_114] : memref<320000xf32, #tpu.memory_space<hbm>> -> memref<10000xf32, #tpu.memory_space<hbm>>
      %dma_wait3A_116 = tpu.memref_slice %arg8[%mul3A_114] : memref<320000xf32, #tpu.memory_space<hbm>> -> memref<10000xf32, #tpu.memory_space<hbm>>
      tpu.wait_dma2 semaphore(%run_scoped3A : memref<!tpu.dma_semaphore, #tpu.memory_space<semaphore_mem>>) src(%arg20 : memref<10000xf32, #tpu.memory_space<vmem>>) dst(%dma_wait3A_116 : memref<10000xf32, #tpu.memory_space<hbm>>)
      tpu.yield
    }) : () -> ()
    return
  }
}

#map = affine_map<(d0, d1) -> (0, 0)>
#map1 = affine_map<(d0, d1) -> (0)>
module attributes {stable_mosaic.version = 14 : i64} {
  func.func @k(%arg0: i32, %arg1: i32, %arg2: memref<10000x128xf32, #tpu.memory_space<hbm>>, %arg3: memref<160000xi32, #tpu.memory_space<hbm>>, %arg4: memref<160000xi32, #tpu.memory_space<hbm>>, %arg5: memref<1x64xf32, #tpu.memory_space<hbm>>, %arg6: memref<10000x128xf32, #tpu.memory_space<hbm>>, %arg7: memref<64xf32, #tpu.memory_space<vmem>>, %arg8: memref<10000xi32, #tpu.memory_space<vmem>>, %arg9: memref<10000xi32, #tpu.memory_space<vmem>>, %arg10: memref<10000xf32, #tpu.memory_space<vmem>>, %arg11: memref<80xi32, #tpu.memory_space<vmem>>, %arg12: memref<80xi32, #tpu.memory_space<vmem>>, %arg13: memref<80xi32, #tpu.memory_space<vmem>>, %arg14: memref<80x128xf32, #tpu.memory_space<vmem>>, %arg15: memref<80x128xf32, #tpu.memory_space<vmem>>, %arg16: memref<80x128xf32, #tpu.memory_space<vmem>>, %arg17: memref<200x128xf32, #tpu.memory_space<vmem>>, %arg18: memref<2608x128xf32, #tpu.memory_space<vmem_shared>>) attributes {dimension_semantics = [#tpu.dimension_semantics<core_parallel>, #tpu.dimension_semantics<subcore_parallel>], iteration_bounds = array<i64: 2, 16>, scalar_prefetch = 0 : i64, scratch_operands = 12 : i64, tpu.core_type = #tpu.core_type<sc_vector_subcore>, window_params = [{transform_indices = #map}, {transform_indices = #map1}, {transform_indices = #map1}, {transform_indices = #map}, {transform_indices = #map}]} {
    %mul3A = arith.constant 5000 : i32
    %mul3A_0 = arith.muli %arg0, %mul3A : i32
    %run_scoped3A = arith.constant 0 : i32
    "tpu.region"() ({
      %run_scoped3A_57 = tpu.sem_alloc : memref<!tpu.dma_semaphore, #tpu.memory_space<semaphore_mem>>
      %dma_start3A = arith.constant 0 : i32
      %dma_start3A_58 = tpu.memref_slice %arg5[%run_scoped3A, %dma_start3A] : memref<1x64xf32, #tpu.memory_space<hbm>> -> memref<1x64xf32, #tpu.memory_space<hbm>>
      %dma_start3A_59 = tpu.memref_squeeze %dma_start3A_58 : memref<1x64xf32, #tpu.memory_space<hbm>> -> memref<64xf32, #tpu.memory_space<hbm>>
      %dma_start3A_60 = arith.constant 0 : i32
      %dma_start3A_61 = tpu.memref_slice %arg5[%run_scoped3A, %dma_start3A_60] : memref<1x64xf32, #tpu.memory_space<hbm>> -> memref<1x64xf32, #tpu.memory_space<hbm>>
      %dma_start3A_62 = tpu.memref_squeeze %dma_start3A_61 : memref<1x64xf32, #tpu.memory_space<hbm>> -> memref<64xf32, #tpu.memory_space<hbm>>
      tpu.enqueue_dma source(%dma_start3A_62 : memref<64xf32, #tpu.memory_space<hbm>>) target(%arg7 : memref<64xf32, #tpu.memory_space<vmem>>) target_semaphore(%run_scoped3A_57 : memref<!tpu.dma_semaphore, #tpu.memory_space<semaphore_mem>>)
      %dma_wait3A = arith.constant 0 : i32
      %dma_wait3A_63 = tpu.memref_slice %arg5[%run_scoped3A, %dma_wait3A] : memref<1x64xf32, #tpu.memory_space<hbm>> -> memref<1x64xf32, #tpu.memory_space<hbm>>
      %dma_wait3A_64 = tpu.memref_squeeze %dma_wait3A_63 : memref<1x64xf32, #tpu.memory_space<hbm>> -> memref<64xf32, #tpu.memory_space<hbm>>
      %dma_wait3A_65 = arith.constant 0 : i32
      %dma_wait3A_66 = tpu.memref_slice %arg5[%run_scoped3A, %dma_wait3A_65] : memref<1x64xf32, #tpu.memory_space<hbm>> -> memref<1x64xf32, #tpu.memory_space<hbm>>
      %dma_wait3A_67 = tpu.memref_squeeze %dma_wait3A_66 : memref<1x64xf32, #tpu.memory_space<hbm>> -> memref<64xf32, #tpu.memory_space<hbm>>
      tpu.wait_dma2 semaphore(%run_scoped3A_57 : memref<!tpu.dma_semaphore, #tpu.memory_space<semaphore_mem>>) src(%dma_wait3A_67 : memref<64xf32, #tpu.memory_space<hbm>>) dst(%arg7 : memref<64xf32, #tpu.memory_space<vmem>>)
      tpu.yield
    }) : () -> ()
    %mul3A_1 = arith.constant 10000 : i32
    %mul3A_2 = arith.muli %arg1, %mul3A_1 : i32
    "tpu.region"() ({
      %run_scoped3A_57 = tpu.sem_alloc : memref<!tpu.dma_semaphore, #tpu.memory_space<semaphore_mem>>
      %dma_start3A = tpu.memref_slice %arg3[%mul3A_2] : memref<160000xi32, #tpu.memory_space<hbm>> -> memref<10000xi32, #tpu.memory_space<hbm>>
      %dma_start3A_58 = tpu.memref_slice %arg3[%mul3A_2] : memref<160000xi32, #tpu.memory_space<hbm>> -> memref<10000xi32, #tpu.memory_space<hbm>>
      tpu.enqueue_dma source(%dma_start3A_58 : memref<10000xi32, #tpu.memory_space<hbm>>) target(%arg8 : memref<10000xi32, #tpu.memory_space<vmem>>) target_semaphore(%run_scoped3A_57 : memref<!tpu.dma_semaphore, #tpu.memory_space<semaphore_mem>>)
      %dma_wait3A = tpu.memref_slice %arg3[%mul3A_2] : memref<160000xi32, #tpu.memory_space<hbm>> -> memref<10000xi32, #tpu.memory_space<hbm>>
      %dma_wait3A_59 = tpu.memref_slice %arg3[%mul3A_2] : memref<160000xi32, #tpu.memory_space<hbm>> -> memref<10000xi32, #tpu.memory_space<hbm>>
      tpu.wait_dma2 semaphore(%run_scoped3A_57 : memref<!tpu.dma_semaphore, #tpu.memory_space<semaphore_mem>>) src(%dma_wait3A_59 : memref<10000xi32, #tpu.memory_space<hbm>>) dst(%arg8 : memref<10000xi32, #tpu.memory_space<vmem>>)
      tpu.yield
    }) : () -> ()
    "tpu.region"() ({
      %run_scoped3A_57 = tpu.sem_alloc : memref<!tpu.dma_semaphore, #tpu.memory_space<semaphore_mem>>
      %dma_start3A = tpu.memref_slice %arg4[%mul3A_2] : memref<160000xi32, #tpu.memory_space<hbm>> -> memref<10000xi32, #tpu.memory_space<hbm>>
      %dma_start3A_58 = tpu.memref_slice %arg4[%mul3A_2] : memref<160000xi32, #tpu.memory_space<hbm>> -> memref<10000xi32, #tpu.memory_space<hbm>>
      tpu.enqueue_dma source(%dma_start3A_58 : memref<10000xi32, #tpu.memory_space<hbm>>) target(%arg9 : memref<10000xi32, #tpu.memory_space<vmem>>) target_semaphore(%run_scoped3A_57 : memref<!tpu.dma_semaphore, #tpu.memory_space<semaphore_mem>>)
      %dma_wait3A = tpu.memref_slice %arg4[%mul3A_2] : memref<160000xi32, #tpu.memory_space<hbm>> -> memref<10000xi32, #tpu.memory_space<hbm>>
      %dma_wait3A_59 = tpu.memref_slice %arg4[%mul3A_2] : memref<160000xi32, #tpu.memory_space<hbm>> -> memref<10000xi32, #tpu.memory_space<hbm>>
      tpu.wait_dma2 semaphore(%run_scoped3A_57 : memref<!tpu.dma_semaphore, #tpu.memory_space<semaphore_mem>>) src(%dma_wait3A_59 : memref<10000xi32, #tpu.memory_space<hbm>>) dst(%arg9 : memref<10000xi32, #tpu.memory_space<vmem>>)
      tpu.yield
    }) : () -> ()
    %broadcast_in_dim3A = arith.constant 0.000000e+00 : f32
    %broadcast_in_dim3A_3 = vector.broadcast %broadcast_in_dim3A : f32 to vector<16xf32>
    %iota3A = tpu.iota {dimensions = array<i32: 0>} : vector<16xi32>
    %scan3A = arith.constant 0 : i32
    %scan3A_4 = arith.constant 200 : i32
    %scan3A_5 = arith.addi %scan3A, %scan3A_4 : i32
    %scan3A_6 = arith.constant 1 : i32
    scf.for %scan3A_57 = %scan3A to %scan3A_5 step %scan3A_6  : i32 {
      %mul3A_58 = arith.constant 1 : i32
      %mul3A_59 = arith.muli %scan3A_57, %mul3A_58 : i32
      %add3A_60 = arith.constant 0 : i32
      %add3A_61 = arith.addi %add3A_60, %mul3A_59 : i32
      %broadcast_in_dim3A_62 = vector.broadcast %add3A_61 : i32 to vector<16xi32>
      %scan3A_63 = arith.constant 0 : i32
      %scan3A_64 = arith.constant 8 : i32
      %scan3A_65 = arith.addi %scan3A_63, %scan3A_64 : i32
      %scan3A_66 = arith.constant 1 : i32
      scf.for %scan3A_68 = %scan3A_63 to %scan3A_65 step %scan3A_66  : i32 {
        %mul3A_69 = arith.constant 16 : i32
        %mul3A_70 = arith.muli %scan3A_68, %mul3A_69 : i32
        %add3A_71 = arith.constant 0 : i32
        %add3A_72 = arith.addi %add3A_71, %mul3A_70 : i32
        %add3A_73 = vector.broadcast %add3A_72 : i32 to vector<16xi32>
        %add3A_74 = arith.addi %iota3A, %add3A_73 : vector<16xi32>
        tpu.vector_store_idx %arg17[%broadcast_in_dim3A_62, %add3A_74], %broadcast_in_dim3A_3 : memref<200x128xf32, #tpu.memory_space<vmem>>[vector<16xi32>, vector<16xi32>], vector<16xf32>,
      }
      %scan3A_67 = arith.constant 8 : i32
    }
    %scan3A_7 = arith.constant 200 : i32
    %scan3A_8 = arith.constant 0 : i32
    %scan3A_9 = arith.constant 80 : i32
    %scan3A_10 = arith.addi %scan3A_8, %scan3A_9 : i32
    %scan3A_11 = arith.constant 1 : i32
    scf.for %scan3A_57 = %scan3A_8 to %scan3A_10 step %scan3A_11  : i32 {
      %mul3A_58 = arith.constant 1 : i32
      %mul3A_59 = arith.muli %scan3A_57, %mul3A_58 : i32
      %add3A_60 = arith.constant 0 : i32
      %add3A_61 = arith.addi %add3A_60, %mul3A_59 : i32
      %broadcast_in_dim3A_62 = vector.broadcast %add3A_61 : i32 to vector<16xi32>
      %scan3A_63 = arith.constant 0 : i32
      %scan3A_64 = arith.constant 8 : i32
      %scan3A_65 = arith.addi %scan3A_63, %scan3A_64 : i32
      %scan3A_66 = arith.constant 1 : i32
      scf.for %scan3A_68 = %scan3A_63 to %scan3A_65 step %scan3A_66  : i32 {
        %mul3A_69 = arith.constant 16 : i32
        %mul3A_70 = arith.muli %scan3A_68, %mul3A_69 : i32
        %add3A_71 = arith.constant 0 : i32
        %add3A_72 = arith.addi %add3A_71, %mul3A_70 : i32
        %add3A_73 = vector.broadcast %add3A_72 : i32 to vector<16xi32>
        %add3A_74 = arith.addi %iota3A, %add3A_73 : vector<16xi32>
        tpu.vector_store_idx %arg16[%broadcast_in_dim3A_62, %add3A_74], %broadcast_in_dim3A_3 : memref<80x128xf32, #tpu.memory_space<vmem>>[vector<16xi32>, vector<16xi32>], vector<16xf32>,
      }
      %scan3A_67 = arith.constant 8 : i32
    }
    %scan3A_12 = arith.constant 80 : i32
    %iota3A_13 = tpu.iota {dimensions = array<i32: 0>} : vector<16xi32>
    %add3A = arith.constant 0 : i32
    %add3A_14 = arith.addi %mul3A_0, %add3A : i32
    %add3A_15 = arith.constant 0 : i32
    %add3A_16 = arith.addi %arg1, %add3A_15 : i32
    %lt3A = arith.constant 13 : i32
    %lt3A_17 = arith.cmpi slt, %add3A_16, %lt3A : i32
    %convert_element_type3A = arith.extui %lt3A_17 : i1 to i32
    %cond3A = arith.constant 0 : i32
    %cond3A_18 = arith.cmpi ne, %convert_element_type3A, %cond3A : i32
    scf.if %cond3A_18 {
      %mul3A_57 = arith.constant 200 : i32
      %mul3A_58 = arith.muli %add3A_16, %mul3A_57 : i32
      "tpu.region"() ({
        %run_scoped3A_59 = tpu.sem_alloc : memref<!tpu.dma_semaphore, #tpu.memory_space<semaphore_mem>>
        %dma_start3A = arith.constant 0 : i32
        %dma_start3A_60 = tpu.memref_slice %arg18[%mul3A_58, %dma_start3A] : memref<2608x128xf32, #tpu.memory_space<vmem_shared>> -> memref<200x128xf32, #tpu.memory_space<vmem_shared>>
        %dma_start3A_61 = arith.constant 0 : i32
        %dma_start3A_62 = tpu.memref_slice %arg18[%mul3A_58, %dma_start3A_61] : memref<2608x128xf32, #tpu.memory_space<vmem_shared>> -> memref<200x128xf32, #tpu.memory_space<vmem_shared>>
        tpu.enqueue_dma source(%arg17 : memref<200x128xf32, #tpu.memory_space<vmem>>) target(%dma_start3A_62 : memref<200x128xf32, #tpu.memory_space<vmem_shared>>) target_semaphore(%run_scoped3A_59 : memref<!tpu.dma_semaphore, #tpu.memory_space<semaphore_mem>>)
        %dma_wait3A = arith.constant 0 : i32
        %dma_wait3A_63 = tpu.memref_slice %arg18[%mul3A_58, %dma_wait3A] : memref<2608x128xf32, #tpu.memory_space<vmem_shared>> -> memref<200x128xf32, #tpu.memory_space<vmem_shared>>
        %dma_wait3A_64 = arith.constant 0 : i32
        %dma_wait3A_65 = tpu.memref_slice %arg18[%mul3A_58, %dma_wait3A_64] : memref<2608x128xf32, #tpu.memory_space<vmem_shared>> -> memref<200x128xf32, #tpu.memory_space<vmem_shared>>
        tpu.wait_dma2 semaphore(%run_scoped3A_59 : memref<!tpu.dma_semaphore, #tpu.memory_space<semaphore_mem>>) src(%arg17 : memref<200x128xf32, #tpu.memory_space<vmem>>) dst(%dma_wait3A_65 : memref<200x128xf32, #tpu.memory_space<vmem_shared>>)
        tpu.yield
      }) : () -> ()
    } else {
    }
    %barrier3A = arith.constant 0 : index
    tpu.barrier barrier_id(%barrier3A)
    %scan3A_19 = arith.constant 0 : i32
    %scan3A_20 = arith.constant 125 : i32
    %scan3A_21 = arith.addi %scan3A_19, %scan3A_20 : i32
    %scan3A_22 = arith.constant 1 : i32
    scf.for %scan3A_57 = %scan3A_19 to %scan3A_21 step %scan3A_22  : i32 {
      %mul3A_58 = arith.constant 80 : i32
      %mul3A_59 = arith.muli %scan3A_57, %mul3A_58 : i32
      %add3A_60 = arith.constant 0 : i32
      %add3A_61 = arith.addi %add3A_60, %mul3A_59 : i32
      %add3A_62 = arith.constant 0 : i32
      %add3A_63 = arith.addi %add3A_61, %add3A_62 : i32
      %get3A = arith.index_cast %add3A_63 : i32 to index
      %get3A_64 = tpu.vector_load %arg8[%get3A] {strides = array<i32>} : memref<10000xi32, #tpu.memory_space<vmem>>, vector<16xi32>,
      %get3A_65 = arith.index_cast %add3A_63 : i32 to index
      %get3A_66 = tpu.vector_load %arg9[%get3A_65] {strides = array<i32>} : memref<10000xi32, #tpu.memory_space<vmem>>, vector<16xi32>,
      %swap3A = arith.constant 0 : index
      %swap3A_67 = tpu.vector_load %arg11[%swap3A] {strides = array<i32>} : memref<80xi32, #tpu.memory_space<vmem>>, vector<16xi32>,
      tpu.vector_store %arg11[%swap3A], %get3A_64 {strides = array<i32>} : memref<80xi32, #tpu.memory_space<vmem>>, vector<16xi32>,
      %swap3A_68 = arith.constant 0 : index
      %swap3A_69 = tpu.vector_load %arg12[%swap3A_68] {strides = array<i32>} : memref<80xi32, #tpu.memory_space<vmem>>, vector<16xi32>,
      tpu.vector_store %arg12[%swap3A_68], %get3A_66 {strides = array<i32>} : memref<80xi32, #tpu.memory_space<vmem>>, vector<16xi32>,
      %sub3A = vector.broadcast %add3A_14 : i32 to vector<16xi32>
      %sub3A_70 = arith.subi %get3A_66, %sub3A : vector<16xi32>
      %ge3A = arith.constant 0 : i32
      %ge3A_71 = vector.broadcast %ge3A : i32 to vector<16xi32>
      %ge3A_72 = arith.cmpi sge, %sub3A_70, %ge3A_71 : vector<16xi32>
      %lt3A_73 = arith.constant 2600 : i32
      %lt3A_74 = vector.broadcast %lt3A_73 : i32 to vector<16xi32>
      %lt3A_75 = arith.cmpi slt, %sub3A_70, %lt3A_74 : vector<16xi32>
      %and3A = arith.andi %ge3A_72, %lt3A_75 : vector<16xi1>
      %jit3A = arith.constant 2600 : i32
      %broadcast_in_dim3A_76 = vector.broadcast %jit3A : i32 to vector<16xi32>
      %select_n3A = arith.select %and3A, %sub3A_70, %broadcast_in_dim3A_76 : vector<16xi1>, vector<16xi32>
      %swap3A_77 = arith.constant 0 : index
      %swap3A_78 = tpu.vector_load %arg13[%swap3A_77] {strides = array<i32>} : memref<80xi32, #tpu.memory_space<vmem>>, vector<16xi32>,
      tpu.vector_store %arg13[%swap3A_77], %select_n3A {strides = array<i32>} : memref<80xi32, #tpu.memory_space<vmem>>, vector<16xi32>,
      %add3A_79 = arith.constant 16 : i32
      %add3A_80 = arith.addi %add3A_61, %add3A_79 : i32
      %get3A_81 = arith.index_cast %add3A_80 : i32 to index
      %get3A_82 = tpu.vector_load %arg8[%get3A_81] {strides = array<i32>} : memref<10000xi32, #tpu.memory_space<vmem>>, vector<16xi32>,
      %get3A_83 = arith.index_cast %add3A_80 : i32 to index
      %get3A_84 = tpu.vector_load %arg9[%get3A_83] {strides = array<i32>} : memref<10000xi32, #tpu.memory_space<vmem>>, vector<16xi32>,
      %swap3A_85 = arith.constant 16 : index
      %swap3A_86 = tpu.vector_load %arg11[%swap3A_85] {strides = array<i32>} : memref<80xi32, #tpu.memory_space<vmem>>, vector<16xi32>,
      tpu.vector_store %arg11[%swap3A_85], %get3A_82 {strides = array<i32>} : memref<80xi32, #tpu.memory_space<vmem>>, vector<16xi32>,
      %swap3A_87 = arith.constant 16 : index
      %swap3A_88 = tpu.vector_load %arg12[%swap3A_87] {strides = array<i32>} : memref<80xi32, #tpu.memory_space<vmem>>, vector<16xi32>,
      tpu.vector_store %arg12[%swap3A_87], %get3A_84 {strides = array<i32>} : memref<80xi32, #tpu.memory_space<vmem>>, vector<16xi32>,
      %sub3A_89 = vector.broadcast %add3A_14 : i32 to vector<16xi32>
      %sub3A_90 = arith.subi %get3A_84, %sub3A_89 : vector<16xi32>
      %ge3A_91 = arith.constant 0 : i32
      %ge3A_92 = vector.broadcast %ge3A_91 : i32 to vector<16xi32>
      %ge3A_93 = arith.cmpi sge, %sub3A_90, %ge3A_92 : vector<16xi32>
      %lt3A_94 = arith.constant 2600 : i32
      %lt3A_95 = vector.broadcast %lt3A_94 : i32 to vector<16xi32>
      %lt3A_96 = arith.cmpi slt, %sub3A_90, %lt3A_95 : vector<16xi32>
      %and3A_97 = arith.andi %ge3A_93, %lt3A_96 : vector<16xi1>
      %jit3A_98 = arith.constant 2600 : i32
      %broadcast_in_dim3A_99 = vector.broadcast %jit3A_98 : i32 to vector<16xi32>
      %select_n3A_100 = arith.select %and3A_97, %sub3A_90, %broadcast_in_dim3A_99 : vector<16xi1>, vector<16xi32>
      %swap3A_101 = arith.constant 16 : index
      %swap3A_102 = tpu.vector_load %arg13[%swap3A_101] {strides = array<i32>} : memref<80xi32, #tpu.memory_space<vmem>>, vector<16xi32>,
      tpu.vector_store %arg13[%swap3A_101], %select_n3A_100 {strides = array<i32>} : memref<80xi32, #tpu.memory_space<vmem>>, vector<16xi32>,
      %add3A_103 = arith.constant 32 : i32
      %add3A_104 = arith.addi %add3A_61, %add3A_103 : i32
      %get3A_105 = arith.index_cast %add3A_104 : i32 to index
      %get3A_106 = tpu.vector_load %arg8[%get3A_105] {strides = array<i32>} : memref<10000xi32, #tpu.memory_space<vmem>>, vector<16xi32>,
      %get3A_107 = arith.index_cast %add3A_104 : i32 to index
      %get3A_108 = tpu.vector_load %arg9[%get3A_107] {strides = array<i32>} : memref<10000xi32, #tpu.memory_space<vmem>>, vector<16xi32>,
      %swap3A_109 = arith.constant 32 : index
      %swap3A_110 = tpu.vector_load %arg11[%swap3A_109] {strides = array<i32>} : memref<80xi32, #tpu.memory_space<vmem>>, vector<16xi32>,
      tpu.vector_store %arg11[%swap3A_109], %get3A_106 {strides = array<i32>} : memref<80xi32, #tpu.memory_space<vmem>>, vector<16xi32>,
      %swap3A_111 = arith.constant 32 : index
      %swap3A_112 = tpu.vector_load %arg12[%swap3A_111] {strides = array<i32>} : memref<80xi32, #tpu.memory_space<vmem>>, vector<16xi32>,
      tpu.vector_store %arg12[%swap3A_111], %get3A_108 {strides = array<i32>} : memref<80xi32, #tpu.memory_space<vmem>>, vector<16xi32>,
      %sub3A_113 = vector.broadcast %add3A_14 : i32 to vector<16xi32>
      %sub3A_114 = arith.subi %get3A_108, %sub3A_113 : vector<16xi32>
      %ge3A_115 = arith.constant 0 : i32
      %ge3A_116 = vector.broadcast %ge3A_115 : i32 to vector<16xi32>
      %ge3A_117 = arith.cmpi sge, %sub3A_114, %ge3A_116 : vector<16xi32>
      %lt3A_118 = arith.constant 2600 : i32
      %lt3A_119 = vector.broadcast %lt3A_118 : i32 to vector<16xi32>
      %lt3A_120 = arith.cmpi slt, %sub3A_114, %lt3A_119 : vector<16xi32>
      %and3A_121 = arith.andi %ge3A_117, %lt3A_120 : vector<16xi1>
      %jit3A_122 = arith.constant 2600 : i32
      %broadcast_in_dim3A_123 = vector.broadcast %jit3A_122 : i32 to vector<16xi32>
      %select_n3A_124 = arith.select %and3A_121, %sub3A_114, %broadcast_in_dim3A_123 : vector<16xi1>, vector<16xi32>
      %swap3A_125 = arith.constant 32 : index
      %swap3A_126 = tpu.vector_load %arg13[%swap3A_125] {strides = array<i32>} : memref<80xi32, #tpu.memory_space<vmem>>, vector<16xi32>,
      tpu.vector_store %arg13[%swap3A_125], %select_n3A_124 {strides = array<i32>} : memref<80xi32, #tpu.memory_space<vmem>>, vector<16xi32>,
      %add3A_127 = arith.constant 48 : i32
      %add3A_128 = arith.addi %add3A_61, %add3A_127 : i32
      %get3A_129 = arith.index_cast %add3A_128 : i32 to index
      %get3A_130 = tpu.vector_load %arg8[%get3A_129] {strides = array<i32>} : memref<10000xi32, #tpu.memory_space<vmem>>, vector<16xi32>,
      %get3A_131 = arith.index_cast %add3A_128 : i32 to index
      %get3A_132 = tpu.vector_load %arg9[%get3A_131] {strides = array<i32>} : memref<10000xi32, #tpu.memory_space<vmem>>, vector<16xi32>,
      %swap3A_133 = arith.constant 48 : index
      %swap3A_134 = tpu.vector_load %arg11[%swap3A_133] {strides = array<i32>} : memref<80xi32, #tpu.memory_space<vmem>>, vector<16xi32>,
      tpu.vector_store %arg11[%swap3A_133], %get3A_130 {strides = array<i32>} : memref<80xi32, #tpu.memory_space<vmem>>, vector<16xi32>,
      %swap3A_135 = arith.constant 48 : index
      %swap3A_136 = tpu.vector_load %arg12[%swap3A_135] {strides = array<i32>} : memref<80xi32, #tpu.memory_space<vmem>>, vector<16xi32>,
      tpu.vector_store %arg12[%swap3A_135], %get3A_132 {strides = array<i32>} : memref<80xi32, #tpu.memory_space<vmem>>, vector<16xi32>,
      %sub3A_137 = vector.broadcast %add3A_14 : i32 to vector<16xi32>
      %sub3A_138 = arith.subi %get3A_132, %sub3A_137 : vector<16xi32>
      %ge3A_139 = arith.constant 0 : i32
      %ge3A_140 = vector.broadcast %ge3A_139 : i32 to vector<16xi32>
      %ge3A_141 = arith.cmpi sge, %sub3A_138, %ge3A_140 : vector<16xi32>
      %lt3A_142 = arith.constant 2600 : i32
      %lt3A_143 = vector.broadcast %lt3A_142 : i32 to vector<16xi32>
      %lt3A_144 = arith.cmpi slt, %sub3A_138, %lt3A_143 : vector<16xi32>
      %and3A_145 = arith.andi %ge3A_141, %lt3A_144 : vector<16xi1>
      %jit3A_146 = arith.constant 2600 : i32
      %broadcast_in_dim3A_147 = vector.broadcast %jit3A_146 : i32 to vector<16xi32>
      %select_n3A_148 = arith.select %and3A_145, %sub3A_138, %broadcast_in_dim3A_147 : vector<16xi1>, vector<16xi32>
      %swap3A_149 = arith.constant 48 : index
      %swap3A_150 = tpu.vector_load %arg13[%swap3A_149] {strides = array<i32>} : memref<80xi32, #tpu.memory_space<vmem>>, vector<16xi32>,
      tpu.vector_store %arg13[%swap3A_149], %select_n3A_148 {strides = array<i32>} : memref<80xi32, #tpu.memory_space<vmem>>, vector<16xi32>,
      %add3A_151 = arith.constant 64 : i32
      %add3A_152 = arith.addi %add3A_61, %add3A_151 : i32
      %get3A_153 = arith.index_cast %add3A_152 : i32 to index
      %get3A_154 = tpu.vector_load %arg8[%get3A_153] {strides = array<i32>} : memref<10000xi32, #tpu.memory_space<vmem>>, vector<16xi32>,
      %get3A_155 = arith.index_cast %add3A_152 : i32 to index
      %get3A_156 = tpu.vector_load %arg9[%get3A_155] {strides = array<i32>} : memref<10000xi32, #tpu.memory_space<vmem>>, vector<16xi32>,
      %swap3A_157 = arith.constant 64 : index
      %swap3A_158 = tpu.vector_load %arg11[%swap3A_157] {strides = array<i32>} : memref<80xi32, #tpu.memory_space<vmem>>, vector<16xi32>,
      tpu.vector_store %arg11[%swap3A_157], %get3A_154 {strides = array<i32>} : memref<80xi32, #tpu.memory_space<vmem>>, vector<16xi32>,
      %swap3A_159 = arith.constant 64 : index
      %swap3A_160 = tpu.vector_load %arg12[%swap3A_159] {strides = array<i32>} : memref<80xi32, #tpu.memory_space<vmem>>, vector<16xi32>,
      tpu.vector_store %arg12[%swap3A_159], %get3A_156 {strides = array<i32>} : memref<80xi32, #tpu.memory_space<vmem>>, vector<16xi32>,
      %sub3A_161 = vector.broadcast %add3A_14 : i32 to vector<16xi32>
      %sub3A_162 = arith.subi %get3A_156, %sub3A_161 : vector<16xi32>
      %ge3A_163 = arith.constant 0 : i32
      %ge3A_164 = vector.broadcast %ge3A_163 : i32 to vector<16xi32>
      %ge3A_165 = arith.cmpi sge, %sub3A_162, %ge3A_164 : vector<16xi32>
      %lt3A_166 = arith.constant 2600 : i32
      %lt3A_167 = vector.broadcast %lt3A_166 : i32 to vector<16xi32>
      %lt3A_168 = arith.cmpi slt, %sub3A_162, %lt3A_167 : vector<16xi32>
      %and3A_169 = arith.andi %ge3A_165, %lt3A_168 : vector<16xi1>
      %jit3A_170 = arith.constant 2600 : i32
      %broadcast_in_dim3A_171 = vector.broadcast %jit3A_170 : i32 to vector<16xi32>
      %select_n3A_172 = arith.select %and3A_169, %sub3A_162, %broadcast_in_dim3A_171 : vector<16xi1>, vector<16xi32>
      %swap3A_173 = arith.constant 64 : index
      %swap3A_174 = tpu.vector_load %arg13[%swap3A_173] {strides = array<i32>} : memref<80xi32, #tpu.memory_space<vmem>>, vector<16xi32>,
      tpu.vector_store %arg13[%swap3A_173], %select_n3A_172 {strides = array<i32>} : memref<80xi32, #tpu.memory_space<vmem>>, vector<16xi32>,
      "tpu.region"() ({
        %run_scoped3A_238 = tpu.sem_alloc : memref<!tpu.dma_semaphore, #tpu.memory_space<semaphore_mem>>
        %dma_start3A = arith.constant 0 : i32
        %dma_start3A_239 = arith.constant 0 : i32
        %dma_start3A_240 = tpu.memref_slice %arg2[%dma_start3A, %dma_start3A_239] : memref<10000x128xf32, #tpu.memory_space<hbm>> -> memref<10000x128xf32, #tpu.memory_space<hbm>>
        tpu.enqueue_indirect_dma source(%dma_start3A_240 : memref<10000x128xf32, #tpu.memory_space<hbm>>) target(%arg14 : memref<80x128xf32, #tpu.memory_space<vmem>>) offsets(%arg11 : memref<80xi32, #tpu.memory_space<vmem>>) semaphore(%run_scoped3A_238 : memref<!tpu.dma_semaphore, #tpu.memory_space<semaphore_mem>>)
        %dma_wait3A = arith.constant 0 : i32
        %dma_wait3A_241 = arith.constant 0 : i32
        %dma_wait3A_242 = tpu.memref_slice %arg2[%dma_wait3A, %dma_wait3A_241] : memref<10000x128xf32, #tpu.memory_space<hbm>> -> memref<10000x128xf32, #tpu.memory_space<hbm>>
        tpu.wait_indirect_dma semaphore(%run_scoped3A_238 : memref<!tpu.dma_semaphore, #tpu.memory_space<semaphore_mem>>) src(%dma_wait3A_242 : memref<10000x128xf32, #tpu.memory_space<hbm>>) dst(%arg14 : memref<80x128xf32, #tpu.memory_space<vmem>>)
        tpu.yield
      }) : () -> ()
      "tpu.region"() ({
        %run_scoped3A_238 = tpu.sem_alloc : memref<!tpu.dma_semaphore, #tpu.memory_space<semaphore_mem>>
        %dma_start3A = arith.constant 0 : i32
        %dma_start3A_239 = arith.constant 0 : i32
        %dma_start3A_240 = tpu.memref_slice %arg2[%dma_start3A, %dma_start3A_239] : memref<10000x128xf32, #tpu.memory_space<hbm>> -> memref<10000x128xf32, #tpu.memory_space<hbm>>
        tpu.enqueue_indirect_dma source(%dma_start3A_240 : memref<10000x128xf32, #tpu.memory_space<hbm>>) target(%arg15 : memref<80x128xf32, #tpu.memory_space<vmem>>) offsets(%arg12 : memref<80xi32, #tpu.memory_space<vmem>>) semaphore(%run_scoped3A_238 : memref<!tpu.dma_semaphore, #tpu.memory_space<semaphore_mem>>)
        %dma_wait3A = arith.constant 0 : i32
        %dma_wait3A_241 = arith.constant 0 : i32
        %dma_wait3A_242 = tpu.memref_slice %arg2[%dma_wait3A, %dma_wait3A_241] : memref<10000x128xf32, #tpu.memory_space<hbm>> -> memref<10000x128xf32, #tpu.memory_space<hbm>>
        tpu.wait_indirect_dma semaphore(%run_scoped3A_238 : memref<!tpu.dma_semaphore, #tpu.memory_space<semaphore_mem>>) src(%dma_wait3A_242 : memref<10000x128xf32, #tpu.memory_space<hbm>>) dst(%arg15 : memref<80x128xf32, #tpu.memory_space<vmem>>)
        tpu.yield
      }) : () -> ()
      %add3A_175 = arith.constant 0 : i32
      %add3A_176 = vector.broadcast %add3A_175 : i32 to vector<16xi32>
      %add3A_177 = arith.addi %iota3A_13, %add3A_176 : vector<16xi32>
      %add3A_178 = arith.constant 16 : i32
      %add3A_179 = vector.broadcast %add3A_178 : i32 to vector<16xi32>
      %add3A_180 = arith.addi %iota3A_13, %add3A_179 : vector<16xi32>
      %add3A_181 = arith.constant 32 : i32
      %add3A_182 = vector.broadcast %add3A_181 : i32 to vector<16xi32>
      %add3A_183 = arith.addi %iota3A_13, %add3A_182 : vector<16xi32>
      %add3A_184 = arith.constant 48 : i32
      %add3A_185 = vector.broadcast %add3A_184 : i32 to vector<16xi32>
      %add3A_186 = arith.addi %iota3A_13, %add3A_185 : vector<16xi32>
      %add3A_187 = arith.constant 64 : i32
      %add3A_188 = vector.broadcast %add3A_187 : i32 to vector<16xi32>
      %add3A_189 = arith.addi %iota3A_13, %add3A_188 : vector<16xi32>
      %broadcast_in_dim3A_190 = arith.constant 0.000000e+00 : f32
      %broadcast_in_dim3A_191 = vector.broadcast %broadcast_in_dim3A_190 : f32 to vector<16xf32>
      %broadcast_in_dim3A_192 = arith.constant 0.000000e+00 : f32
      %broadcast_in_dim3A_193 = vector.broadcast %broadcast_in_dim3A_192 : f32 to vector<16xf32>
      %broadcast_in_dim3A_194 = arith.constant 0.000000e+00 : f32
      %broadcast_in_dim3A_195 = vector.broadcast %broadcast_in_dim3A_194 : f32 to vector<16xf32>
      %broadcast_in_dim3A_196 = arith.constant 0.000000e+00 : f32
      %broadcast_in_dim3A_197 = vector.broadcast %broadcast_in_dim3A_196 : f32 to vector<16xf32>
      %broadcast_in_dim3A_198 = arith.constant 0.000000e+00 : f32
      %broadcast_in_dim3A_199 = vector.broadcast %broadcast_in_dim3A_198 : f32 to vector<16xf32>
      %scan3A_200 = arith.constant 0 : i32
      %scan3A_201 = arith.constant 64 : i32
      %scan3A_202 = arith.addi %scan3A_200, %scan3A_201 : i32
      %scan3A_203 = arith.constant 2 : i32
      %scan3A_204:5 = scf.for %scan3A_238 = %scan3A_200 to %scan3A_202 step %scan3A_203 iter_args(%scan3A_239 = %broadcast_in_dim3A_191, %scan3A_240 = %broadcast_in_dim3A_193, %scan3A_241 = %broadcast_in_dim3A_195, %scan3A_242 = %broadcast_in_dim3A_197, %scan3A_243 = %broadcast_in_dim3A_199) -> (vector<16xf32>, vector<16xf32>, vector<16xf32>, vector<16xf32>, vector<16xf32>)  : i32 {
        %broadcast_in_dim3A_244 = vector.broadcast %scan3A_238 : i32 to vector<16xi32>
        %gather3A = tpu.vector_load_idx %arg7[%broadcast_in_dim3A_244] : memref<64xf32, #tpu.memory_space<vmem>>[vector<16xi32>], vector<16xf32>,
        %gather3A_245 = tpu.vector_load_idx %arg14[%add3A_177, %broadcast_in_dim3A_244] : memref<80x128xf32, #tpu.memory_space<vmem>>[vector<16xi32>, vector<16xi32>], vector<16xf32>,
        %add3A_246 = arith.constant 64 : i32
        %add3A_247 = vector.broadcast %add3A_246 : i32 to vector<16xi32>
        %add3A_248 = arith.addi %broadcast_in_dim3A_244, %add3A_247 : vector<16xi32>
        %gather3A_249 = tpu.vector_load_idx %arg15[%add3A_177, %add3A_248] : memref<80x128xf32, #tpu.memory_space<vmem>>[vector<16xi32>, vector<16xi32>], vector<16xf32>,
        %add3A_250 = arith.addf %gather3A_245, %gather3A_249 : vector<16xf32>
        %mul3A_251 = arith.constant 2.000000e-01 : f32
        %mul3A_252 = vector.broadcast %mul3A_251 : f32 to vector<16xf32>
        %mul3A_253 = arith.mulf %mul3A_252, %add3A_250 : vector<16xf32>
        %max3A = arith.maximumf %add3A_250, %mul3A_253 : vector<16xf32>
        %mul3A_254 = arith.mulf %gather3A, %max3A : vector<16xf32>
        %add3A_255 = arith.addf %scan3A_239, %mul3A_254 : vector<16xf32>
        %gather3A_256 = tpu.vector_load_idx %arg14[%add3A_180, %broadcast_in_dim3A_244] : memref<80x128xf32, #tpu.memory_space<vmem>>[vector<16xi32>, vector<16xi32>], vector<16xf32>,
        %add3A_257 = arith.constant 64 : i32
        %add3A_258 = vector.broadcast %add3A_257 : i32 to vector<16xi32>
        %add3A_259 = arith.addi %broadcast_in_dim3A_244, %add3A_258 : vector<16xi32>
        %gather3A_260 = tpu.vector_load_idx %arg15[%add3A_180, %add3A_259] : memref<80x128xf32, #tpu.memory_space<vmem>>[vector<16xi32>, vector<16xi32>], vector<16xf32>,
        %add3A_261 = arith.addf %gather3A_256, %gather3A_260 : vector<16xf32>
        %mul3A_262 = arith.constant 2.000000e-01 : f32
        %mul3A_263 = vector.broadcast %mul3A_262 : f32 to vector<16xf32>
        %mul3A_264 = arith.mulf %mul3A_263, %add3A_261 : vector<16xf32>
        %max3A_265 = arith.maximumf %add3A_261, %mul3A_264 : vector<16xf32>
        %mul3A_266 = arith.mulf %gather3A, %max3A_265 : vector<16xf32>
        %add3A_267 = arith.addf %scan3A_240, %mul3A_266 : vector<16xf32>
        %gather3A_268 = tpu.vector_load_idx %arg14[%add3A_183, %broadcast_in_dim3A_244] : memref<80x128xf32, #tpu.memory_space<vmem>>[vector<16xi32>, vector<16xi32>], vector<16xf32>,
        %add3A_269 = arith.constant 64 : i32
        %add3A_270 = vector.broadcast %add3A_269 : i32 to vector<16xi32>
        %add3A_271 = arith.addi %broadcast_in_dim3A_244, %add3A_270 : vector<16xi32>
        %gather3A_272 = tpu.vector_load_idx %arg15[%add3A_183, %add3A_271] : memref<80x128xf32, #tpu.memory_space<vmem>>[vector<16xi32>, vector<16xi32>], vector<16xf32>,
        %add3A_273 = arith.addf %gather3A_268, %gather3A_272 : vector<16xf32>
        %mul3A_274 = arith.constant 2.000000e-01 : f32
        %mul3A_275 = vector.broadcast %mul3A_274 : f32 to vector<16xf32>
        %mul3A_276 = arith.mulf %mul3A_275, %add3A_273 : vector<16xf32>
        %max3A_277 = arith.maximumf %add3A_273, %mul3A_276 : vector<16xf32>
        %mul3A_278 = arith.mulf %gather3A, %max3A_277 : vector<16xf32>
        %add3A_279 = arith.addf %scan3A_241, %mul3A_278 : vector<16xf32>
        %gather3A_280 = tpu.vector_load_idx %arg14[%add3A_186, %broadcast_in_dim3A_244] : memref<80x128xf32, #tpu.memory_space<vmem>>[vector<16xi32>, vector<16xi32>], vector<16xf32>,
        %add3A_281 = arith.constant 64 : i32
        %add3A_282 = vector.broadcast %add3A_281 : i32 to vector<16xi32>
        %add3A_283 = arith.addi %broadcast_in_dim3A_244, %add3A_282 : vector<16xi32>
        %gather3A_284 = tpu.vector_load_idx %arg15[%add3A_186, %add3A_283] : memref<80x128xf32, #tpu.memory_space<vmem>>[vector<16xi32>, vector<16xi32>], vector<16xf32>,
        %add3A_285 = arith.addf %gather3A_280, %gather3A_284 : vector<16xf32>
        %mul3A_286 = arith.constant 2.000000e-01 : f32
        %mul3A_287 = vector.broadcast %mul3A_286 : f32 to vector<16xf32>
        %mul3A_288 = arith.mulf %mul3A_287, %add3A_285 : vector<16xf32>
        %max3A_289 = arith.maximumf %add3A_285, %mul3A_288 : vector<16xf32>
        %mul3A_290 = arith.mulf %gather3A, %max3A_289 : vector<16xf32>
        %add3A_291 = arith.addf %scan3A_242, %mul3A_290 : vector<16xf32>
        %gather3A_292 = tpu.vector_load_idx %arg14[%add3A_189, %broadcast_in_dim3A_244] : memref<80x128xf32, #tpu.memory_space<vmem>>[vector<16xi32>, vector<16xi32>], vector<16xf32>,
        %add3A_293 = arith.constant 64 : i32
        %add3A_294 = vector.broadcast %add3A_293 : i32 to vector<16xi32>
        %add3A_295 = arith.addi %broadcast_in_dim3A_244, %add3A_294 : vector<16xi32>
        %gather3A_296 = tpu.vector_load_idx %arg15[%add3A_189, %add3A_295] : memref<80x128xf32, #tpu.memory_space<vmem>>[vector<16xi32>, vector<16xi32>], vector<16xf32>,
        %add3A_297 = arith.addf %gather3A_292, %gather3A_296 : vector<16xf32>
        %mul3A_298 = arith.constant 2.000000e-01 : f32
        %mul3A_299 = vector.broadcast %mul3A_298 : f32 to vector<16xf32>
        %mul3A_300 = arith.mulf %mul3A_299, %add3A_297 : vector<16xf32>
        %max3A_301 = arith.maximumf %add3A_297, %mul3A_300 : vector<16xf32>
        %mul3A_302 = arith.mulf %gather3A, %max3A_301 : vector<16xf32>
        %add3A_303 = arith.addf %scan3A_243, %mul3A_302 : vector<16xf32>
        %scan3A_304 = arith.constant 1 : i32
        %scan3A_305 = arith.addi %scan3A_238, %scan3A_304 : i32
        %broadcast_in_dim3A_306 = vector.broadcast %scan3A_305 : i32 to vector<16xi32>
        %gather3A_307 = tpu.vector_load_idx %arg7[%broadcast_in_dim3A_306] : memref<64xf32, #tpu.memory_space<vmem>>[vector<16xi32>], vector<16xf32>,
        %gather3A_308 = tpu.vector_load_idx %arg14[%add3A_177, %broadcast_in_dim3A_306] : memref<80x128xf32, #tpu.memory_space<vmem>>[vector<16xi32>, vector<16xi32>], vector<16xf32>,
        %add3A_309 = arith.constant 64 : i32
        %add3A_310 = vector.broadcast %add3A_309 : i32 to vector<16xi32>
        %add3A_311 = arith.addi %broadcast_in_dim3A_306, %add3A_310 : vector<16xi32>
        %gather3A_312 = tpu.vector_load_idx %arg15[%add3A_177, %add3A_311] : memref<80x128xf32, #tpu.memory_space<vmem>>[vector<16xi32>, vector<16xi32>], vector<16xf32>,
        %add3A_313 = arith.addf %gather3A_308, %gather3A_312 : vector<16xf32>
        %mul3A_314 = arith.constant 2.000000e-01 : f32
        %mul3A_315 = vector.broadcast %mul3A_314 : f32 to vector<16xf32>
        %mul3A_316 = arith.mulf %mul3A_315, %add3A_313 : vector<16xf32>
        %max3A_317 = arith.maximumf %add3A_313, %mul3A_316 : vector<16xf32>
        %mul3A_318 = arith.mulf %gather3A_307, %max3A_317 : vector<16xf32>
        %add3A_319 = arith.addf %add3A_255, %mul3A_318 : vector<16xf32>
        %gather3A_320 = tpu.vector_load_idx %arg14[%add3A_180, %broadcast_in_dim3A_306] : memref<80x128xf32, #tpu.memory_space<vmem>>[vector<16xi32>, vector<16xi32>], vector<16xf32>,
        %add3A_321 = arith.constant 64 : i32
        %add3A_322 = vector.broadcast %add3A_321 : i32 to vector<16xi32>
        %add3A_323 = arith.addi %broadcast_in_dim3A_306, %add3A_322 : vector<16xi32>
        %gather3A_324 = tpu.vector_load_idx %arg15[%add3A_180, %add3A_323] : memref<80x128xf32, #tpu.memory_space<vmem>>[vector<16xi32>, vector<16xi32>], vector<16xf32>,
        %add3A_325 = arith.addf %gather3A_320, %gather3A_324 : vector<16xf32>
        %mul3A_326 = arith.constant 2.000000e-01 : f32
        %mul3A_327 = vector.broadcast %mul3A_326 : f32 to vector<16xf32>
        %mul3A_328 = arith.mulf %mul3A_327, %add3A_325 : vector<16xf32>
        %max3A_329 = arith.maximumf %add3A_325, %mul3A_328 : vector<16xf32>
        %mul3A_330 = arith.mulf %gather3A_307, %max3A_329 : vector<16xf32>
        %add3A_331 = arith.addf %add3A_267, %mul3A_330 : vector<16xf32>
        %gather3A_332 = tpu.vector_load_idx %arg14[%add3A_183, %broadcast_in_dim3A_306] : memref<80x128xf32, #tpu.memory_space<vmem>>[vector<16xi32>, vector<16xi32>], vector<16xf32>,
        %add3A_333 = arith.constant 64 : i32
        %add3A_334 = vector.broadcast %add3A_333 : i32 to vector<16xi32>
        %add3A_335 = arith.addi %broadcast_in_dim3A_306, %add3A_334 : vector<16xi32>
        %gather3A_336 = tpu.vector_load_idx %arg15[%add3A_183, %add3A_335] : memref<80x128xf32, #tpu.memory_space<vmem>>[vector<16xi32>, vector<16xi32>], vector<16xf32>,
        %add3A_337 = arith.addf %gather3A_332, %gather3A_336 : vector<16xf32>
        %mul3A_338 = arith.constant 2.000000e-01 : f32
        %mul3A_339 = vector.broadcast %mul3A_338 : f32 to vector<16xf32>
        %mul3A_340 = arith.mulf %mul3A_339, %add3A_337 : vector<16xf32>
        %max3A_341 = arith.maximumf %add3A_337, %mul3A_340 : vector<16xf32>
        %mul3A_342 = arith.mulf %gather3A_307, %max3A_341 : vector<16xf32>
        %add3A_343 = arith.addf %add3A_279, %mul3A_342 : vector<16xf32>
        %gather3A_344 = tpu.vector_load_idx %arg14[%add3A_186, %broadcast_in_dim3A_306] : memref<80x128xf32, #tpu.memory_space<vmem>>[vector<16xi32>, vector<16xi32>], vector<16xf32>,
        %add3A_345 = arith.constant 64 : i32
        %add3A_346 = vector.broadcast %add3A_345 : i32 to vector<16xi32>
        %add3A_347 = arith.addi %broadcast_in_dim3A_306, %add3A_346 : vector<16xi32>
        %gather3A_348 = tpu.vector_load_idx %arg15[%add3A_186, %add3A_347] : memref<80x128xf32, #tpu.memory_space<vmem>>[vector<16xi32>, vector<16xi32>], vector<16xf32>,
        %add3A_349 = arith.addf %gather3A_344, %gather3A_348 : vector<16xf32>
        %mul3A_350 = arith.constant 2.000000e-01 : f32
        %mul3A_351 = vector.broadcast %mul3A_350 : f32 to vector<16xf32>
        %mul3A_352 = arith.mulf %mul3A_351, %add3A_349 : vector<16xf32>
        %max3A_353 = arith.maximumf %add3A_349, %mul3A_352 : vector<16xf32>
        %mul3A_354 = arith.mulf %gather3A_307, %max3A_353 : vector<16xf32>
        %add3A_355 = arith.addf %add3A_291, %mul3A_354 : vector<16xf32>
        %gather3A_356 = tpu.vector_load_idx %arg14[%add3A_189, %broadcast_in_dim3A_306] : memref<80x128xf32, #tpu.memory_space<vmem>>[vector<16xi32>, vector<16xi32>], vector<16xf32>,
        %add3A_357 = arith.constant 64 : i32
        %add3A_358 = vector.broadcast %add3A_357 : i32 to vector<16xi32>
        %add3A_359 = arith.addi %broadcast_in_dim3A_306, %add3A_358 : vector<16xi32>
        %gather3A_360 = tpu.vector_load_idx %arg15[%add3A_189, %add3A_359] : memref<80x128xf32, #tpu.memory_space<vmem>>[vector<16xi32>, vector<16xi32>], vector<16xf32>,
        %add3A_361 = arith.addf %gather3A_356, %gather3A_360 : vector<16xf32>
        %mul3A_362 = arith.constant 2.000000e-01 : f32
        %mul3A_363 = vector.broadcast %mul3A_362 : f32 to vector<16xf32>
        %mul3A_364 = arith.mulf %mul3A_363, %add3A_361 : vector<16xf32>
        %max3A_365 = arith.maximumf %add3A_361, %mul3A_364 : vector<16xf32>
        %mul3A_366 = arith.mulf %gather3A_307, %max3A_365 : vector<16xf32>
        %add3A_367 = arith.addf %add3A_303, %mul3A_366 : vector<16xf32>
        scf.yield %add3A_319, %add3A_331, %add3A_343, %add3A_355, %add3A_367 : vector<16xf32>, vector<16xf32>, vector<16xf32>, vector<16xf32>, vector<16xf32>
      }
      %scan3A_205 = arith.constant 64 : i32
      %exp3A = math.exp %scan3A_204#0 : vector<16xf32>
      %exp3A_206 = math.exp %scan3A_204#1 : vector<16xf32>
      %exp3A_207 = math.exp %scan3A_204#2 : vector<16xf32>
      %exp3A_208 = math.exp %scan3A_204#3 : vector<16xf32>
      %exp3A_209 = math.exp %scan3A_204#4 : vector<16xf32>
      %add3A_210 = arith.constant 0 : i32
      %add3A_211 = arith.addi %add3A_61, %add3A_210 : i32
      %swap3A_212 = arith.index_cast %add3A_211 : i32 to index
      %swap3A_213 = tpu.vector_load %arg10[%swap3A_212] {strides = array<i32>} : memref<10000xf32, #tpu.memory_space<vmem>>, vector<16xf32>,
      tpu.vector_store %arg10[%swap3A_212], %exp3A {strides = array<i32>} : memref<10000xf32, #tpu.memory_space<vmem>>, vector<16xf32>,
      %add3A_214 = arith.constant 16 : i32
      %add3A_215 = arith.addi %add3A_61, %add3A_214 : i32
      %swap3A_216 = arith.index_cast %add3A_215 : i32 to index
      %swap3A_217 = tpu.vector_load %arg10[%swap3A_216] {strides = array<i32>} : memref<10000xf32, #tpu.memory_space<vmem>>, vector<16xf32>,
      tpu.vector_store %arg10[%swap3A_216], %exp3A_206 {strides = array<i32>} : memref<10000xf32, #tpu.memory_space<vmem>>, vector<16xf32>,
      %add3A_218 = arith.constant 32 : i32
      %add3A_219 = arith.addi %add3A_61, %add3A_218 : i32
      %swap3A_220 = arith.index_cast %add3A_219 : i32 to index
      %swap3A_221 = tpu.vector_load %arg10[%swap3A_220] {strides = array<i32>} : memref<10000xf32, #tpu.memory_space<vmem>>, vector<16xf32>,
      tpu.vector_store %arg10[%swap3A_220], %exp3A_207 {strides = array<i32>} : memref<10000xf32, #tpu.memory_space<vmem>>, vector<16xf32>,
      %add3A_222 = arith.constant 48 : i32
      %add3A_223 = arith.addi %add3A_61, %add3A_222 : i32
      %swap3A_224 = arith.index_cast %add3A_223 : i32 to index
      %swap3A_225 = tpu.vector_load %arg10[%swap3A_224] {strides = array<i32>} : memref<10000xf32, #tpu.memory_space<vmem>>, vector<16xf32>,
      tpu.vector_store %arg10[%swap3A_224], %exp3A_208 {strides = array<i32>} : memref<10000xf32, #tpu.memory_space<vmem>>, vector<16xf32>,
      %add3A_226 = arith.constant 64 : i32
      %add3A_227 = arith.addi %add3A_61, %add3A_226 : i32
      %swap3A_228 = arith.index_cast %add3A_227 : i32 to index
      %swap3A_229 = tpu.vector_load %arg10[%swap3A_228] {strides = array<i32>} : memref<10000xf32, #tpu.memory_space<vmem>>, vector<16xf32>,
      tpu.vector_store %arg10[%swap3A_228], %exp3A_209 {strides = array<i32>} : memref<10000xf32, #tpu.memory_space<vmem>>, vector<16xf32>,
      %broadcast_in_dim3A_230 = arith.constant 64 : i32
      %broadcast_in_dim3A_231 = vector.broadcast %broadcast_in_dim3A_230 : i32 to vector<16xi32>
      tpu.vector_store_idx %arg16[%add3A_177, %broadcast_in_dim3A_231], %exp3A : memref<80x128xf32, #tpu.memory_space<vmem>>[vector<16xi32>, vector<16xi32>], vector<16xf32>,
      tpu.vector_store_idx %arg16[%add3A_180, %broadcast_in_dim3A_231], %exp3A_206 : memref<80x128xf32, #tpu.memory_space<vmem>>[vector<16xi32>, vector<16xi32>], vector<16xf32>,
      tpu.vector_store_idx %arg16[%add3A_183, %broadcast_in_dim3A_231], %exp3A_207 : memref<80x128xf32, #tpu.memory_space<vmem>>[vector<16xi32>, vector<16xi32>], vector<16xf32>,
      tpu.vector_store_idx %arg16[%add3A_186, %broadcast_in_dim3A_231], %exp3A_208 : memref<80x128xf32, #tpu.memory_space<vmem>>[vector<16xi32>, vector<16xi32>], vector<16xf32>,
      tpu.vector_store_idx %arg16[%add3A_189, %broadcast_in_dim3A_231], %exp3A_209 : memref<80x128xf32, #tpu.memory_space<vmem>>[vector<16xi32>, vector<16xi32>], vector<16xf32>,
      %scan3A_232 = arith.constant 0 : i32
      %scan3A_233 = arith.constant 0 : i32
      %scan3A_234 = arith.constant 64 : i32
      %scan3A_235 = arith.addi %scan3A_233, %scan3A_234 : i32
      %scan3A_236 = arith.constant 2 : i32
      scf.for %scan3A_238 = %scan3A_233 to %scan3A_235 step %scan3A_236  : i32 {
        %broadcast_in_dim3A_239 = vector.broadcast %scan3A_238 : i32 to vector<16xi32>
        %gather3A = tpu.vector_load_idx %arg14[%add3A_177, %broadcast_in_dim3A_239] : memref<80x128xf32, #tpu.memory_space<vmem>>[vector<16xi32>, vector<16xi32>], vector<16xf32>,
        %mul3A_240 = arith.mulf %gather3A, %exp3A : vector<16xf32>
        tpu.vector_store_idx %arg16[%add3A_177, %broadcast_in_dim3A_239], %mul3A_240 : memref<80x128xf32, #tpu.memory_space<vmem>>[vector<16xi32>, vector<16xi32>], vector<16xf32>,
        %gather3A_241 = tpu.vector_load_idx %arg14[%add3A_180, %broadcast_in_dim3A_239] : memref<80x128xf32, #tpu.memory_space<vmem>>[vector<16xi32>, vector<16xi32>], vector<16xf32>,
        %mul3A_242 = arith.mulf %gather3A_241, %exp3A_206 : vector<16xf32>
        tpu.vector_store_idx %arg16[%add3A_180, %broadcast_in_dim3A_239], %mul3A_242 : memref<80x128xf32, #tpu.memory_space<vmem>>[vector<16xi32>, vector<16xi32>], vector<16xf32>,
        %gather3A_243 = tpu.vector_load_idx %arg14[%add3A_183, %broadcast_in_dim3A_239] : memref<80x128xf32, #tpu.memory_space<vmem>>[vector<16xi32>, vector<16xi32>], vector<16xf32>,
        %mul3A_244 = arith.mulf %gather3A_243, %exp3A_207 : vector<16xf32>
        tpu.vector_store_idx %arg16[%add3A_183, %broadcast_in_dim3A_239], %mul3A_244 : memref<80x128xf32, #tpu.memory_space<vmem>>[vector<16xi32>, vector<16xi32>], vector<16xf32>,
        %gather3A_245 = tpu.vector_load_idx %arg14[%add3A_186, %broadcast_in_dim3A_239] : memref<80x128xf32, #tpu.memory_space<vmem>>[vector<16xi32>, vector<16xi32>], vector<16xf32>,
        %mul3A_246 = arith.mulf %gather3A_245, %exp3A_208 : vector<16xf32>
        tpu.vector_store_idx %arg16[%add3A_186, %broadcast_in_dim3A_239], %mul3A_246 : memref<80x128xf32, #tpu.memory_space<vmem>>[vector<16xi32>, vector<16xi32>], vector<16xf32>,
        %gather3A_247 = tpu.vector_load_idx %arg14[%add3A_189, %broadcast_in_dim3A_239] : memref<80x128xf32, #tpu.memory_space<vmem>>[vector<16xi32>, vector<16xi32>], vector<16xf32>,
        %mul3A_248 = arith.mulf %gather3A_247, %exp3A_209 : vector<16xf32>
        tpu.vector_store_idx %arg16[%add3A_189, %broadcast_in_dim3A_239], %mul3A_248 : memref<80x128xf32, #tpu.memory_space<vmem>>[vector<16xi32>, vector<16xi32>], vector<16xf32>,
        %scan3A_249 = arith.constant 1 : i32
        %scan3A_250 = arith.addi %scan3A_238, %scan3A_249 : i32
        %broadcast_in_dim3A_251 = vector.broadcast %scan3A_250 : i32 to vector<16xi32>
        %gather3A_252 = tpu.vector_load_idx %arg14[%add3A_177, %broadcast_in_dim3A_251] : memref<80x128xf32, #tpu.memory_space<vmem>>[vector<16xi32>, vector<16xi32>], vector<16xf32>,
        %mul3A_253 = arith.mulf %gather3A_252, %exp3A : vector<16xf32>
        tpu.vector_store_idx %arg16[%add3A_177, %broadcast_in_dim3A_251], %mul3A_253 : memref<80x128xf32, #tpu.memory_space<vmem>>[vector<16xi32>, vector<16xi32>], vector<16xf32>,
        %gather3A_254 = tpu.vector_load_idx %arg14[%add3A_180, %broadcast_in_dim3A_251] : memref<80x128xf32, #tpu.memory_space<vmem>>[vector<16xi32>, vector<16xi32>], vector<16xf32>,
        %mul3A_255 = arith.mulf %gather3A_254, %exp3A_206 : vector<16xf32>
        tpu.vector_store_idx %arg16[%add3A_180, %broadcast_in_dim3A_251], %mul3A_255 : memref<80x128xf32, #tpu.memory_space<vmem>>[vector<16xi32>, vector<16xi32>], vector<16xf32>,
        %gather3A_256 = tpu.vector_load_idx %arg14[%add3A_183, %broadcast_in_dim3A_251] : memref<80x128xf32, #tpu.memory_space<vmem>>[vector<16xi32>, vector<16xi32>], vector<16xf32>,
        %mul3A_257 = arith.mulf %gather3A_256, %exp3A_207 : vector<16xf32>
        tpu.vector_store_idx %arg16[%add3A_183, %broadcast_in_dim3A_251], %mul3A_257 : memref<80x128xf32, #tpu.memory_space<vmem>>[vector<16xi32>, vector<16xi32>], vector<16xf32>,
        %gather3A_258 = tpu.vector_load_idx %arg14[%add3A_186, %broadcast_in_dim3A_251] : memref<80x128xf32, #tpu.memory_space<vmem>>[vector<16xi32>, vector<16xi32>], vector<16xf32>,
        %mul3A_259 = arith.mulf %gather3A_258, %exp3A_208 : vector<16xf32>
        tpu.vector_store_idx %arg16[%add3A_186, %broadcast_in_dim3A_251], %mul3A_259 : memref<80x128xf32, #tpu.memory_space<vmem>>[vector<16xi32>, vector<16xi32>], vector<16xf32>,
        %gather3A_260 = tpu.vector_load_idx %arg14[%add3A_189, %broadcast_in_dim3A_251] : memref<80x128xf32, #tpu.memory_space<vmem>>[vector<16xi32>, vector<16xi32>], vector<16xf32>,
        %mul3A_261 = arith.mulf %gather3A_260, %exp3A_209 : vector<16xf32>
        tpu.vector_store_idx %arg16[%add3A_189, %broadcast_in_dim3A_251], %mul3A_261 : memref<80x128xf32, #tpu.memory_space<vmem>>[vector<16xi32>, vector<16xi32>], vector<16xf32>,
      }
      %scan3A_237 = arith.constant 64 : i32
      "tpu.region"() ({
        %run_scoped3A_238 = tpu.sem_alloc : memref<!tpu.dma_semaphore, #tpu.memory_space<semaphore_mem>>
        %dma_start3A = arith.constant 0 : i32
        %dma_start3A_239 = arith.constant 0 : i32
        %dma_start3A_240 = tpu.memref_slice %arg18[%dma_start3A, %dma_start3A_239] : memref<2608x128xf32, #tpu.memory_space<vmem_shared>> -> memref<2608x128xf32, #tpu.memory_space<vmem_shared>>
        tpu.enqueue_indirect_dma source(%arg16 : memref<80x128xf32, #tpu.memory_space<vmem>>) target(%dma_start3A_240 : memref<2608x128xf32, #tpu.memory_space<vmem_shared>>) offsets(%arg13 : memref<80xi32, #tpu.memory_space<vmem>>) semaphore(%run_scoped3A_238 : memref<!tpu.dma_semaphore, #tpu.memory_space<semaphore_mem>>) {add = true}
        %dma_wait3A = arith.constant 0 : i32
        %dma_wait3A_241 = arith.constant 0 : i32
        %dma_wait3A_242 = tpu.memref_slice %arg18[%dma_wait3A, %dma_wait3A_241] : memref<2608x128xf32, #tpu.memory_space<vmem_shared>> -> memref<2608x128xf32, #tpu.memory_space<vmem_shared>>
        tpu.wait_indirect_dma semaphore(%run_scoped3A_238 : memref<!tpu.dma_semaphore, #tpu.memory_space<semaphore_mem>>) src(%arg16 : memref<80x128xf32, #tpu.memory_space<vmem>>) dst(%dma_wait3A_242 : memref<2608x128xf32, #tpu.memory_space<vmem_shared>>)
        tpu.yield
      }) : () -> ()
    }
    %scan3A_23 = arith.constant 125 : i32
    %barrier3A_24 = arith.constant 0 : index
    tpu.barrier barrier_id(%barrier3A_24)
    %add3A_25 = arith.constant 0 : i32
    %add3A_26 = arith.addi %arg1, %add3A_25 : i32
    %lt3A_27 = arith.constant 13 : i32
    %lt3A_28 = arith.cmpi slt, %add3A_26, %lt3A_27 : i32
    %convert_element_type3A_29 = arith.extui %lt3A_28 : i1 to i32
    %cond3A_30 = arith.constant 0 : i32
    %cond3A_31 = arith.cmpi ne, %convert_element_type3A_29, %cond3A_30 : i32
    scf.if %cond3A_31 {
      %mul3A_57 = arith.constant 200 : i32
      %mul3A_58 = arith.muli %add3A_26, %mul3A_57 : i32
      %mul3A_59 = arith.constant 200 : i32
      %mul3A_60 = arith.muli %add3A_26, %mul3A_59 : i32
      "tpu.region"() ({
        %run_scoped3A_61 = tpu.sem_alloc : memref<!tpu.dma_semaphore, #tpu.memory_space<semaphore_mem>>
        %dma_start3A = arith.constant 0 : i32
        %dma_start3A_62 = tpu.memref_slice %arg6[%add3A_14, %dma_start3A] : memref<10000x128xf32, #tpu.memory_space<hbm>> -> memref<2600x128xf32, #tpu.memory_space<hbm>>
        %dma_start3A_63 = arith.constant 0 : i32
        %dma_start3A_64 = tpu.memref_slice %dma_start3A_62[%mul3A_60, %dma_start3A_63] : memref<2600x128xf32, #tpu.memory_space<hbm>> -> memref<200x128xf32, #tpu.memory_space<hbm>>
        %dma_start3A_65 = arith.constant 0 : i32
        %dma_start3A_66 = tpu.memref_slice %arg18[%mul3A_58, %dma_start3A_65] : memref<2608x128xf32, #tpu.memory_space<vmem_shared>> -> memref<200x128xf32, #tpu.memory_space<vmem_shared>>
        tpu.enqueue_dma source(%dma_start3A_66 : memref<200x128xf32, #tpu.memory_space<vmem_shared>>) target(%dma_start3A_64 : memref<200x128xf32, #tpu.memory_space<hbm>>) target_semaphore(%run_scoped3A_61 : memref<!tpu.dma_semaphore, #tpu.memory_space<semaphore_mem>>)
        %dma_wait3A = arith.constant 0 : i32
        %dma_wait3A_67 = tpu.memref_slice %arg6[%add3A_14, %dma_wait3A] : memref<10000x128xf32, #tpu.memory_space<hbm>> -> memref<2600x128xf32, #tpu.memory_space<hbm>>
        %dma_wait3A_68 = arith.constant 0 : i32
        %dma_wait3A_69 = tpu.memref_slice %dma_wait3A_67[%mul3A_60, %dma_wait3A_68] : memref<2600x128xf32, #tpu.memory_space<hbm>> -> memref<200x128xf32, #tpu.memory_space<hbm>>
        %dma_wait3A_70 = arith.constant 0 : i32
        %dma_wait3A_71 = tpu.memref_slice %arg18[%mul3A_58, %dma_wait3A_70] : memref<2608x128xf32, #tpu.memory_space<vmem_shared>> -> memref<200x128xf32, #tpu.memory_space<vmem_shared>>
        tpu.wait_dma2 semaphore(%run_scoped3A_61 : memref<!tpu.dma_semaphore, #tpu.memory_space<semaphore_mem>>) src(%dma_wait3A_71 : memref<200x128xf32, #tpu.memory_space<vmem_shared>>) dst(%dma_wait3A_69 : memref<200x128xf32, #tpu.memory_space<hbm>>)
        tpu.yield
      }) : () -> ()
    } else {
    }
    %barrier3A_32 = arith.constant 0 : index
    tpu.barrier barrier_id(%barrier3A_32)
    %add3A_33 = arith.constant 2600 : i32
    %add3A_34 = arith.addi %mul3A_0, %add3A_33 : i32
    %add3A_35 = arith.constant 0 : i32
    %add3A_36 = arith.addi %arg1, %add3A_35 : i32
    %lt3A_37 = arith.constant 12 : i32
    %lt3A_38 = arith.cmpi slt, %add3A_36, %lt3A_37 : i32
    %convert_element_type3A_39 = arith.extui %lt3A_38 : i1 to i32
    %cond3A_40 = arith.constant 0 : i32
    %cond3A_41 = arith.cmpi ne, %convert_element_type3A_39, %cond3A_40 : i32
    scf.if %cond3A_41 {
      %mul3A_57 = arith.constant 200 : i32
      %mul3A_58 = arith.muli %add3A_36, %mul3A_57 : i32
      "tpu.region"() ({
        %run_scoped3A_59 = tpu.sem_alloc : memref<!tpu.dma_semaphore, #tpu.memory_space<semaphore_mem>>
        %dma_start3A = arith.constant 0 : i32
        %dma_start3A_60 = tpu.memref_slice %arg18[%mul3A_58, %dma_start3A] : memref<2608x128xf32, #tpu.memory_space<vmem_shared>> -> memref<200x128xf32, #tpu.memory_space<vmem_shared>>
        %dma_start3A_61 = arith.constant 0 : i32
        %dma_start3A_62 = tpu.memref_slice %arg18[%mul3A_58, %dma_start3A_61] : memref<2608x128xf32, #tpu.memory_space<vmem_shared>> -> memref<200x128xf32, #tpu.memory_space<vmem_shared>>
        tpu.enqueue_dma source(%arg17 : memref<200x128xf32, #tpu.memory_space<vmem>>) target(%dma_start3A_62 : memref<200x128xf32, #tpu.memory_space<vmem_shared>>) target_semaphore(%run_scoped3A_59 : memref<!tpu.dma_semaphore, #tpu.memory_space<semaphore_mem>>)
        %dma_wait3A = arith.constant 0 : i32
        %dma_wait3A_63 = tpu.memref_slice %arg18[%mul3A_58, %dma_wait3A] : memref<2608x128xf32, #tpu.memory_space<vmem_shared>> -> memref<200x128xf32, #tpu.memory_space<vmem_shared>>
        %dma_wait3A_64 = arith.constant 0 : i32
        %dma_wait3A_65 = tpu.memref_slice %arg18[%mul3A_58, %dma_wait3A_64] : memref<2608x128xf32, #tpu.memory_space<vmem_shared>> -> memref<200x128xf32, #tpu.memory_space<vmem_shared>>
        tpu.wait_dma2 semaphore(%run_scoped3A_59 : memref<!tpu.dma_semaphore, #tpu.memory_space<semaphore_mem>>) src(%arg17 : memref<200x128xf32, #tpu.memory_space<vmem>>) dst(%dma_wait3A_65 : memref<200x128xf32, #tpu.memory_space<vmem_shared>>)
        tpu.yield
      }) : () -> ()
    } else {
    }
    %barrier3A_42 = arith.constant 0 : index
    tpu.barrier barrier_id(%barrier3A_42)
    %scan3A_43 = arith.constant 0 : i32
    %scan3A_44 = arith.constant 125 : i32
    %scan3A_45 = arith.addi %scan3A_43, %scan3A_44 : i32
    %scan3A_46 = arith.constant 1 : i32
    scf.for %scan3A_57 = %scan3A_43 to %scan3A_45 step %scan3A_46  : i32 {
      %mul3A_58 = arith.constant 80 : i32
      %mul3A_59 = arith.muli %scan3A_57, %mul3A_58 : i32
      %add3A_60 = arith.constant 0 : i32
      %add3A_61 = arith.addi %add3A_60, %mul3A_59 : i32
      %add3A_62 = arith.constant 0 : i32
      %add3A_63 = arith.addi %add3A_61, %add3A_62 : i32
      %get3A = arith.index_cast %add3A_63 : i32 to index
      %get3A_64 = tpu.vector_load %arg8[%get3A] {strides = array<i32>} : memref<10000xi32, #tpu.memory_space<vmem>>, vector<16xi32>,
      %get3A_65 = arith.index_cast %add3A_63 : i32 to index
      %get3A_66 = tpu.vector_load %arg9[%get3A_65] {strides = array<i32>} : memref<10000xi32, #tpu.memory_space<vmem>>, vector<16xi32>,
      %swap3A = arith.constant 0 : index
      %swap3A_67 = tpu.vector_load %arg11[%swap3A] {strides = array<i32>} : memref<80xi32, #tpu.memory_space<vmem>>, vector<16xi32>,
      tpu.vector_store %arg11[%swap3A], %get3A_64 {strides = array<i32>} : memref<80xi32, #tpu.memory_space<vmem>>, vector<16xi32>,
      %sub3A = vector.broadcast %add3A_34 : i32 to vector<16xi32>
      %sub3A_68 = arith.subi %get3A_66, %sub3A : vector<16xi32>
      %ge3A = arith.constant 0 : i32
      %ge3A_69 = vector.broadcast %ge3A : i32 to vector<16xi32>
      %ge3A_70 = arith.cmpi sge, %sub3A_68, %ge3A_69 : vector<16xi32>
      %lt3A_71 = arith.constant 2400 : i32
      %lt3A_72 = vector.broadcast %lt3A_71 : i32 to vector<16xi32>
      %lt3A_73 = arith.cmpi slt, %sub3A_68, %lt3A_72 : vector<16xi32>
      %and3A = arith.andi %ge3A_70, %lt3A_73 : vector<16xi1>
      %jit3A = arith.constant 2600 : i32
      %broadcast_in_dim3A_74 = vector.broadcast %jit3A : i32 to vector<16xi32>
      %select_n3A = arith.select %and3A, %sub3A_68, %broadcast_in_dim3A_74 : vector<16xi1>, vector<16xi32>
      %swap3A_75 = arith.constant 0 : index
      %swap3A_76 = tpu.vector_load %arg13[%swap3A_75] {strides = array<i32>} : memref<80xi32, #tpu.memory_space<vmem>>, vector<16xi32>,
      tpu.vector_store %arg13[%swap3A_75], %select_n3A {strides = array<i32>} : memref<80xi32, #tpu.memory_space<vmem>>, vector<16xi32>,
      %add3A_77 = arith.constant 16 : i32
      %add3A_78 = arith.addi %add3A_61, %add3A_77 : i32
      %get3A_79 = arith.index_cast %add3A_78 : i32 to index
      %get3A_80 = tpu.vector_load %arg8[%get3A_79] {strides = array<i32>} : memref<10000xi32, #tpu.memory_space<vmem>>, vector<16xi32>,
      %get3A_81 = arith.index_cast %add3A_78 : i32 to index
      %get3A_82 = tpu.vector_load %arg9[%get3A_81] {strides = array<i32>} : memref<10000xi32, #tpu.memory_space<vmem>>, vector<16xi32>,
      %swap3A_83 = arith.constant 16 : index
      %swap3A_84 = tpu.vector_load %arg11[%swap3A_83] {strides = array<i32>} : memref<80xi32, #tpu.memory_space<vmem>>, vector<16xi32>,
      tpu.vector_store %arg11[%swap3A_83], %get3A_80 {strides = array<i32>} : memref<80xi32, #tpu.memory_space<vmem>>, vector<16xi32>,
      %sub3A_85 = vector.broadcast %add3A_34 : i32 to vector<16xi32>
      %sub3A_86 = arith.subi %get3A_82, %sub3A_85 : vector<16xi32>
      %ge3A_87 = arith.constant 0 : i32
      %ge3A_88 = vector.broadcast %ge3A_87 : i32 to vector<16xi32>
      %ge3A_89 = arith.cmpi sge, %sub3A_86, %ge3A_88 : vector<16xi32>
      %lt3A_90 = arith.constant 2400 : i32
      %lt3A_91 = vector.broadcast %lt3A_90 : i32 to vector<16xi32>
      %lt3A_92 = arith.cmpi slt, %sub3A_86, %lt3A_91 : vector<16xi32>
      %and3A_93 = arith.andi %ge3A_89, %lt3A_92 : vector<16xi1>
      %jit3A_94 = arith.constant 2600 : i32
      %broadcast_in_dim3A_95 = vector.broadcast %jit3A_94 : i32 to vector<16xi32>
      %select_n3A_96 = arith.select %and3A_93, %sub3A_86, %broadcast_in_dim3A_95 : vector<16xi1>, vector<16xi32>
      %swap3A_97 = arith.constant 16 : index
      %swap3A_98 = tpu.vector_load %arg13[%swap3A_97] {strides = array<i32>} : memref<80xi32, #tpu.memory_space<vmem>>, vector<16xi32>,
      tpu.vector_store %arg13[%swap3A_97], %select_n3A_96 {strides = array<i32>} : memref<80xi32, #tpu.memory_space<vmem>>, vector<16xi32>,
      %add3A_99 = arith.constant 32 : i32
      %add3A_100 = arith.addi %add3A_61, %add3A_99 : i32
      %get3A_101 = arith.index_cast %add3A_100 : i32 to index
      %get3A_102 = tpu.vector_load %arg8[%get3A_101] {strides = array<i32>} : memref<10000xi32, #tpu.memory_space<vmem>>, vector<16xi32>,
      %get3A_103 = arith.index_cast %add3A_100 : i32 to index
      %get3A_104 = tpu.vector_load %arg9[%get3A_103] {strides = array<i32>} : memref<10000xi32, #tpu.memory_space<vmem>>, vector<16xi32>,
      %swap3A_105 = arith.constant 32 : index
      %swap3A_106 = tpu.vector_load %arg11[%swap3A_105] {strides = array<i32>} : memref<80xi32, #tpu.memory_space<vmem>>, vector<16xi32>,
      tpu.vector_store %arg11[%swap3A_105], %get3A_102 {strides = array<i32>} : memref<80xi32, #tpu.memory_space<vmem>>, vector<16xi32>,
      %sub3A_107 = vector.broadcast %add3A_34 : i32 to vector<16xi32>
      %sub3A_108 = arith.subi %get3A_104, %sub3A_107 : vector<16xi32>
      %ge3A_109 = arith.constant 0 : i32
      %ge3A_110 = vector.broadcast %ge3A_109 : i32 to vector<16xi32>
      %ge3A_111 = arith.cmpi sge, %sub3A_108, %ge3A_110 : vector<16xi32>
      %lt3A_112 = arith.constant 2400 : i32
      %lt3A_113 = vector.broadcast %lt3A_112 : i32 to vector<16xi32>
      %lt3A_114 = arith.cmpi slt, %sub3A_108, %lt3A_113 : vector<16xi32>
      %and3A_115 = arith.andi %ge3A_111, %lt3A_114 : vector<16xi1>
      %jit3A_116 = arith.constant 2600 : i32
      %broadcast_in_dim3A_117 = vector.broadcast %jit3A_116 : i32 to vector<16xi32>
      %select_n3A_118 = arith.select %and3A_115, %sub3A_108, %broadcast_in_dim3A_117 : vector<16xi1>, vector<16xi32>
      %swap3A_119 = arith.constant 32 : index
      %swap3A_120 = tpu.vector_load %arg13[%swap3A_119] {strides = array<i32>} : memref<80xi32, #tpu.memory_space<vmem>>, vector<16xi32>,
      tpu.vector_store %arg13[%swap3A_119], %select_n3A_118 {strides = array<i32>} : memref<80xi32, #tpu.memory_space<vmem>>, vector<16xi32>,
      %add3A_121 = arith.constant 48 : i32
      %add3A_122 = arith.addi %add3A_61, %add3A_121 : i32
      %get3A_123 = arith.index_cast %add3A_122 : i32 to index
      %get3A_124 = tpu.vector_load %arg8[%get3A_123] {strides = array<i32>} : memref<10000xi32, #tpu.memory_space<vmem>>, vector<16xi32>,
      %get3A_125 = arith.index_cast %add3A_122 : i32 to index
      %get3A_126 = tpu.vector_load %arg9[%get3A_125] {strides = array<i32>} : memref<10000xi32, #tpu.memory_space<vmem>>, vector<16xi32>,
      %swap3A_127 = arith.constant 48 : index
      %swap3A_128 = tpu.vector_load %arg11[%swap3A_127] {strides = array<i32>} : memref<80xi32, #tpu.memory_space<vmem>>, vector<16xi32>,
      tpu.vector_store %arg11[%swap3A_127], %get3A_124 {strides = array<i32>} : memref<80xi32, #tpu.memory_space<vmem>>, vector<16xi32>,
      %sub3A_129 = vector.broadcast %add3A_34 : i32 to vector<16xi32>
      %sub3A_130 = arith.subi %get3A_126, %sub3A_129 : vector<16xi32>
      %ge3A_131 = arith.constant 0 : i32
      %ge3A_132 = vector.broadcast %ge3A_131 : i32 to vector<16xi32>
      %ge3A_133 = arith.cmpi sge, %sub3A_130, %ge3A_132 : vector<16xi32>
      %lt3A_134 = arith.constant 2400 : i32
      %lt3A_135 = vector.broadcast %lt3A_134 : i32 to vector<16xi32>
      %lt3A_136 = arith.cmpi slt, %sub3A_130, %lt3A_135 : vector<16xi32>
      %and3A_137 = arith.andi %ge3A_133, %lt3A_136 : vector<16xi1>
      %jit3A_138 = arith.constant 2600 : i32
      %broadcast_in_dim3A_139 = vector.broadcast %jit3A_138 : i32 to vector<16xi32>
      %select_n3A_140 = arith.select %and3A_137, %sub3A_130, %broadcast_in_dim3A_139 : vector<16xi1>, vector<16xi32>
      %swap3A_141 = arith.constant 48 : index
      %swap3A_142 = tpu.vector_load %arg13[%swap3A_141] {strides = array<i32>} : memref<80xi32, #tpu.memory_space<vmem>>, vector<16xi32>,
      tpu.vector_store %arg13[%swap3A_141], %select_n3A_140 {strides = array<i32>} : memref<80xi32, #tpu.memory_space<vmem>>, vector<16xi32>,
      %add3A_143 = arith.constant 64 : i32
      %add3A_144 = arith.addi %add3A_61, %add3A_143 : i32
      %get3A_145 = arith.index_cast %add3A_144 : i32 to index
      %get3A_146 = tpu.vector_load %arg8[%get3A_145] {strides = array<i32>} : memref<10000xi32, #tpu.memory_space<vmem>>, vector<16xi32>,
      %get3A_147 = arith.index_cast %add3A_144 : i32 to index
      %get3A_148 = tpu.vector_load %arg9[%get3A_147] {strides = array<i32>} : memref<10000xi32, #tpu.memory_space<vmem>>, vector<16xi32>,
      %swap3A_149 = arith.constant 64 : index
      %swap3A_150 = tpu.vector_load %arg11[%swap3A_149] {strides = array<i32>} : memref<80xi32, #tpu.memory_space<vmem>>, vector<16xi32>,
      tpu.vector_store %arg11[%swap3A_149], %get3A_146 {strides = array<i32>} : memref<80xi32, #tpu.memory_space<vmem>>, vector<16xi32>,
      %sub3A_151 = vector.broadcast %add3A_34 : i32 to vector<16xi32>
      %sub3A_152 = arith.subi %get3A_148, %sub3A_151 : vector<16xi32>
      %ge3A_153 = arith.constant 0 : i32
      %ge3A_154 = vector.broadcast %ge3A_153 : i32 to vector<16xi32>
      %ge3A_155 = arith.cmpi sge, %sub3A_152, %ge3A_154 : vector<16xi32>
      %lt3A_156 = arith.constant 2400 : i32
      %lt3A_157 = vector.broadcast %lt3A_156 : i32 to vector<16xi32>
      %lt3A_158 = arith.cmpi slt, %sub3A_152, %lt3A_157 : vector<16xi32>
      %and3A_159 = arith.andi %ge3A_155, %lt3A_158 : vector<16xi1>
      %jit3A_160 = arith.constant 2600 : i32
      %broadcast_in_dim3A_161 = vector.broadcast %jit3A_160 : i32 to vector<16xi32>
      %select_n3A_162 = arith.select %and3A_159, %sub3A_152, %broadcast_in_dim3A_161 : vector<16xi1>, vector<16xi32>
      %swap3A_163 = arith.constant 64 : index
      %swap3A_164 = tpu.vector_load %arg13[%swap3A_163] {strides = array<i32>} : memref<80xi32, #tpu.memory_space<vmem>>, vector<16xi32>,
      tpu.vector_store %arg13[%swap3A_163], %select_n3A_162 {strides = array<i32>} : memref<80xi32, #tpu.memory_space<vmem>>, vector<16xi32>,
      "tpu.region"() ({
        %run_scoped3A_208 = tpu.sem_alloc : memref<!tpu.dma_semaphore, #tpu.memory_space<semaphore_mem>>
        %dma_start3A = arith.constant 0 : i32
        %dma_start3A_209 = arith.constant 0 : i32
        %dma_start3A_210 = tpu.memref_slice %arg2[%dma_start3A, %dma_start3A_209] : memref<10000x128xf32, #tpu.memory_space<hbm>> -> memref<10000x128xf32, #tpu.memory_space<hbm>>
        tpu.enqueue_indirect_dma source(%dma_start3A_210 : memref<10000x128xf32, #tpu.memory_space<hbm>>) target(%arg14 : memref<80x128xf32, #tpu.memory_space<vmem>>) offsets(%arg11 : memref<80xi32, #tpu.memory_space<vmem>>) semaphore(%run_scoped3A_208 : memref<!tpu.dma_semaphore, #tpu.memory_space<semaphore_mem>>)
        %dma_wait3A = arith.constant 0 : i32
        %dma_wait3A_211 = arith.constant 0 : i32
        %dma_wait3A_212 = tpu.memref_slice %arg2[%dma_wait3A, %dma_wait3A_211] : memref<10000x128xf32, #tpu.memory_space<hbm>> -> memref<10000x128xf32, #tpu.memory_space<hbm>>
        tpu.wait_indirect_dma semaphore(%run_scoped3A_208 : memref<!tpu.dma_semaphore, #tpu.memory_space<semaphore_mem>>) src(%dma_wait3A_212 : memref<10000x128xf32, #tpu.memory_space<hbm>>) dst(%arg14 : memref<80x128xf32, #tpu.memory_space<vmem>>)
        tpu.yield
      }) : () -> ()
      %add3A_165 = arith.constant 0 : i32
      %add3A_166 = vector.broadcast %add3A_165 : i32 to vector<16xi32>
      %add3A_167 = arith.addi %iota3A_13, %add3A_166 : vector<16xi32>
      %add3A_168 = arith.constant 16 : i32
      %add3A_169 = vector.broadcast %add3A_168 : i32 to vector<16xi32>
      %add3A_170 = arith.addi %iota3A_13, %add3A_169 : vector<16xi32>
      %add3A_171 = arith.constant 32 : i32
      %add3A_172 = vector.broadcast %add3A_171 : i32 to vector<16xi32>
      %add3A_173 = arith.addi %iota3A_13, %add3A_172 : vector<16xi32>
      %add3A_174 = arith.constant 48 : i32
      %add3A_175 = vector.broadcast %add3A_174 : i32 to vector<16xi32>
      %add3A_176 = arith.addi %iota3A_13, %add3A_175 : vector<16xi32>
      %add3A_177 = arith.constant 64 : i32
      %add3A_178 = vector.broadcast %add3A_177 : i32 to vector<16xi32>
      %add3A_179 = arith.addi %iota3A_13, %add3A_178 : vector<16xi32>
      %add3A_180 = arith.constant 0 : i32
      %add3A_181 = arith.addi %add3A_61, %add3A_180 : i32
      %get3A_182 = arith.index_cast %add3A_181 : i32 to index
      %get3A_183 = tpu.vector_load %arg10[%get3A_182] {strides = array<i32>} : memref<10000xf32, #tpu.memory_space<vmem>>, vector<16xf32>,
      %add3A_184 = arith.constant 16 : i32
      %add3A_185 = arith.addi %add3A_61, %add3A_184 : i32
      %get3A_186 = arith.index_cast %add3A_185 : i32 to index
      %get3A_187 = tpu.vector_load %arg10[%get3A_186] {strides = array<i32>} : memref<10000xf32, #tpu.memory_space<vmem>>, vector<16xf32>,
      %add3A_188 = arith.constant 32 : i32
      %add3A_189 = arith.addi %add3A_61, %add3A_188 : i32
      %get3A_190 = arith.index_cast %add3A_189 : i32 to index
      %get3A_191 = tpu.vector_load %arg10[%get3A_190] {strides = array<i32>} : memref<10000xf32, #tpu.memory_space<vmem>>, vector<16xf32>,
      %add3A_192 = arith.constant 48 : i32
      %add3A_193 = arith.addi %add3A_61, %add3A_192 : i32
      %get3A_194 = arith.index_cast %add3A_193 : i32 to index
      %get3A_195 = tpu.vector_load %arg10[%get3A_194] {strides = array<i32>} : memref<10000xf32, #tpu.memory_space<vmem>>, vector<16xf32>,
      %add3A_196 = arith.constant 64 : i32
      %add3A_197 = arith.addi %add3A_61, %add3A_196 : i32
      %get3A_198 = arith.index_cast %add3A_197 : i32 to index
      %get3A_199 = tpu.vector_load %arg10[%get3A_198] {strides = array<i32>} : memref<10000xf32, #tpu.memory_space<vmem>>, vector<16xf32>,
      %broadcast_in_dim3A_200 = arith.constant 64 : i32
      %broadcast_in_dim3A_201 = vector.broadcast %broadcast_in_dim3A_200 : i32 to vector<16xi32>
      tpu.vector_store_idx %arg16[%add3A_167, %broadcast_in_dim3A_201], %get3A_183 : memref<80x128xf32, #tpu.memory_space<vmem>>[vector<16xi32>, vector<16xi32>], vector<16xf32>,
      tpu.vector_store_idx %arg16[%add3A_170, %broadcast_in_dim3A_201], %get3A_187 : memref<80x128xf32, #tpu.memory_space<vmem>>[vector<16xi32>, vector<16xi32>], vector<16xf32>,
      tpu.vector_store_idx %arg16[%add3A_173, %broadcast_in_dim3A_201], %get3A_191 : memref<80x128xf32, #tpu.memory_space<vmem>>[vector<16xi32>, vector<16xi32>], vector<16xf32>,
      tpu.vector_store_idx %arg16[%add3A_176, %broadcast_in_dim3A_201], %get3A_195 : memref<80x128xf32, #tpu.memory_space<vmem>>[vector<16xi32>, vector<16xi32>], vector<16xf32>,
      tpu.vector_store_idx %arg16[%add3A_179, %broadcast_in_dim3A_201], %get3A_199 : memref<80x128xf32, #tpu.memory_space<vmem>>[vector<16xi32>, vector<16xi32>], vector<16xf32>,
      %scan3A_202 = arith.constant 0 : i32
      %scan3A_203 = arith.constant 0 : i32
      %scan3A_204 = arith.constant 64 : i32
      %scan3A_205 = arith.addi %scan3A_203, %scan3A_204 : i32
      %scan3A_206 = arith.constant 2 : i32
      scf.for %scan3A_208 = %scan3A_203 to %scan3A_205 step %scan3A_206  : i32 {
        %broadcast_in_dim3A_209 = vector.broadcast %scan3A_208 : i32 to vector<16xi32>
        %gather3A = tpu.vector_load_idx %arg14[%add3A_167, %broadcast_in_dim3A_209] : memref<80x128xf32, #tpu.memory_space<vmem>>[vector<16xi32>, vector<16xi32>], vector<16xf32>,
        %mul3A_210 = arith.mulf %gather3A, %get3A_183 : vector<16xf32>
        tpu.vector_store_idx %arg16[%add3A_167, %broadcast_in_dim3A_209], %mul3A_210 : memref<80x128xf32, #tpu.memory_space<vmem>>[vector<16xi32>, vector<16xi32>], vector<16xf32>,
        %gather3A_211 = tpu.vector_load_idx %arg14[%add3A_170, %broadcast_in_dim3A_209] : memref<80x128xf32, #tpu.memory_space<vmem>>[vector<16xi32>, vector<16xi32>], vector<16xf32>,
        %mul3A_212 = arith.mulf %gather3A_211, %get3A_187 : vector<16xf32>
        tpu.vector_store_idx %arg16[%add3A_170, %broadcast_in_dim3A_209], %mul3A_212 : memref<80x128xf32, #tpu.memory_space<vmem>>[vector<16xi32>, vector<16xi32>], vector<16xf32>,
        %gather3A_213 = tpu.vector_load_idx %arg14[%add3A_173, %broadcast_in_dim3A_209] : memref<80x128xf32, #tpu.memory_space<vmem>>[vector<16xi32>, vector<16xi32>], vector<16xf32>,
        %mul3A_214 = arith.mulf %gather3A_213, %get3A_191 : vector<16xf32>
        tpu.vector_store_idx %arg16[%add3A_173, %broadcast_in_dim3A_209], %mul3A_214 : memref<80x128xf32, #tpu.memory_space<vmem>>[vector<16xi32>, vector<16xi32>], vector<16xf32>,
        %gather3A_215 = tpu.vector_load_idx %arg14[%add3A_176, %broadcast_in_dim3A_209] : memref<80x128xf32, #tpu.memory_space<vmem>>[vector<16xi32>, vector<16xi32>], vector<16xf32>,
        %mul3A_216 = arith.mulf %gather3A_215, %get3A_195 : vector<16xf32>
        tpu.vector_store_idx %arg16[%add3A_176, %broadcast_in_dim3A_209], %mul3A_216 : memref<80x128xf32, #tpu.memory_space<vmem>>[vector<16xi32>, vector<16xi32>], vector<16xf32>,
        %gather3A_217 = tpu.vector_load_idx %arg14[%add3A_179, %broadcast_in_dim3A_209] : memref<80x128xf32, #tpu.memory_space<vmem>>[vector<16xi32>, vector<16xi32>], vector<16xf32>,
        %mul3A_218 = arith.mulf %gather3A_217, %get3A_199 : vector<16xf32>
        tpu.vector_store_idx %arg16[%add3A_179, %broadcast_in_dim3A_209], %mul3A_218 : memref<80x128xf32, #tpu.memory_space<vmem>>[vector<16xi32>, vector<16xi32>], vector<16xf32>,
        %scan3A_219 = arith.constant 1 : i32
        %scan3A_220 = arith.addi %scan3A_208, %scan3A_219 : i32
        %broadcast_in_dim3A_221 = vector.broadcast %scan3A_220 : i32 to vector<16xi32>
        %gather3A_222 = tpu.vector_load_idx %arg14[%add3A_167, %broadcast_in_dim3A_221] : memref<80x128xf32, #tpu.memory_space<vmem>>[vector<16xi32>, vector<16xi32>], vector<16xf32>,
        %mul3A_223 = arith.mulf %gather3A_222, %get3A_183 : vector<16xf32>
        tpu.vector_store_idx %arg16[%add3A_167, %broadcast_in_dim3A_221], %mul3A_223 : memref<80x128xf32, #tpu.memory_space<vmem>>[vector<16xi32>, vector<16xi32>], vector<16xf32>,
        %gather3A_224 = tpu.vector_load_idx %arg14[%add3A_170, %broadcast_in_dim3A_221] : memref<80x128xf32, #tpu.memory_space<vmem>>[vector<16xi32>, vector<16xi32>], vector<16xf32>,
        %mul3A_225 = arith.mulf %gather3A_224, %get3A_187 : vector<16xf32>
        tpu.vector_store_idx %arg16[%add3A_170, %broadcast_in_dim3A_221], %mul3A_225 : memref<80x128xf32, #tpu.memory_space<vmem>>[vector<16xi32>, vector<16xi32>], vector<16xf32>,
        %gather3A_226 = tpu.vector_load_idx %arg14[%add3A_173, %broadcast_in_dim3A_221] : memref<80x128xf32, #tpu.memory_space<vmem>>[vector<16xi32>, vector<16xi32>], vector<16xf32>,
        %mul3A_227 = arith.mulf %gather3A_226, %get3A_191 : vector<16xf32>
        tpu.vector_store_idx %arg16[%add3A_173, %broadcast_in_dim3A_221], %mul3A_227 : memref<80x128xf32, #tpu.memory_space<vmem>>[vector<16xi32>, vector<16xi32>], vector<16xf32>,
        %gather3A_228 = tpu.vector_load_idx %arg14[%add3A_176, %broadcast_in_dim3A_221] : memref<80x128xf32, #tpu.memory_space<vmem>>[vector<16xi32>, vector<16xi32>], vector<16xf32>,
        %mul3A_229 = arith.mulf %gather3A_228, %get3A_195 : vector<16xf32>
        tpu.vector_store_idx %arg16[%add3A_176, %broadcast_in_dim3A_221], %mul3A_229 : memref<80x128xf32, #tpu.memory_space<vmem>>[vector<16xi32>, vector<16xi32>], vector<16xf32>,
        %gather3A_230 = tpu.vector_load_idx %arg14[%add3A_179, %broadcast_in_dim3A_221] : memref<80x128xf32, #tpu.memory_space<vmem>>[vector<16xi32>, vector<16xi32>], vector<16xf32>,
        %mul3A_231 = arith.mulf %gather3A_230, %get3A_199 : vector<16xf32>
        tpu.vector_store_idx %arg16[%add3A_179, %broadcast_in_dim3A_221], %mul3A_231 : memref<80x128xf32, #tpu.memory_space<vmem>>[vector<16xi32>, vector<16xi32>], vector<16xf32>,
      }
      %scan3A_207 = arith.constant 64 : i32
      "tpu.region"() ({
        %run_scoped3A_208 = tpu.sem_alloc : memref<!tpu.dma_semaphore, #tpu.memory_space<semaphore_mem>>
        %dma_start3A = arith.constant 0 : i32
        %dma_start3A_209 = arith.constant 0 : i32
        %dma_start3A_210 = tpu.memref_slice %arg18[%dma_start3A, %dma_start3A_209] : memref<2608x128xf32, #tpu.memory_space<vmem_shared>> -> memref<2608x128xf32, #tpu.memory_space<vmem_shared>>
        tpu.enqueue_indirect_dma source(%arg16 : memref<80x128xf32, #tpu.memory_space<vmem>>) target(%dma_start3A_210 : memref<2608x128xf32, #tpu.memory_space<vmem_shared>>) offsets(%arg13 : memref<80xi32, #tpu.memory_space<vmem>>) semaphore(%run_scoped3A_208 : memref<!tpu.dma_semaphore, #tpu.memory_space<semaphore_mem>>) {add = true}
        %dma_wait3A = arith.constant 0 : i32
        %dma_wait3A_211 = arith.constant 0 : i32
        %dma_wait3A_212 = tpu.memref_slice %arg18[%dma_wait3A, %dma_wait3A_211] : memref<2608x128xf32, #tpu.memory_space<vmem_shared>> -> memref<2608x128xf32, #tpu.memory_space<vmem_shared>>
        tpu.wait_indirect_dma semaphore(%run_scoped3A_208 : memref<!tpu.dma_semaphore, #tpu.memory_space<semaphore_mem>>) src(%arg16 : memref<80x128xf32, #tpu.memory_space<vmem>>) dst(%dma_wait3A_212 : memref<2608x128xf32, #tpu.memory_space<vmem_shared>>)
        tpu.yield
      }) : () -> ()
    }
    %scan3A_47 = arith.constant 125 : i32
    %barrier3A_48 = arith.constant 0 : index
    tpu.barrier barrier_id(%barrier3A_48)
    %add3A_49 = arith.constant 0 : i32
    %add3A_50 = arith.addi %arg1, %add3A_49 : i32
    %lt3A_51 = arith.constant 12 : i32
    %lt3A_52 = arith.cmpi slt, %add3A_50, %lt3A_51 : i32
    %convert_element_type3A_53 = arith.extui %lt3A_52 : i1 to i32
    %cond3A_54 = arith.constant 0 : i32
    %cond3A_55 = arith.cmpi ne, %convert_element_type3A_53, %cond3A_54 : i32
    scf.if %cond3A_55 {
      %mul3A_57 = arith.constant 200 : i32
      %mul3A_58 = arith.muli %add3A_50, %mul3A_57 : i32
      %mul3A_59 = arith.constant 200 : i32
      %mul3A_60 = arith.muli %add3A_50, %mul3A_59 : i32
      "tpu.region"() ({
        %run_scoped3A_61 = tpu.sem_alloc : memref<!tpu.dma_semaphore, #tpu.memory_space<semaphore_mem>>
        %dma_start3A = arith.constant 0 : i32
        %dma_start3A_62 = tpu.memref_slice %arg6[%add3A_34, %dma_start3A] : memref<10000x128xf32, #tpu.memory_space<hbm>> -> memref<2400x128xf32, #tpu.memory_space<hbm>>
        %dma_start3A_63 = arith.constant 0 : i32
        %dma_start3A_64 = tpu.memref_slice %dma_start3A_62[%mul3A_60, %dma_start3A_63] : memref<2400x128xf32, #tpu.memory_space<hbm>> -> memref<200x128xf32, #tpu.memory_space<hbm>>
        %dma_start3A_65 = arith.constant 0 : i32
        %dma_start3A_66 = tpu.memref_slice %arg18[%mul3A_58, %dma_start3A_65] : memref<2608x128xf32, #tpu.memory_space<vmem_shared>> -> memref<200x128xf32, #tpu.memory_space<vmem_shared>>
        tpu.enqueue_dma source(%dma_start3A_66 : memref<200x128xf32, #tpu.memory_space<vmem_shared>>) target(%dma_start3A_64 : memref<200x128xf32, #tpu.memory_space<hbm>>) target_semaphore(%run_scoped3A_61 : memref<!tpu.dma_semaphore, #tpu.memory_space<semaphore_mem>>)
        %dma_wait3A = arith.constant 0 : i32
        %dma_wait3A_67 = tpu.memref_slice %arg6[%add3A_34, %dma_wait3A] : memref<10000x128xf32, #tpu.memory_space<hbm>> -> memref<2400x128xf32, #tpu.memory_space<hbm>>
        %dma_wait3A_68 = arith.constant 0 : i32
        %dma_wait3A_69 = tpu.memref_slice %dma_wait3A_67[%mul3A_60, %dma_wait3A_68] : memref<2400x128xf32, #tpu.memory_space<hbm>> -> memref<200x128xf32, #tpu.memory_space<hbm>>
        %dma_wait3A_70 = arith.constant 0 : i32
        %dma_wait3A_71 = tpu.memref_slice %arg18[%mul3A_58, %dma_wait3A_70] : memref<2608x128xf32, #tpu.memory_space<vmem_shared>> -> memref<200x128xf32, #tpu.memory_space<vmem_shared>>
        tpu.wait_dma2 semaphore(%run_scoped3A_61 : memref<!tpu.dma_semaphore, #tpu.memory_space<semaphore_mem>>) src(%dma_wait3A_71 : memref<200x128xf32, #tpu.memory_space<vmem_shared>>) dst(%dma_wait3A_69 : memref<200x128xf32, #tpu.memory_space<hbm>>)
        tpu.yield
      }) : () -> ()
    } else {
    }
    %barrier3A_56 = arith.constant 0 : index
    tpu.barrier barrier_id(%barrier3A_56)
    return
  }
}

module attributes {stable_mosaic.version = 14 : i64} {
  func.func @_lin1_body(%arg0: i32, %arg1: i32, %arg2: memref<1000x128xf32, #tpu.memory_space<vmem>>, %arg3: memref<128x128xf32, #tpu.memory_space<vmem>>, %arg4: memref<128x128xf32, #tpu.memory_space<vmem>>, %arg5: memref<1000x128xf32, #tpu.memory_space<vmem>>, %arg6: memref<1000x128xf32, #tpu.memory_space<vmem>>) attributes {dimension_semantics = [#tpu.dimension_semantics<arbitrary>, #tpu.dimension_semantics<arbitrary>], iteration_bounds = array<i64: 10, 2>, scalar_prefetch = 0 : i64, scratch_operands = 0 : i64, tpu.core_type = #tpu.core_type<tc>, window_params = [{transform_indices = @transform_0, window_bounds = array<i64: 1000, 128>}, {transform_indices = @transform_1, window_bounds = array<i64: 128, 128>}, {transform_indices = @transform_2, window_bounds = array<i64: 128, 128>}, {transform_indices = @transform_3, window_bounds = array<i64: 1000, 128>}, {transform_indices = @transform_4, window_bounds = array<i64: 1000, 128>}]} {
    %get3A = arith.constant 0 : index
    %get3A_0 = arith.constant 0 : index
    %get3A_1 = vector.load %arg2[%get3A, %get3A_0] : memref<1000x128xf32, #tpu.memory_space<vmem>>, vector<1000x128xf32>
    %get3A_2 = arith.constant 0 : index
    %get3A_3 = arith.constant 0 : index
    %get3A_4 = vector.load %arg3[%get3A_2, %get3A_3] : memref<128x128xf32, #tpu.memory_space<vmem>>, vector<128x128xf32>
    %dot_general3A = arith.constant dense<0.000000e+00> : vector<1000x128xf32>
    %dot_general3A_5 = tpu.matmul %get3A_1, %get3A_4, %dot_general3A {dimension_numbers = #tpu.dot_dimension_numbers<[1], [0], [0], [1], [0, 0, 1, 1], [], []>, precision = #tpu.contract_precision<fp32>, transpose_lhs_hint = false} : vector<1000x128xf32>, vector<128x128xf32>, vector<1000x128xf32> -> vector<1000x128xf32>
    %swap3A = arith.constant 0 : index
    %swap3A_6 = arith.constant 0 : index
    %swap3A_7 = vector.load %arg5[%swap3A, %swap3A_6] : memref<1000x128xf32, #tpu.memory_space<vmem>>, vector<1000x128xf32>
    tpu.vector_store %arg5[%swap3A, %swap3A_6], %dot_general3A_5 {strides = array<i32>} : memref<1000x128xf32, #tpu.memory_space<vmem>>, vector<1000x128xf32>,
    %get3A_8 = arith.constant 0 : index
    %get3A_9 = arith.constant 0 : index
    %get3A_10 = vector.load %arg4[%get3A_8, %get3A_9] : memref<128x128xf32, #tpu.memory_space<vmem>>, vector<128x128xf32>
    %dot_general3A_11 = arith.constant dense<0.000000e+00> : vector<1000x128xf32>
    %dot_general3A_12 = tpu.matmul %get3A_1, %get3A_10, %dot_general3A_11 {dimension_numbers = #tpu.dot_dimension_numbers<[1], [0], [0], [1], [0, 0, 1, 1], [], []>, precision = #tpu.contract_precision<fp32>, transpose_lhs_hint = false} : vector<1000x128xf32>, vector<128x128xf32>, vector<1000x128xf32> -> vector<1000x128xf32>
    %swap3A_13 = arith.constant 0 : index
    %swap3A_14 = arith.constant 0 : index
    %swap3A_15 = vector.load %arg6[%swap3A_13, %swap3A_14] : memref<1000x128xf32, #tpu.memory_space<vmem>>, vector<1000x128xf32>
    tpu.vector_store %arg6[%swap3A_13, %swap3A_14], %dot_general3A_12 {strides = array<i32>} : memref<1000x128xf32, #tpu.memory_space<vmem>>, vector<1000x128xf32>,
    return
  }
  func.func @transform_0(%arg0: i32, %arg1: i32) -> (i32, i32) {
    %c0_i32 = arith.constant 0 : i32
    %c0_i32_0 = arith.constant 0 : i32
    return %arg0, %c0_i32 : i32, i32
  }
  func.func @transform_1(%arg0: i32, %arg1: i32) -> (i32, i32) {
    %c0_i32 = arith.constant 0 : i32
    %c0_i32_0 = arith.constant 0 : i32
    return %c0_i32, %arg1 : i32, i32
  }
  func.func @transform_2(%arg0: i32, %arg1: i32) -> (i32, i32) {
    %c0_i32 = arith.constant 0 : i32
    %c0_i32_0 = arith.constant 0 : i32
    return %c0_i32, %arg1 : i32, i32
  }
  func.func @transform_3(%arg0: i32, %arg1: i32) -> (i32, i32) {
    %mul3A = arith.constant 10 : i32
    %mul3A_0 = arith.muli %arg1, %mul3A : i32
    %add3A = arith.addi %mul3A_0, %arg0 : i32
    %c0_i32 = arith.constant 0 : i32
    %c0_i32_1 = arith.constant 0 : i32
    return %add3A, %c0_i32 : i32, i32
  }
  func.func @transform_4(%arg0: i32, %arg1: i32) -> (i32, i32) {
    %mul3A = arith.constant 10 : i32
    %mul3A_0 = arith.muli %arg1, %mul3A : i32
    %add3A = arith.addi %mul3A_0, %arg0 : i32
    %c0_i32 = arith.constant 0 : i32
    %c0_i32_1 = arith.constant 0 : i32
    return %add3A, %c0_i32 : i32, i32
  }
}

module attributes {stable_mosaic.version = 14 : i64} {
  func.func @_final_body(%arg0: i32, %arg1: memref<1000x128xf32, #tpu.memory_space<vmem>>, %arg2: memref<1x64xf32, #tpu.memory_space<vmem>>, %arg3: memref<1000x64xf32, #tpu.memory_space<vmem>>) attributes {dimension_semantics = [#tpu.dimension_semantics<arbitrary>], iteration_bounds = array<i64: 10>, scalar_prefetch = 0 : i64, scratch_operands = 0 : i64, tpu.core_type = #tpu.core_type<tc>, window_params = [{transform_indices = @transform_0, window_bounds = array<i64: 1000, 128>}, {pipeline_mode = #tpu.pipeline_mode<synchronous>, transform_indices = @transform_1, window_bounds = array<i64: 1, 64>}, {transform_indices = @transform_2, window_bounds = array<i64: 1000, 64>}]} {
    %get3A = arith.constant 0 : index
    %get3A_0 = arith.constant 0 : index
    %get3A_1 = vector.load %arg1[%get3A, %get3A_0] : memref<1000x128xf32, #tpu.memory_space<vmem>>, vector<1000x128xf32>
    %slice3A = vector.extract_strided_slice %get3A_1 {offsets = [0, 0], sizes = [1000, 64], strides = [1, 1]} : vector<1000x128xf32> to vector<1000x64xf32>
    %slice3A_2 = vector.extract_strided_slice %get3A_1 {offsets = [0, 64], sizes = [1000, 1], strides = [1, 1]} : vector<1000x128xf32> to vector<1000x1xf32>
    %add3A = arith.constant 1.000000e-16 : f32
    %add3A_3 = vector.broadcast %add3A : f32 to vector<1000x1xf32>
    %add3A_4 = arith.addf %slice3A_2, %add3A_3 : vector<1000x1xf32>
    %div3A = vector.broadcast %add3A_4 : vector<1000x1xf32> to vector<1000x64xf32>
    %div3A_5 = arith.divf %slice3A, %div3A : vector<1000x64xf32>
    %get3A_6 = arith.constant 0 : index
    %get3A_7 = arith.constant 0 : index
    %get3A_8 = vector.load %arg2[%get3A_6, %get3A_7] : memref<1x64xf32, #tpu.memory_space<vmem>>, vector<1x64xf32>
    %add3A_9 = vector.broadcast %get3A_8 : vector<1x64xf32> to vector<1000x64xf32>
    %add3A_10 = arith.addf %div3A_5, %add3A_9 : vector<1000x64xf32>
    %reduce_max3A = arith.constant dense<0xFF800000> : vector<1000xf32>
    %reduce_max3A_11 = vector.multi_reduction <maximumf>, %add3A_10, %reduce_max3A [1] : vector<1000x64xf32> to vector<1000xf32>
    %broadcast_in_dim3A = vector.shape_cast %reduce_max3A_11 : vector<1000xf32> to vector<1000x1xf32>
    %sub3A = vector.broadcast %broadcast_in_dim3A : vector<1000x1xf32> to vector<1000x64xf32>
    %sub3A_12 = arith.subf %add3A_10, %sub3A : vector<1000x64xf32>
    %exp3A = math.exp %sub3A_12 : vector<1000x64xf32>
    %reduce_sum3A = arith.constant dense<0.000000e+00> : vector<1000xf32>
    %reduce_sum3A_13 = vector.multi_reduction <add>, %exp3A, %reduce_sum3A [1] : vector<1000x64xf32> to vector<1000xf32>
    %broadcast_in_dim3A_14 = vector.shape_cast %reduce_sum3A_13 : vector<1000xf32> to vector<1000x1xf32>
    %log3A = math.log %broadcast_in_dim3A_14 : vector<1000x1xf32>
    %add3A_15 = arith.addf %broadcast_in_dim3A, %log3A : vector<1000x1xf32>
    %sub3A_16 = vector.broadcast %add3A_15 : vector<1000x1xf32> to vector<1000x64xf32>
    %sub3A_17 = arith.subf %add3A_10, %sub3A_16 : vector<1000x64xf32>
    %swap3A = arith.constant 0 : index
    %swap3A_18 = arith.constant 0 : index
    %swap3A_19 = vector.load %arg3[%swap3A, %swap3A_18] : memref<1000x64xf32, #tpu.memory_space<vmem>>, vector<1000x64xf32>
    tpu.vector_store %arg3[%swap3A, %swap3A_18], %sub3A_17 {strides = array<i32>} : memref<1000x64xf32, #tpu.memory_space<vmem>>, vector<1000x64xf32>,
    return
  }
  func.func @transform_0(%arg0: i32) -> (i32, i32) {
    %c0_i32 = arith.constant 0 : i32
    %c0_i32_0 = arith.constant 0 : i32
    return %arg0, %c0_i32 : i32, i32
  }
  func.func @transform_1(%arg0: i32) -> (i32, i32) {
    %c0_i32 = arith.constant 0 : i32
    %c0_i32_0 = arith.constant 0 : i32
    %c0_i32_1 = arith.constant 0 : i32
    return %c0_i32, %c0_i32_0 : i32, i32
  }
  func.func @transform_2(%arg0: i32) -> (i32, i32) {
    %c0_i32 = arith.constant 0 : i32
    %c0_i32_0 = arith.constant 0 : i32
    return %arg0, %c0_i32 : i32, i32
  }
}

module attributes {stable_mosaic.version = 14 : i64} {
  func.func @_mid_body(%arg0: i32, %arg1: memref<2x1000x128xf32, #tpu.memory_space<vmem>>, %arg2: memref<1000x2x16xf32, #tpu.memory_space<vmem>>, %arg3: memref<1x256xf32, #tpu.memory_space<vmem>>, %arg4: memref<1x256xf32, #tpu.memory_space<vmem>>, %arg5: memref<1x256xf32, #tpu.memory_space<vmem>>, %arg6: memref<1x256xf32, #tpu.memory_space<vmem>>, %arg7: memref<1x256xf32, #tpu.memory_space<vmem>>, %arg8: memref<256x64xf32, #tpu.memory_space<vmem>>, %arg9: memref<256x64xf32, #tpu.memory_space<vmem>>, %arg10: memref<1000x128xf32, #tpu.memory_space<vmem>>) attributes {dimension_semantics = [#tpu.dimension_semantics<arbitrary>], iteration_bounds = array<i64: 10>, scalar_prefetch = 0 : i64, scratch_operands = 0 : i64, tpu.core_type = #tpu.core_type<tc>, window_params = [{transform_indices = @transform_0, window_bounds = array<i64: 2, 1000, 128>}, {transform_indices = @transform_1, window_bounds = array<i64: 1000, 2, 16>}, {pipeline_mode = #tpu.pipeline_mode<synchronous>, transform_indices = @transform_2, window_bounds = array<i64: 1, 256>}, {pipeline_mode = #tpu.pipeline_mode<synchronous>, transform_indices = @transform_3, window_bounds = array<i64: 1, 256>}, {pipeline_mode = #tpu.pipeline_mode<synchronous>, transform_indices = @transform_4, window_bounds = array<i64: 1, 256>}, {pipeline_mode = #tpu.pipeline_mode<synchronous>, transform_indices = @transform_5, window_bounds = array<i64: 1, 256>}, {pipeline_mode = #tpu.pipeline_mode<synchronous>, transform_indices = @transform_6, window_bounds = array<i64: 1, 256>}, {pipeline_mode = #tpu.pipeline_mode<synchronous>, transform_indices = @transform_7, window_bounds = array<i64: 256, 64>}, {pipeline_mode = #tpu.pipeline_mode<synchronous>, transform_indices = @transform_8, window_bounds = array<i64: 256, 64>}, {transform_indices = @transform_9, window_bounds = array<i64: 1000, 128>}]} {
    %get3A = arith.constant 0 : index
    %get3A_0 = arith.constant 0 : index
    %get3A_1 = arith.constant 0 : index
    %get3A_2 = vector.load %arg2[%get3A, %get3A_0, %get3A_1] : memref<1000x2x16xf32, #tpu.memory_space<vmem>>, vector<1000x2x16xf32>
    %reduce_sum3A = arith.constant dense<0.000000e+00> : vector<1000x2xf32>
    %reduce_sum3A_3 = vector.multi_reduction <add>, %get3A_2, %reduce_sum3A [2] : vector<1000x2x16xf32> to vector<1000x2xf32>
    %get3A_4 = arith.constant 0 : index
    %get3A_5 = arith.constant 0 : index
    %get3A_6 = arith.constant 0 : index
    %get3A_7 = vector.load %arg1[%get3A_4, %get3A_5, %get3A_6] : memref<2x1000x128xf32, #tpu.memory_space<vmem>>, vector<1x1000x128xf32>
    %get3A_8 = vector.shape_cast %get3A_7 : vector<1x1000x128xf32> to vector<1000x128xf32>
    %slice3A = vector.extract_strided_slice %reduce_sum3A_3 {offsets = [0, 0], sizes = [1000, 1], strides = [1, 1]} : vector<1000x2xf32> to vector<1000x1xf32>
    %add3A = arith.constant 1.000000e-16 : f32
    %add3A_9 = vector.broadcast %add3A : f32 to vector<1000x1xf32>
    %add3A_10 = arith.addf %slice3A, %add3A_9 : vector<1000x1xf32>
    %div3A = vector.broadcast %add3A_10 : vector<1000x1xf32> to vector<1000x128xf32>
    %div3A_11 = arith.divf %get3A_8, %div3A : vector<1000x128xf32>
    %get3A_12 = arith.constant 1 : index
    %get3A_13 = arith.constant 0 : index
    %get3A_14 = arith.constant 0 : index
    %get3A_15 = vector.load %arg1[%get3A_12, %get3A_13, %get3A_14] : memref<2x1000x128xf32, #tpu.memory_space<vmem>>, vector<1x1000x128xf32>
    %get3A_16 = vector.shape_cast %get3A_15 : vector<1x1000x128xf32> to vector<1000x128xf32>
    %slice3A_17 = vector.extract_strided_slice %reduce_sum3A_3 {offsets = [0, 1], sizes = [1000, 1], strides = [1, 1]} : vector<1000x2xf32> to vector<1000x1xf32>
    %add3A_18 = arith.constant 1.000000e-16 : f32
    %add3A_19 = vector.broadcast %add3A_18 : f32 to vector<1000x1xf32>
    %add3A_20 = arith.addf %slice3A_17, %add3A_19 : vector<1000x1xf32>
    %div3A_21 = vector.broadcast %add3A_20 : vector<1000x1xf32> to vector<1000x128xf32>
    %div3A_22 = arith.divf %get3A_16, %div3A_21 : vector<1000x128xf32>
    %concatenate3A = tpu.concatenate %div3A_11, %div3A_22 in 1 : vector<1000x128xf32>, vector<1000x128xf32> -> vector<1000x256xf32>
    %get3A_23 = arith.constant 0 : index
    %get3A_24 = arith.constant 0 : index
    %get3A_25 = vector.load %arg3[%get3A_23, %get3A_24] : memref<1x256xf32, #tpu.memory_space<vmem>>, vector<1x256xf32>
    %add3A_26 = vector.broadcast %get3A_25 : vector<1x256xf32> to vector<1000x256xf32>
    %add3A_27 = arith.addf %concatenate3A, %add3A_26 : vector<1000x256xf32>
    %get3A_28 = arith.constant 0 : index
    %get3A_29 = arith.constant 0 : index
    %get3A_30 = vector.load %arg4[%get3A_28, %get3A_29] : memref<1x256xf32, #tpu.memory_space<vmem>>, vector<1x256xf32>
    %get3A_31 = arith.constant 0 : index
    %get3A_32 = arith.constant 0 : index
    %get3A_33 = vector.load %arg7[%get3A_31, %get3A_32] : memref<1x256xf32, #tpu.memory_space<vmem>>, vector<1x256xf32>
    %add3A_34 = arith.constant 9.99999974E-6 : f32
    %add3A_35 = vector.broadcast %add3A_34 : f32 to vector<1x256xf32>
    %add3A_36 = arith.addf %get3A_33, %add3A_35 : vector<1x256xf32>
    %sqrt3A = math.sqrt %add3A_36 : vector<1x256xf32>
    %div3A_37 = arith.divf %get3A_30, %sqrt3A : vector<1x256xf32>
    %get3A_38 = arith.constant 0 : index
    %get3A_39 = arith.constant 0 : index
    %get3A_40 = vector.load %arg6[%get3A_38, %get3A_39] : memref<1x256xf32, #tpu.memory_space<vmem>>, vector<1x256xf32>
    %sub3A = vector.broadcast %get3A_40 : vector<1x256xf32> to vector<1000x256xf32>
    %sub3A_41 = arith.subf %add3A_27, %sub3A : vector<1000x256xf32>
    %mul3A = vector.broadcast %div3A_37 : vector<1x256xf32> to vector<1000x256xf32>
    %mul3A_42 = arith.mulf %sub3A_41, %mul3A : vector<1000x256xf32>
    %get3A_43 = arith.constant 0 : index
    %get3A_44 = arith.constant 0 : index
    %get3A_45 = vector.load %arg5[%get3A_43, %get3A_44] : memref<1x256xf32, #tpu.memory_space<vmem>>, vector<1x256xf32>
    %add3A_46 = vector.broadcast %get3A_45 : vector<1x256xf32> to vector<1000x256xf32>
    %add3A_47 = arith.addf %mul3A_42, %add3A_46 : vector<1000x256xf32>
    %max3A = arith.constant 0.000000e+00 : f32
    %max3A_48 = vector.broadcast %max3A : f32 to vector<1000x256xf32>
    %max3A_49 = arith.maximumf %add3A_47, %max3A_48 : vector<1000x256xf32>
    %get3A_50 = arith.constant 0 : index
    %get3A_51 = arith.constant 0 : index
    %get3A_52 = vector.load %arg8[%get3A_50, %get3A_51] : memref<256x64xf32, #tpu.memory_space<vmem>>, vector<256x64xf32>
    %dot_general3A = arith.constant dense<0.000000e+00> : vector<1000x64xf32>
    %dot_general3A_53 = tpu.matmul %max3A_49, %get3A_52, %dot_general3A {dimension_numbers = #tpu.dot_dimension_numbers<[1], [0], [0], [1], [0, 0, 1, 1], [], []>, precision = #tpu.contract_precision<fp32>, transpose_lhs_hint = false} : vector<1000x256xf32>, vector<256x64xf32>, vector<1000x64xf32> -> vector<1000x64xf32>
    %get3A_54 = arith.constant 0 : index
    %get3A_55 = arith.constant 0 : index
    %get3A_56 = vector.load %arg9[%get3A_54, %get3A_55] : memref<256x64xf32, #tpu.memory_space<vmem>>, vector<256x64xf32>
    %dot_general3A_57 = arith.constant dense<0.000000e+00> : vector<1000x64xf32>
    %dot_general3A_58 = tpu.matmul %max3A_49, %get3A_56, %dot_general3A_57 {dimension_numbers = #tpu.dot_dimension_numbers<[1], [0], [0], [1], [0, 0, 1, 1], [], []>, precision = #tpu.contract_precision<fp32>, transpose_lhs_hint = false} : vector<1000x256xf32>, vector<256x64xf32>, vector<1000x64xf32> -> vector<1000x64xf32>
    %concatenate3A_59 = tpu.concatenate %dot_general3A_53, %dot_general3A_58 in 1 : vector<1000x64xf32>, vector<1000x64xf32> -> vector<1000x128xf32>
    %swap3A = arith.constant 0 : index
    %swap3A_60 = arith.constant 0 : index
    %swap3A_61 = vector.load %arg10[%swap3A, %swap3A_60] : memref<1000x128xf32, #tpu.memory_space<vmem>>, vector<1000x128xf32>
    tpu.vector_store %arg10[%swap3A, %swap3A_60], %concatenate3A_59 {strides = array<i32>} : memref<1000x128xf32, #tpu.memory_space<vmem>>, vector<1000x128xf32>,
    return
  }
  func.func @transform_0(%arg0: i32) -> (i32, i32, i32) {
    %c0_i32 = arith.constant 0 : i32
    %c0_i32_0 = arith.constant 0 : i32
    %c0_i32_1 = arith.constant 0 : i32
    return %c0_i32, %arg0, %c0_i32_0 : i32, i32, i32
  }
  func.func @transform_1(%arg0: i32) -> (i32, i32, i32) {
    %c0_i32 = arith.constant 0 : i32
    %c0_i32_0 = arith.constant 0 : i32
    %c0_i32_1 = arith.constant 0 : i32
    return %arg0, %c0_i32, %c0_i32_0 : i32, i32, i32
  }
  func.func @transform_2(%arg0: i32) -> (i32, i32) {
    %c0_i32 = arith.constant 0 : i32
    %c0_i32_0 = arith.constant 0 : i32
    %c0_i32_1 = arith.constant 0 : i32
    return %c0_i32, %c0_i32_0 : i32, i32
  }
  func.func @transform_3(%arg0: i32) -> (i32, i32) {
    %c0_i32 = arith.constant 0 : i32
    %c0_i32_0 = arith.constant 0 : i32
    %c0_i32_1 = arith.constant 0 : i32
    return %c0_i32, %c0_i32_0 : i32, i32
  }
  func.func @transform_4(%arg0: i32) -> (i32, i32) {
    %c0_i32 = arith.constant 0 : i32
    %c0_i32_0 = arith.constant 0 : i32
    %c0_i32_1 = arith.constant 0 : i32
    return %c0_i32, %c0_i32_0 : i32, i32
  }
  func.func @transform_5(%arg0: i32) -> (i32, i32) {
    %c0_i32 = arith.constant 0 : i32
    %c0_i32_0 = arith.constant 0 : i32
    %c0_i32_1 = arith.constant 0 : i32
    return %c0_i32, %c0_i32_0 : i32, i32
  }
  func.func @transform_6(%arg0: i32) -> (i32, i32) {
    %c0_i32 = arith.constant 0 : i32
    %c0_i32_0 = arith.constant 0 : i32
    %c0_i32_1 = arith.constant 0 : i32
    return %c0_i32, %c0_i32_0 : i32, i32
  }
  func.func @transform_7(%arg0: i32) -> (i32, i32) {
    %c0_i32 = arith.constant 0 : i32
    %c0_i32_0 = arith.constant 0 : i32
    %c0_i32_1 = arith.constant 0 : i32
    return %c0_i32, %c0_i32_0 : i32, i32
  }
  func.func @transform_8(%arg0: i32) -> (i32, i32) {
    %c0_i32 = arith.constant 0 : i32
    %c0_i32_0 = arith.constant 0 : i32
    %c0_i32_1 = arith.constant 0 : i32
    return %c0_i32, %c0_i32_0 : i32, i32
  }
  func.func @transform_9(%arg0: i32) -> (i32, i32) {
    %c0_i32 = arith.constant 0 : i32
    %c0_i32_0 = arith.constant 0 : i32
    return %arg0, %c0_i32 : i32, i32
  }
}

</mosaic_0001>

<sc_bundles>
// kernel: kernel.10.cloned.1.call-start
scs
__scs_entry_jumppad:
0x0: {  	(pc) =	sbr.rel $0x88, $3  }
0x1: {  	(tag) =	ssettag $0x0;
	lr =	simm.s32 $0x1  }
0x2: {  	[smem:$0x3F93] =	sst lr;
	_ =	strace $0xD0000000  }
0x3: {  	_ = 	snop  }
0x4: {  	_ = 	snop  }
0x5: {  	_ = 	snop  }
0x6: {  	_ = 	snop  }
0x7: {  	_ = 	snop  }
__scs_overlays_trampoline_lowered:
0x8: {  	[smem:$0x3FA2] =	sst s0  }
0x9: {  	[smem:$0x3FA3] =	sst s1  }
0xa: {  	[smem:$0x3FA4] =	sst s2  }
0xb: {  	[smem:$0x3FA5] =	sst s3  }
0xc: {  	[smem:$0x3FA6] =	sst s4  }
0xd: {  	[smem:$0x3FA7] =	sst s5  }
0xe: {  	[smem:$0x3FA8] =	sst s6  }
0xf: {  	[smem:$0x3FA9] =	sst s7  }
0x10: {  	[smem:$0x3FAA] =	sst s8  }
0x11: {  	[smem:$0x3FAB] =	sst s9;
	s0 =	simm.s32 @!p0 $0x0  }
0x12: {  	s1 =	sld [smem:$0x3F91];
	s0 =	simm.s32 @p0 $0x1  }
0x13: {  	[smem:$0x3FAC] =	sst s0;
	s0 =	simm.s32 @!p1 $0x0  }
0x14: {  	s2 =	sld [smem:$0x3F90];
	s0 =	simm.s32 @p1 $0x1  }
0x15: {  	[smem:$0x3FAD] =	sst s0;
	s0 =	simm.s32 @!p2 $0x0  }
0x16: {  	s3 =	sld [smem:$0x3FDB];
	s0 =	simm.s32 @p2 $0x1  }
0x17: {  	s4 =	simm.s32 $0x1BF5;
	[smem:$0x3FAF] =	sst s0  }
0x18: {  	s0 =	sld [smem:$0x3F92];
	_ =	swait.ge [sflag:s4], $0x0  }
0x19: {  	s7 =	sld [smem:$0x3F93]  }
0x1a: {  	s8 =	sadd.s32 $0xFFFFE003, lr  }
0x1b: {  	s9 =	sadd.s32 $0xFFFFFEF7, lr;
	s5 =	simm.s32 $0xFFFFFFFF;
	p2 =	slt.u32 s8, $0xFFFFF086  }
0x1c: {  	p1 =	slt.u32 s9, $0xF7A;
	s5 =	simm.s32 @!p2 $0x0  }
0x1d: {  	s5 =	simm.s32 @p1 $0x1;
	p0 =	seq.s32 s7, s2  }
0x1e: {  	s7 =	smul.u32 @!p0 $0xF7A, s2;
	p2 =	seq.s32 @!p0 s5, $0x0  }
0x1f: {  	s9 =	smul.u32 $0xF7A, s1;
	s8 =	simm.s32 @!p0 $0x1BF5;
	p2 =	por !p2, p0  }
0x20: {  	[sflag:s8] =	ssyncset.s32 @!p0 $0xFFFFF086;
	s6 =	sadd.s32 @!p0 s3, s7;
	s7 =	simm.s32 @!p0 $0x108  }
0x21: {  	s3 =	sadd.s32 s3, s9;
	s6 =	sadd.s32 @!p0 $0x88, s6;
	s7 =	simm.s32 @p2 $0x1082  }
0x22: {  	[simem:s7], [sflag:s8] =	dma.local @!p0 [hbm:s6], $0xF7A  }
0x23: {  	s9 =	sor.u32 $0xD0000000, s2;
	s6 =	simm.s32 $0x108;
	_ =	swait.ge @!p0 [sflag:s8], $0x0  }
0x24: {  	s3 =	sadd.s32 $0x88, s3;
	s6 =	simm.s32 @!p1 $0x1082;
	[sflag:s4] =	ssyncset.s32 $0xFFFFF086  }
0x25: {  	[simem:s6], [sflag:s4] =	dma.local [hbm:s3], $0xF7A  }
0x26: {  	[smem:$0x3F93] =	sst s1;
	(tag) =	ssettag s2;
	_ =	strace s9  }
0x27: {  	s1 =	sld [smem:$0x3FA3]  }
0x28: {  	s2 =	sld [smem:$0x3FA4]  }
0x29: {  	s4 =	sld [smem:$0x3FA6]  }
0x2a: {  	p0 =	seq.s32 s5, $0x0;
	s5 =	sld [smem:$0x3FA7]  }
0x2b: {  	s6 =	sld [smem:$0x3FA8]  }
0x2c: {  	s7 =	sld [smem:$0x3FA9]  }
0x2d: {  	s3 =	simm.s32 $0x108;
	s8 =	sld [smem:$0x3FAA]  }
0x2e: {  	s3 =	simm.s32 @!p0 $0x1082;
	s9 =	sld [smem:$0x3FAB]  }
0x2f: {  	lr =	sadd.s32 s0, s3;
	s0 =	sld [smem:$0x3FA2]  }
0x30: {  	s3 =	sld [smem:$0x3FA5]  }
0x31: {  	[smem:$0x3FAE] =	sst s10  }
0x32: {  	s10 =	sld [smem:$0x3FAC];
	_ =	sdelay $0x3  }
0x33: {  	p0 =	seq.s32 s10, $0x1;
	s10 =	sld [smem:$0x3FAE];
	_ =	sdelay $0x3  }
0x34: {  	[smem:$0x3FAE] =	sst s10  }
0x35: {  	s10 =	sld [smem:$0x3FAD];
	_ =	sdelay $0x3  }
0x36: {  	p1 =	seq.s32 s10, $0x1;
	s10 =	sld [smem:$0x3FAE];
	_ =	sdelay $0x3  }
0x37: {  	[smem:$0x3FAE] =	sst s10  }
0x38: {  	s10 =	sld [smem:$0x3FAF]  }
0x39: {  	_ = 	snop;
	(pc) =	sbr.ind lr, $3  }
0x3a: {  	_ = 	snop  }
0x3b: {  	_ = 	snop  }
0x3c: {  	p2 =	seq.s32 s10, $0x1;
	s10 =	sld [smem:$0x3FAE]  }
0x3d: {  	_ =	shalt  }
0x3e: {  	_ =	shalt  }
0x3f: {  	_ =	shalt  }
0x40: {  	_ =	shalt  }
0x41: {  	_ =	shalt  }
0x42: {  	_ =	shalt  }
0x43: {  	_ =	shalt  }
0x44: {  	_ =	shalt  }
0x45: {  	_ =	shalt  }
0x46: {  	_ =	shalt  }
0x47: {  	_ =	shalt  }
0x48: {  	_ =	shalt  }
0x49: {  	_ =	shalt  }
0x4a: {  	_ =	shalt  }
0x4b: {  	_ =	shalt  }
0x4c: {  	_ =	shalt  }
0x4d: {  	_ =	shalt  }
0x4e: {  	_ =	shalt  }
0x4f: {  	_ =	shalt  }
0x50: {  	_ =	shalt  }
0x51: {  	_ =	shalt  }
0x52: {  	_ =	shalt  }
0x53: {  	_ =	shalt  }
0x54: {  	_ =	shalt  }
0x55: {  	_ =	shalt  }
0x56: {  	_ =	shalt  }
0x57: {  	_ =	shalt  }
0x58: {  	_ =	shalt  }
0x59: {  	_ =	shalt  }
0x5a: {  	_ =	shalt  }
0x5b: {  	_ =	shalt  }
0x5c: {  	_ =	shalt  }
0x5d: {  	_ =	shalt  }
0x5e: {  	_ =	shalt  }
0x5f: {  	_ =	shalt  }
0x60: {  	_ =	shalt  }
0x61: {  	_ =	shalt  }
0x62: {  	_ =	shalt  }
0x63: {  	_ =	shalt  }
0x64: {  	_ =	shalt  }
0x65: {  	_ =	shalt  }
0x66: {  	_ =	shalt  }
0x67: {  	_ =	shalt  }
0x68: {  	_ =	shalt  }
0x69: {  	_ =	shalt  }
0x6a: {  	_ =	shalt  }
0x6b: {  	_ =	shalt  }
0x6c: {  	_ =	shalt  }
0x6d: {  	_ =	shalt  }
0x6e: {  	_ =	shalt  }
0x6f: {  	_ =	shalt  }
0x70: {  	_ =	shalt  }
0x71: {  	_ =	shalt  }
0x72: {  	_ =	shalt  }
0x73: {  	_ =	shalt  }
0x74: {  	_ =	shalt  }
0x75: {  	_ =	shalt  }
0x76: {  	_ =	shalt  }
0x77: {  	_ =	shalt  }
0x78: {  	_ =	shalt  }
0x79: {  	_ =	shalt  }
0x7a: {  	_ =	shalt  }
0x7b: {  	_ =	shalt  }
0x7c: {  	_ =	shalt  }
0x7d: {  	_ =	shalt  }
0x7e: {  	_ =	shalt  }
0x7f: {  	_ =	shalt  }
0x80: {  	_ =	shalt  }
0x81: {  	_ =	shalt  }
0x82: {  	_ =	shalt  }
0x83: {  	_ =	shalt  }
0x84: {  	_ =	shalt  }
0x85: {  	_ =	shalt  }
0x86: {  	_ =	shalt  }
0x87: {  	_ =	shalt  }
.Lfunc_end0:
.L_simem_size_0:
called_computation.1_lowered:
.L_overlay_start_0:
0x88: {  	s2 =	sld [smem:$0x3FD9]  }
0x89: {  	s3 =	sld [smem:$0x3FFE];
	_ =	sdelay $0x1  }
0x8a: {  	s1 =	srdreg.scid  }
0x8b: {  	s0 =	sand.u32 $0x1, s1  }
0x8c: {  	s17 =	sshll.u32 s0, $0xA;
	s2 =	sadd.s32 s3, s2  }
0x8d: {  	s2 =	sadd.s32 s2, s17  }
0x8e: {  	[smem:$0x3FBA] =	sst s2  }
0x8f: {  	_ = 	snop  }
0x90: {  	s2 =	sld [smem:$0x3FBD];
	(tm) =	ssettm $0x1  }
0x91: {  	s18 =	sld [smem:$0x3FFB];
	_ =	sdelay $0x3  }
0x92: {  	_ =	strace s18  }
0x93: {  	s3 =	sld [smem:$0x3FFC];
	_ =	sdelay $0x3  }
0x94: {  	_ =	strace s3  }
0x95: {  	s3 =	sld [smem:$0x3FFD];
	_ =	sdelay $0x3  }
0x96: {  	_ =	strace s3  }
0x97: {  	_ =	strace $0x8FFFFFFF  }
0x98: {  	s19 =	sld [smem:$0x3FDB];
	_ =	sdelay $0x1  }
0x99: {  	s4 =	simm.s32 $_scs_section_size  }
0x9a: {  	s5 =	simm.s32 $_size__tile_overlayer_lowered;
	s6 =	simm.s32 $_tile_overlayer_lowered  }
0x9b: {  	s22 =	simm.s32 $0x1BFF;
	s21 =	sshll.u32 s6, $0x1;
	s3 =	sadd.s32 s4, s19  }
0x9c: {  	s7 =	simm.s32 $0x0;
	s20 =	sshll.u32 s5, $0x1;
	s5 =	sadd.s32 s21, s3  }
0x9d: {  	[timem:s7], [sflag:s22] =	dma.local [hbm:s5], s20  }
0x9e: {  	_ =	swait.ge [sflag:s22], s20  }
0x9f: {  	s4 =	ssub.s32 $0x0, s20;
	[sflag:s22] =	ssyncset.done $0x0  }
0xa0: {  	[sflag:s22] =	ssyncadd.s32 s4;
	_ =	sdelay $0x1  }
0xa1: {  	s23 =	simm.s32 $0x1B8B  }
0xa2: {  	_ =	swait.ge [sflag:s23], $0x1  }
0xa3: {  	[sflag:s23] =	ssyncset.done $0x0  }
0xa4: {  	s25 =	simm.s32 $0x1B8E;
	s24 =	sld [smem:$0x3FFE];
	[sflag:s23] =	ssyncadd.s32 $0xFFFFFFFF  }
0xa5: {  	s26 =	simm.s32 $execute0_lowered;
	[smem:$0x3FD2] =	sst s25  }
0xa6: {  	s5 =	sshll.u32 s26, $0x1;
	_ =	strace $0x80000049;
	[dreg:$0x1] =	wrdreg $0xFFFFFFFF  }
0xa7: {  	s28 =	simm.s32 $_size_execute0_lowered;
	s3 =	sadd.s32 s3, s5;
	[dreg:$0x0] =	wrdreg $0x0  }
0xa8: {  	s5 =	sshll.u32 s28, $0x1;
	[dreg:$0x2] =	wrdreg s3  }
0xa9: {  	[dreg:$0x3] =	wrdreg s5  }
0xaa: {  	[dreg:$0x4] =	wrdreg $0xC0  }
0xab: {  	_ =	task [dreg:s7], $0x5FFFF  }
0xac: {  	[dreg:$0x1] =	wrdreg $0xFFFFFFFF  }
0xad: {  	[dreg:$0x0] =	wrdreg $0x60  }
0xae: {  	[dreg:$0x2] =	wrdreg s24  }
0xaf: {  	[dreg:$0x3] =	wrdreg s2  }
0xb0: {  	[dreg:$0x4] =	wrdreg $0x154800  }
0xb1: {  	[dreg:$0x5] =	wrdreg $0x9  }
0xb2: {  	_ =	task.clear_ibuf [dreg:s7], $0x6FFFF;
	_ =	strace $0x90000049  }
0xb3: {  	s29 =	simm.s32 $0x9;
	_ =	strace $0x8000004B  }
0xb4: {  	_ =	swait.ge [sflag:s29], $0x1  }
0xb5: {  	[sflag:s29] =	ssyncadd.s32 $0xFFFFFFFF  }
0xb6: {  	_ =	strace $0x9000004B  }
0xb7: {  	_ =	sfence  }
0xb8: {  	s30 =	sld [smem:$0x0];
	_ =	sdelay $0x2  }
0xb9: {  	s31 =	sshll.u32 s1, $0xD;
	s1 =	sshrl.u32 s1, $0x2  }
0xba: {  	s3 =	sand.u32 $0x4000, s31;
	s1 =	sadd.s32 s1, s30  }
0xbb: {  	s0 =	sor.u32 s3, s0;
	s1 =	sshll.u32 s1, $0x11  }
0xbc: {  	s0 =	sor.u32 s1, s0  }
0xbd: {  	s0 =	sadd.s32 $0x8F2B, s0  }
0xbe: {  	[sflag:s0] =	ssyncadd.remote.s32 $0x1  }
0xbf: {  	_ =	sfence.sel $0xFFFF  }
0xc0: {  	[dreg:$0x0] =	wrdreg $0xFFFFFFFF;
	(pc) =	sbr.abs _section_cstart, $3  }
0xc1: {  	[dreg:$0x1] =	wrdreg $0xFFFFFFFF  }
0xc2: {  	_ =	task.clear_ibuf [dreg:s7], $0x2FFFF;
	_ =	strace $0x9FFFFFFF  }
0xc3: {  	(tm) =	ssettm $0x7FFFFFFF  }
tec
execute0_lowered:
.L_overlay_start_1:
0x0: {  	(tag) =	ssettag $0x1  }
0x1: {  	s0 =	rddreg [dreg:$0x0]  }
0x2: {  	s3 =	rddreg [dreg:$0x2]  }
0x3: {  	s4 =	simm.s32 $0x0;
	s2 =	stileid.u32;
	s6 =	srdreg.scid  }
0x4: {  	s12 =	simm.s32 $0x1;
	s15 =	simm.s32 $0xF080;
	s16 =	simm.s32 $0xC880  }
0x5: {  	s18 =	simm.s32 $0x7700;
	s19 =	simm.s32 $0x7880;
	s20 =	simm.s32 $0x7780  }
0x6: {  	s21 =	simm.s32 $0xA080;
	s22 =	simm.s32 $0x7800;
	s24 =	simm.s32 $0x0  }
0x7: {  	[smem:$0x7FF] =	sst s4;
	s1 =	smul.u32 $0x4E2, s2;
	s5 =	sadd.s32 $0xC400, s0  }
0x8: {  	s7 =	sand.u32 $0x1, s6;
	s9 =	smul.u32 $0x19000, s2;
	p0 =	sgt.u32 s2, $0xC  }
0x9: {  	p1 =	slt.u32 s2, $0xD;
	_ =	strace $0x8000004A;
	s13 =	smul.u32 $0x1388, s7  }
0xa: {  	v0 =	vlaneseq.u32;
	s6 =	ssub.s32 $0x2, s7;
	s10 =	smul.u32 $0x13880, s7;
	p3 =	seq.s32 @p1 s2, $0xC  }
0xb: {  	v1 =	vmul.u32 $0x80, v0;
	s1 =	sadd.s32 s1, s0;
	s0 =	sadd.s32 $0x33600, s0;
	s8 =	sshrl.u32 s6, $0x1  }
0xc: {  	s30 =	sshrl.u32 s9, $0x2;
	s9 =	smul.u32 $0xC80, s2;
	p2 =	por p3, !p1  }
0xd: {  	v4 =	vimm.f32 $0.0e+00;
	v5 =	vor.u32 $0x40, v1;
	v6 =	vor.u32 $0x800, v1;
	p3 =	por !p3, !p1;
	s11 =	ssub.s32 s6, s8;
	s6 =	sadd.s32 $0x7400, s1  }
0xe: {  	v7 =	vor.u32 $0x840, v1;
	v8 =	vor.u32 $0x1000, v1;
	v9 =	vor.u32 $0x1040, v1;
	s7 =	sadd.s32 $0x2400, s1;
	s17 =	sadd.s32 $0xA28, s13;
	s8 =	sadd.s32 s30, s3  }
0xf: {  	v10 =	vor.u32 $0x1800, v1;
	v11 =	vor.u32 $0x1840, v1;
	v12 =	vor.u32 $0x2000, v1;
	s1 =	sadd.s32 s0, s10;
	s31 =	sshll.u32 s17, $0x4;
	s11 =	smax.u32 s11, $0x1  }
0x10: {  	v13 =	vor.u32 $0x2040, v1;
	v2 =	vmov s13;
	v3 =	vmov s17;
	s17 =	simm.s32 $0x50;
	s23 =	sadd.s32 @p1 s9, s1;
	s10 =	sadd.s32 s0, s31  }
.LBB2_1:
0x11: {  	s0 =	rddreg [dreg:$0x1]  }
0x12: {  	[tilespmem:s4], [sflag:$0x1] =	stream.linear.gather [hbm4b:s0+s4], $0x80, $0x38;
	[tilespmem:$0x1A600] =	vst v63  }
0x13: {  	s29 =	simm.s32 $0x0;
	_ =	swait.ge [sflag:s12], $0x80  }
0x14: {  	s31 =	simm.s32 $0x80;
	v14 =	vmov s29;
	[sflag:s12] =	ssyncset.done $0x0  }
0x15: {  	s1 =	simm.s32 $0x80;
	v20 =	vor.u32 s29, v0;
	v27 =	vmov s31;
	v15 =	vor.u32 $0x10, v14;
	[sflag:s12] =	ssyncadd.s32 $0xFFFFFF80  }
0x16: {  	v16 =	vor.u32 $0x20, v14;
	v17 =	vor.u32 $0x60, v14;
	v18 =	vor.u32 $0x30, v14;
	[tilespmem:s1], [sflag:$0x1] =	stream.linear.gather [hbm4b:s6+s4], $0x2710, $0x38;
	[tilespmem:$0x1A600] =	vst v63  }
0x17: {  	v19 =	vor.u32 $0x40, v14;
	v28 =	vor.u32 $0x60, v27;
	v15 =	vbroadcast v15, $0x0;
	_ =	swait.ge [sflag:s12], $0x2710  }
0x18: {  	v23 =	vor.u32 $0x30, v27;
	v16 =	vbroadcast v16, $0x0;
	v18 =	vbroadcast v18, $0x0;
	[sflag:s12] =	ssyncset.done $0x0  }
0x19: {  	s30 =	simm.s32 $0x2800;
	v17 =	vbroadcast v17, $0x0;
	v22 =	vor.u32 v0, v15;
	v15 =	vbroadcast v19, $0x0;
	[sflag:s12] =	ssyncadd.s32 $0xFFFFD8F0  }
0x1a: {  	v19 =	vor.u32 $0x50, v14;
	v26 =	vor.u32 v0, v18;
	v14 =	vor.u32 $0x70, v14;
	[tilespmem:s30], [sflag:$0x1] =	stream.linear.gather [hbm4b:s7+s4], $0x2710, $0x38;
	[tilespmem:$0x1A600] =	vst v63  }
0x1b: {  	v24 =	vor.u32 v0, v16;
	v18 =	vor.u32 $0x20, v27;
	v19 =	vbroadcast v19, $0x0;
	_ =	swait.ge [sflag:s12], $0x2710  }
0x1c: {  	v25 =	vbroadcast v14, $0x0;
	v14 =	vor.u32 v0, v17;
	v17 =	vor.u32 $0x10, v27;
	[sflag:s12] =	ssyncset.done $0x0  }
0x1d: {  	v15 =	vor.u32 v0, v15;
	v16 =	vor.u32 v0, v19;
	v19 =	vbroadcast v17, $0x0;
	[sflag:s12] =	ssyncadd.s32 $0xFFFFD8F0  }
0x1e: {  	v29 =	vor.u32 $0x40, v27;
	v30 =	vbroadcast v23, $0x0;
	v21 =	vbroadcast v18, $0x0;
	[tilespmem:v20+s15+$0x0] =	vst.idx.msk $0xffff, v4  }
0x1f: {  	v17 =	vor.u32 s31, v0;
	v18 =	vor.u32 v0, v19;
	v19 =	vor.u32 $0x50, v27;
	[tilespmem:v22+s15+$0x0] =	vst.idx.msk $0xffff, v4  }
0x20: {  	v23 =	vbroadcast v19, $0x0;
	v20 =	vor.u32 v0, v25;
	v22 =	vbroadcast v29, $0x0;
	[tilespmem:v24+s15+$0x0] =	vst.idx.msk $0xffff, v4  }
0x21: {  	s0 =	simm.s32 $0x2;
	v19 =	vor.u32 v0, v30;
	v25 =	vor.u32 $0x70, v27;
	v24 =	vbroadcast v28, $0x0;
	[tilespmem:v26+s15+$0x0] =	vst.idx.msk $0xffff, v4  }
.LBB2_2:
0x22: {  	s1 =	sshll.u32 s0, $0x7;
	p4 =	sne.s32 s0, $0xC7;
	s0 =	sadd.s32 $0x1, s0;
	v26 =	vor.u32 v0, v21;
	v25 =	vbroadcast v25, $0x0;
	[tilespmem:v15+s15+$0x0] =	vst.idx.msk $0xffff, v4;
	v15 =	vor.u32 v0, v22  }
0x23: {  	v27 =	vmov s1;
	v21 =	vor.u32 v0, v24;
	[tilespmem:v16+s15+$0x0] =	vst.idx.msk $0xffff, v4;
	v16 =	vor.u32 v0, v23  }
0x24: {  	v22 =	vor.u32 $0x10, v27;
	v23 =	vor.u32 $0x20, v27;
	v24 =	vor.u32 $0x60, v27;
	[tilespmem:v14+s15+$0x0] =	vst.idx.msk $0xffff, v4;
	v14 =	vmovc v21  }
.Ltmp0:
0x25: {  	v29 =	vor.u32 $0x40, v27;
	v28 =	vbroadcast v22, $0x0;
	v22 =	vor.u32 $0x30, v27;
	[tilespmem:v20+s15+$0x0] =	vst.idx.msk $0xffff, v4;
	(pc) =	sbr.rel @p4 .LBB2_2-.Ltmp0, $4  }
0x26: {  	v21 =	vbroadcast v23, $0x0;
	v30 =	vbroadcast v22, $0x0;
	[tilespmem:v17+s15+$0x0] =	vst.idx.msk $0xffff, v4;
	v17 =	vor.u32 s1, v0  }
0x27: {  	v20 =	vor.u32 $0x50, v27;
	v22 =	vbroadcast v29, $0x0;
	[tilespmem:v18+s15+$0x0] =	vst.idx.msk $0xffff, v4;
	v18 =	vor.u32 v0, v28  }
0x28: {  	v23 =	vbroadcast v20, $0x0;
	v20 =	vor.u32 v0, v25;
	[tilespmem:v26+s15+$0x0] =	vst.idx.msk $0xffff, v4  }
0x29: {  	v24 =	vbroadcast v24, $0x0;
	v25 =	vor.u32 $0x70, v27;
	[tilespmem:v19+s15+$0x0] =	vst.idx.msk $0xffff, v4;
	v19 =	vor.u32 v0, v30  }
0x2a: {  	_ =	sdelay $0x3  }
0x2b: {  	v21 =	vor.u32 v0, v21;
	[tilespmem:v15+s15+$0x0] =	vst.idx.msk $0xffff, v4  }
0x2c: {  	v25 =	vbroadcast v25, $0x0;
	v15 =	vor.u32 v0, v22;
	v22 =	vor.u32 v0, v23;
	s0 =	simm.s32 $0x0;
	s31 =	simm.s32 $0x80;
	[tilespmem:v16+s15+$0x0] =	vst.idx.msk $0xffff, v4  }
0x2d: {  	v16 =	vor.u32 v0, v24;
	v28 =	vmov s31;
	[tilespmem:v14+s15+$0x0] =	vst.idx.msk $0xffff, v4;
	v14 =	vmov s0  }
0x2e: {  	v23 =	vor.u32 v0, v25;
	v29 =	vor.u32 $0x60, v28;
	[tilespmem:v20+s15+$0x0] =	vst.idx.msk $0xffff, v4;
	v20 =	vor.u32 $0x10, v14  }
0x2f: {  	v24 =	vor.u32 $0x20, v14;
	v25 =	vor.u32 $0x60, v14;
	[tilespmem:v17+s15+$0x0] =	vst.idx.msk $0xffff, v4;
	v17 =	vbroadcast v20, $0x0  }
0x30: {  	v26 =	vor.u32 $0x40, v14;
	v20 =	vor.u32 $0x30, v14;
	v24 =	vbroadcast v24, $0x0;
	[tilespmem:v18+s15+$0x0] =	vst.idx.msk $0xffff, v4  }
0x31: {  	v18 =	vor.u32 s0, v0;
	v20 =	vbroadcast v20, $0x0;
	[tilespmem:v21+s15+$0x0] =	vst.idx.msk $0xffff, v4;
	v27 =	vor.u32 v0, v17  }
0x32: {  	v17 =	vbroadcast v26, $0x0;
	v21 =	vor.u32 $0x50, v14;
	v24 =	vor.u32 v0, v24;
	[tilespmem:v19+s15+$0x0] =	vst.idx.msk $0xffff, v4  }
0x33: {  	v19 =	vbroadcast v21, $0x0;
	v26 =	vor.u32 v0, v20;
	v20 =	vbroadcast v25, $0x0;
	[tilespmem:v15+s15+$0x0] =	vst.idx.msk $0xffff, v4  }
0x34: {  	v15 =	vor.u32 $0x70, v14;
	v14 =	vor.u32 v0, v17;
	v17 =	vor.u32 $0x10, v28;
	[tilespmem:v22+s15+$0x0] =	vst.idx.msk $0xffff, v4  }
0x35: {  	v25 =	vbroadcast v15, $0x0;
	v15 =	vor.u32 v0, v19;
	v19 =	vor.u32 $0x20, v28;
	[tilespmem:v16+s15+$0x0] =	vst.idx.msk $0xffff, v4  }
0x36: {  	v22 =	vor.u32 $0x30, v28;
	v16 =	vor.u32 v0, v20;
	v20 =	vbroadcast v17, $0x0;
	[tilespmem:v23+s15+$0x0] =	vst.idx.msk $0xffff, v4  }
0x37: {  	v17 =	vor.u32 s31, v0;
	v21 =	vbroadcast v19, $0x0;
	v19 =	vbroadcast v22, $0x0;
	[tilespmem:v18+s16+$0x0] =	vst.idx.msk $0xffff, v4  }
0x38: {  	v23 =	vor.u32 $0x40, v28;
	v18 =	vor.u32 v0, v20;
	v20 =	vor.u32 $0x50, v28;
	[tilespmem:v27+s16+$0x0] =	vst.idx.msk $0xffff, v4  }
0x39: {  	v23 =	vbroadcast v23, $0x0;
	v22 =	vbroadcast v20, $0x0;
	v20 =	vor.u32 v0, v25;
	[tilespmem:v24+s16+$0x0] =	vst.idx.msk $0xffff, v4  }
0x3a: {  	s0 =	simm.s32 $0x2;
	v19 =	vor.u32 v0, v19;
	v25 =	vor.u32 $0x70, v28;
	v24 =	vbroadcast v29, $0x0;
	[tilespmem:v26+s16+$0x0] =	vst.idx.msk $0xffff, v4  }
.LBB2_4:
0x3b: {  	s1 =	sshll.u32 s0, $0x7;
	p4 =	sne.s32 s0, $0x4F;
	s0 =	sadd.s32 $0x1, s0;
	v26 =	vor.u32 v0, v21;
	v25 =	vbroadcast v25, $0x0;
	[tilespmem:v14+s16+$0x0] =	vst.idx.msk $0xffff, v4;
	v14 =	vor.u32 v0, v23  }
0x3c: {  	v27 =	vmov s1;
	v21 =	vor.u32 v0, v24;
	[tilespmem:v15+s16+$0x0] =	vst.idx.msk $0xffff, v4;
	v15 =	vor.u32 v0, v22  }
0x3d: {  	v22 =	vor.u32 $0x10, v27;
	v23 =	vor.u32 $0x20, v27;
	v24 =	vor.u32 $0x60, v27;
	[tilespmem:v16+s16+$0x0] =	vst.idx.msk $0xffff, v4;
	v16 =	vmovc v21  }
.Ltmp1:
0x3e: {  	v28 =	vor.u32 $0x30, v27;
	v29 =	vor.u32 $0x40, v27;
	v22 =	vbroadcast v22, $0x0;
	[tilespmem:v20+s16+$0x0] =	vst.idx.msk $0xffff, v4;
	(pc) =	sbr.rel @p4 .LBB2_4-.Ltmp1, $4  }
0x3f: {  	v21 =	vbroadcast v23, $0x0;
	v28 =	vbroadcast v28, $0x0;
	[tilespmem:v17+s16+$0x0] =	vst.idx.msk $0xffff, v4;
	v17 =	vor.u32 s1, v0  }
0x40: {  	v23 =	vbroadcast v29, $0x0;
	v20 =	vor.u32 $0x50, v27;
	[tilespmem:v18+s16+$0x0] =	vst.idx.msk $0xffff, v4;
	v18 =	vor.u32 v0, v22  }
0x41: {  	v22 =	vbroadcast v20, $0x0;
	v20 =	vor.u32 v0, v25;
	[tilespmem:v26+s16+$0x0] =	vst.idx.msk $0xffff, v4  }
0x42: {  	v24 =	vbroadcast v24, $0x0;
	v25 =	vor.u32 $0x70, v27;
	[tilespmem:v19+s16+$0x0] =	vst.idx.msk $0xffff, v4;
	v19 =	vor.u32 v0, v28  }
0x43: {  	_ =	sdelay $0x3  }
0x44: {  	[tilespmem:v14+s16+$0x0] =	vst.idx.msk $0xffff, v4  }
0x45: {  	v14 =	vor.u32 v0, v21;
	[tilespmem:v15+s16+$0x0] =	vst.idx.msk $0xffff, v4  }
0x46: {  	[tilespmem:v16+s16+$0x0] =	vst.idx.msk $0xffff, v4  }
0x47: {  	v15 =	vor.u32 v0, v23;
	[tilespmem:v20+s16+$0x0] =	vst.idx.msk $0xffff, v4  }
0x48: {  	v61 =	vbroadcast v25, $0x0;
	v62 =	vor.u32 v0, v22;
	[tilespmem:v17+s16+$0x0] =	vst.idx.msk $0xffff, v4  }
0x49: {  	v63 =	vor.u32 v0, v24;
	[tilespmem:v18+s16+$0x0] =	vst.idx.msk $0xffff, v4  }
0x4a: {  	[tilespmem:v14+s16+$0x0] =	vst.idx.msk $0xffff, v4;
	v14 =	vor.u32 v0, v61  }
0x4b: {  	[tilespmem:v19+s16+$0x0] =	vst.idx.msk $0xffff, v4  }
0x4c: {  	[tilespmem:v15+s16+$0x0] =	vst.idx.msk $0xffff, v4  }
0x4d: {  	[tilespmem:v62+s16+$0x0] =	vst.idx.msk $0xffff, v4  }
0x4e: {  	[tilespmem:v63+s16+$0x0] =	vst.idx.msk $0xffff, v4  }
0x4f: {  	s0 =	simm.s32 @!p0 $0xF080;
	[tilespmem:v14+s16+$0x0] =	vst.idx.msk $0xffff, v4  }
0x50: {  	[spmem:s8] =	stream.linear.scatter @!p0 [tilespmem:s0], [sflag:$0x1], $0x6400, $0x38;
	[tilespmem:$0x1A600] =	vst v63  }
0x51: {  	s0 =	simm.s32 @!p0 $0x1  }
0x52: {  	_ =	swait.ge @!p0 [sflag:s0], $0x6400  }
0x53: {  	[sflag:s0] =	ssyncset.done @!p0 $0x0  }
0x54: {  	[sflag:s0] =	ssyncadd.s32 @!p0 $0xFFFF9C00  }
0x55: {  	s25 =	simm.s32 $0x0;
	s26 =	simm.s32 $0x0;
	[bflag:$0x0] =	sbarrier.arrive $0xFFFF  }
.LBB2_6:
0x56: {  	s28 =	smul.u32 $0x50, s26;
	_ =	sdelay $0x1  }
0x57: {  	v14 =	vld [tilespmem:s28+$0x80]  }
0x58: {  	v15 =	vld [tilespmem:s28+$0x2800];
	_ =	sdelay $0x4  }
0x59: {  	[tilespmem:$0x7700] =	vst v14;
	v14 =	vsub.s32 v15, v2  }
0x5a: {  	[tilespmem:$0x7780] =	vst v15;
	v14 =	vmin.u32 v14, $0xA28  }
0x5b: {  	[tilespmem:$0x7800] =	vst v14  }
0x5c: {  	v14 =	vld [tilespmem:s28+$0x90]  }
0x5d: {  	v15 =	vld [tilespmem:s28+$0x2810];
	_ =	sdelay $0x4  }
0x5e: {  	[tilespmem:$0x7710] =	vst v14;
	v14 =	vsub.s32 v15, v2  }
0x5f: {  	[tilespmem:$0x7790] =	vst v15;
	v14 =	vmin.u32 v14, $0xA28  }
0x60: {  	[tilespmem:$0x7810] =	vst v14  }
0x61: {  	v14 =	vld [tilespmem:s28+$0xA0]  }
0x62: {  	v15 =	vld [tilespmem:s28+$0x2820];
	_ =	sdelay $0x4  }
0x63: {  	[tilespmem:$0x7720] =	vst v14;
	v14 =	vsub.s32 v15, v2  }
0x64: {  	[tilespmem:$0x77A0] =	vst v15;
	v14 =	vmin.u32 v14, $0xA28  }
0x65: {  	[tilespmem:$0x7820] =	vst v14  }
0x66: {  	v14 =	vld [tilespmem:s28+$0xB0]  }
0x67: {  	v15 =	vld [tilespmem:s28+$0x2830];
	_ =	sdelay $0x4  }
0x68: {  	[tilespmem:$0x7730] =	vst v14;
	v14 =	vsub.s32 v15, v2  }
0x69: {  	[tilespmem:$0x77B0] =	vst v15;
	v14 =	vmin.u32 v14, $0xA28  }
0x6a: {  	[tilespmem:$0x7830] =	vst v14  }
0x6b: {  	v14 =	vld [tilespmem:s28+$0xC0]  }
0x6c: {  	v15 =	vld [tilespmem:s28+$0x2840];
	_ =	sdelay $0x4  }
0x6d: {  	[tilespmem:$0x7740] =	vst v14;
	v14 =	vsub.s32 v15, v2  }
0x6e: {  	[tilespmem:$0x77C0] =	vst v15;
	v14 =	vmin.u32 v14, $0xA28  }
0x6f: {  	[tilespmem:$0x7840] =	vst v14  }
0x70: {  	[tilespmem:s19], [sflag:$0x1] =	stream.indirect.gather [hbm4b:s5+s17], $0x80, s18, s17, $0xb8;
	[tilespmem:$0x1A600] =	vst v63  }
0x71: {  	_ =	swait.ge [sflag:s12], $0x2800  }
0x72: {  	[sflag:s12] =	ssyncset.done $0x0  }
0x73: {  	v14 =	vor.u32 s25, v12;
	[sflag:s12] =	ssyncadd.s32 $0xFFFFD800  }
0x74: {  	v15 =	vor.u32 s25, v13;
	[tilespmem:s21], [sflag:$0x1] =	stream.indirect.gather [hbm4b:s5+s17], $0x80, s20, s17, $0xb8;
	[tilespmem:$0x1A600] =	vst v63  }
0x75: {  	v16 =	vor.u32 s25, v10;
	_ =	swait.ge [sflag:s12], $0x2800  }
0x76: {  	v17 =	vor.u32 s25, v8;
	[sflag:s12] =	ssyncset.done $0x0  }
0x77: {  	s0 =	simm.s32 $0x1;
	v18 =	vor.u32 s25, v1;
	[sflag:s12] =	ssyncadd.s32 $0xFFFFD800  }
0x78: {  	v19 =	vor.u32 s0, v12;
	v14 =	vld.idx.msk [tilespmem:v14+s19+$0x0], $0xffff  }
0x79: {  	v20 =	vor.u32 s25, v11;
	v15 =	vld.idx.msk [tilespmem:v15+s21+$0x0], $0xffff  }
0x7a: {  	v21 =	vor.u32 s25, v7;
	v16 =	vld.idx.msk [tilespmem:v16+s19+$0x0], $0xffff  }
0x7b: {  	v22 =	vor.u32 s0, v10;
	v17 =	vld.idx.msk [tilespmem:v17+s19+$0x0], $0xffff  }
0x7c: {  	v23 =	vor.u32 s25, v6;
	v18 =	vld.idx.msk [tilespmem:v18+s19+$0x0], $0xffff  }
0x7d: {  	v24 =	vor.u32 s25, v5;
	v19 =	vld.idx.msk [tilespmem:v19+s19+$0x0], $0xffff  }
0x7e: {  	v25 =	vmov s25;
	v20 =	vld.idx.msk [tilespmem:v20+s21+$0x0], $0xffff  }
0x7f: {  	v27 =	vor.u32 s25, v9;
	v21 =	vld.idx.msk [tilespmem:v21+s21+$0x0], $0xffff  }
0x80: {  	v28 =	vor.u32 s0, v6;
	v22 =	vld.idx.msk [tilespmem:v22+s19+$0x0], $0xffff  }
0x81: {  	v29 =	vor.u32 s0, v13;
	v23 =	vld.idx.msk [tilespmem:v23+s19+$0x0], $0xffff  }
0x82: {  	v36 =	vor.u32 s0, v5;
	v24 =	vld.idx.msk [tilespmem:v24+s21+$0x0], $0xffff  }
0x83: {  	v26 =	vor.u32 s0, v11;
	v34 =	vor.u32 s0, v1;
	v25 =	vld.idx.msk [tilespmem:v25+s4+$0x0], $0xffff  }
0x84: {  	s1 =	simm.s32 $0x2;
	s14 =	simm.s32 $0x3;
	v30 =	vor.u32 s0, v9;
	v32 =	vor.u32 s0, v7;
	v35 =	vmov s0;
	v27 =	vld.idx.msk [tilespmem:v27+s21+$0x0], $0xffff  }
0x85: {  	v52 =	vor.u32 s1, v10;
	v53 =	vor.u32 s1, v11;
	v37 =	vor.u32 s14, v9;
	v28 =	vld.idx.msk [tilespmem:v28+s19+$0x0], $0xffff  }
0x86: {  	v38 =	vor.u32 s1, v7;
	v39 =	vor.u32 s1, v8;
	v40 =	vor.u32 s1, v5;
	v29 =	vld.idx.msk [tilespmem:v29+s21+$0x0], $0xffff  }
0x87: {  	v42 =	vor.u32 s14, v13;
	v44 =	vmov s1;
	v45 =	vor.u32 s14, v10;
	v36 =	vld.idx.msk [tilespmem:v36+s21+$0x0], $0xffff  }
0x88: {  	v62 =	vor.u32 s14, v8;
	v63 =	vor.u32 s14, v7;
	v34 =	vld.idx.msk [tilespmem:v34+s19+$0x0], $0xffff;
	v14 =	vadd.f32 v15, v14  }
0x89: {  	v15 =	vadd.f32 v20, v16;
	v20 =	vimm.f32 $0.0e+00;
	v16 =	vld.idx.msk [tilespmem:v26+s21+$0x0], $0xffff;
	v26 =	vor.u32 s0, v8  }
0x8a: {  	v35 =	vld.idx.msk [tilespmem:v35+s4+$0x0], $0xffff;
	v21 =	vadd.f32 v21, v23;
	v24 =	vadd.f32 v24, v18;
	v31 =	vmul.f32 $2.000000030e-01, v14  }
0x8b: {  	v23 =	vld.idx.msk [tilespmem:v30+s21+$0x0], $0xffff;
	v27 =	vadd.f32 v27, v17;
	v17 =	vor.u32 s1, v13;
	v19 =	vadd.f32 v29, v19  }
0x8c: {  	v29 =	vor.u32 s1, v1;
	v33 =	vmul.f32 $2.000000030e-01, v15;
	v14 =	vmax.f32 v14, v31;
	v31 =	vld.idx.msk [tilespmem:v32+s21+$0x0], $0xffff  }
0x8d: {  	v34 =	vadd.f32 v36, v34;
	v30 =	vmul.f32 $2.000000030e-01, v21;
	v54 =	vmul.f32 $2.000000030e-01, v19;
	v32 =	vld.idx.msk [tilespmem:v52+s19+$0x0], $0xffff  }
0x8e: {  	v48 =	vmul.f32 $2.000000030e-01, v24;
	v49 =	vmul.f32 $2.000000030e-01, v27;
	v15 =	vmax.f32 v15, v33;
	v33 =	vld.idx.msk [tilespmem:v53+s21+$0x0], $0xffff  }
0x8f: {  	v21 =	vmax.f32 v21, v30;
	v26 =	vld.idx.msk [tilespmem:v26+s19+$0x0], $0xffff;
	v16 =	vadd.f32 v16, v22;
	v22 =	vor.u32 s1, v12  }
0x90: {  	v15 =	vmul.f32 v15, v25;
	v18 =	vmul.f32 v14, v25;
	v14 =	vor.u32 s14, v1;
	v43 =	vld.idx.msk [tilespmem:v17+s21+$0x0], $0xffff  }
0x91: {  	v17 =	vld.idx.msk [tilespmem:v39+s19+$0x0], $0xffff;
	v21 =	vmul.f32 v21, v25;
	v39 =	vmax.f32 v19, v54;
	v19 =	vmax.f32 v24, v48  }
0x92: {  	v46 =	vld.idx.msk [tilespmem:v29+s19+$0x0], $0xffff;
	v29 =	vor.u32 s14, v11;
	v58 =	vmul.f32 v19, v25;
	v60 =	vmul.f32 v39, v35  }
0x93: {  	v38 =	vld.idx.msk [tilespmem:v38+s21+$0x0], $0xffff;
	v41 =	vadd.f32 v18, v20;
	v18 =	vor.u32 s14, v12;
	v30 =	vmul.f32 $2.000000030e-01, v16  }
0x94: {  	v28 =	vadd.f32 v31, v28;
	v31 =	vor.u32 s1, v9;
	v22 =	vld.idx.msk [tilespmem:v22+s19+$0x0], $0xffff;
	v23 =	vadd.f32 v23, v26  }
0x95: {  	v56 =	vld.idx.msk [tilespmem:v45+s19+$0x0], $0xffff;
	v47 =	vadd.f32 v15, v20;
	v15 =	vmov s14;
	v26 =	vor.u32 s1, v6  }
0x96: {  	v24 =	vld.idx.msk [tilespmem:v40+s21+$0x0], $0xffff;
	v16 =	vmax.f32 v16, v30;
	v32 =	vadd.f32 v33, v32;
	v30 =	vmul.f32 $2.000000030e-01, v23  }
0x97: {  	v21 =	vadd.f32 v21, v20;
	v40 =	vadd.f32 v58, v20;
	v16 =	vmul.f32 v16, v35;
	v59 =	vld.idx.msk [tilespmem:v29+s21+$0x0], $0xffff  }
0x98: {  	v55 =	vmul.f32 $2.000000030e-01, v28;
	v33 =	vmul.f32 $2.000000030e-01, v32;
	v18 =	vld.idx.msk [tilespmem:v18+s19+$0x0], $0xffff;
	v50 =	vmax.f32 v23, v30  }
0x99: {  	v30 =	vmax.f32 v27, v49;
	v29 =	vld.idx.msk [tilespmem:v31+s21+$0x0], $0xffff;
	v23 =	vadd.f32 v43, v22;
	v22 =	vmul.f32 $2.000000030e-01, v34  }
0x9a: {  	v28 =	vmax.f32 v28, v55;
	v57 =	vld.idx.msk [tilespmem:v26+s19+$0x0], $0xffff;
	v26 =	vor.u32 s14, v6;
	v25 =	vmul.f32 v30, v25  }
0x9b: {  	v19 =	vadd.f32 v16, v47;
	v31 =	vmul.f32 v28, v35;
	v16 =	vmax.f32 v34, v22;
	v22 =	vld.idx.msk [tilespmem:v44+s4+$0x0], $0xffff  }
0x9c: {  	v28 =	vadd.f32 v60, v41;
	v30 =	vld.idx.msk [tilespmem:v42+s21+$0x0], $0xffff;
	v27 =	vmul.f32 $2.000000030e-01, v23;
	v34 =	vadd.f32 v25, v20  }
0x9d: {  	v20 =	vadd.f32 v24, v46;
	v24 =	vmax.f32 v32, v33;
	v33 =	vld.idx.msk [tilespmem:v62+s19+$0x0], $0xffff;
	v16 =	vmul.f32 v16, v35  }
0x9e: {  	v21 =	vadd.f32 v31, v21;
	v32 =	vld.idx.msk [tilespmem:v63+s21+$0x0], $0xffff;
	v35 =	vmul.f32 v50, v35;
	v61 =	vmax.f32 v23, v27  }
0x9f: {  	s31 =	sadd.s32 $0x10, s28;
	s29 =	sadd.s32 $0x20, s28;
	v27 =	vor.u32 s14, v5;
	v23 =	vld.idx.msk [tilespmem:v26+s19+$0x0], $0xffff;
	v16 =	vadd.f32 v16, v40;
	v31 =	vadd.f32 v38, v57  }
0xa0: {  	s30 =	sadd.s32 $0x40, s28;
	s0 =	sadd.s32 $0x30, s28;
	s1 =	simm.s32 $0x4;
	v26 =	vld.idx.msk [tilespmem:v37+s21+$0x0], $0xffff;
	v25 =	vmul.f32 v24, v22;
	v36 =	vmul.f32 v61, v22;
	v24 =	vadd.f32 v59, v56  }
.LBB2_7:
0xa1: {  	s13 =	sadd.s32 $0x1, s1  }
0xa2: {  	v37 =	vor.u32 s1, v12;
	p4 =	slt.u32 s1, $0x3E;
	v38 =	vmul.f32 $2.000000030e-01, v31;
	v29 =	vadd.f32 v29, v17;
	v39 =	vmovc v22;
	s14 =	smov.u32 s1;
	s1 =	sadd.s32 $0x2, s1  }
0xa3: {  	v34 =	vadd.f32 v35, v34;
	v17 =	vor.u32 s14, v13;
	v22 =	vor.u32 s13, v1  }
0xa4: {  	v35 =	vor.u32 s14, v10;
	v40 =	vor.u32 s14, v11;
	v41 =	vor.u32 s13, v9;
	v27 =	vld.idx.msk [tilespmem:v27+s21+$0x0], $0xffff  }
0xa5: {  	v42 =	vor.u32 s14, v7;
	v43 =	vor.u32 s14, v8;
	v30 =	vadd.f32 v30, v18;
	v44 =	vld.idx.msk [tilespmem:v15+s4+$0x0], $0xffff  }
0xa6: {  	v45 =	vor.u32 s14, v5;
	v28 =	vadd.f32 v36, v28;
	v15 =	vor.u32 s14, v1;
	v36 =	vld.idx.msk [tilespmem:v14+s19+$0x0], $0xffff;
	v14 =	vmovc v22  }
0xa7: {  	v18 =	vor.u32 s13, v12;
	v26 =	vadd.f32 v26, v33;
	v22 =	vld.idx.msk [tilespmem:v37+s19+$0x0], $0xffff;
	v37 =	vor.u32 s13, v13  }
0xa8: {  	v31 =	vmax.f32 v31, v38;
	v38 =	vmul.f32 $2.000000030e-01, v24;
	v33 =	vor.u32 s14, v6;
	v46 =	vld.idx.msk [tilespmem:v17+s21+$0x0], $0xffff  }
0xa9: {  	v47 =	vmov s14;
	v48 =	vor.u32 s13, v10;
	v23 =	vadd.f32 v32, v23;
	v35 =	vld.idx.msk [tilespmem:v35+s19+$0x0], $0xffff  }
0xaa: {  	v31 =	vmul.f32 v31, v39;
	v32 =	vor.u32 s14, v9;
	v17 =	vld.idx.msk [tilespmem:v43+s19+$0x0], $0xffff;
	v43 =	vmul.f32 $2.000000030e-01, v30  }
0xab: {  	v50 =	vor.u32 s13, v11;
	v19 =	vadd.f32 v25, v19;
	v24 =	vmax.f32 v24, v38;
	v49 =	vld.idx.msk [tilespmem:v15+s19+$0x0], $0xffff  }
0xac: {  	v21 =	vadd.f32 v31, v21;
	v25 =	vmul.f32 $2.000000030e-01, v26;
	v15 =	vmov s13;
	v18 =	vld.idx.msk [tilespmem:v18+s19+$0x0], $0xffff  }
0xad: {  	v38 =	vmul.f32 $2.000000030e-01, v20;
	v30 =	vmax.f32 v30, v43;
	v31 =	vld.idx.msk [tilespmem:v42+s21+$0x0], $0xffff;
	v42 =	vmul.f32 $2.000000030e-01, v29  }
0xae: {  	v25 =	vmax.f32 v26, v25;
	v27 =	vadd.f32 v27, v36;
	v36 =	vmul.f32 $2.000000030e-01, v23;
	v40 =	vld.idx.msk [tilespmem:v40+s21+$0x0], $0xffff  }
0xaf: {  	v26 =	vadd.f32 v46, v22;
	v22 =	vmul.f32 v24, v44;
	v43 =	vld.idx.msk [tilespmem:v48+s19+$0x0], $0xffff;
	v42 =	vmax.f32 v29, v42  }
0xb0: {  	v20 =	vmax.f32 v20, v38;
	v29 =	vmul.f32 $2.000000030e-01, v27;
	v24 =	vld.idx.msk [tilespmem:v33+s19+$0x0], $0xffff;
	v33 =	vor.u32 s13, v6  }
0xb1: {  	v20 =	vmul.f32 v20, v39;
	v19 =	vadd.f32 v22, v19;
	v38 =	vld.idx.msk [tilespmem:v45+s21+$0x0], $0xffff;
	v45 =	vmul.f32 $2.000000030e-01, v26  }
0xb2: {  	v36 =	vmax.f32 v23, v36;
	v48 =	vmul.f32 v30, v44;
	v27 =	vmax.f32 v27, v29;
	v46 =	vld.idx.msk [tilespmem:v50+s21+$0x0], $0xffff  }
0xb3: {  	v16 =	vadd.f32 v20, v16;
	v22 =	vld.idx.msk [tilespmem:v47+s4+$0x0], $0xffff;
	v45 =	vmax.f32 v26, v45;
	v47 =	vor.u32 s13, v8  }
0xb4: {  	v20 =	vmul.f32 v27, v44;
	v29 =	vld.idx.msk [tilespmem:v32+s21+$0x0], $0xffff;
	v32 =	vadd.f32 v40, v35;
	v40 =	vor.u32 s13, v7  }
.Ltmp2:
0xb5: {  	v27 =	vor.u32 s13, v5;
	v35 =	vmul.f32 v36, v44;
	v23 =	vld.idx.msk [tilespmem:v33+s19+$0x0], $0xffff;
	v33 =	vmul.f32 v42, v39;
	(pc) =	sbr.rel @p4 .LBB2_7-.Ltmp2, $4  }
0xb6: {  	v28 =	vadd.f32 v48, v28;
	v16 =	vadd.f32 v20, v16;
	v36 =	vmul.f32 $2.000000030e-01, v32;
	v30 =	vld.idx.msk [tilespmem:v37+s21+$0x0], $0xffff  }
0xb7: {  	v21 =	vadd.f32 v35, v21;
	v35 =	vmul.f32 v25, v44;
	v26 =	vld.idx.msk [tilespmem:v41+s21+$0x0], $0xffff;
	v34 =	vadd.f32 v33, v34  }
0xb8: {  	v31 =	vadd.f32 v31, v24;
	v20 =	vadd.f32 v38, v49;
	v24 =	vmax.f32 v32, v36;
	v33 =	vld.idx.msk [tilespmem:v47+s19+$0x0], $0xffff  }
0xb9: {  	v36 =	vmul.f32 v45, v22;
	v25 =	vmul.f32 v24, v22;
	v32 =	vld.idx.msk [tilespmem:v40+s21+$0x0], $0xffff;
	v24 =	vadd.f32 v46, v43  }
0xba: {  	_ =	sdelay $0x3  }
0xbb: {  	v27 =	vld.idx.msk [tilespmem:v27+s21+$0x0], $0xffff  }
0xbc: {  	v14 =	vld.idx.msk [tilespmem:v14+s19+$0x0], $0xffff;
	_ =	sdelay $0x1  }
0xbd: {  	v17 =	vadd.f32 v29, v17;
	v57 =	vmul.f32 $2.000000030e-01, v31;
	v34 =	vadd.f32 v35, v34  }
0xbe: {  	v59 =	vmul.f32 $2.000000030e-01, v20;
	v18 =	vadd.f32 v30, v18;
	v28 =	vadd.f32 v36, v28  }
0xbf: {  	v58 =	vmul.f32 $2.000000030e-01, v24;
	v19 =	vadd.f32 v25, v19;
	v29 =	vmax.f32 v31, v57  }
0xc0: {  	v15 =	vld.idx.msk [tilespmem:v15+s4+$0x0], $0xffff;
	v61 =	vmul.f32 $2.000000030e-01, v17;
	v20 =	vmax.f32 v20, v59;
	v14 =	vadd.f32 v27, v14  }
0xc1: {  	v29 =	vmul.f32 v29, v22;
	v60 =	vmul.f32 $2.000000030e-01, v18;
	v23 =	vadd.f32 v32, v23  }
0xc2: {  	v26 =	vadd.f32 v26, v33;
	v20 =	vmul.f32 v20, v22;
	v62 =	vmul.f32 $2.000000030e-01, v14  }
0xc3: {  	v24 =	vmax.f32 v24, v58;
	v17 =	vmax.f32 v17, v61;
	v32 =	vmul.f32 $2.000000030e-01, v23  }
0xc4: {  	v63 =	vmul.f32 $2.000000030e-01, v26;
	v16 =	vadd.f32 v20, v16;
	v14 =	vmax.f32 v14, v62  }
0xc5: {  	v17 =	vmul.f32 v17, v22;
	v23 =	vmax.f32 v23, v32;
	v14 =	vmul.f32 v14, v15  }
0xc6: {  	v20 =	vadd.f32 v29, v21;
	v21 =	vmax.f32 v26, v63;
	v22 =	vmul.f32 v23, v15  }
0xc7: {  	v14 =	vadd.f32 v14, v16;
	v16 =	vadd.f32 v17, v34;
	v17 =	vmul.f32 v21, v15  }
0xc8: {  	v18 =	vmax.f32 v18, v60;
	v20 =	vadd.f32 v22, v20;
	v21 =	vmul.f32 v24, v15  }
0xc9: {  	v15 =	vmul.f32 v18, v15;
	v16 =	vadd.f32 v17, v16;
	v14 =	vmul.f32 $1.442695020e+00, v14  }
0xca: {  	v18 =	vmul.f32 $1.442695020e+00, v20;
	v17 =	vadd.f32 v21, v19  }
0xcb: {  	v15 =	vadd.f32 v15, v28;
	(erf) = vpow2.f32 v14;
	v14 =	vmul.f32 $1.442695020e+00, v16  }
0xcc: {  	v16 =	vmul.f32 $1.442695020e+00, v17;
	(erf) = vpow2.f32 v18  }
0xcd: {  	(erf) = vpow2.f32 v14;
	v14 =	vmul.f32 $1.442695020e+00, v15  }
0xce: {  	(erf) = vpow2.f32 v16  }
0xcf: {  	(erf) = vpow2.f32 v14;
	_ =	sdelay $0x4  }
0xd0: {  	s1 =	simm.s32 $0x0;
	v18 =	vpop (erf)  }
0xd1: {  	v15 =	vmov s1;
	v17 =	vpop (erf);
	[tilespmem:s28+$0x4F80] =	vst v18  }
0xd2: {  	v16 =	vpop (erf);
	[tilespmem:s31+$0x4F80] =	vst v17  }
0xd3: {  	v19 =	vand.u32 $0x7E, v15;
	v14 =	vpop (erf);
	[tilespmem:s29+$0x4F80] =	vst v16  }
0xd4: {  	v19 =	vbroadcast v19, $0x0;
	v15 =	vpop (erf);
	[tilespmem:s0+$0x4F80] =	vst v14  }
0xd5: {  	[tilespmem:s30+$0x4F80] =	vst v15  }
0xd6: {  	v20 =	vor.u32 v1, v19;
	[tilespmem:v5+s16+$0x0] =	vst.idx.msk $0xffff, v18  }
0xd7: {  	[tilespmem:v7+s16+$0x0] =	vst.idx.msk $0xffff, v17  }
0xd8: {  	[tilespmem:v9+s16+$0x0] =	vst.idx.msk $0xffff, v16  }
0xd9: {  	[tilespmem:v11+s16+$0x0] =	vst.idx.msk $0xffff, v14  }
0xda: {  	[tilespmem:v13+s16+$0x0] =	vst.idx.msk $0xffff, v15  }
0xdb: {  	v21 =	vld.idx.msk [tilespmem:v20+s19+$0x0], $0xffff;
	_ =	sdelay $0x2  }
0xdc: {  	v22 =	vor.u32 v6, v19;
	_ =	sdelay $0x1  }
0xdd: {  	v21 =	vmul.f32 v21, v18;
	_ =	sdelay $0x1  }
0xde: {  	[tilespmem:v20+s16+$0x0] =	vst.idx.msk $0xffff, v21  }
0xdf: {  	v20 =	vld.idx.msk [tilespmem:v22+s19+$0x0], $0xffff;
	_ =	sdelay $0x2  }
0xe0: {  	v21 =	vor.u32 v8, v19;
	_ =	sdelay $0x1  }
0xe1: {  	v20 =	vmul.f32 v20, v17;
	_ =	sdelay $0x1  }
0xe2: {  	[tilespmem:v22+s16+$0x0] =	vst.idx.msk $0xffff, v20  }
0xe3: {  	v20 =	vld.idx.msk [tilespmem:v21+s19+$0x0], $0xffff;
	_ =	sdelay $0x2  }
0xe4: {  	v22 =	vor.u32 v10, v19;
	_ =	sdelay $0x1  }
0xe5: {  	v20 =	vmul.f32 v20, v16;
	_ =	sdelay $0x1  }
0xe6: {  	[tilespmem:v21+s16+$0x0] =	vst.idx.msk $0xffff, v20  }
0xe7: {  	v20 =	vld.idx.msk [tilespmem:v22+s19+$0x0], $0xffff;
	_ =	sdelay $0x2  }
0xe8: {  	v19 =	vor.u32 v12, v19;
	_ =	sdelay $0x1  }
0xe9: {  	v20 =	vmul.f32 v20, v14  }
0xea: {  	s31 =	simm.s32 $0x1  }
0xeb: {  	[tilespmem:v22+s16+$0x0] =	vst.idx.msk $0xffff, v20;
	v20 =	vmov s31  }
0xec: {  	v21 =	vld.idx.msk [tilespmem:v19+s19+$0x0], $0xffff;
	v20 =	vand.u32 $0x7F, v20  }
0xed: {  	v20 =	vbroadcast v20, $0x0;
	_ =	sdelay $0x1  }
0xee: {  	v22 =	vor.u32 v1, v20;
	_ =	sdelay $0x1  }
0xef: {  	v21 =	vmul.f32 v21, v15;
	_ =	sdelay $0x1  }
0xf0: {  	[tilespmem:v19+s16+$0x0] =	vst.idx.msk $0xffff, v21  }
0xf1: {  	v19 =	vld.idx.msk [tilespmem:v22+s19+$0x0], $0xffff;
	_ =	sdelay $0x2  }
0xf2: {  	v21 =	vor.u32 v6, v20;
	_ =	sdelay $0x1  }
0xf3: {  	v19 =	vmul.f32 v19, v18;
	_ =	sdelay $0x1  }
0xf4: {  	[tilespmem:v22+s16+$0x0] =	vst.idx.msk $0xffff, v19  }
0xf5: {  	v19 =	vld.idx.msk [tilespmem:v21+s19+$0x0], $0xffff;
	_ =	sdelay $0x2  }
0xf6: {  	v22 =	vor.u32 v8, v20;
	_ =	sdelay $0x1  }
0xf7: {  	v19 =	vmul.f32 v19, v17;
	_ =	sdelay $0x1  }
0xf8: {  	[tilespmem:v21+s16+$0x0] =	vst.idx.msk $0xffff, v19  }
0xf9: {  	v19 =	vld.idx.msk [tilespmem:v22+s19+$0x0], $0xffff;
	_ =	sdelay $0x2  }
0xfa: {  	v21 =	vor.u32 v10, v20;
	_ =	sdelay $0x1  }
0xfb: {  	v19 =	vmul.f32 v19, v16;
	_ =	sdelay $0x1  }
0xfc: {  	[tilespmem:v22+s16+$0x0] =	vst.idx.msk $0xffff, v19  }
0xfd: {  	v19 =	vld.idx.msk [tilespmem:v21+s19+$0x0], $0xffff;
	_ =	sdelay $0x2  }
0xfe: {  	v20 =	vor.u32 v12, v20;
	_ =	sdelay $0x1  }
0xff: {  	v19 =	vmul.f32 v19, v14  }
0x100: {  	s0 =	simm.s32 $0x2  }
0x101: {  	[tilespmem:v21+s16+$0x0] =	vst.idx.msk $0xffff, v19;
	v19 =	vmov s0  }
0x102: {  	v22 =	vld.idx.msk [tilespmem:v20+s19+$0x0], $0xffff;
	v19 =	vand.u32 $0x7E, v19  }
0x103: {  	v19 =	vbroadcast v19, $0x0;
	_ =	sdelay $0x1  }
0x104: {  	v21 =	vor.u32 v1, v19;
	_ =	sdelay $0x1  }
0x105: {  	s28 =	simm.s32 $0x4;
	v22 =	vmul.f32 v22, v15  }
.LBB2_9:
0x106: {  	_ = 	snop  }
0x107: {  	p4 =	slt.u32 s28, $0x3E;
	s1 =	smov.u32 s28;
	s28 =	sadd.s32 $0x2, s28;
	[tilespmem:v20+s16+$0x0] =	vst.idx.msk $0xffff, v22  }
0x108: {  	v20 =	vld.idx.msk [tilespmem:v21+s19+$0x0], $0xffff;
	_ =	sdelay $0x3  }
0x109: {  	v22 =	vor.u32 v6, v19;
	_ =	sdelay $0x1  }
0x10a: {  	v20 =	vmul.f32 v20, v18;
	_ =	sdelay $0x1  }
0x10b: {  	[tilespmem:v21+s16+$0x0] =	vst.idx.msk $0xffff, v20  }
0x10c: {  	v20 =	vld.idx.msk [tilespmem:v22+s19+$0x0], $0xffff;
	_ =	sdelay $0x3  }
0x10d: {  	v21 =	vor.u32 v8, v19;
	_ =	sdelay $0x1  }
0x10e: {  	v20 =	vmul.f32 v20, v17;
	_ =	sdelay $0x1  }
0x10f: {  	[tilespmem:v22+s16+$0x0] =	vst.idx.msk $0xffff, v20  }
0x110: {  	v20 =	vld.idx.msk [tilespmem:v21+s19+$0x0], $0xffff;
	_ =	sdelay $0x3  }
0x111: {  	v22 =	vor.u32 v10, v19;
	_ =	sdelay $0x1  }
0x112: {  	v20 =	vmul.f32 v20, v16;
	_ =	sdelay $0x1  }
0x113: {  	[tilespmem:v21+s16+$0x0] =	vst.idx.msk $0xffff, v20  }
0x114: {  	v20 =	vld.idx.msk [tilespmem:v22+s19+$0x0], $0xffff;
	_ =	sdelay $0x3  }
0x115: {  	v19 =	vor.u32 v12, v19;
	_ =	sdelay $0x1  }
0x116: {  	v20 =	vmul.f32 v20, v14;
	_ =	sdelay $0x1  }
0x117: {  	s13 =	sadd.s32 $0x1, s0;
	s0 =	smov.u32 s1;
	[tilespmem:v22+s16+$0x0] =	vst.idx.msk $0xffff, v20  }
0x118: {  	v21 =	vmov s13;
	v20 =	vld.idx.msk [tilespmem:v19+s19+$0x0], $0xffff  }
0x119: {  	v21 =	vand.u32 $0x7F, v21  }
0x11a: {  	v21 =	vbroadcast v21, $0x0;
	_ =	sdelay $0x1  }
0x11b: {  	v22 =	vor.u32 v1, v21;
	_ =	sdelay $0x1  }
0x11c: {  	v20 =	vmul.f32 v20, v15;
	_ =	sdelay $0x1  }
0x11d: {  	[tilespmem:v19+s16+$0x0] =	vst.idx.msk $0xffff, v20  }
0x11e: {  	v19 =	vld.idx.msk [tilespmem:v22+s19+$0x0], $0xffff;
	_ =	sdelay $0x3  }
0x11f: {  	v20 =	vor.u32 v6, v21;
	_ =	sdelay $0x1  }
0x120: {  	v19 =	vmul.f32 v19, v18;
	_ =	sdelay $0x1  }
0x121: {  	[tilespmem:v22+s16+$0x0] =	vst.idx.msk $0xffff, v19  }
0x122: {  	v19 =	vld.idx.msk [tilespmem:v20+s19+$0x0], $0xffff;
	_ =	sdelay $0x3  }
0x123: {  	v22 =	vor.u32 v8, v21;
	_ =	sdelay $0x1  }
0x124: {  	v19 =	vmul.f32 v19, v17;
	_ =	sdelay $0x1  }
0x125: {  	[tilespmem:v20+s16+$0x0] =	vst.idx.msk $0xffff, v19  }
0x126: {  	v19 =	vld.idx.msk [tilespmem:v22+s19+$0x0], $0xffff;
	_ =	sdelay $0x3  }
0x127: {  	v23 =	vor.u32 v10, v21;
	_ =	sdelay $0x1  }
0x128: {  	v19 =	vmul.f32 v19, v16;
	_ =	sdelay $0x1  }
0x129: {  	[tilespmem:v22+s16+$0x0] =	vst.idx.msk $0xffff, v19  }
0x12a: {  	v19 =	vld.idx.msk [tilespmem:v23+s19+$0x0], $0xffff;
	_ =	sdelay $0x3  }
0x12b: {  	v20 =	vor.u32 v12, v21;
	_ =	sdelay $0x1  }
0x12c: {  	v19 =	vmul.f32 v19, v14;
	_ =	sdelay $0x1  }
0x12d: {  	[tilespmem:v23+s16+$0x0] =	vst.idx.msk $0xffff, v19  }
0x12e: {  	v19 =	vmov s0;
	v22 =	vld.idx.msk [tilespmem:v20+s19+$0x0], $0xffff  }
0x12f: {  	v19 =	vand.u32 $0x7E, v19  }
.Ltmp3:
0x130: {  	v19 =	vbroadcast v19, $0x0;
	(pc) =	sbr.rel @p4 .LBB2_9-.Ltmp3, $3  }
0x131: {  	_ = 	snop  }
0x132: {  	v21 =	vor.u32 v1, v19;
	_ =	sdelay $0x1  }
0x133: {  	v22 =	vmul.f32 v22, v15  }
0x134: {  	_ =	sdelay $0x3  }
0x135: {  	[tilespmem:v20+s16+$0x0] =	vst.idx.msk $0xffff, v22  }
0x136: {  	v20 =	vld.idx.msk [tilespmem:v21+s19+$0x0], $0xffff;
	_ =	sdelay $0x2  }
0x137: {  	v51 =	vor.u32 v6, v19;
	_ =	sdelay $0x1  }
0x138: {  	v20 =	vmul.f32 v20, v18;
	_ =	sdelay $0x1  }
0x139: {  	[tilespmem:v21+s16+$0x0] =	vst.idx.msk $0xffff, v20  }
0x13a: {  	v20 =	vld.idx.msk [tilespmem:v51+s19+$0x0], $0xffff;
	_ =	sdelay $0x2  }
0x13b: {  	v52 =	vor.u32 v8, v19;
	_ =	sdelay $0x1  }
0x13c: {  	v20 =	vmul.f32 v20, v17;
	_ =	sdelay $0x1  }
0x13d: {  	[tilespmem:v51+s16+$0x0] =	vst.idx.msk $0xffff, v20  }
0x13e: {  	v20 =	vld.idx.msk [tilespmem:v52+s19+$0x0], $0xffff;
	_ =	sdelay $0x2  }
0x13f: {  	v53 =	vor.u32 v10, v19;
	_ =	sdelay $0x1  }
0x140: {  	v20 =	vmul.f32 v20, v16;
	_ =	sdelay $0x1  }
0x141: {  	[tilespmem:v52+s16+$0x0] =	vst.idx.msk $0xffff, v20  }
0x142: {  	v20 =	vld.idx.msk [tilespmem:v53+s19+$0x0], $0xffff;
	_ =	sdelay $0x2  }
0x143: {  	v54 =	vor.u32 v12, v19;
	_ =	sdelay $0x1  }
0x144: {  	v20 =	vmul.f32 v20, v14  }
0x145: {  	s0 =	sadd.s32 $0x1, s0  }
0x146: {  	v55 =	vmov s0;
	[tilespmem:v53+s16+$0x0] =	vst.idx.msk $0xffff, v20  }
0x147: {  	v20 =	vand.u32 $0x7F, v55;
	v21 =	vld.idx.msk [tilespmem:v54+s19+$0x0], $0xffff  }
0x148: {  	v20 =	vbroadcast v20, $0x0;
	_ =	sdelay $0x1  }
0x149: {  	v56 =	vor.u32 v1, v20;
	_ =	sdelay $0x1  }
0x14a: {  	v21 =	vmul.f32 v21, v15;
	_ =	sdelay $0x1  }
0x14b: {  	[tilespmem:v54+s16+$0x0] =	vst.idx.msk $0xffff, v21  }
0x14c: {  	v19 =	vld.idx.msk [tilespmem:v56+s19+$0x0], $0xffff;
	_ =	sdelay $0x2  }
0x14d: {  	v57 =	vor.u32 v6, v20;
	_ =	sdelay $0x1  }
0x14e: {  	v58 =	vmul.f32 v19, v18;
	_ =	sdelay $0x1  }
0x14f: {  	[tilespmem:v56+s16+$0x0] =	vst.idx.msk $0xffff, v58  }
0x150: {  	v18 =	vld.idx.msk [tilespmem:v57+s19+$0x0], $0xffff;
	_ =	sdelay $0x2  }
0x151: {  	v59 =	vor.u32 v8, v20;
	_ =	sdelay $0x1  }
0x152: {  	v60 =	vmul.f32 v18, v17;
	_ =	sdelay $0x1  }
0x153: {  	[tilespmem:v57+s16+$0x0] =	vst.idx.msk $0xffff, v60  }
0x154: {  	v17 =	vld.idx.msk [tilespmem:v59+s19+$0x0], $0xffff;
	_ =	sdelay $0x2  }
0x155: {  	v61 =	vor.u32 v10, v20;
	_ =	sdelay $0x1  }
0x156: {  	v62 =	vmul.f32 v17, v16;
	_ =	sdelay $0x1  }
0x157: {  	[tilespmem:v59+s16+$0x0] =	vst.idx.msk $0xffff, v62  }
0x158: {  	v16 =	vld.idx.msk [tilespmem:v61+s19+$0x0], $0xffff;
	_ =	sdelay $0x2  }
0x159: {  	v63 =	vor.u32 v12, v20;
	_ =	sdelay $0x1  }
0x15a: {  	v14 =	vmul.f32 v16, v14;
	_ =	sdelay $0x1  }
0x15b: {  	[tilespmem:v61+s16+$0x0] =	vst.idx.msk $0xffff, v14  }
0x15c: {  	v14 =	vld.idx.msk [tilespmem:v63+s19+$0x0], $0xffff;
	_ =	sdelay $0x4  }
0x15d: {  	s26 =	sadd.s32 $0x1, s26;
	v14 =	vmul.f32 v14, v15  }
0x15e: {  	p4 =	sne.s32 s26, $0x7D  }
.Ltmp4:
0x15f: {  	[tilespmem:v63+s16+$0x0] =	vst.idx.msk $0xffff, v14;
	(pc) =	sbr.rel @p4 .LBB2_6-.Ltmp4, $4  }
0x160: {  	[spmem:s3] =	stream.indirect.scatter.add.f32 [tilespmem:s16], [sflag:$0x1], $0x80, s22, s17, $0xb8;
	[tilespmem:$0x1A600] =	vst v63  }
0x161: {  	_ =	swait.ge [sflag:s12], $0x2800  }
0x162: {  	[sflag:s12] =	ssyncset.done $0x0  }
0x163: {  	[sflag:s12] =	ssyncadd.s32 $0xFFFFD800  }
0x164: {  	s0 =	sshll.u32 @p1 s2, $0x6  }
0x165: {  	[bflag:$0x0] =	sbarrier.arrive $0xFFFF;
	s1 =	sshrl.u32 @p1 s8, $0x3;
	s0 =	sor.u32 @p1 $0x1C01, s0  }
0x166: {  	[hbm:s23], [sflag:s0] =	dma.local @p1 [spmem:s1], $0xC80  }
0x167: {  	s0 =	simm.s32 @p1 $0x1  }
0x168: {  	_ =	swait.ge @p1 [sflag:s0], $0xC80  }
0x169: {  	[sflag:s0] =	ssyncset.done @p1 $0x0  }
0x16a: {  	[sflag:s0] =	ssyncadd.s32 @p1 $0xFFFFF380  }
0x16b: {  	s0 =	simm.s32 @!p2 $0xF080;
	[bflag:$0x0] =	sbarrier.arrive @p1 $0xFFFF  }
0x16c: {  	[spmem:s8] =	stream.linear.scatter @!p2 [tilespmem:s0], [sflag:$0x1], $0x6400, $0x38;
	[tilespmem:$0x1A600] =	vst v63  }
0x16d: {  	s0 =	simm.s32 @!p2 $0x1  }
0x16e: {  	_ =	swait.ge @!p2 [sflag:s0], $0x6400  }
0x16f: {  	p5 =	por @p1 $0x0, $0x0;
	[sflag:s0] =	ssyncset.done @!p2 $0x0  }
0x170: {  	p4 =	por @!p2 $0x1, $0x1;
	s25 =	simm.s32 $0x0;
	[sflag:s0] =	ssyncadd.s32 @!p2 $0xFFFF9C00  }
0x171: {  	p4 =	por @!p3 p5, p5;
	p5 =	por @!p1 $0x0, $0x0;
	[bflag:$0x0] =	sbarrier.arrive @!p1 $0xFFFF  }
0x172: {  	s26 =	simm.s32 $0x0;
	p4 =	por @!p1 p5, p5;
	[bflag:$0x0] =	sbarrier.arrive $0xFFFF  }
.LBB2_12:
0x173: {  	s0 =	smul.u32 $0x50, s26;
	_ =	sdelay $0x1  }
0x174: {  	v14 =	vld [tilespmem:s0+$0x2800];
	_ =	sdelay $0x1  }
0x175: {  	v15 =	vld [tilespmem:s0+$0x80];
	_ =	sdelay $0x2  }
0x176: {  	v14 =	vsub.s32 v14, v3  }
0x177: {  	vm0 =	vlt.u32 v14, $0x960  }
0x178: {  	[tilespmem:$0x7700] =	vst v15;
	v14 =	vnsel vm0, $0xA28, v14  }
0x179: {  	[tilespmem:$0x7800] =	vst v14  }
0x17a: {  	v14 =	vld [tilespmem:s0+$0x2810];
	_ =	sdelay $0x1  }
0x17b: {  	v15 =	vld [tilespmem:s0+$0x90];
	_ =	sdelay $0x2  }
0x17c: {  	v14 =	vsub.s32 v14, v3  }
0x17d: {  	vm12 =	vlt.u32 v14, $0x960  }
0x17e: {  	[tilespmem:$0x7710] =	vst v15;
	v14 =	vnsel vm12, $0xA28, v14  }
0x17f: {  	[tilespmem:$0x7810] =	vst v14  }
0x180: {  	v14 =	vld [tilespmem:s0+$0x2820];
	_ =	sdelay $0x1  }
0x181: {  	v15 =	vld [tilespmem:s0+$0xA0];
	_ =	sdelay $0x2  }
0x182: {  	v14 =	vsub.s32 v14, v3  }
0x183: {  	vm13 =	vlt.u32 v14, $0x960  }
0x184: {  	[tilespmem:$0x7720] =	vst v15;
	v14 =	vnsel vm13, $0xA28, v14  }
0x185: {  	[tilespmem:$0x7820] =	vst v14  }
0x186: {  	v14 =	vld [tilespmem:s0+$0x2830];
	_ =	sdelay $0x1  }
0x187: {  	v15 =	vld [tilespmem:s0+$0xB0];
	_ =	sdelay $0x2  }
0x188: {  	v14 =	vsub.s32 v14, v3  }
0x189: {  	vm14 =	vlt.u32 v14, $0x960  }
0x18a: {  	[tilespmem:$0x7730] =	vst v15;
	v14 =	vnsel vm14, $0xA28, v14  }
0x18b: {  	[tilespmem:$0x7830] =	vst v14  }
0x18c: {  	v14 =	vld [tilespmem:s0+$0x2840];
	_ =	sdelay $0x1  }
0x18d: {  	v15 =	vld [tilespmem:s0+$0xC0];
	_ =	sdelay $0x2  }
0x18e: {  	v14 =	vsub.s32 v14, v3  }
0x18f: {  	vm15 =	vlt.u32 v14, $0x960  }
0x190: {  	[tilespmem:$0x7740] =	vst v15;
	v14 =	vnsel vm15, $0xA28, v14  }
0x191: {  	[tilespmem:$0x7840] =	vst v14  }
0x192: {  	[tilespmem:s19], [sflag:$0x1] =	stream.indirect.gather [hbm4b:s5+s17], $0x80, s18, s17, $0xb8;
	[tilespmem:$0x1A600] =	vst v63  }
0x193: {  	_ =	swait.ge [sflag:s12], $0x2800  }
0x194: {  	[sflag:s12] =	ssyncset.done $0x0  }
0x195: {  	[sflag:s12] =	ssyncadd.s32 $0xFFFFD800  }
0x196: {  	v18 =	vld [tilespmem:s0+$0x4F80]  }
0x197: {  	v14 =	vmov s25;
	v17 =	vld [tilespmem:s0+$0x4F90]  }
0x198: {  	v14 =	vand.u32 $0x7E, v14;
	v16 =	vld [tilespmem:s0+$0x4FA0]  }
0x199: {  	v19 =	vbroadcast v14, $0x0;
	v15 =	vld [tilespmem:s0+$0x4FB0]  }
0x19a: {  	v14 =	vld [tilespmem:s0+$0x4FC0]  }
0x19b: {  	v20 =	vor.u32 v1, v19;
	[tilespmem:v5+s16+$0x0] =	vst.idx.msk $0xffff, v18  }
0x19c: {  	[tilespmem:v7+s16+$0x0] =	vst.idx.msk $0xffff, v17  }
0x19d: {  	[tilespmem:v9+s16+$0x0] =	vst.idx.msk $0xffff, v16  }
0x19e: {  	[tilespmem:v11+s16+$0x0] =	vst.idx.msk $0xffff, v15  }
0x19f: {  	[tilespmem:v13+s16+$0x0] =	vst.idx.msk $0xffff, v14  }
0x1a0: {  	v21 =	vld.idx.msk [tilespmem:v20+s19+$0x0], $0xffff;
	_ =	sdelay $0x2  }
0x1a1: {  	v22 =	vor.u32 v6, v19;
	_ =	sdelay $0x1  }
0x1a2: {  	v21 =	vmul.f32 v21, v18;
	_ =	sdelay $0x1  }
0x1a3: {  	[tilespmem:v20+s16+$0x0] =	vst.idx.msk $0xffff, v21  }
0x1a4: {  	v20 =	vld.idx.msk [tilespmem:v22+s19+$0x0], $0xffff;
	_ =	sdelay $0x2  }
0x1a5: {  	v21 =	vor.u32 v8, v19;
	_ =	sdelay $0x1  }
0x1a6: {  	v20 =	vmul.f32 v20, v17;
	_ =	sdelay $0x1  }
0x1a7: {  	[tilespmem:v22+s16+$0x0] =	vst.idx.msk $0xffff, v20  }
0x1a8: {  	v20 =	vld.idx.msk [tilespmem:v21+s19+$0x0], $0xffff;
	_ =	sdelay $0x2  }
0x1a9: {  	v22 =	vor.u32 v10, v19;
	_ =	sdelay $0x1  }
0x1aa: {  	v20 =	vmul.f32 v20, v16;
	_ =	sdelay $0x1  }
0x1ab: {  	[tilespmem:v21+s16+$0x0] =	vst.idx.msk $0xffff, v20  }
0x1ac: {  	v20 =	vld.idx.msk [tilespmem:v22+s19+$0x0], $0xffff;
	_ =	sdelay $0x2  }
0x1ad: {  	v19 =	vor.u32 v12, v19;
	_ =	sdelay $0x1  }
0x1ae: {  	v20 =	vmul.f32 v20, v15  }
0x1af: {  	s31 =	simm.s32 $0x1  }
0x1b0: {  	[tilespmem:v22+s16+$0x0] =	vst.idx.msk $0xffff, v20;
	v20 =	vmov s31  }
0x1b1: {  	v21 =	vld.idx.msk [tilespmem:v19+s19+$0x0], $0xffff;
	v20 =	vand.u32 $0x7F, v20  }
0x1b2: {  	v20 =	vbroadcast v20, $0x0;
	_ =	sdelay $0x1  }
0x1b3: {  	v22 =	vor.u32 v1, v20;
	_ =	sdelay $0x1  }
0x1b4: {  	v21 =	vmul.f32 v21, v14;
	_ =	sdelay $0x1  }
0x1b5: {  	[tilespmem:v19+s16+$0x0] =	vst.idx.msk $0xffff, v21  }
0x1b6: {  	v19 =	vld.idx.msk [tilespmem:v22+s19+$0x0], $0xffff;
	_ =	sdelay $0x2  }
0x1b7: {  	v21 =	vor.u32 v6, v20;
	_ =	sdelay $0x1  }
0x1b8: {  	v19 =	vmul.f32 v19, v18;
	_ =	sdelay $0x1  }
0x1b9: {  	[tilespmem:v22+s16+$0x0] =	vst.idx.msk $0xffff, v19  }
0x1ba: {  	v19 =	vld.idx.msk [tilespmem:v21+s19+$0x0], $0xffff;
	_ =	sdelay $0x2  }
0x1bb: {  	v22 =	vor.u32 v8, v20;
	_ =	sdelay $0x1  }
0x1bc: {  	v19 =	vmul.f32 v19, v17;
	_ =	sdelay $0x1  }
0x1bd: {  	[tilespmem:v21+s16+$0x0] =	vst.idx.msk $0xffff, v19  }
0x1be: {  	v19 =	vld.idx.msk [tilespmem:v22+s19+$0x0], $0xffff;
	_ =	sdelay $0x2  }
0x1bf: {  	v21 =	vor.u32 v10, v20;
	_ =	sdelay $0x1  }
0x1c0: {  	v19 =	vmul.f32 v19, v16;
	_ =	sdelay $0x1  }
0x1c1: {  	[tilespmem:v22+s16+$0x0] =	vst.idx.msk $0xffff, v19  }
0x1c2: {  	v19 =	vld.idx.msk [tilespmem:v21+s19+$0x0], $0xffff;
	_ =	sdelay $0x2  }
0x1c3: {  	v20 =	vor.u32 v12, v20;
	_ =	sdelay $0x1  }
0x1c4: {  	v19 =	vmul.f32 v19, v15  }
0x1c5: {  	s0 =	simm.s32 $0x2  }
0x1c6: {  	[tilespmem:v21+s16+$0x0] =	vst.idx.msk $0xffff, v19;
	v19 =	vmov s0  }
0x1c7: {  	v22 =	vld.idx.msk [tilespmem:v20+s19+$0x0], $0xffff;
	v19 =	vand.u32 $0x7E, v19  }
0x1c8: {  	v19 =	vbroadcast v19, $0x0;
	_ =	sdelay $0x1  }
0x1c9: {  	v21 =	vor.u32 v1, v19;
	_ =	sdelay $0x1  }
0x1ca: {  	s28 =	simm.s32 $0x4;
	v22 =	vmul.f32 v22, v14  }
.LBB2_13:
0x1cb: {  	_ = 	snop  }
0x1cc: {  	p5 =	slt.u32 s28, $0x3E;
	s1 =	smov.u32 s28;
	s28 =	sadd.s32 $0x2, s28;
	[tilespmem:v20+s16+$0x0] =	vst.idx.msk $0xffff, v22  }
0x1cd: {  	v20 =	vld.idx.msk [tilespmem:v21+s19+$0x0], $0xffff;
	_ =	sdelay $0x3  }
0x1ce: {  	v22 =	vor.u32 v6, v19;
	_ =	sdelay $0x1  }
0x1cf: {  	v20 =	vmul.f32 v20, v18;
	_ =	sdelay $0x1  }
0x1d0: {  	[tilespmem:v21+s16+$0x0] =	vst.idx.msk $0xffff, v20  }
0x1d1: {  	v20 =	vld.idx.msk [tilespmem:v22+s19+$0x0], $0xffff;
	_ =	sdelay $0x3  }
0x1d2: {  	v21 =	vor.u32 v8, v19;
	_ =	sdelay $0x1  }
0x1d3: {  	v20 =	vmul.f32 v20, v17;
	_ =	sdelay $0x1  }
0x1d4: {  	[tilespmem:v22+s16+$0x0] =	vst.idx.msk $0xffff, v20  }
0x1d5: {  	v20 =	vld.idx.msk [tilespmem:v21+s19+$0x0], $0xffff;
	_ =	sdelay $0x3  }
0x1d6: {  	v22 =	vor.u32 v10, v19;
	_ =	sdelay $0x1  }
0x1d7: {  	v20 =	vmul.f32 v20, v16;
	_ =	sdelay $0x1  }
0x1d8: {  	[tilespmem:v21+s16+$0x0] =	vst.idx.msk $0xffff, v20  }
0x1d9: {  	v20 =	vld.idx.msk [tilespmem:v22+s19+$0x0], $0xffff;
	_ =	sdelay $0x3  }
0x1da: {  	v19 =	vor.u32 v12, v19;
	_ =	sdelay $0x1  }
0x1db: {  	v20 =	vmul.f32 v20, v15;
	_ =	sdelay $0x1  }
0x1dc: {  	s13 =	sadd.s32 $0x1, s0;
	s0 =	smov.u32 s1;
	[tilespmem:v22+s16+$0x0] =	vst.idx.msk $0xffff, v20  }
0x1dd: {  	v21 =	vmov s13;
	v20 =	vld.idx.msk [tilespmem:v19+s19+$0x0], $0xffff  }
0x1de: {  	v21 =	vand.u32 $0x7F, v21  }
0x1df: {  	v21 =	vbroadcast v21, $0x0;
	_ =	sdelay $0x1  }
0x1e0: {  	v22 =	vor.u32 v1, v21;
	_ =	sdelay $0x1  }
0x1e1: {  	v20 =	vmul.f32 v20, v14;
	_ =	sdelay $0x1  }
0x1e2: {  	[tilespmem:v19+s16+$0x0] =	vst.idx.msk $0xffff, v20  }
0x1e3: {  	v19 =	vld.idx.msk [tilespmem:v22+s19+$0x0], $0xffff;
	_ =	sdelay $0x3  }
0x1e4: {  	v20 =	vor.u32 v6, v21;
	_ =	sdelay $0x1  }
0x1e5: {  	v19 =	vmul.f32 v19, v18;
	_ =	sdelay $0x1  }
0x1e6: {  	[tilespmem:v22+s16+$0x0] =	vst.idx.msk $0xffff, v19  }
0x1e7: {  	v19 =	vld.idx.msk [tilespmem:v20+s19+$0x0], $0xffff;
	_ =	sdelay $0x3  }
0x1e8: {  	v22 =	vor.u32 v8, v21;
	_ =	sdelay $0x1  }
0x1e9: {  	v19 =	vmul.f32 v19, v17;
	_ =	sdelay $0x1  }
0x1ea: {  	[tilespmem:v20+s16+$0x0] =	vst.idx.msk $0xffff, v19  }
0x1eb: {  	v19 =	vld.idx.msk [tilespmem:v22+s19+$0x0], $0xffff;
	_ =	sdelay $0x3  }
0x1ec: {  	v23 =	vor.u32 v10, v21;
	_ =	sdelay $0x1  }
0x1ed: {  	v19 =	vmul.f32 v19, v16;
	_ =	sdelay $0x1  }
0x1ee: {  	[tilespmem:v22+s16+$0x0] =	vst.idx.msk $0xffff, v19  }
0x1ef: {  	v19 =	vld.idx.msk [tilespmem:v23+s19+$0x0], $0xffff;
	_ =	sdelay $0x3  }
0x1f0: {  	v20 =	vor.u32 v12, v21;
	_ =	sdelay $0x1  }
0x1f1: {  	v19 =	vmul.f32 v19, v15;
	_ =	sdelay $0x1  }
0x1f2: {  	[tilespmem:v23+s16+$0x0] =	vst.idx.msk $0xffff, v19  }
0x1f3: {  	v19 =	vmov s0;
	v22 =	vld.idx.msk [tilespmem:v20+s19+$0x0], $0xffff  }
0x1f4: {  	v19 =	vand.u32 $0x7E, v19  }
.Ltmp5:
0x1f5: {  	v19 =	vbroadcast v19, $0x0;
	(pc) =	sbr.rel @p5 .LBB2_13-.Ltmp5, $3  }
0x1f6: {  	_ = 	snop  }
0x1f7: {  	v21 =	vor.u32 v1, v19;
	_ =	sdelay $0x1  }
0x1f8: {  	v22 =	vmul.f32 v22, v14  }
0x1f9: {  	_ =	sdelay $0x3  }
0x1fa: {  	[tilespmem:v20+s16+$0x0] =	vst.idx.msk $0xffff, v22  }
0x1fb: {  	v20 =	vld.idx.msk [tilespmem:v21+s19+$0x0], $0xffff;
	_ =	sdelay $0x2  }
0x1fc: {  	v51 =	vor.u32 v6, v19;
	_ =	sdelay $0x1  }
0x1fd: {  	v20 =	vmul.f32 v20, v18;
	_ =	sdelay $0x1  }
0x1fe: {  	[tilespmem:v21+s16+$0x0] =	vst.idx.msk $0xffff, v20  }
0x1ff: {  	v20 =	vld.idx.msk [tilespmem:v51+s19+$0x0], $0xffff;
	_ =	sdelay $0x2  }
0x200: {  	v52 =	vor.u32 v8, v19;
	_ =	sdelay $0x1  }
0x201: {  	v20 =	vmul.f32 v20, v17;
	_ =	sdelay $0x1  }
0x202: {  	[tilespmem:v51+s16+$0x0] =	vst.idx.msk $0xffff, v20  }
0x203: {  	v20 =	vld.idx.msk [tilespmem:v52+s19+$0x0], $0xffff;
	_ =	sdelay $0x2  }
0x204: {  	v53 =	vor.u32 v10, v19;
	_ =	sdelay $0x1  }
0x205: {  	v20 =	vmul.f32 v20, v16;
	_ =	sdelay $0x1  }
0x206: {  	[tilespmem:v52+s16+$0x0] =	vst.idx.msk $0xffff, v20  }
0x207: {  	v20 =	vld.idx.msk [tilespmem:v53+s19+$0x0], $0xffff;
	_ =	sdelay $0x2  }
0x208: {  	v54 =	vor.u32 v12, v19;
	_ =	sdelay $0x1  }
0x209: {  	v20 =	vmul.f32 v20, v15  }
0x20a: {  	s0 =	sadd.s32 $0x1, s0  }
0x20b: {  	v55 =	vmov s0;
	[tilespmem:v53+s16+$0x0] =	vst.idx.msk $0xffff, v20  }
0x20c: {  	v20 =	vand.u32 $0x7F, v55;
	v21 =	vld.idx.msk [tilespmem:v54+s19+$0x0], $0xffff  }
0x20d: {  	v20 =	vbroadcast v20, $0x0;
	_ =	sdelay $0x1  }
0x20e: {  	v56 =	vor.u32 v1, v20;
	_ =	sdelay $0x1  }
0x20f: {  	v21 =	vmul.f32 v21, v14;
	_ =	sdelay $0x1  }
0x210: {  	[tilespmem:v54+s16+$0x0] =	vst.idx.msk $0xffff, v21  }
0x211: {  	v19 =	vld.idx.msk [tilespmem:v56+s19+$0x0], $0xffff;
	_ =	sdelay $0x2  }
0x212: {  	v57 =	vor.u32 v6, v20;
	_ =	sdelay $0x1  }
0x213: {  	v58 =	vmul.f32 v19, v18;
	_ =	sdelay $0x1  }
0x214: {  	[tilespmem:v56+s16+$0x0] =	vst.idx.msk $0xffff, v58  }
0x215: {  	v18 =	vld.idx.msk [tilespmem:v57+s19+$0x0], $0xffff;
	_ =	sdelay $0x2  }
0x216: {  	v59 =	vor.u32 v8, v20;
	_ =	sdelay $0x1  }
0x217: {  	v60 =	vmul.f32 v18, v17;
	_ =	sdelay $0x1  }
0x218: {  	[tilespmem:v57+s16+$0x0] =	vst.idx.msk $0xffff, v60  }
0x219: {  	v17 =	vld.idx.msk [tilespmem:v59+s19+$0x0], $0xffff;
	_ =	sdelay $0x2  }
0x21a: {  	v61 =	vor.u32 v10, v20;
	_ =	sdelay $0x1  }
0x21b: {  	v62 =	vmul.f32 v17, v16;
	_ =	sdelay $0x1  }
0x21c: {  	[tilespmem:v59+s16+$0x0] =	vst.idx.msk $0xffff, v62  }
0x21d: {  	v16 =	vld.idx.msk [tilespmem:v61+s19+$0x0], $0xffff;
	_ =	sdelay $0x2  }
0x21e: {  	v63 =	vor.u32 v12, v20;
	_ =	sdelay $0x1  }
0x21f: {  	v15 =	vmul.f32 v16, v15;
	_ =	sdelay $0x1  }
0x220: {  	[tilespmem:v61+s16+$0x0] =	vst.idx.msk $0xffff, v15  }
0x221: {  	v15 =	vld.idx.msk [tilespmem:v63+s19+$0x0], $0xffff;
	_ =	sdelay $0x4  }
0x222: {  	s26 =	sadd.s32 $0x1, s26;
	v14 =	vmul.f32 v15, v14  }
0x223: {  	p5 =	sne.s32 s26, $0x7D  }
.Ltmp6:
0x224: {  	[tilespmem:v63+s16+$0x0] =	vst.idx.msk $0xffff, v14;
	(pc) =	sbr.rel @p5 .LBB2_12-.Ltmp6, $4  }
0x225: {  	[spmem:s3] =	stream.indirect.scatter.add.f32 [tilespmem:s16], [sflag:$0x1], $0x80, s22, s17, $0xb8;
	[tilespmem:$0x1A600] =	vst v63  }
0x226: {  	_ =	swait.ge [sflag:s12], $0x2800  }
0x227: {  	[sflag:s12] =	ssyncset.done $0x0  }
0x228: {  	[sflag:s12] =	ssyncadd.s32 $0xFFFFD800  }
0x229: {  	[bflag:$0x0] =	sbarrier.arrive $0xFFFF;
	s0 =	sshll.u32 @p4 s2, $0x6  }
0x22a: {  	s1 =	sadd.s32 @p4 s9, s10;
	s13 =	sshrl.u32 @p4 s8, $0x3;
	s0 =	sor.u32 @p4 $0x1C01, s0  }
0x22b: {  	[hbm:s1], [sflag:s0] =	dma.local @p4 [spmem:s13], $0xC80  }
0x22c: {  	s0 =	simm.s32 @p4 $0x1  }
0x22d: {  	_ =	swait.ge @p4 [sflag:s0], $0xC80  }
0x22e: {  	s24 =	sadd.s32 $0x1, s24;
	[sflag:s0] =	ssyncset.done @p4 $0x0  }
0x22f: {  	[sflag:s0] =	ssyncadd.s32 @p4 $0xFFFFF380;
	p4 =	sne.s32 s24, s11  }
.Ltmp7:
0x230: {  	_ = 	snop;
	(pc) =	sbr.rel @p4 .LBB2_1-.Ltmp7, $2  }
0x231: {  	_ =	sdelay $0x1  }
0x232: {  	[bflag:$0x0] =	sbarrier.arrive $0xFFFF;
	_ =	sdelay $0x1  }
0x233: {  	_ =	sfence.sel $0x180000  }
0x234: {  	[bflag:$0x0] =	sbarrier.arrive $0xFFFF  }
0x235: {  	_ =	strace $0x9000004A  }
0x236: {  	[bflag:$0x2] =	sbarrier.arrive $0xFFFF  }
0x237: {  	p0 =	sne.s32 s2, $0x0;
	s0 =	rddreg [dreg:$0x3]  }
0x238: {  	s0 =	sadd.s32 @!p0 $0x100000, s0  }
0x239: {  	[sflag:s0] =	ssyncadd.tile.s32 @!p0 $0x1;
	_ =	shalt  }
.Lfunc_end2:
_tile_overlayer_lowered:
.L_overlay_start_2:
0x23a: {  	(tag) =	ssettag $0x2  }
0x23b: {  	s0 =	rddreg [dreg:$0x0];
	s2 =	stileid.u32  }
0x23c: {  	s1 =	rddreg [dreg:$0x1];
	p0 =	sne.s32 s2, $0x0  }
0x23d: {  	s3 =	rddreg [dreg:$0x2];
	[bflag:$0x3] =	sbarrier.arrive $0xFFFF;
	s2 =	simm.s32 @!p0 $0x1C01  }
0x23e: {  	[timem:s3], [sflag:s2] =	dma.local @!p0 [hbm:s0], s1  }
0x23f: {  	s0 =	simm.s32 @!p0 $0x1  }
0x240: {  	_ =	swait.ge @!p0 [sflag:s0], s1  }
0x241: {  	s1 =	ssub.s32 @!p0 $0x0, s1;
	[sflag:s0] =	ssyncset.done @!p0 $0x0  }
0x242: {  	[sflag:s0] =	ssyncadd.s32 @!p0 s1  }
0x243: {  	[bflag:$0x3] =	sbarrier.arrive $0xFFFF  }
0x244: {  	_ =	shalt  }

// kernel: kernel.7.cloned.1.call-start
scs
__scs_entry_jumppad:
0x0: {  	(pc) =	sbr.rel $0x88, $3  }
0x1: {  	(tag) =	ssettag $0x0;
	lr =	simm.s32 $0x1  }
0x2: {  	[smem:$0x3F93] =	sst lr;
	_ =	strace $0xD0000000  }
0x3: {  	_ = 	snop  }
0x4: {  	_ = 	snop  }
0x5: {  	_ = 	snop  }
0x6: {  	_ = 	snop  }
0x7: {  	_ = 	snop  }
__scs_overlays_trampoline_lowered:
0x8: {  	[smem:$0x3FA2] =	sst s0  }
0x9: {  	[smem:$0x3FA3] =	sst s1  }
0xa: {  	[smem:$0x3FA4] =	sst s2  }
0xb: {  	[smem:$0x3FA5] =	sst s3  }
0xc: {  	[smem:$0x3FA6] =	sst s4  }
0xd: {  	[smem:$0x3FA7] =	sst s5  }
0xe: {  	[smem:$0x3FA8] =	sst s6  }
0xf: {  	[smem:$0x3FA9] =	sst s7  }
0x10: {  	[smem:$0x3FAA] =	sst s8  }
0x11: {  	[smem:$0x3FAB] =	sst s9;
	s0 =	simm.s32 @!p0 $0x0  }
0x12: {  	s1 =	sld [smem:$0x3F91];
	s0 =	simm.s32 @p0 $0x1  }
0x13: {  	[smem:$0x3FAC] =	sst s0;
	s0 =	simm.s32 @!p1 $0x0  }
0x14: {  	s2 =	sld [smem:$0x3F90];
	s0 =	simm.s32 @p1 $0x1  }
0x15: {  	[smem:$0x3FAD] =	sst s0;
	s0 =	simm.s32 @!p2 $0x0  }
0x16: {  	s3 =	sld [smem:$0x3FDB];
	s0 =	simm.s32 @p2 $0x1  }
0x17: {  	s4 =	simm.s32 $0x1BF5;
	[smem:$0x3FAF] =	sst s0  }
0x18: {  	s0 =	sld [smem:$0x3F92];
	_ =	swait.ge [sflag:s4], $0x0  }
0x19: {  	s7 =	sld [smem:$0x3F93]  }
0x1a: {  	s8 =	sadd.s32 $0xFFFFE003, lr  }
0x1b: {  	s9 =	sadd.s32 $0xFFFFFEF7, lr;
	s5 =	simm.s32 $0xFFFFFFFF;
	p2 =	slt.u32 s8, $0xFFFFF086  }
0x1c: {  	p1 =	slt.u32 s9, $0xF7A;
	s5 =	simm.s32 @!p2 $0x0  }
0x1d: {  	s5 =	simm.s32 @p1 $0x1;
	p0 =	seq.s32 s7, s2  }
0x1e: {  	s7 =	smul.u32 @!p0 $0xF7A, s2;
	p2 =	seq.s32 @!p0 s5, $0x0  }
0x1f: {  	s9 =	smul.u32 $0xF7A, s1;
	s8 =	simm.s32 @!p0 $0x1BF5;
	p2 =	por !p2, p0  }
0x20: {  	[sflag:s8] =	ssyncset.s32 @!p0 $0xFFFFF086;
	s6 =	sadd.s32 @!p0 s3, s7;
	s7 =	simm.s32 @!p0 $0x108  }
0x21: {  	s3 =	sadd.s32 s3, s9;
	s6 =	sadd.s32 @!p0 $0x88, s6;
	s7 =	simm.s32 @p2 $0x1082  }
0x22: {  	[simem:s7], [sflag:s8] =	dma.local @!p0 [hbm:s6], $0xF7A  }
0x23: {  	s9 =	sor.u32 $0xD0000000, s2;
	s6 =	simm.s32 $0x108;
	_ =	swait.ge @!p0 [sflag:s8], $0x0  }
0x24: {  	s3 =	sadd.s32 $0x88, s3;
	s6 =	simm.s32 @!p1 $0x1082;
	[sflag:s4] =	ssyncset.s32 $0xFFFFF086  }
0x25: {  	[simem:s6], [sflag:s4] =	dma.local [hbm:s3], $0xF7A  }
0x26: {  	[smem:$0x3F93] =	sst s1;
	(tag) =	ssettag s2;
	_ =	strace s9  }
0x27: {  	s1 =	sld [smem:$0x3FA3]  }
0x28: {  	s2 =	sld [smem:$0x3FA4]  }
0x29: {  	s4 =	sld [smem:$0x3FA6]  }
0x2a: {  	p0 =	seq.s32 s5, $0x0;
	s5 =	sld [smem:$0x3FA7]  }
0x2b: {  	s6 =	sld [smem:$0x3FA8]  }
0x2c: {  	s7 =	sld [smem:$0x3FA9]  }
0x2d: {  	s3 =	simm.s32 $0x108;
	s8 =	sld [smem:$0x3FAA]  }
0x2e: {  	s3 =	simm.s32 @!p0 $0x1082;
	s9 =	sld [smem:$0x3FAB]  }
0x2f: {  	lr =	sadd.s32 s0, s3;
	s0 =	sld [smem:$0x3FA2]  }
0x30: {  	s3 =	sld [smem:$0x3FA5]  }
0x31: {  	[smem:$0x3FAE] =	sst s10  }
0x32: {  	s10 =	sld [smem:$0x3FAC];
	_ =	sdelay $0x3  }
0x33: {  	p0 =	seq.s32 s10, $0x1;
	s10 =	sld [smem:$0x3FAE];
	_ =	sdelay $0x3  }
0x34: {  	[smem:$0x3FAE] =	sst s10  }
0x35: {  	s10 =	sld [smem:$0x3FAD];
	_ =	sdelay $0x3  }
0x36: {  	p1 =	seq.s32 s10, $0x1;
	s10 =	sld [smem:$0x3FAE];
	_ =	sdelay $0x3  }
0x37: {  	[smem:$0x3FAE] =	sst s10  }
0x38: {  	s10 =	sld [smem:$0x3FAF]  }
0x39: {  	_ = 	snop;
	(pc) =	sbr.ind lr, $3  }
0x3a: {  	_ = 	snop  }
0x3b: {  	_ = 	snop  }
0x3c: {  	p2 =	seq.s32 s10, $0x1;
	s10 =	sld [smem:$0x3FAE]  }
0x3d: {  	_ =	shalt  }
0x3e: {  	_ =	shalt  }
0x3f: {  	_ =	shalt  }
0x40: {  	_ =	shalt  }
0x41: {  	_ =	shalt  }
0x42: {  	_ =	shalt  }
0x43: {  	_ =	shalt  }
0x44: {  	_ =	shalt  }
0x45: {  	_ =	shalt  }
0x46: {  	_ =	shalt  }
0x47: {  	_ =	shalt  }
0x48: {  	_ =	shalt  }
0x49: {  	_ =	shalt  }
0x4a: {  	_ =	shalt  }
0x4b: {  	_ =	shalt  }
0x4c: {  	_ =	shalt  }
0x4d: {  	_ =	shalt  }
0x4e: {  	_ =	shalt  }
0x4f: {  	_ =	shalt  }
0x50: {  	_ =	shalt  }
0x51: {  	_ =	shalt  }
0x52: {  	_ =	shalt  }
0x53: {  	_ =	shalt  }
0x54: {  	_ =	shalt  }
0x55: {  	_ =	shalt  }
0x56: {  	_ =	shalt  }
0x57: {  	_ =	shalt  }
0x58: {  	_ =	shalt  }
0x59: {  	_ =	shalt  }
0x5a: {  	_ =	shalt  }
0x5b: {  	_ =	shalt  }
0x5c: {  	_ =	shalt  }
0x5d: {  	_ =	shalt  }
0x5e: {  	_ =	shalt  }
0x5f: {  	_ =	shalt  }
0x60: {  	_ =	shalt  }
0x61: {  	_ =	shalt  }
0x62: {  	_ =	shalt  }
0x63: {  	_ =	shalt  }
0x64: {  	_ =	shalt  }
0x65: {  	_ =	shalt  }
0x66: {  	_ =	shalt  }
0x67: {  	_ =	shalt  }
0x68: {  	_ =	shalt  }
0x69: {  	_ =	shalt  }
0x6a: {  	_ =	shalt  }
0x6b: {  	_ =	shalt  }
0x6c: {  	_ =	shalt  }
0x6d: {  	_ =	shalt  }
0x6e: {  	_ =	shalt  }
0x6f: {  	_ =	shalt  }
0x70: {  	_ =	shalt  }
0x71: {  	_ =	shalt  }
0x72: {  	_ =	shalt  }
0x73: {  	_ =	shalt  }
0x74: {  	_ =	shalt  }
0x75: {  	_ =	shalt  }
0x76: {  	_ =	shalt  }
0x77: {  	_ =	shalt  }
0x78: {  	_ =	shalt  }
0x79: {  	_ =	shalt  }
0x7a: {  	_ =	shalt  }
0x7b: {  	_ =	shalt  }
0x7c: {  	_ =	shalt  }
0x7d: {  	_ =	shalt  }
0x7e: {  	_ =	shalt  }
0x7f: {  	_ =	shalt  }
0x80: {  	_ =	shalt  }
0x81: {  	_ =	shalt  }
0x82: {  	_ =	shalt  }
0x83: {  	_ =	shalt  }
0x84: {  	_ =	shalt  }
0x85: {  	_ =	shalt  }
0x86: {  	_ =	shalt  }
0x87: {  	_ =	shalt  }
.Lfunc_end0:
.L_simem_size_0:
called_computation_lowered:
.L_overlay_start_0:
0x88: {  	s2 =	sld [smem:$0x3FD9]  }
0x89: {  	s3 =	sld [smem:$0x3FFE];
	_ =	sdelay $0x1  }
0x8a: {  	s1 =	srdreg.scid  }
0x8b: {  	s0 =	sand.u32 $0x1, s1  }
0x8c: {  	s17 =	sshll.u32 s0, $0xA;
	s2 =	sadd.s32 s3, s2  }
0x8d: {  	s2 =	sadd.s32 s2, s17  }
0x8e: {  	[smem:$0x3FBA] =	sst s2  }
0x8f: {  	_ = 	snop  }
0x90: {  	s2 =	sld [smem:$0x3FC5]  }
0x91: {  	s18 =	sld [smem:$0x3FD0];
	(tm) =	ssettm $0x1  }
0x92: {  	s4 =	sld [smem:$0x3FFB];
	_ =	sdelay $0x3  }
0x93: {  	_ =	strace s4  }
0x94: {  	s4 =	sld [smem:$0x3FFC];
	_ =	sdelay $0x3  }
0x95: {  	_ =	strace s4  }
0x96: {  	s4 =	sld [smem:$0x3FFD];
	_ =	sdelay $0x3  }
0x97: {  	_ =	strace s4  }
0x98: {  	_ =	strace $0x8FFFFFFF  }
0x99: {  	s19 =	sld [smem:$0x3FDB];
	_ =	sdelay $0x1  }
0x9a: {  	s5 =	simm.s32 $_scs_section_size  }
0x9b: {  	s6 =	simm.s32 $_size__tile_overlayer_lowered;
	s7 =	simm.s32 $_tile_overlayer_lowered  }
0x9c: {  	s22 =	simm.s32 $0x1BFF;
	s21 =	sshll.u32 s7, $0x1;
	s4 =	sadd.s32 s5, s19  }
0x9d: {  	s8 =	simm.s32 $0x0;
	s20 =	sshll.u32 s6, $0x1;
	s6 =	sadd.s32 s21, s4  }
0x9e: {  	[timem:s8], [sflag:s22] =	dma.local [hbm:s6], s20  }
0x9f: {  	_ =	swait.ge [sflag:s22], s20  }
0xa0: {  	s5 =	ssub.s32 $0x0, s20;
	[sflag:s22] =	ssyncset.done $0x0  }
0xa1: {  	[sflag:s22] =	ssyncadd.s32 s5;
	_ =	sdelay $0x1  }
0xa2: {  	s23 =	simm.s32 $0x1B8B  }
0xa3: {  	_ =	swait.ge [sflag:s23], $0x1  }
0xa4: {  	[sflag:s23] =	ssyncset.done $0x0  }
0xa5: {  	s25 =	simm.s32 $0x1B8E;
	s24 =	sld [smem:$0x3FFE];
	[sflag:s23] =	ssyncadd.s32 $0xFFFFFFFF  }
0xa6: {  	s26 =	simm.s32 $execute0_lowered;
	[smem:$0x3FD2] =	sst s25  }
0xa7: {  	s6 =	sshll.u32 s26, $0x1;
	_ =	strace $0x80000046;
	[dreg:$0x1] =	wrdreg $0xFFFFFFFF  }
0xa8: {  	s28 =	simm.s32 $_size_execute0_lowered;
	s4 =	sadd.s32 s4, s6;
	[dreg:$0x0] =	wrdreg $0x0  }
0xa9: {  	s6 =	sshll.u32 s28, $0x1;
	[dreg:$0x2] =	wrdreg s4  }
0xaa: {  	[dreg:$0x3] =	wrdreg s6  }
0xab: {  	[dreg:$0x4] =	wrdreg $0xC0  }
0xac: {  	_ =	task [dreg:s8], $0x5FFFF  }
0xad: {  	[dreg:$0x1] =	wrdreg $0xFFFFFFFF  }
0xae: {  	[dreg:$0x0] =	wrdreg $0x60  }
0xaf: {  	[dreg:$0x2] =	wrdreg s24  }
0xb0: {  	[dreg:$0x3] =	wrdreg s2  }
0xb1: {  	[dreg:$0x4] =	wrdreg s18  }
0xb2: {  	[dreg:$0x5] =	wrdreg $0x17C000  }
0xb3: {  	[dreg:$0x6] =	wrdreg $0x9  }
0xb4: {  	_ =	task.clear_ibuf [dreg:s8], $0x7FFFF;
	_ =	strace $0x90000046  }
0xb5: {  	s29 =	simm.s32 $0x9;
	_ =	strace $0x80000048  }
0xb6: {  	_ =	swait.ge [sflag:s29], $0x1  }
0xb7: {  	[sflag:s29] =	ssyncadd.s32 $0xFFFFFFFF  }
0xb8: {  	_ =	strace $0x90000048  }
0xb9: {  	_ =	sfence  }
0xba: {  	s30 =	sld [smem:$0x0];
	_ =	sdelay $0x2  }
0xbb: {  	s31 =	sshll.u32 s1, $0xD;
	s1 =	sshrl.u32 s1, $0x2  }
0xbc: {  	s3 =	sand.u32 $0x4000, s31;
	s1 =	sadd.s32 s1, s30  }
0xbd: {  	s0 =	sor.u32 s3, s0;
	s1 =	sshll.u32 s1, $0x11  }
0xbe: {  	s0 =	sor.u32 s1, s0  }
0xbf: {  	s0 =	sadd.s32 $0x8F2B, s0  }
0xc0: {  	[sflag:s0] =	ssyncadd.remote.s32 $0x1  }
0xc1: {  	_ =	sfence.sel $0xFFFF  }
0xc2: {  	[dreg:$0x0] =	wrdreg $0xFFFFFFFF;
	(pc) =	sbr.abs _section_cstart, $3  }
0xc3: {  	[dreg:$0x1] =	wrdreg $0xFFFFFFFF  }
0xc4: {  	_ =	task.clear_ibuf [dreg:s8], $0x2FFFF;
	_ =	strace $0x9FFFFFFF  }
0xc5: {  	(tm) =	ssettm $0x7FFFFFFF  }
tec
execute0_lowered:
.L_overlay_start_1:
0x0: {  	(tag) =	ssettag $0x1  }
0x1: {  	s0 =	rddreg [dreg:$0x0]  }
0x2: {  	s3 =	rddreg [dreg:$0x1]  }
0x3: {  	s6 =	rddreg [dreg:$0x2]  }
0x4: {  	s1 =	rddreg [dreg:$0x3];
	s2 =	simm.s32 $0x0;
	s14 =	stileid.u32  }
0x5: {  	s5 =	srdreg.scid;
	s16 =	simm.s32 $0x1;
	s28 =	simm.s32 $0x15480  }
0x6: {  	s29 =	simm.s32 $0x7800;
	s30 =	simm.s32 $0x0;
	s7 =	smul.u32 $0x4E2, s14  }
0x7: {  	[smem:$0x7FF] =	sst s2;
	s4 =	sadd.s32 $0x5A600, s0;
	s11 =	smul.u32 $0x19000, s14  }
0x8: {  	s8 =	sand.u32 $0x1, s5;
	s5 =	sadd.s32 $0xC400, s0;
	s12 =	smul.u32 $0xC80, s14  }
0x9: {  	p0 =	sne.s32 s14, $0x0;
	_ =	strace $0x80000047;
	s17 =	smul.u32 $0x2710, s8  }
0xa: {  	s9 =	ssub.s32 $0x2, s8;
	s18 =	sshll.u32 s8, $0x4;
	s20 =	smul.u32 $0x138800, s8  }
0xb: {  	s22 =	smul.u32 $0x27100, s8;
	s7 =	sadd.s32 s7, s0;
	s0 =	sadd.s32 $0xA8800, s0  }
0xc: {  	s10 =	sshrl.u32 s9, $0x1;
	s3 =	sadd.s32 s3, s18;
	s19 =	sshrl.u32 s11, $0x2  }
0xd: {  	s24 =	sor.u32 s14, s18;
	s15 =	ssub.s32 s9, s10;
	[dreg:$0x5] =	wrdreg s3  }
0xe: {  	s21 =	sadd.s32 $0x7400, s7;
	s7 =	sadd.s32 $0x2400, s7;
	s9 =	sadd.s32 s19, s1  }
0xf: {  	s23 =	sshrl.u32 s20, $0x3;
	s10 =	sadd.s32 $0x64000, s1;
	s8 =	smul.u32 $0x4E2, s24  }
0x10: {  	s11 =	sadd.s32 s0, s22;
	s19 =	simm.s32 $0xF080;
	s20 =	simm.s32 $0xC880  }
0x11: {  	v0 =	vlaneseq.u32;
	s22 =	simm.s32 $0x7700;
	s24 =	simm.s32 $0x7780;
	[dreg:$0x6] =	wrdreg s21  }
0x12: {  	v1 =	vmul.u32 $0x80, v0;
	[dreg:$0x7] =	wrdreg s7;
	s7 =	sadd.s32 s0, s23;
	s31 =	smax.u32 s15, $0x1  }
0x13: {  	s21 =	simm.s32 $0x50;
	s23 =	simm.s32 $0x7880;
	s13 =	sadd.s32 $0xD480, s7  }
0x14: {  	v3 =	vimm.f32 $0.0e+00;
	v4 =	vor.u32 $0x800, v1;
	v5 =	vor.u32 $0x1000, v1;
	s25 =	sadd.s32 $0x1A900, s7;
	s26 =	sadd.s32 s6, s8;
	[dreg:$0x9] =	wrdreg s31  }
0x15: {  	v6 =	vor.u32 $0x1800, v1;
	v7 =	vor.u32 $0x2000, v1;
	v2 =	vmov s17;
	[dreg:$0x8] =	wrdreg s26;
	s25 =	sadd.s32 s12, s25;
	s26 =	simm.s32 $0xA080  }
.LBB2_1:
0x16: {  	s0 =	rddreg [dreg:$0x5]  }
0x17: {  	[tilespmem:s2], [sflag:$0x1] =	stream.linear.gather [hbm4b:s0+s2], $0x80, $0x38;
	[tilespmem:$0x1E680] =	vst v63  }
0x18: {  	_ =	swait.ge [sflag:s16], $0x80  }
0x19: {  	[sflag:s16] =	ssyncset.done $0x0  }
0x1a: {  	s3 =	simm.s32 $0x80;
	s17 =	rddreg [dreg:$0x6];
	[sflag:s16] =	ssyncadd.s32 $0xFFFFFF80  }
0x1b: {  	[tilespmem:s3], [sflag:$0x1] =	stream.linear.gather [hbm4b:s17+s2], $0x2710, $0x38;
	[tilespmem:$0x1E680] =	vst v63  }
0x1c: {  	_ =	swait.ge [sflag:s16], $0x2710  }
0x1d: {  	[sflag:s16] =	ssyncset.done $0x0  }
0x1e: {  	s31 =	simm.s32 $0x2800;
	s18 =	rddreg [dreg:$0x7];
	[sflag:s16] =	ssyncadd.s32 $0xFFFFD8F0  }
0x1f: {  	[tilespmem:s31], [sflag:$0x1] =	stream.linear.gather [hbm4b:s18+s2], $0x2710, $0x38;
	[tilespmem:$0x1E680] =	vst v63  }
0x20: {  	_ =	swait.ge [sflag:s16], $0x2710  }
0x21: {  	[sflag:s16] =	ssyncset.done $0x0  }
0x22: {  	s0 =	simm.s32 $0x40;
	s3 =	simm.s32 $0x0;
	[sflag:s16] =	ssyncadd.s32 $0xFFFFD8F0  }
.LBB2_2:
0x23: {  	p1 =	sne.s32 s0, $0x9C00;
	[tilespmem:s3+$0x15480] =	vst v3;
	s3 =	smov.u32 s0;
	s0 =	sadd.s32 $0x40, s0  }
.Ltmp0:
0x24: {  	(pc) =	sbr.rel @p1 .LBB2_2-.Ltmp0, $2  }
0x25: {  	_ =	sdelay $0x2  }
0x26: {  	s3 =	sshra.s32 s3, $0x2  }
0x27: {  	s0 =	simm.s32 $0x0  }
0x28: {  	v8 =	vmov s0  }
0x29: {  	v11 =	vor.u32 s0, v0;
	v9 =	vor.u32 $0x10, v8;
	v10 =	vor.u32 $0x20, v8  }
0x2a: {  	s0 =	simm.s32 $0x80;
	v12 =	vor.u32 $0x60, v8;
	v13 =	vor.u32 $0x30, v8;
	v14 =	vor.u32 $0x40, v8  }
0x2b: {  	v25 =	vor.u32 s0, v0;
	v9 =	vbroadcast v9, $0x0;
	v17 =	vbroadcast v10, $0x0  }
0x2c: {  	v13 =	vbroadcast v13, $0x0;
	v18 =	vbroadcast v12, $0x0;
	v12 =	vmov s0  }
0x2d: {  	v15 =	vbroadcast v14, $0x0;
	v19 =	vor.u32 $0x10, v12;
	v21 =	vor.u32 $0x40, v12  }
0x2e: {  	v22 =	vor.u32 $0x50, v12;
	v10 =	vor.u32 v0, v9;
	v9 =	vor.u32 $0x50, v8  }
0x2f: {  	v16 =	vbroadcast v9, $0x0;
	v9 =	vor.u32 v0, v13;
	v13 =	vor.u32 v0, v17  }
0x30: {  	v34 =	vor.u32 $0x70, v12;
	v8 =	vor.u32 $0x70, v8;
	v23 =	vor.u32 v0, v15  }
0x31: {  	[tilespmem:s3+$0x15480] =	vst v3;
	v20 =	vbroadcast v19, $0x0;
	v19 =	vor.u32 $0x30, v12;
	v32 =	vbroadcast v21, $0x0  }
0x32: {  	v14 =	vbroadcast v8, $0x0;
	v8 =	vor.u32 v0, v18;
	[tilespmem:v11+s19+$0x0] =	vst.idx.msk $0xffff, v3;
	v24 =	vor.u32 v0, v16  }
0x33: {  	v31 =	vbroadcast v22, $0x0;
	v18 =	vor.u32 $0x20, v12;
	v19 =	vbroadcast v19, $0x0;
	v28 =	vmovc v8;
	[tilespmem:v10+s19+$0x0] =	vst.idx.msk $0xffff, v3  }
0x34: {  	v17 =	vor.u32 $0x60, v12;
	v30 =	vbroadcast v18, $0x0;
	v29 =	vor.u32 v0, v14;
	[tilespmem:v13+s19+$0x0] =	vst.idx.msk $0xffff, v3  }
0x35: {  	s3 =	simm.s32 $0x2;
	v26 =	vor.u32 v0, v20;
	v33 =	vbroadcast v17, $0x0;
	v27 =	vor.u32 v0, v19;
	[tilespmem:v9+s19+$0x0] =	vst.idx.msk $0xffff, v3  }
.LBB2_4:
0x36: {  	s6 =	sshll.u32 s3, $0x7;
	p1 =	sne.s32 s3, $0xC7;
	s3 =	sadd.s32 $0x1, s3;
	v35 =	vor.u32 v0, v30;
	v34 =	vbroadcast v34, $0x0;
	[tilespmem:v23+s19+$0x0] =	vst.idx.msk $0xffff, v3;
	v23 =	vor.u32 v0, v32  }
0x37: {  	v36 =	vmov s6;
	v30 =	vor.u32 v0, v33;
	[tilespmem:v24+s19+$0x0] =	vst.idx.msk $0xffff, v3;
	v24 =	vor.u32 v0, v31  }
0x38: {  	v31 =	vor.u32 $0x10, v36;
	v32 =	vor.u32 $0x20, v36;
	v33 =	vor.u32 $0x60, v36;
	[tilespmem:v28+s19+$0x0] =	vst.idx.msk $0xffff, v3;
	v28 =	vmovc v30  }
.Ltmp1:
0x39: {  	v37 =	vor.u32 $0x30, v36;
	v38 =	vor.u32 $0x40, v36;
	v31 =	vbroadcast v31, $0x0;
	[tilespmem:v29+s19+$0x0] =	vst.idx.msk $0xffff, v3;
	(pc) =	sbr.rel @p1 .LBB2_4-.Ltmp1, $4  }
0x3a: {  	v30 =	vbroadcast v32, $0x0;
	v37 =	vbroadcast v37, $0x0;
	[tilespmem:v25+s19+$0x0] =	vst.idx.msk $0xffff, v3;
	v25 =	vor.u32 s6, v0  }
0x3b: {  	v32 =	vbroadcast v38, $0x0;
	v29 =	vor.u32 $0x50, v36;
	[tilespmem:v26+s19+$0x0] =	vst.idx.msk $0xffff, v3;
	v26 =	vor.u32 v0, v31  }
0x3c: {  	v31 =	vbroadcast v29, $0x0;
	v29 =	vor.u32 v0, v34;
	[tilespmem:v35+s19+$0x0] =	vst.idx.msk $0xffff, v3  }
0x3d: {  	v33 =	vbroadcast v33, $0x0;
	v34 =	vor.u32 $0x70, v36;
	[tilespmem:v27+s19+$0x0] =	vst.idx.msk $0xffff, v3;
	v27 =	vor.u32 v0, v37  }
0x3e: {  	_ =	sdelay $0x3  }
0x3f: {  	[tilespmem:v23+s19+$0x0] =	vst.idx.msk $0xffff, v3  }
0x40: {  	v23 =	vor.u32 v0, v30;
	[tilespmem:v24+s19+$0x0] =	vst.idx.msk $0xffff, v3  }
0x41: {  	[tilespmem:v28+s19+$0x0] =	vst.idx.msk $0xffff, v3  }
0x42: {  	v60 =	vor.u32 v0, v32;
	[tilespmem:v29+s19+$0x0] =	vst.idx.msk $0xffff, v3  }
0x43: {  	v61 =	vbroadcast v34, $0x0;
	v62 =	vor.u32 v0, v31;
	[tilespmem:v25+s19+$0x0] =	vst.idx.msk $0xffff, v3  }
0x44: {  	v63 =	vor.u32 v0, v33;
	[tilespmem:v26+s19+$0x0] =	vst.idx.msk $0xffff, v3  }
0x45: {  	[tilespmem:v23+s19+$0x0] =	vst.idx.msk $0xffff, v3;
	v23 =	vor.u32 v0, v61  }
0x46: {  	[tilespmem:v27+s19+$0x0] =	vst.idx.msk $0xffff, v3  }
0x47: {  	[tilespmem:v60+s19+$0x0] =	vst.idx.msk $0xffff, v3  }
0x48: {  	[tilespmem:v62+s19+$0x0] =	vst.idx.msk $0xffff, v3  }
0x49: {  	[tilespmem:v63+s19+$0x0] =	vst.idx.msk $0xffff, v3  }
0x4a: {  	[tilespmem:v23+s19+$0x0] =	vst.idx.msk $0xffff, v3;
	v23 =	vor.u32 v0, v15  }
0x4b: {  	v16 =	vor.u32 v0, v16;
	[tilespmem:v11+s20+$0x0] =	vst.idx.msk $0xffff, v3  }
0x4c: {  	v18 =	vbroadcast v18, $0x0;
	v21 =	vbroadcast v21, $0x0;
	v12 =	vor.u32 $0x70, v12;
	[tilespmem:v10+s20+$0x0] =	vst.idx.msk $0xffff, v3  }
0x4d: {  	v15 =	vor.u32 v0, v20;
	v20 =	vbroadcast v22, $0x0;
	[tilespmem:v13+s20+$0x0] =	vst.idx.msk $0xffff, v3;
	v13 =	vor.u32 v0, v14  }
0x4e: {  	v11 =	vor.u32 s0, v0;
	s0 =	simm.s32 $0x2;
	v10 =	vor.u32 v0, v19;
	v14 =	vbroadcast v17, $0x0;
	[tilespmem:v9+s20+$0x0] =	vst.idx.msk $0xffff, v3  }
.LBB2_6:
0x4f: {  	s3 =	sshll.u32 s0, $0x7;
	p1 =	sne.s32 s0, $0x4F;
	s0 =	sadd.s32 $0x1, s0;
	v9 =	vor.u32 v0, v18;
	v12 =	vbroadcast v12, $0x0;
	[tilespmem:v23+s20+$0x0] =	vst.idx.msk $0xffff, v3;
	v23 =	vor.u32 v0, v21  }
0x50: {  	v17 =	vmov s3;
	v14 =	vor.u32 v0, v14;
	[tilespmem:v16+s20+$0x0] =	vst.idx.msk $0xffff, v3;
	v16 =	vor.u32 v0, v20  }
0x51: {  	v18 =	vor.u32 $0x10, v17;
	v19 =	vor.u32 $0x20, v17;
	v22 =	vor.u32 $0x60, v17;
	[tilespmem:v8+s20+$0x0] =	vst.idx.msk $0xffff, v3;
	v8 =	vmovc v14  }
.Ltmp2:
0x52: {  	v20 =	vor.u32 $0x30, v17;
	v21 =	vor.u32 $0x40, v17;
	v14 =	vbroadcast v18, $0x0;
	[tilespmem:v13+s20+$0x0] =	vst.idx.msk $0xffff, v3;
	(pc) =	sbr.rel @p1 .LBB2_6-.Ltmp2, $4  }
0x53: {  	v18 =	vbroadcast v19, $0x0;
	v19 =	vbroadcast v20, $0x0;
	[tilespmem:v11+s20+$0x0] =	vst.idx.msk $0xffff, v3;
	v11 =	vor.u32 s3, v0  }
0x54: {  	v21 =	vbroadcast v21, $0x0;
	v13 =	vor.u32 $0x50, v17;
	[tilespmem:v15+s20+$0x0] =	vst.idx.msk $0xffff, v3;
	v15 =	vor.u32 v0, v14  }
0x55: {  	v20 =	vbroadcast v13, $0x0;
	v13 =	vor.u32 v0, v12;
	[tilespmem:v9+s20+$0x0] =	vst.idx.msk $0xffff, v3  }
0x56: {  	v12 =	vor.u32 $0x70, v17;
	v14 =	vbroadcast v22, $0x0;
	[tilespmem:v10+s20+$0x0] =	vst.idx.msk $0xffff, v3;
	v10 =	vor.u32 v0, v19  }
0x57: {  	_ =	sdelay $0x3  }
0x58: {  	[tilespmem:v23+s20+$0x0] =	vst.idx.msk $0xffff, v3  }
0x59: {  	v9 =	vor.u32 v0, v18;
	[tilespmem:v16+s20+$0x0] =	vst.idx.msk $0xffff, v3  }
0x5a: {  	[tilespmem:v8+s20+$0x0] =	vst.idx.msk $0xffff, v3  }
0x5b: {  	v8 =	vor.u32 v0, v21;
	[tilespmem:v13+s20+$0x0] =	vst.idx.msk $0xffff, v3  }
0x5c: {  	v12 =	vbroadcast v12, $0x0;
	v61 =	vor.u32 v0, v20;
	[tilespmem:v11+s20+$0x0] =	vst.idx.msk $0xffff, v3  }
0x5d: {  	v62 =	vor.u32 v0, v14;
	[tilespmem:v15+s20+$0x0] =	vst.idx.msk $0xffff, v3  }
0x5e: {  	v63 =	vor.u32 v0, v12;
	[tilespmem:v9+s20+$0x0] =	vst.idx.msk $0xffff, v3  }
0x5f: {  	[tilespmem:v10+s20+$0x0] =	vst.idx.msk $0xffff, v3  }
0x60: {  	[tilespmem:v8+s20+$0x0] =	vst.idx.msk $0xffff, v3  }
0x61: {  	[tilespmem:v61+s20+$0x0] =	vst.idx.msk $0xffff, v3  }
0x62: {  	[tilespmem:v62+s20+$0x0] =	vst.idx.msk $0xffff, v3  }
0x63: {  	[tilespmem:v63+s20+$0x0] =	vst.idx.msk $0xffff, v3  }
0x64: {  	[spmem:s9] =	stream.linear.scatter [tilespmem:s19], [sflag:$0x1], $0x6400, $0x38;
	[tilespmem:$0x1E680] =	vst v63  }
0x65: {  	_ =	swait.ge [sflag:s16], $0x6400  }
0x66: {  	[sflag:s16] =	ssyncset.done $0x0  }
0x67: {  	s0 =	simm.s32 @!p0 $0xF080;
	[sflag:s16] =	ssyncadd.s32 $0xFFFF9C00  }
0x68: {  	[spmem:s10] =	stream.linear.scatter @!p0 [tilespmem:s0], [sflag:$0x1], $0x6400, $0x38;
	[tilespmem:$0x1E680] =	vst v63  }
0x69: {  	s0 =	simm.s32 @!p0 $0x1  }
0x6a: {  	_ =	swait.ge @!p0 [sflag:s0], $0x6400  }
0x6b: {  	[sflag:s0] =	ssyncset.done @!p0 $0x0  }
0x6c: {  	[sflag:s0] =	ssyncadd.s32 @!p0 $0xFFFF9C00  }
0x6d: {  	s31 =	simm.s32 $0x0;
	s0 =	simm.s32 $0x0;
	[bflag:$0x0] =	sbarrier.arrive $0xFFFF  }
.LBB2_8:
0x6e: {  	s3 =	smul.u32 $0x50, s31;
	_ =	sdelay $0x1  }
0x6f: {  	v8 =	vld [tilespmem:s3+$0x80]  }
0x70: {  	v9 =	vld [tilespmem:s3+$0x2800];
	_ =	sdelay $0x3  }
0x71: {  	v8 =	vadd.s32 v2, v8  }
0x72: {  	[tilespmem:$0x7700] =	vst v8;
	v8 =	vadd.s32 v2, v9  }
0x73: {  	[tilespmem:$0x7780] =	vst v8;
	v8 =	vmin.u32 v9, $0xD48  }
0x74: {  	[tilespmem:$0x7800] =	vst v8  }
0x75: {  	v8 =	vld [tilespmem:s3+$0x90]  }
0x76: {  	v9 =	vld [tilespmem:s3+$0x2810];
	_ =	sdelay $0x3  }
0x77: {  	v8 =	vadd.s32 v2, v8  }
0x78: {  	[tilespmem:$0x7710] =	vst v8;
	v8 =	vadd.s32 v2, v9  }
0x79: {  	[tilespmem:$0x7790] =	vst v8;
	v8 =	vmin.u32 v9, $0xD48  }
0x7a: {  	[tilespmem:$0x7810] =	vst v8  }
0x7b: {  	v8 =	vld [tilespmem:s3+$0xA0]  }
0x7c: {  	v9 =	vld [tilespmem:s3+$0x2820];
	_ =	sdelay $0x3  }
0x7d: {  	v8 =	vadd.s32 v2, v8  }
0x7e: {  	[tilespmem:$0x7720] =	vst v8;
	v8 =	vadd.s32 v2, v9  }
0x7f: {  	[tilespmem:$0x77A0] =	vst v8;
	v8 =	vmin.u32 v9, $0xD48  }
0x80: {  	[tilespmem:$0x7820] =	vst v8  }
0x81: {  	v8 =	vld [tilespmem:s3+$0xB0]  }
0x82: {  	v9 =	vld [tilespmem:s3+$0x2830];
	_ =	sdelay $0x3  }
0x83: {  	v8 =	vadd.s32 v2, v8  }
0x84: {  	[tilespmem:$0x7730] =	vst v8;
	v8 =	vadd.s32 v2, v9  }
0x85: {  	[tilespmem:$0x77B0] =	vst v8;
	v8 =	vmin.u32 v9, $0xD48  }
0x86: {  	[tilespmem:$0x7830] =	vst v8  }
0x87: {  	v8 =	vld [tilespmem:s3+$0xC0]  }
0x88: {  	v9 =	vld [tilespmem:s3+$0x2840];
	_ =	sdelay $0x3  }
0x89: {  	v8 =	vadd.s32 v2, v8  }
0x8a: {  	[tilespmem:$0x7740] =	vst v8;
	v8 =	vadd.s32 v2, v9  }
0x8b: {  	[tilespmem:$0x77C0] =	vst v8;
	v8 =	vmin.u32 v9, $0xD48  }
0x8c: {  	[tilespmem:$0x7840] =	vst v8  }
0x8d: {  	[tilespmem:s23], [sflag:$0x1] =	stream.indirect.gather [hbm4b:s4+s21], $0x80, s22, s21, $0xb8;
	[tilespmem:$0x1E680] =	vst v63  }
0x8e: {  	_ =	swait.ge [sflag:s16], $0x2800  }
0x8f: {  	[sflag:s16] =	ssyncset.done $0x0  }
0x90: {  	v8 =	vor.u32 s0, v5;
	[sflag:s16] =	ssyncadd.s32 $0xFFFFD800  }
0x91: {  	v11 =	vor.u32 s0, v6;
	[tilespmem:s26], [sflag:$0x1] =	stream.indirect.gather [hbm4b:s5+s21], $0x80, s24, s21, $0xb8;
	[tilespmem:$0x1E680] =	vst v63  }
0x92: {  	s6 =	simm.s32 $0x1;
	v10 =	vor.u32 s0, v7;
	_ =	swait.ge [sflag:s16], $0x2800  }
0x93: {  	v12 =	vor.u32 s6, v5;
	[sflag:s16] =	ssyncset.done $0x0  }
0x94: {  	[sflag:s16] =	ssyncadd.s32 $0xFFFFD800  }
0x95: {  	v13 =	vld.idx.msk [tilespmem:v8+s23+$0x0], $0xffff  }
0x96: {  	v14 =	vmov s6;
	v9 =	vld.idx.msk [tilespmem:v11+s23+$0x0], $0xffff  }
0x97: {  	v23 =	vld.idx.msk [tilespmem:v10+s26+$0x0], $0xffff  }
0x98: {  	v15 =	vor.u32 s0, v1;
	v16 =	vld.idx.msk [tilespmem:v12+s26+$0x0], $0xffff  }
0x99: {  	v17 =	vor.u32 s6, v7;
	v21 =	vld.idx.msk [tilespmem:v8+s26+$0x0], $0xffff  }
0x9a: {  	v22 =	vor.u32 s0, v4;
	v12 =	vld.idx.msk [tilespmem:v12+s23+$0x0], $0xffff  }
0x9b: {  	v8 =	vld.idx.msk [tilespmem:v14+s2+$0x0], $0xffff  }
0x9c: {  	v10 =	vld.idx.msk [tilespmem:v10+s23+$0x0], $0xffff  }
0x9d: {  	v18 =	vld.idx.msk [tilespmem:v15+s26+$0x0], $0xffff  }
0x9e: {  	v26 =	vor.u32 s6, v6;
	v20 =	vld.idx.msk [tilespmem:v17+s23+$0x0], $0xffff  }
0x9f: {  	v19 =	vld.idx.msk [tilespmem:v22+s26+$0x0], $0xffff  }
0xa0: {  	v25 =	vld.idx.msk [tilespmem:v17+s26+$0x0], $0xffff;
	v13 =	vadd.f32 v21, v13;
	v12 =	vadd.f32 v16, v12  }
0xa1: {  	v17 =	vimm.f32 $0.0e+00;
	v14 =	vor.u32 s6, v4;
	v27 =	vld.idx.msk [tilespmem:v15+s23+$0x0], $0xffff;
	v28 =	vadd.f32 v23, v10  }
0xa2: {  	v21 =	vld.idx.msk [tilespmem:v22+s23+$0x0], $0xffff;
	v23 =	vmov s0;
	v24 =	vmul.f32 $2.000000030e-01, v13;
	v29 =	vmul.f32 $2.000000030e-01, v12  }
0xa3: {  	v15 =	vimm.f32 $0.0e+00;
	v16 =	vor.u32 s6, v1;
	v22 =	vld.idx.msk [tilespmem:v26+s23+$0x0], $0xffff;
	v30 =	vmul.f32 $2.000000030e-01, v28  }
0xa4: {  	s8 =	simm.s32 $0x2;
	s18 =	sadd.s32 $0x10, s3;
	v26 =	vld.idx.msk [tilespmem:v26+s26+$0x0], $0xffff;
	v24 =	vmax.f32 v13, v24;
	v10 =	vmax.f32 v12, v29;
	v13 =	vimm.f32 $0.0e+00  }
0xa5: {  	s17 =	sadd.s32 $0x20, s3;
	s7 =	sadd.s32 $0x30, s3;
	s6 =	sadd.s32 $0x40, s3;
	v29 =	vld.idx.msk [tilespmem:v11+s26+$0x0], $0xffff;
	v12 =	vimm.f32 $0.0e+00;
	v11 =	vimm.f32 $0.0e+00;
	v10 =	vmul.f32 v10, v8  }
.LBB2_9:
0xa6: {  	s14 =	sadd.s32 $0x1, s8  }
0xa7: {  	v31 =	vor.u32 s8, v5;
	p1 =	slt.u32 s8, $0x7E;
	v32 =	vld.idx.msk [tilespmem:v23+s2+$0x0], $0xffff;
	s15 =	smov.u32 s8;
	s8 =	sadd.s32 $0x2, s8  }
0xa8: {  	v20 =	vadd.f32 v25, v20;
	v33 =	vor.u32 s15, v6;
	v34 =	vor.u32 s15, v7;
	v23 =	vld.idx.msk [tilespmem:v14+s23+$0x0], $0xffff  }
0xa9: {  	v35 =	vor.u32 s15, v1;
	v36 =	vor.u32 s15, v4;
	v25 =	vmax.f32 v28, v30;
	v28 =	vld.idx.msk [tilespmem:v14+s26+$0x0], $0xffff  }
0xaa: {  	v30 =	vor.u32 s14, v5;
	v14 =	vor.u32 s14, v4;
	v18 =	vadd.f32 v18, v27;
	v27 =	vld.idx.msk [tilespmem:v16+s23+$0x0], $0xffff  }
0xab: {  	v19 =	vadd.f32 v19, v21;
	v37 =	vor.u32 s14, v6;
	v38 =	vor.u32 s14, v7;
	v21 =	vld.idx.msk [tilespmem:v16+s26+$0x0], $0xffff  }
0xac: {  	v22 =	vadd.f32 v26, v22;
	v16 =	vor.u32 s14, v1;
	v29 =	vadd.f32 v29, v9;
	v39 =	vld.idx.msk [tilespmem:v31+s23+$0x0], $0xffff  }
0xad: {  	v40 =	vmul.f32 $2.000000030e-01, v20;
	v26 =	vmov s14;
	v24 =	vmul.f32 v24, v32;
	v9 =	vld.idx.msk [tilespmem:v33+s23+$0x0], $0xffff  }
0xae: {  	v25 =	vmul.f32 v25, v32;
	v42 =	vmul.f32 $2.000000030e-01, v22;
	v41 =	vld.idx.msk [tilespmem:v34+s26+$0x0], $0xffff  }
0xaf: {  	v45 =	vmul.f32 $2.000000030e-01, v19;
	v44 =	vmul.f32 $2.000000030e-01, v18;
	v28 =	vadd.f32 v28, v23;
	v43 =	vld.idx.msk [tilespmem:v30+s26+$0x0], $0xffff  }
0xb0: {  	v40 =	vmax.f32 v20, v40;
	v46 =	vmul.f32 $2.000000030e-01, v29;
	v22 =	vmax.f32 v22, v42;
	v31 =	vld.idx.msk [tilespmem:v31+s26+$0x0], $0xffff  }
0xb1: {  	v18 =	vmax.f32 v18, v44;
	v42 =	vmax.f32 v19, v45;
	v21 =	vadd.f32 v21, v27;
	v30 =	vld.idx.msk [tilespmem:v30+s23+$0x0], $0xffff  }
0xb2: {  	v23 =	vmov s15;
	v19 =	vmul.f32 v18, v32;
	v27 =	vmul.f32 $2.000000030e-01, v28;
	v26 =	vld.idx.msk [tilespmem:v26+s2+$0x0], $0xffff  }
0xb3: {  	v20 =	vmax.f32 v29, v46;
	v44 =	vmul.f32 v22, v8;
	v29 =	vmul.f32 $2.000000030e-01, v21;
	v18 =	vld.idx.msk [tilespmem:v35+s26+$0x0], $0xffff  }
0xb4: {  	v13 =	vadd.f32 v25, v13;
	v17 =	vadd.f32 v19, v17;
	v45 =	vmul.f32 v20, v32;
	v34 =	vld.idx.msk [tilespmem:v34+s23+$0x0], $0xffff  }
0xb5: {  	v15 =	vadd.f32 v24, v15;
	v24 =	vmul.f32 v40, v8;
	v22 =	vmax.f32 v28, v27;
	v20 =	vld.idx.msk [tilespmem:v38+s23+$0x0], $0xffff  }
0xb6: {  	v27 =	vmul.f32 v42, v32;
	v28 =	vadd.f32 v31, v39;
	v31 =	vmul.f32 v22, v8;
	v19 =	vld.idx.msk [tilespmem:v36+s26+$0x0], $0xffff  }
0xb7: {  	v13 =	vadd.f32 v24, v13;
	v22 =	vmax.f32 v21, v29;
	v30 =	vadd.f32 v43, v30;
	v25 =	vld.idx.msk [tilespmem:v38+s26+$0x0], $0xffff  }
.Ltmp3:
0xb8: {  	v15 =	vadd.f32 v10, v15;
	v29 =	vmul.f32 v22, v8;
	v24 =	vmul.f32 $2.000000030e-01, v28;
	v8 =	vmovc v26;
	v21 =	vld.idx.msk [tilespmem:v36+s23+$0x0], $0xffff;
	(pc) =	sbr.rel @p1 .LBB2_9-.Ltmp3, $4  }
0xb9: {  	v11 =	vadd.f32 v45, v11;
	v12 =	vadd.f32 v27, v12;
	v10 =	vmul.f32 $2.000000030e-01, v30;
	v22 =	vld.idx.msk [tilespmem:v37+s23+$0x0], $0xffff  }
0xba: {  	v17 =	vadd.f32 v29, v17;
	v24 =	vmax.f32 v28, v24;
	v28 =	vadd.f32 v41, v34;
	v27 =	vld.idx.msk [tilespmem:v35+s23+$0x0], $0xffff  }
0xbb: {  	v11 =	vadd.f32 v44, v11;
	v12 =	vadd.f32 v31, v12;
	v10 =	vmax.f32 v30, v10;
	v26 =	vld.idx.msk [tilespmem:v37+s26+$0x0], $0xffff  }
0xbc: {  	v30 =	vmul.f32 $2.000000030e-01, v28;
	v10 =	vmul.f32 v10, v8;
	v29 =	vld.idx.msk [tilespmem:v33+s26+$0x0], $0xffff  }
0xbd: {  	_ =	sdelay $0x3  }
0xbe: {  	v23 =	vld.idx.msk [tilespmem:v23+s2+$0x0], $0xffff  }
0xbf: {  	v31 =	vld.idx.msk [tilespmem:v14+s23+$0x0], $0xffff  }
0xc0: {  	v32 =	vld.idx.msk [tilespmem:v16+s23+$0x0], $0xffff  }
0xc1: {  	v16 =	vld.idx.msk [tilespmem:v16+s26+$0x0], $0xffff  }
0xc2: {  	v20 =	vadd.f32 v25, v20;
	v14 =	vld.idx.msk [tilespmem:v14+s26+$0x0], $0xffff;
	v19 =	vadd.f32 v19, v21  }
0xc3: {  	v55 =	vmax.f32 v28, v30;
	v18 =	vadd.f32 v18, v27  }
0xc4: {  	v58 =	vmul.f32 $2.000000030e-01, v20;
	v61 =	vmul.f32 $2.000000030e-01, v19;
	v56 =	vadd.f32 v26, v22  }
0xc5: {  	v9 =	vadd.f32 v29, v9;
	v59 =	vmul.f32 $2.000000030e-01, v18;
	v57 =	vmul.f32 v24, v23  }
0xc6: {  	v25 =	vmul.f32 v55, v23;
	v60 =	vmul.f32 $2.000000030e-01, v56;
	v16 =	vadd.f32 v16, v32  }
0xc7: {  	v14 =	vadd.f32 v14, v31;
	v29 =	vmul.f32 $2.000000030e-01, v9;
	v18 =	vmax.f32 v18, v59  }
0xc8: {  	v19 =	vmax.f32 v19, v61;
	v18 =	vmul.f32 v18, v23;
	v62 =	vmul.f32 $2.000000030e-01, v16  }
0xc9: {  	v21 =	vmax.f32 v56, v60;
	v63 =	vmul.f32 $2.000000030e-01, v14;
	v13 =	vadd.f32 v25, v13  }
0xca: {  	v17 =	vadd.f32 v18, v17;
	v18 =	vmul.f32 v19, v23;
	v16 =	vmax.f32 v16, v62  }
0xcb: {  	v9 =	vmax.f32 v9, v29;
	v14 =	vmax.f32 v14, v63;
	v16 =	vmul.f32 v16, v8  }
0xcc: {  	v9 =	vmul.f32 v9, v23;
	v14 =	vmul.f32 v14, v8;
	v12 =	vadd.f32 v18, v12  }
0xcd: {  	v15 =	vadd.f32 v57, v15;
	v18 =	vmax.f32 v20, v58;
	v16 =	vadd.f32 v16, v17  }
0xce: {  	v9 =	vadd.f32 v9, v11;
	v17 =	vmul.f32 v21, v8;
	v11 =	vadd.f32 v14, v12  }
0xcf: {  	v10 =	vadd.f32 v10, v15;
	v8 =	vmul.f32 v18, v8;
	v12 =	vmul.f32 $1.442695020e+00, v16  }
0xd0: {  	v9 =	vadd.f32 v17, v9;
	v11 =	vmul.f32 $1.442695020e+00, v11  }
0xd1: {  	v10 =	vmul.f32 $1.442695020e+00, v10;
	v8 =	vadd.f32 v8, v13;
	(erf) = vpow2.f32 v12  }
0xd2: {  	v9 =	vmul.f32 $1.442695020e+00, v9;
	(erf) = vpow2.f32 v11  }
0xd3: {  	v8 =	vmul.f32 $1.442695020e+00, v8;
	(erf) = vpow2.f32 v10  }
0xd4: {  	(erf) = vpow2.f32 v9  }
0xd5: {  	(erf) = vpow2.f32 v8;
	_ =	sdelay $0x4  }
0xd6: {  	v12 =	vpop (erf)  }
0xd7: {  	v11 =	vpop (erf);
	[tilespmem:s3+$0x4F80] =	vst v12  }
0xd8: {  	v10 =	vpop (erf);
	[tilespmem:s18+$0x4F80] =	vst v11  }
0xd9: {  	v9 =	vpop (erf);
	[tilespmem:s17+$0x4F80] =	vst v10  }
0xda: {  	v8 =	vpop (erf);
	[tilespmem:s7+$0x4F80] =	vst v9  }
0xdb: {  	[tilespmem:s6+$0x4F80] =	vst v8  }
0xdc: {  	v13 =	vld [tilespmem:s3+$0x2800];
	_ =	sdelay $0x7  }
0xdd: {  	[tilespmem:v13+s28+$0x0] =	vst.idx.add.f32.msk $0xffff, v12  }
0xde: {  	v13 =	vld [tilespmem:s18+$0x2800];
	_ =	sdelay $0x7  }
0xdf: {  	[tilespmem:v13+s28+$0x0] =	vst.idx.add.f32.msk $0xffff, v11  }
0xe0: {  	v13 =	vld [tilespmem:s17+$0x2800];
	_ =	sdelay $0x7  }
0xe1: {  	[tilespmem:v13+s28+$0x0] =	vst.idx.add.f32.msk $0xffff, v10  }
0xe2: {  	v13 =	vld [tilespmem:s7+$0x2800];
	_ =	sdelay $0x7  }
0xe3: {  	s17 =	simm.s32 $0x0;
	[tilespmem:v13+s28+$0x0] =	vst.idx.add.f32.msk $0xffff, v9  }
0xe4: {  	v14 =	vmov s17;
	v13 =	vld [tilespmem:s6+$0x2800]  }
0xe5: {  	v14 =	vand.u32 $0x7E, v14  }
0xe6: {  	v14 =	vbroadcast v14, $0x0;
	_ =	sdelay $0x1  }
0xe7: {  	v15 =	vor.u32 v1, v14;
	_ =	sdelay $0x3  }
0xe8: {  	[tilespmem:v13+s28+$0x0] =	vst.idx.add.f32.msk $0xffff, v8  }
0xe9: {  	v13 =	vld.idx.msk [tilespmem:v15+s23+$0x0], $0xffff;
	_ =	sdelay $0x2  }
0xea: {  	v16 =	vor.u32 v4, v14;
	_ =	sdelay $0x1  }
0xeb: {  	v13 =	vmul.f32 v13, v12;
	_ =	sdelay $0x1  }
0xec: {  	[tilespmem:v15+s20+$0x0] =	vst.idx.msk $0xffff, v13  }
0xed: {  	v13 =	vld.idx.msk [tilespmem:v16+s23+$0x0], $0xffff;
	_ =	sdelay $0x2  }
0xee: {  	v15 =	vor.u32 v5, v14;
	_ =	sdelay $0x1  }
0xef: {  	v13 =	vmul.f32 v13, v11;
	_ =	sdelay $0x1  }
0xf0: {  	[tilespmem:v16+s20+$0x0] =	vst.idx.msk $0xffff, v13  }
0xf1: {  	v13 =	vld.idx.msk [tilespmem:v15+s23+$0x0], $0xffff;
	_ =	sdelay $0x2  }
0xf2: {  	v16 =	vor.u32 v6, v14;
	_ =	sdelay $0x1  }
0xf3: {  	v13 =	vmul.f32 v13, v10;
	_ =	sdelay $0x1  }
0xf4: {  	[tilespmem:v15+s20+$0x0] =	vst.idx.msk $0xffff, v13  }
0xf5: {  	v13 =	vld.idx.msk [tilespmem:v16+s23+$0x0], $0xffff;
	_ =	sdelay $0x2  }
0xf6: {  	v14 =	vor.u32 v7, v14;
	_ =	sdelay $0x1  }
0xf7: {  	v13 =	vmul.f32 v13, v9  }
0xf8: {  	s18 =	simm.s32 $0x1  }
0xf9: {  	[tilespmem:v16+s20+$0x0] =	vst.idx.msk $0xffff, v13;
	v13 =	vmov s18  }
0xfa: {  	v15 =	vld.idx.msk [tilespmem:v14+s23+$0x0], $0xffff;
	v13 =	vand.u32 $0x7F, v13  }
0xfb: {  	v13 =	vbroadcast v13, $0x0;
	_ =	sdelay $0x1  }
0xfc: {  	v16 =	vor.u32 v1, v13;
	_ =	sdelay $0x1  }
0xfd: {  	v15 =	vmul.f32 v15, v8;
	_ =	sdelay $0x1  }
0xfe: {  	[tilespmem:v14+s20+$0x0] =	vst.idx.msk $0xffff, v15  }
0xff: {  	v14 =	vld.idx.msk [tilespmem:v16+s23+$0x0], $0xffff;
	_ =	sdelay $0x2  }
0x100: {  	v15 =	vor.u32 v4, v13;
	_ =	sdelay $0x1  }
0x101: {  	v14 =	vmul.f32 v14, v12;
	_ =	sdelay $0x1  }
0x102: {  	[tilespmem:v16+s20+$0x0] =	vst.idx.msk $0xffff, v14  }
0x103: {  	v14 =	vld.idx.msk [tilespmem:v15+s23+$0x0], $0xffff;
	_ =	sdelay $0x2  }
0x104: {  	v16 =	vor.u32 v5, v13;
	_ =	sdelay $0x1  }
0x105: {  	v14 =	vmul.f32 v14, v11;
	_ =	sdelay $0x1  }
0x106: {  	[tilespmem:v15+s20+$0x0] =	vst.idx.msk $0xffff, v14  }
0x107: {  	v14 =	vld.idx.msk [tilespmem:v16+s23+$0x0], $0xffff;
	_ =	sdelay $0x2  }
0x108: {  	v15 =	vor.u32 v6, v13;
	_ =	sdelay $0x1  }
0x109: {  	v14 =	vmul.f32 v14, v10;
	_ =	sdelay $0x1  }
0x10a: {  	[tilespmem:v16+s20+$0x0] =	vst.idx.msk $0xffff, v14  }
0x10b: {  	v16 =	vld.idx.msk [tilespmem:v15+s23+$0x0], $0xffff;
	_ =	sdelay $0x2  }
0x10c: {  	v14 =	vor.u32 v7, v13;
	_ =	sdelay $0x1  }
0x10d: {  	v13 =	vmul.f32 v16, v9  }
0x10e: {  	s3 =	simm.s32 $0x2  }
0x10f: {  	[tilespmem:v15+s20+$0x0] =	vst.idx.msk $0xffff, v13;
	v13 =	vmov s3  }
0x110: {  	v16 =	vld.idx.msk [tilespmem:v14+s23+$0x0], $0xffff;
	v13 =	vand.u32 $0x7E, v13  }
0x111: {  	v13 =	vbroadcast v13, $0x0;
	_ =	sdelay $0x1  }
0x112: {  	v15 =	vor.u32 v1, v13;
	_ =	sdelay $0x1  }
0x113: {  	s6 =	simm.s32 $0x4;
	v16 =	vmul.f32 v16, v8  }
.LBB2_11:
0x114: {  	_ = 	snop  }
0x115: {  	p1 =	slt.u32 s6, $0x7E;
	s7 =	smov.u32 s6;
	s6 =	sadd.s32 $0x2, s6;
	[tilespmem:v14+s20+$0x0] =	vst.idx.msk $0xffff, v16  }
0x116: {  	v14 =	vld.idx.msk [tilespmem:v15+s23+$0x0], $0xffff;
	_ =	sdelay $0x3  }
0x117: {  	v16 =	vor.u32 v4, v13;
	_ =	sdelay $0x1  }
0x118: {  	v14 =	vmul.f32 v14, v12;
	_ =	sdelay $0x1  }
0x119: {  	[tilespmem:v15+s20+$0x0] =	vst.idx.msk $0xffff, v14  }
0x11a: {  	v14 =	vld.idx.msk [tilespmem:v16+s23+$0x0], $0xffff;
	_ =	sdelay $0x3  }
0x11b: {  	v15 =	vor.u32 v5, v13;
	_ =	sdelay $0x1  }
0x11c: {  	v14 =	vmul.f32 v14, v11;
	_ =	sdelay $0x1  }
0x11d: {  	[tilespmem:v16+s20+$0x0] =	vst.idx.msk $0xffff, v14  }
0x11e: {  	v14 =	vld.idx.msk [tilespmem:v15+s23+$0x0], $0xffff;
	_ =	sdelay $0x3  }
0x11f: {  	v16 =	vor.u32 v6, v13;
	_ =	sdelay $0x1  }
0x120: {  	v14 =	vmul.f32 v14, v10;
	_ =	sdelay $0x1  }
0x121: {  	[tilespmem:v15+s20+$0x0] =	vst.idx.msk $0xffff, v14  }
0x122: {  	v14 =	vld.idx.msk [tilespmem:v16+s23+$0x0], $0xffff;
	_ =	sdelay $0x3  }
0x123: {  	v13 =	vor.u32 v7, v13;
	_ =	sdelay $0x1  }
0x124: {  	v14 =	vmul.f32 v14, v9;
	_ =	sdelay $0x1  }
0x125: {  	s8 =	sadd.s32 $0x1, s3;
	s3 =	smov.u32 s7;
	[tilespmem:v16+s20+$0x0] =	vst.idx.msk $0xffff, v14  }
0x126: {  	v15 =	vmov s8;
	v14 =	vld.idx.msk [tilespmem:v13+s23+$0x0], $0xffff  }
0x127: {  	v15 =	vand.u32 $0x7F, v15  }
0x128: {  	v15 =	vbroadcast v15, $0x0;
	_ =	sdelay $0x1  }
0x129: {  	v16 =	vor.u32 v1, v15;
	_ =	sdelay $0x1  }
0x12a: {  	v14 =	vmul.f32 v14, v8;
	_ =	sdelay $0x1  }
0x12b: {  	[tilespmem:v13+s20+$0x0] =	vst.idx.msk $0xffff, v14  }
0x12c: {  	v13 =	vld.idx.msk [tilespmem:v16+s23+$0x0], $0xffff;
	_ =	sdelay $0x3  }
0x12d: {  	v14 =	vor.u32 v4, v15;
	_ =	sdelay $0x1  }
0x12e: {  	v13 =	vmul.f32 v13, v12;
	_ =	sdelay $0x1  }
0x12f: {  	[tilespmem:v16+s20+$0x0] =	vst.idx.msk $0xffff, v13  }
0x130: {  	v13 =	vld.idx.msk [tilespmem:v14+s23+$0x0], $0xffff;
	_ =	sdelay $0x3  }
0x131: {  	v16 =	vor.u32 v5, v15;
	_ =	sdelay $0x1  }
0x132: {  	v13 =	vmul.f32 v13, v11;
	_ =	sdelay $0x1  }
0x133: {  	[tilespmem:v14+s20+$0x0] =	vst.idx.msk $0xffff, v13  }
0x134: {  	v13 =	vld.idx.msk [tilespmem:v16+s23+$0x0], $0xffff;
	_ =	sdelay $0x3  }
0x135: {  	v17 =	vor.u32 v6, v15;
	_ =	sdelay $0x1  }
0x136: {  	v13 =	vmul.f32 v13, v10;
	_ =	sdelay $0x1  }
0x137: {  	[tilespmem:v16+s20+$0x0] =	vst.idx.msk $0xffff, v13  }
0x138: {  	v13 =	vld.idx.msk [tilespmem:v17+s23+$0x0], $0xffff;
	_ =	sdelay $0x3  }
0x139: {  	v14 =	vor.u32 v7, v15;
	_ =	sdelay $0x1  }
0x13a: {  	v13 =	vmul.f32 v13, v9;
	_ =	sdelay $0x1  }
0x13b: {  	[tilespmem:v17+s20+$0x0] =	vst.idx.msk $0xffff, v13  }
0x13c: {  	v13 =	vmov s3;
	v16 =	vld.idx.msk [tilespmem:v14+s23+$0x0], $0xffff  }
0x13d: {  	v13 =	vand.u32 $0x7E, v13  }
.Ltmp4:
0x13e: {  	v13 =	vbroadcast v13, $0x0;
	(pc) =	sbr.rel @p1 .LBB2_11-.Ltmp4, $3  }
0x13f: {  	_ = 	snop  }
0x140: {  	v15 =	vor.u32 v1, v13;
	_ =	sdelay $0x1  }
0x141: {  	v16 =	vmul.f32 v16, v8  }
0x142: {  	_ =	sdelay $0x3  }
0x143: {  	[tilespmem:v14+s20+$0x0] =	vst.idx.msk $0xffff, v16  }
0x144: {  	v14 =	vld.idx.msk [tilespmem:v15+s23+$0x0], $0xffff;
	_ =	sdelay $0x2  }
0x145: {  	v50 =	vor.u32 v4, v13;
	_ =	sdelay $0x1  }
0x146: {  	v14 =	vmul.f32 v14, v12;
	_ =	sdelay $0x1  }
0x147: {  	[tilespmem:v15+s20+$0x0] =	vst.idx.msk $0xffff, v14  }
0x148: {  	v14 =	vld.idx.msk [tilespmem:v50+s23+$0x0], $0xffff;
	_ =	sdelay $0x2  }
0x149: {  	v51 =	vor.u32 v5, v13;
	_ =	sdelay $0x1  }
0x14a: {  	v14 =	vmul.f32 v14, v11;
	_ =	sdelay $0x1  }
0x14b: {  	[tilespmem:v50+s20+$0x0] =	vst.idx.msk $0xffff, v14  }
0x14c: {  	v14 =	vld.idx.msk [tilespmem:v51+s23+$0x0], $0xffff;
	_ =	sdelay $0x2  }
0x14d: {  	v52 =	vor.u32 v6, v13;
	_ =	sdelay $0x1  }
0x14e: {  	v14 =	vmul.f32 v14, v10;
	_ =	sdelay $0x1  }
0x14f: {  	[tilespmem:v51+s20+$0x0] =	vst.idx.msk $0xffff, v14  }
0x150: {  	v14 =	vld.idx.msk [tilespmem:v52+s23+$0x0], $0xffff;
	_ =	sdelay $0x2  }
0x151: {  	v53 =	vor.u32 v7, v13;
	_ =	sdelay $0x1  }
0x152: {  	v14 =	vmul.f32 v14, v9  }
0x153: {  	s3 =	sadd.s32 $0x1, s3  }
0x154: {  	v54 =	vmov s3;
	[tilespmem:v52+s20+$0x0] =	vst.idx.msk $0xffff, v14  }
0x155: {  	v14 =	vand.u32 $0x7F, v54;
	v15 =	vld.idx.msk [tilespmem:v53+s23+$0x0], $0xffff  }
0x156: {  	v14 =	vbroadcast v14, $0x0;
	_ =	sdelay $0x1  }
0x157: {  	v55 =	vor.u32 v1, v14;
	_ =	sdelay $0x1  }
0x158: {  	v15 =	vmul.f32 v15, v8;
	_ =	sdelay $0x1  }
0x159: {  	[tilespmem:v53+s20+$0x0] =	vst.idx.msk $0xffff, v15  }
0x15a: {  	v13 =	vld.idx.msk [tilespmem:v55+s23+$0x0], $0xffff;
	_ =	sdelay $0x2  }
0x15b: {  	v56 =	vor.u32 v4, v14;
	_ =	sdelay $0x1  }
0x15c: {  	v57 =	vmul.f32 v13, v12;
	_ =	sdelay $0x1  }
0x15d: {  	[tilespmem:v55+s20+$0x0] =	vst.idx.msk $0xffff, v57  }
0x15e: {  	v12 =	vld.idx.msk [tilespmem:v56+s23+$0x0], $0xffff;
	_ =	sdelay $0x2  }
0x15f: {  	v58 =	vor.u32 v5, v14;
	_ =	sdelay $0x1  }
0x160: {  	v59 =	vmul.f32 v12, v11;
	_ =	sdelay $0x1  }
0x161: {  	[tilespmem:v56+s20+$0x0] =	vst.idx.msk $0xffff, v59  }
0x162: {  	v11 =	vld.idx.msk [tilespmem:v58+s23+$0x0], $0xffff;
	_ =	sdelay $0x2  }
0x163: {  	v60 =	vor.u32 v6, v14;
	_ =	sdelay $0x1  }
0x164: {  	v61 =	vmul.f32 v11, v10;
	_ =	sdelay $0x1  }
0x165: {  	[tilespmem:v58+s20+$0x0] =	vst.idx.msk $0xffff, v61  }
0x166: {  	v10 =	vld.idx.msk [tilespmem:v60+s23+$0x0], $0xffff;
	_ =	sdelay $0x2  }
0x167: {  	v62 =	vor.u32 v7, v14;
	_ =	sdelay $0x1  }
0x168: {  	v63 =	vmul.f32 v10, v9;
	_ =	sdelay $0x1  }
0x169: {  	[tilespmem:v60+s20+$0x0] =	vst.idx.msk $0xffff, v63  }
0x16a: {  	v9 =	vld.idx.msk [tilespmem:v62+s23+$0x0], $0xffff;
	_ =	sdelay $0x4  }
0x16b: {  	s31 =	sadd.s32 $0x1, s31;
	v8 =	vmul.f32 v9, v8  }
0x16c: {  	p1 =	sne.s32 s31, $0x7D  }
.Ltmp5:
0x16d: {  	[tilespmem:v62+s20+$0x0] =	vst.idx.msk $0xffff, v8;
	(pc) =	sbr.rel @p1 .LBB2_8-.Ltmp5, $4  }
0x16e: {  	[spmem:s1] =	stream.indirect.scatter.add.f32 [tilespmem:s20], [sflag:$0x1], $0x80, s29, s21, $0xb8;
	[tilespmem:$0x1E680] =	vst v63  }
0x16f: {  	_ =	swait.ge [sflag:s16], $0x2800  }
0x170: {  	[sflag:s16] =	ssyncset.done $0x0  }
0x171: {  	[sflag:s16] =	ssyncadd.s32 $0xFFFFD800  }
0x172: {  	s0 =	stileid.u32  }
0x173: {  	[bflag:$0x0] =	sbarrier.arrive $0xFFFF;
	s0 =	sshll.u32 s0, $0x6  }
0x174: {  	s3 =	sadd.s32 s12, s11;
	s31 =	sor.u32 $0x1C01, s0;
	s0 =	sshrl.u32 s9, $0x3  }
0x175: {  	[hbm:s3], [sflag:s31] =	dma.local [spmem:s0], $0xC80  }
0x176: {  	_ =	swait.ge [sflag:s16], $0xC80  }
0x177: {  	[sflag:s16] =	ssyncset.done $0x0  }
0x178: {  	[sflag:s16] =	ssyncadd.s32 $0xFFFFF380  }
0x179: {  	s17 =	sshrl.u32 @!p0 s10, $0x3;
	s3 =	sadd.s32 @!p0 $0xC800, s11;
	[bflag:$0x0] =	sbarrier.arrive @p0 $0xFFFF  }
0x17a: {  	[hbm:s3], [sflag:s31] =	dma.local @!p0 [spmem:s17], $0xC80  }
0x17b: {  	s3 =	simm.s32 @!p0 $0x1  }
0x17c: {  	_ =	swait.ge @!p0 [sflag:s3], $0xC80  }
0x17d: {  	[sflag:s3] =	ssyncset.done @!p0 $0x0  }
0x17e: {  	[sflag:s3] =	ssyncadd.s32 @!p0 $0xFFFFF380  }
0x17f: {  	s6 =	simm.s32 @!p0 $0xF080;
	[bflag:$0x0] =	sbarrier.arrive @!p0 $0xFFFF  }
0x180: {  	[spmem:s9] =	stream.linear.scatter @!p0 [tilespmem:s6], [sflag:$0x1], $0x6400, $0x38;
	[tilespmem:$0x1E680] =	vst v63  }
0x181: {  	_ =	swait.ge @!p0 [sflag:s3], $0x6400  }
0x182: {  	s6 =	smov.u32 s10;
	[sflag:s3] =	ssyncset.done @!p0 $0x0  }
0x183: {  	s6 =	smov.u32 @p0 s9;
	[sflag:s3] =	ssyncadd.s32 @!p0 $0xFFFF9C00  }
0x184: {  	[spmem:s6] =	stream.linear.scatter [tilespmem:s19], [sflag:$0x1], $0x6400, $0x38;
	[tilespmem:$0x1E680] =	vst v63  }
0x185: {  	_ =	swait.ge [sflag:s16], $0x6400  }
0x186: {  	[sflag:s16] =	ssyncset.done $0x0  }
0x187: {  	[sflag:s16] =	ssyncadd.s32 $0xFFFF9C00  }
0x188: {  	s18 =	simm.s32 $0x0;
	s3 =	simm.s32 $0x0;
	[bflag:$0x0] =	sbarrier.arrive $0xFFFF  }
.LBB2_14:
0x189: {  	s6 =	smul.u32 $0x50, s3;
	_ =	sdelay $0x1  }
0x18a: {  	v8 =	vld [tilespmem:s6+$0x80]  }
0x18b: {  	v9 =	vld [tilespmem:s6+$0x2800];
	_ =	sdelay $0x4  }
0x18c: {  	v8 =	vadd.s32 v2, v8;
	v9 =	vadd.s32 $0xFFFFF2B8, v9  }
0x18d: {  	[tilespmem:$0x7700] =	vst v8;
	v8 =	vmin.u32 v9, $0xD48  }
0x18e: {  	[tilespmem:$0x7800] =	vst v8  }
0x18f: {  	v8 =	vld [tilespmem:s6+$0x90]  }
0x190: {  	v9 =	vld [tilespmem:s6+$0x2810];
	_ =	sdelay $0x4  }
0x191: {  	v8 =	vadd.s32 v2, v8;
	v9 =	vadd.s32 $0xFFFFF2B8, v9  }
0x192: {  	[tilespmem:$0x7710] =	vst v8;
	v8 =	vmin.u32 v9, $0xD48  }
0x193: {  	[tilespmem:$0x7810] =	vst v8  }
0x194: {  	v8 =	vld [tilespmem:s6+$0xA0]  }
0x195: {  	v9 =	vld [tilespmem:s6+$0x2820];
	_ =	sdelay $0x4  }
0x196: {  	v8 =	vadd.s32 v2, v8;
	v9 =	vadd.s32 $0xFFFFF2B8, v9  }
0x197: {  	[tilespmem:$0x7720] =	vst v8;
	v8 =	vmin.u32 v9, $0xD48  }
0x198: {  	[tilespmem:$0x7820] =	vst v8  }
0x199: {  	v8 =	vld [tilespmem:s6+$0xB0]  }
0x19a: {  	v9 =	vld [tilespmem:s6+$0x2830];
	_ =	sdelay $0x4  }
0x19b: {  	v8 =	vadd.s32 v2, v8;
	v9 =	vadd.s32 $0xFFFFF2B8, v9  }
0x19c: {  	[tilespmem:$0x7730] =	vst v8;
	v8 =	vmin.u32 v9, $0xD48  }
0x19d: {  	[tilespmem:$0x7830] =	vst v8  }
0x19e: {  	v8 =	vld [tilespmem:s6+$0xC0]  }
0x19f: {  	v9 =	vld [tilespmem:s6+$0x2840];
	_ =	sdelay $0x3  }
0x1a0: {  	v10 =	vmov s18  }
0x1a1: {  	v10 =	vand.u32 $0x7E, v10;
	v8 =	vadd.s32 v2, v8;
	v9 =	vadd.s32 $0xFFFFF2B8, v9  }
0x1a2: {  	v13 =	vbroadcast v10, $0x0;
	[tilespmem:$0x7740] =	vst v8;
	v8 =	vmin.u32 v9, $0xD48  }
0x1a3: {  	[tilespmem:$0x7840] =	vst v8  }
0x1a4: {  	v14 =	vor.u32 v1, v13;
	[tilespmem:s23], [sflag:$0x1] =	stream.indirect.gather [hbm4b:s4+s21], $0x80, s22, s21, $0xb8;
	[tilespmem:$0x1E680] =	vst v63  }
0x1a5: {  	_ =	swait.ge [sflag:s16], $0x2800  }
0x1a6: {  	[sflag:s16] =	ssyncset.done $0x0  }
0x1a7: {  	[sflag:s16] =	ssyncadd.s32 $0xFFFFD800  }
0x1a8: {  	v12 =	vld [tilespmem:s6+$0x4F80]  }
0x1a9: {  	v8 =	vld.idx.msk [tilespmem:v14+s23+$0x0], $0xffff;
	_ =	sdelay $0x2  }
0x1aa: {  	v15 =	vor.u32 v4, v13  }
0x1ab: {  	v11 =	vld [tilespmem:s6+$0x4F90]  }
0x1ac: {  	v10 =	vld [tilespmem:s6+$0x4FA0];
	v16 =	vmul.f32 v8, v12  }
0x1ad: {  	v9 =	vld [tilespmem:s6+$0x4FB0]  }
0x1ae: {  	v8 =	vld [tilespmem:s6+$0x4FC0];
	[tilespmem:v14+s20+$0x0] =	vst.idx.msk $0xffff, v16  }
0x1af: {  	v14 =	vld.idx.msk [tilespmem:v15+s23+$0x0], $0xffff;
	_ =	sdelay $0x2  }
0x1b0: {  	v16 =	vor.u32 v5, v13;
	_ =	sdelay $0x1  }
0x1b1: {  	v14 =	vmul.f32 v14, v11;
	_ =	sdelay $0x1  }
0x1b2: {  	[tilespmem:v15+s20+$0x0] =	vst.idx.msk $0xffff, v14  }
0x1b3: {  	v14 =	vld.idx.msk [tilespmem:v16+s23+$0x0], $0xffff;
	_ =	sdelay $0x2  }
0x1b4: {  	v15 =	vor.u32 v6, v13;
	_ =	sdelay $0x1  }
0x1b5: {  	v14 =	vmul.f32 v14, v10;
	_ =	sdelay $0x1  }
0x1b6: {  	[tilespmem:v16+s20+$0x0] =	vst.idx.msk $0xffff, v14  }
0x1b7: {  	v14 =	vld.idx.msk [tilespmem:v15+s23+$0x0], $0xffff;
	_ =	sdelay $0x2  }
0x1b8: {  	v13 =	vor.u32 v7, v13;
	_ =	sdelay $0x1  }
0x1b9: {  	v14 =	vmul.f32 v14, v9  }
0x1ba: {  	s15 =	simm.s32 $0x1  }
0x1bb: {  	[tilespmem:v15+s20+$0x0] =	vst.idx.msk $0xffff, v14;
	v14 =	vmov s15  }
0x1bc: {  	v15 =	vld.idx.msk [tilespmem:v13+s23+$0x0], $0xffff;
	v14 =	vand.u32 $0x7F, v14  }
0x1bd: {  	v14 =	vbroadcast v14, $0x0;
	_ =	sdelay $0x1  }
0x1be: {  	v16 =	vor.u32 v1, v14;
	_ =	sdelay $0x1  }
0x1bf: {  	v15 =	vmul.f32 v15, v8;
	_ =	sdelay $0x1  }
0x1c0: {  	[tilespmem:v13+s20+$0x0] =	vst.idx.msk $0xffff, v15  }
0x1c1: {  	v13 =	vld.idx.msk [tilespmem:v16+s23+$0x0], $0xffff;
	_ =	sdelay $0x2  }
0x1c2: {  	v15 =	vor.u32 v4, v14;
	_ =	sdelay $0x1  }
0x1c3: {  	v13 =	vmul.f32 v13, v12;
	_ =	sdelay $0x1  }
0x1c4: {  	[tilespmem:v16+s20+$0x0] =	vst.idx.msk $0xffff, v13  }
0x1c5: {  	v13 =	vld.idx.msk [tilespmem:v15+s23+$0x0], $0xffff;
	_ =	sdelay $0x2  }
0x1c6: {  	v16 =	vor.u32 v5, v14;
	_ =	sdelay $0x1  }
0x1c7: {  	v13 =	vmul.f32 v13, v11;
	_ =	sdelay $0x1  }
0x1c8: {  	[tilespmem:v15+s20+$0x0] =	vst.idx.msk $0xffff, v13  }
0x1c9: {  	v13 =	vld.idx.msk [tilespmem:v16+s23+$0x0], $0xffff;
	_ =	sdelay $0x2  }
0x1ca: {  	v15 =	vor.u32 v6, v14;
	_ =	sdelay $0x1  }
0x1cb: {  	v13 =	vmul.f32 v13, v10;
	_ =	sdelay $0x1  }
0x1cc: {  	[tilespmem:v16+s20+$0x0] =	vst.idx.msk $0xffff, v13  }
0x1cd: {  	v13 =	vld.idx.msk [tilespmem:v15+s23+$0x0], $0xffff;
	_ =	sdelay $0x2  }
0x1ce: {  	v14 =	vor.u32 v7, v14;
	_ =	sdelay $0x1  }
0x1cf: {  	v13 =	vmul.f32 v13, v9  }
0x1d0: {  	s6 =	simm.s32 $0x2  }
0x1d1: {  	[tilespmem:v15+s20+$0x0] =	vst.idx.msk $0xffff, v13;
	v13 =	vmov s6  }
0x1d2: {  	v16 =	vld.idx.msk [tilespmem:v14+s23+$0x0], $0xffff;
	v13 =	vand.u32 $0x7E, v13  }
0x1d3: {  	v13 =	vbroadcast v13, $0x0;
	_ =	sdelay $0x1  }
0x1d4: {  	v15 =	vor.u32 v1, v13;
	_ =	sdelay $0x1  }
0x1d5: {  	s7 =	simm.s32 $0x4;
	v16 =	vmul.f32 v16, v8  }
.LBB2_15:
0x1d6: {  	_ = 	snop  }
0x1d7: {  	p1 =	slt.u32 s7, $0x7E;
	s8 =	smov.u32 s7;
	s7 =	sadd.s32 $0x2, s7;
	[tilespmem:v14+s20+$0x0] =	vst.idx.msk $0xffff, v16  }
0x1d8: {  	v14 =	vld.idx.msk [tilespmem:v15+s23+$0x0], $0xffff;
	_ =	sdelay $0x3  }
0x1d9: {  	v16 =	vor.u32 v4, v13;
	_ =	sdelay $0x1  }
0x1da: {  	v14 =	vmul.f32 v14, v12;
	_ =	sdelay $0x1  }
0x1db: {  	[tilespmem:v15+s20+$0x0] =	vst.idx.msk $0xffff, v14  }
0x1dc: {  	v14 =	vld.idx.msk [tilespmem:v16+s23+$0x0], $0xffff;
	_ =	sdelay $0x3  }
0x1dd: {  	v15 =	vor.u32 v5, v13;
	_ =	sdelay $0x1  }
0x1de: {  	v14 =	vmul.f32 v14, v11;
	_ =	sdelay $0x1  }
0x1df: {  	[tilespmem:v16+s20+$0x0] =	vst.idx.msk $0xffff, v14  }
0x1e0: {  	v14 =	vld.idx.msk [tilespmem:v15+s23+$0x0], $0xffff;
	_ =	sdelay $0x3  }
0x1e1: {  	v16 =	vor.u32 v6, v13;
	_ =	sdelay $0x1  }
0x1e2: {  	v14 =	vmul.f32 v14, v10;
	_ =	sdelay $0x1  }
0x1e3: {  	[tilespmem:v15+s20+$0x0] =	vst.idx.msk $0xffff, v14  }
0x1e4: {  	v14 =	vld.idx.msk [tilespmem:v16+s23+$0x0], $0xffff;
	_ =	sdelay $0x3  }
0x1e5: {  	v13 =	vor.u32 v7, v13;
	_ =	sdelay $0x1  }
0x1e6: {  	v14 =	vmul.f32 v14, v9;
	_ =	sdelay $0x1  }
0x1e7: {  	s14 =	sadd.s32 $0x1, s6;
	s6 =	smov.u32 s8;
	[tilespmem:v16+s20+$0x0] =	vst.idx.msk $0xffff, v14  }
0x1e8: {  	v15 =	vmov s14;
	v14 =	vld.idx.msk [tilespmem:v13+s23+$0x0], $0xffff  }
0x1e9: {  	v15 =	vand.u32 $0x7F, v15  }
0x1ea: {  	v15 =	vbroadcast v15, $0x0;
	_ =	sdelay $0x1  }
0x1eb: {  	v16 =	vor.u32 v1, v15;
	_ =	sdelay $0x1  }
0x1ec: {  	v14 =	vmul.f32 v14, v8;
	_ =	sdelay $0x1  }
0x1ed: {  	[tilespmem:v13+s20+$0x0] =	vst.idx.msk $0xffff, v14  }
0x1ee: {  	v13 =	vld.idx.msk [tilespmem:v16+s23+$0x0], $0xffff;
	_ =	sdelay $0x3  }
0x1ef: {  	v14 =	vor.u32 v4, v15;
	_ =	sdelay $0x1  }
0x1f0: {  	v13 =	vmul.f32 v13, v12;
	_ =	sdelay $0x1  }
0x1f1: {  	[tilespmem:v16+s20+$0x0] =	vst.idx.msk $0xffff, v13  }
0x1f2: {  	v13 =	vld.idx.msk [tilespmem:v14+s23+$0x0], $0xffff;
	_ =	sdelay $0x3  }
0x1f3: {  	v16 =	vor.u32 v5, v15;
	_ =	sdelay $0x1  }
0x1f4: {  	v13 =	vmul.f32 v13, v11;
	_ =	sdelay $0x1  }
0x1f5: {  	[tilespmem:v14+s20+$0x0] =	vst.idx.msk $0xffff, v13  }
0x1f6: {  	v13 =	vld.idx.msk [tilespmem:v16+s23+$0x0], $0xffff;
	_ =	sdelay $0x3  }
0x1f7: {  	v17 =	vor.u32 v6, v15;
	_ =	sdelay $0x1  }
0x1f8: {  	v13 =	vmul.f32 v13, v10;
	_ =	sdelay $0x1  }
0x1f9: {  	[tilespmem:v16+s20+$0x0] =	vst.idx.msk $0xffff, v13  }
0x1fa: {  	v13 =	vld.idx.msk [tilespmem:v17+s23+$0x0], $0xffff;
	_ =	sdelay $0x3  }
0x1fb: {  	v14 =	vor.u32 v7, v15;
	_ =	sdelay $0x1  }
0x1fc: {  	v13 =	vmul.f32 v13, v9;
	_ =	sdelay $0x1  }
0x1fd: {  	[tilespmem:v17+s20+$0x0] =	vst.idx.msk $0xffff, v13  }
0x1fe: {  	v13 =	vmov s6;
	v16 =	vld.idx.msk [tilespmem:v14+s23+$0x0], $0xffff  }
0x1ff: {  	v13 =	vand.u32 $0x7E, v13  }
.Ltmp6:
0x200: {  	v13 =	vbroadcast v13, $0x0;
	(pc) =	sbr.rel @p1 .LBB2_15-.Ltmp6, $3  }
0x201: {  	_ = 	snop  }
0x202: {  	v15 =	vor.u32 v1, v13;
	_ =	sdelay $0x1  }
0x203: {  	v16 =	vmul.f32 v16, v8  }
0x204: {  	_ =	sdelay $0x3  }
0x205: {  	[tilespmem:v14+s20+$0x0] =	vst.idx.msk $0xffff, v16  }
0x206: {  	v14 =	vld.idx.msk [tilespmem:v15+s23+$0x0], $0xffff;
	_ =	sdelay $0x2  }
0x207: {  	v50 =	vor.u32 v4, v13;
	_ =	sdelay $0x1  }
0x208: {  	v14 =	vmul.f32 v14, v12;
	_ =	sdelay $0x1  }
0x209: {  	[tilespmem:v15+s20+$0x0] =	vst.idx.msk $0xffff, v14  }
0x20a: {  	v14 =	vld.idx.msk [tilespmem:v50+s23+$0x0], $0xffff;
	_ =	sdelay $0x2  }
0x20b: {  	v51 =	vor.u32 v5, v13;
	_ =	sdelay $0x1  }
0x20c: {  	v14 =	vmul.f32 v14, v11;
	_ =	sdelay $0x1  }
0x20d: {  	[tilespmem:v50+s20+$0x0] =	vst.idx.msk $0xffff, v14  }
0x20e: {  	v14 =	vld.idx.msk [tilespmem:v51+s23+$0x0], $0xffff;
	_ =	sdelay $0x2  }
0x20f: {  	v52 =	vor.u32 v6, v13;
	_ =	sdelay $0x1  }
0x210: {  	v14 =	vmul.f32 v14, v10;
	_ =	sdelay $0x1  }
0x211: {  	[tilespmem:v51+s20+$0x0] =	vst.idx.msk $0xffff, v14  }
0x212: {  	v14 =	vld.idx.msk [tilespmem:v52+s23+$0x0], $0xffff;
	_ =	sdelay $0x2  }
0x213: {  	v53 =	vor.u32 v7, v13;
	_ =	sdelay $0x1  }
0x214: {  	v14 =	vmul.f32 v14, v9  }
0x215: {  	s6 =	sadd.s32 $0x1, s6  }
0x216: {  	v54 =	vmov s6;
	[tilespmem:v52+s20+$0x0] =	vst.idx.msk $0xffff, v14  }
0x217: {  	v14 =	vand.u32 $0x7F, v54;
	v15 =	vld.idx.msk [tilespmem:v53+s23+$0x0], $0xffff  }
0x218: {  	v14 =	vbroadcast v14, $0x0;
	_ =	sdelay $0x1  }
0x219: {  	v55 =	vor.u32 v1, v14;
	_ =	sdelay $0x1  }
0x21a: {  	v15 =	vmul.f32 v15, v8;
	_ =	sdelay $0x1  }
0x21b: {  	[tilespmem:v53+s20+$0x0] =	vst.idx.msk $0xffff, v15  }
0x21c: {  	v13 =	vld.idx.msk [tilespmem:v55+s23+$0x0], $0xffff;
	_ =	sdelay $0x2  }
0x21d: {  	v56 =	vor.u32 v4, v14;
	_ =	sdelay $0x1  }
0x21e: {  	v57 =	vmul.f32 v13, v12;
	_ =	sdelay $0x1  }
0x21f: {  	[tilespmem:v55+s20+$0x0] =	vst.idx.msk $0xffff, v57  }
0x220: {  	v12 =	vld.idx.msk [tilespmem:v56+s23+$0x0], $0xffff;
	_ =	sdelay $0x2  }
0x221: {  	v58 =	vor.u32 v5, v14;
	_ =	sdelay $0x1  }
0x222: {  	v59 =	vmul.f32 v12, v11;
	_ =	sdelay $0x1  }
0x223: {  	[tilespmem:v56+s20+$0x0] =	vst.idx.msk $0xffff, v59  }
0x224: {  	v11 =	vld.idx.msk [tilespmem:v58+s23+$0x0], $0xffff;
	_ =	sdelay $0x2  }
0x225: {  	v60 =	vor.u32 v6, v14;
	_ =	sdelay $0x1  }
0x226: {  	v61 =	vmul.f32 v11, v10;
	_ =	sdelay $0x1  }
0x227: {  	[tilespmem:v58+s20+$0x0] =	vst.idx.msk $0xffff, v61  }
0x228: {  	v10 =	vld.idx.msk [tilespmem:v60+s23+$0x0], $0xffff;
	_ =	sdelay $0x2  }
0x229: {  	v62 =	vor.u32 v7, v14;
	_ =	sdelay $0x1  }
0x22a: {  	v63 =	vmul.f32 v10, v9;
	_ =	sdelay $0x1  }
0x22b: {  	[tilespmem:v60+s20+$0x0] =	vst.idx.msk $0xffff, v63  }
0x22c: {  	v9 =	vld.idx.msk [tilespmem:v62+s23+$0x0], $0xffff;
	_ =	sdelay $0x4  }
0x22d: {  	s3 =	sadd.s32 $0x1, s3;
	v8 =	vmul.f32 v9, v8  }
0x22e: {  	p1 =	sne.s32 s3, $0x7D  }
.Ltmp7:
0x22f: {  	[tilespmem:v62+s20+$0x0] =	vst.idx.msk $0xffff, v8;
	(pc) =	sbr.rel @p1 .LBB2_14-.Ltmp7, $4  }
0x230: {  	[spmem:s1] =	stream.indirect.scatter.add.f32 [tilespmem:s20], [sflag:$0x1], $0x80, s29, s21, $0xb8;
	[tilespmem:$0x1E680] =	vst v63  }
0x231: {  	_ =	swait.ge [sflag:s16], $0x2800  }
0x232: {  	[sflag:s16] =	ssyncset.done $0x0  }
0x233: {  	[sflag:s16] =	ssyncadd.s32 $0xFFFFD800  }
0x234: {  	[bflag:$0x0] =	sbarrier.arrive $0xFFFF;
	s3 =	sadd.s32 s12, s13  }
0x235: {  	[hbm:s3], [sflag:s31] =	dma.local [spmem:s0], $0xC80  }
0x236: {  	_ =	swait.ge [sflag:s16], $0xC80  }
0x237: {  	[sflag:s16] =	ssyncset.done $0x0  }
0x238: {  	s3 =	sadd.s32 @!p0 $0xC800, s13;
	[sflag:s16] =	ssyncadd.s32 $0xFFFFF380  }
0x239: {  	[hbm:s3], [sflag:s31] =	dma.local @!p0 [spmem:s17], $0xC80  }
0x23a: {  	s3 =	simm.s32 @!p0 $0x1  }
0x23b: {  	_ =	swait.ge @!p0 [sflag:s3], $0xC80  }
0x23c: {  	[sflag:s3] =	ssyncset.done @!p0 $0x0  }
0x23d: {  	[sflag:s3] =	ssyncadd.s32 @!p0 $0xFFFFF380  }
0x23e: {  	[bflag:$0x0] =	sbarrier.arrive $0xFFFF  }
0x23f: {  	[spmem:s9] =	stream.linear.scatter [tilespmem:s19], [sflag:$0x1], $0x6400, $0x38;
	[tilespmem:$0x1E680] =	vst v63  }
0x240: {  	_ =	swait.ge [sflag:s16], $0x6400  }
0x241: {  	[sflag:s16] =	ssyncset.done $0x0  }
0x242: {  	[sflag:s16] =	ssyncadd.s32 $0xFFFF9C00  }
0x243: {  	s18 =	simm.s32 $0x0;
	s17 =	simm.s32 $0x0;
	[bflag:$0x0] =	sbarrier.arrive $0xFFFF  }
.LBB2_18:
0x244: {  	s3 =	smul.u32 $0x50, s18;
	_ =	sdelay $0x1  }
0x245: {  	v8 =	vld [tilespmem:s3+$0x2800]  }
0x246: {  	v9 =	vld [tilespmem:s3+$0x80];
	_ =	sdelay $0x3  }
0x247: {  	v8 =	vadd.s32 $0xFFFFE570, v8  }
0x248: {  	v9 =	vadd.s32 v2, v9;
	vm0 =	vlt.u32 v8, $0xC80  }
0x249: {  	[tilespmem:$0x7700] =	vst v9;
	v8 =	vnsel vm0, $0xD48, v8  }
0x24a: {  	[tilespmem:$0x7800] =	vst v8  }
0x24b: {  	v8 =	vld [tilespmem:s3+$0x2810]  }
0x24c: {  	v9 =	vld [tilespmem:s3+$0x90];
	_ =	sdelay $0x3  }
0x24d: {  	v8 =	vadd.s32 $0xFFFFE570, v8  }
0x24e: {  	v9 =	vadd.s32 v2, v9;
	vm12 =	vlt.u32 v8, $0xC80  }
0x24f: {  	[tilespmem:$0x7710] =	vst v9;
	v8 =	vnsel vm12, $0xD48, v8  }
0x250: {  	[tilespmem:$0x7810] =	vst v8  }
0x251: {  	v8 =	vld [tilespmem:s3+$0x2820]  }
0x252: {  	v9 =	vld [tilespmem:s3+$0xA0];
	_ =	sdelay $0x3  }
0x253: {  	v8 =	vadd.s32 $0xFFFFE570, v8  }
0x254: {  	v9 =	vadd.s32 v2, v9;
	vm13 =	vlt.u32 v8, $0xC80  }
0x255: {  	[tilespmem:$0x7720] =	vst v9;
	v8 =	vnsel vm13, $0xD48, v8  }
0x256: {  	[tilespmem:$0x7820] =	vst v8  }
0x257: {  	v8 =	vld [tilespmem:s3+$0x2830]  }
0x258: {  	v9 =	vld [tilespmem:s3+$0xB0];
	_ =	sdelay $0x3  }
0x259: {  	v8 =	vadd.s32 $0xFFFFE570, v8  }
0x25a: {  	v9 =	vadd.s32 v2, v9;
	vm14 =	vlt.u32 v8, $0xC80  }
0x25b: {  	[tilespmem:$0x7730] =	vst v9;
	v8 =	vnsel vm14, $0xD48, v8  }
0x25c: {  	[tilespmem:$0x7830] =	vst v8  }
0x25d: {  	v8 =	vld [tilespmem:s3+$0x2840]  }
0x25e: {  	v9 =	vld [tilespmem:s3+$0xC0];
	_ =	sdelay $0x3  }
0x25f: {  	v10 =	vmov s17;
	v8 =	vadd.s32 $0xFFFFE570, v8  }
0x260: {  	v10 =	vand.u32 $0x7E, v10;
	v9 =	vadd.s32 v2, v9;
	vm15 =	vlt.u32 v8, $0xC80  }
0x261: {  	v13 =	vbroadcast v10, $0x0;
	[tilespmem:$0x7740] =	vst v9;
	v8 =	vnsel vm15, $0xD48, v8  }
0x262: {  	[tilespmem:$0x7840] =	vst v8  }
0x263: {  	v14 =	vor.u32 v1, v13;
	[tilespmem:s23], [sflag:$0x1] =	stream.indirect.gather [hbm4b:s4+s21], $0x80, s22, s21, $0xb8;
	[tilespmem:$0x1E680] =	vst v63  }
0x264: {  	_ =	swait.ge [sflag:s16], $0x2800  }
0x265: {  	[sflag:s16] =	ssyncset.done $0x0  }
0x266: {  	[sflag:s16] =	ssyncadd.s32 $0xFFFFD800  }
0x267: {  	v12 =	vld [tilespmem:s3+$0x4F80]  }
0x268: {  	v8 =	vld.idx.msk [tilespmem:v14+s23+$0x0], $0xffff;
	_ =	sdelay $0x2  }
0x269: {  	v15 =	vor.u32 v4, v13  }
0x26a: {  	v11 =	vld [tilespmem:s3+$0x4F90]  }
0x26b: {  	v10 =	vld [tilespmem:s3+$0x4FA0];
	v16 =	vmul.f32 v8, v12  }
0x26c: {  	v9 =	vld [tilespmem:s3+$0x4FB0]  }
0x26d: {  	v8 =	vld [tilespmem:s3+$0x4FC0];
	[tilespmem:v14+s20+$0x0] =	vst.idx.msk $0xffff, v16  }
0x26e: {  	v14 =	vld.idx.msk [tilespmem:v15+s23+$0x0], $0xffff;
	_ =	sdelay $0x2  }
0x26f: {  	v16 =	vor.u32 v5, v13;
	_ =	sdelay $0x1  }
0x270: {  	v14 =	vmul.f32 v14, v11;
	_ =	sdelay $0x1  }
0x271: {  	[tilespmem:v15+s20+$0x0] =	vst.idx.msk $0xffff, v14  }
0x272: {  	v14 =	vld.idx.msk [tilespmem:v16+s23+$0x0], $0xffff;
	_ =	sdelay $0x2  }
0x273: {  	v15 =	vor.u32 v6, v13;
	_ =	sdelay $0x1  }
0x274: {  	v14 =	vmul.f32 v14, v10;
	_ =	sdelay $0x1  }
0x275: {  	[tilespmem:v16+s20+$0x0] =	vst.idx.msk $0xffff, v14  }
0x276: {  	v14 =	vld.idx.msk [tilespmem:v15+s23+$0x0], $0xffff;
	_ =	sdelay $0x2  }
0x277: {  	v13 =	vor.u32 v7, v13;
	_ =	sdelay $0x1  }
0x278: {  	v14 =	vmul.f32 v14, v9  }
0x279: {  	s15 =	simm.s32 $0x1  }
0x27a: {  	[tilespmem:v15+s20+$0x0] =	vst.idx.msk $0xffff, v14;
	v14 =	vmov s15  }
0x27b: {  	v15 =	vld.idx.msk [tilespmem:v13+s23+$0x0], $0xffff;
	v14 =	vand.u32 $0x7F, v14  }
0x27c: {  	v14 =	vbroadcast v14, $0x0;
	_ =	sdelay $0x1  }
0x27d: {  	v16 =	vor.u32 v1, v14;
	_ =	sdelay $0x1  }
0x27e: {  	v15 =	vmul.f32 v15, v8;
	_ =	sdelay $0x1  }
0x27f: {  	[tilespmem:v13+s20+$0x0] =	vst.idx.msk $0xffff, v15  }
0x280: {  	v13 =	vld.idx.msk [tilespmem:v16+s23+$0x0], $0xffff;
	_ =	sdelay $0x2  }
0x281: {  	v15 =	vor.u32 v4, v14;
	_ =	sdelay $0x1  }
0x282: {  	v13 =	vmul.f32 v13, v12;
	_ =	sdelay $0x1  }
0x283: {  	[tilespmem:v16+s20+$0x0] =	vst.idx.msk $0xffff, v13  }
0x284: {  	v13 =	vld.idx.msk [tilespmem:v15+s23+$0x0], $0xffff;
	_ =	sdelay $0x2  }
0x285: {  	v16 =	vor.u32 v5, v14;
	_ =	sdelay $0x1  }
0x286: {  	v13 =	vmul.f32 v13, v11;
	_ =	sdelay $0x1  }
0x287: {  	[tilespmem:v15+s20+$0x0] =	vst.idx.msk $0xffff, v13  }
0x288: {  	v13 =	vld.idx.msk [tilespmem:v16+s23+$0x0], $0xffff;
	_ =	sdelay $0x2  }
0x289: {  	v15 =	vor.u32 v6, v14;
	_ =	sdelay $0x1  }
0x28a: {  	v13 =	vmul.f32 v13, v10;
	_ =	sdelay $0x1  }
0x28b: {  	[tilespmem:v16+s20+$0x0] =	vst.idx.msk $0xffff, v13  }
0x28c: {  	v13 =	vld.idx.msk [tilespmem:v15+s23+$0x0], $0xffff;
	_ =	sdelay $0x2  }
0x28d: {  	v14 =	vor.u32 v7, v14;
	_ =	sdelay $0x1  }
0x28e: {  	v13 =	vmul.f32 v13, v9  }
0x28f: {  	s3 =	simm.s32 $0x2  }
0x290: {  	[tilespmem:v15+s20+$0x0] =	vst.idx.msk $0xffff, v13;
	v13 =	vmov s3  }
0x291: {  	v16 =	vld.idx.msk [tilespmem:v14+s23+$0x0], $0xffff;
	v13 =	vand.u32 $0x7E, v13  }
0x292: {  	v13 =	vbroadcast v13, $0x0;
	_ =	sdelay $0x1  }
0x293: {  	v15 =	vor.u32 v1, v13;
	_ =	sdelay $0x1  }
0x294: {  	s6 =	simm.s32 $0x4;
	v16 =	vmul.f32 v16, v8  }
.LBB2_19:
0x295: {  	_ = 	snop  }
0x296: {  	p1 =	slt.u32 s6, $0x7E;
	s7 =	smov.u32 s6;
	s6 =	sadd.s32 $0x2, s6;
	[tilespmem:v14+s20+$0x0] =	vst.idx.msk $0xffff, v16  }
0x297: {  	v14 =	vld.idx.msk [tilespmem:v15+s23+$0x0], $0xffff;
	_ =	sdelay $0x3  }
0x298: {  	v16 =	vor.u32 v4, v13;
	_ =	sdelay $0x1  }
0x299: {  	v14 =	vmul.f32 v14, v12;
	_ =	sdelay $0x1  }
0x29a: {  	[tilespmem:v15+s20+$0x0] =	vst.idx.msk $0xffff, v14  }
0x29b: {  	v14 =	vld.idx.msk [tilespmem:v16+s23+$0x0], $0xffff;
	_ =	sdelay $0x3  }
0x29c: {  	v15 =	vor.u32 v5, v13;
	_ =	sdelay $0x1  }
0x29d: {  	v14 =	vmul.f32 v14, v11;
	_ =	sdelay $0x1  }
0x29e: {  	[tilespmem:v16+s20+$0x0] =	vst.idx.msk $0xffff, v14  }
0x29f: {  	v14 =	vld.idx.msk [tilespmem:v15+s23+$0x0], $0xffff;
	_ =	sdelay $0x3  }
0x2a0: {  	v16 =	vor.u32 v6, v13;
	_ =	sdelay $0x1  }
0x2a1: {  	v14 =	vmul.f32 v14, v10;
	_ =	sdelay $0x1  }
0x2a2: {  	[tilespmem:v15+s20+$0x0] =	vst.idx.msk $0xffff, v14  }
0x2a3: {  	v14 =	vld.idx.msk [tilespmem:v16+s23+$0x0], $0xffff;
	_ =	sdelay $0x3  }
0x2a4: {  	v13 =	vor.u32 v7, v13;
	_ =	sdelay $0x1  }
0x2a5: {  	v14 =	vmul.f32 v14, v9;
	_ =	sdelay $0x1  }
0x2a6: {  	s8 =	sadd.s32 $0x1, s3;
	s3 =	smov.u32 s7;
	[tilespmem:v16+s20+$0x0] =	vst.idx.msk $0xffff, v14  }
0x2a7: {  	v15 =	vmov s8;
	v14 =	vld.idx.msk [tilespmem:v13+s23+$0x0], $0xffff  }
0x2a8: {  	v15 =	vand.u32 $0x7F, v15  }
0x2a9: {  	v15 =	vbroadcast v15, $0x0;
	_ =	sdelay $0x1  }
0x2aa: {  	v16 =	vor.u32 v1, v15;
	_ =	sdelay $0x1  }
0x2ab: {  	v14 =	vmul.f32 v14, v8;
	_ =	sdelay $0x1  }
0x2ac: {  	[tilespmem:v13+s20+$0x0] =	vst.idx.msk $0xffff, v14  }
0x2ad: {  	v13 =	vld.idx.msk [tilespmem:v16+s23+$0x0], $0xffff;
	_ =	sdelay $0x3  }
0x2ae: {  	v14 =	vor.u32 v4, v15;
	_ =	sdelay $0x1  }
0x2af: {  	v13 =	vmul.f32 v13, v12;
	_ =	sdelay $0x1  }
0x2b0: {  	[tilespmem:v16+s20+$0x0] =	vst.idx.msk $0xffff, v13  }
0x2b1: {  	v13 =	vld.idx.msk [tilespmem:v14+s23+$0x0], $0xffff;
	_ =	sdelay $0x3  }
0x2b2: {  	v16 =	vor.u32 v5, v15;
	_ =	sdelay $0x1  }
0x2b3: {  	v13 =	vmul.f32 v13, v11;
	_ =	sdelay $0x1  }
0x2b4: {  	[tilespmem:v14+s20+$0x0] =	vst.idx.msk $0xffff, v13  }
0x2b5: {  	v13 =	vld.idx.msk [tilespmem:v16+s23+$0x0], $0xffff;
	_ =	sdelay $0x3  }
0x2b6: {  	v17 =	vor.u32 v6, v15;
	_ =	sdelay $0x1  }
0x2b7: {  	v13 =	vmul.f32 v13, v10;
	_ =	sdelay $0x1  }
0x2b8: {  	[tilespmem:v16+s20+$0x0] =	vst.idx.msk $0xffff, v13  }
0x2b9: {  	v13 =	vld.idx.msk [tilespmem:v17+s23+$0x0], $0xffff;
	_ =	sdelay $0x3  }
0x2ba: {  	v14 =	vor.u32 v7, v15;
	_ =	sdelay $0x1  }
0x2bb: {  	v13 =	vmul.f32 v13, v9;
	_ =	sdelay $0x1  }
0x2bc: {  	[tilespmem:v17+s20+$0x0] =	vst.idx.msk $0xffff, v13  }
0x2bd: {  	v13 =	vmov s3;
	v16 =	vld.idx.msk [tilespmem:v14+s23+$0x0], $0xffff  }
0x2be: {  	v13 =	vand.u32 $0x7E, v13  }
.Ltmp8:
0x2bf: {  	v13 =	vbroadcast v13, $0x0;
	(pc) =	sbr.rel @p1 .LBB2_19-.Ltmp8, $3  }
0x2c0: {  	_ = 	snop  }
0x2c1: {  	v15 =	vor.u32 v1, v13;
	_ =	sdelay $0x1  }
0x2c2: {  	v16 =	vmul.f32 v16, v8  }
0x2c3: {  	_ =	sdelay $0x3  }
0x2c4: {  	[tilespmem:v14+s20+$0x0] =	vst.idx.msk $0xffff, v16  }
0x2c5: {  	v14 =	vld.idx.msk [tilespmem:v15+s23+$0x0], $0xffff;
	_ =	sdelay $0x2  }
0x2c6: {  	v50 =	vor.u32 v4, v13;
	_ =	sdelay $0x1  }
0x2c7: {  	v14 =	vmul.f32 v14, v12;
	_ =	sdelay $0x1  }
0x2c8: {  	[tilespmem:v15+s20+$0x0] =	vst.idx.msk $0xffff, v14  }
0x2c9: {  	v14 =	vld.idx.msk [tilespmem:v50+s23+$0x0], $0xffff;
	_ =	sdelay $0x2  }
0x2ca: {  	v51 =	vor.u32 v5, v13;
	_ =	sdelay $0x1  }
0x2cb: {  	v14 =	vmul.f32 v14, v11;
	_ =	sdelay $0x1  }
0x2cc: {  	[tilespmem:v50+s20+$0x0] =	vst.idx.msk $0xffff, v14  }
0x2cd: {  	v14 =	vld.idx.msk [tilespmem:v51+s23+$0x0], $0xffff;
	_ =	sdelay $0x2  }
0x2ce: {  	v52 =	vor.u32 v6, v13;
	_ =	sdelay $0x1  }
0x2cf: {  	v14 =	vmul.f32 v14, v10;
	_ =	sdelay $0x1  }
0x2d0: {  	[tilespmem:v51+s20+$0x0] =	vst.idx.msk $0xffff, v14  }
0x2d1: {  	v14 =	vld.idx.msk [tilespmem:v52+s23+$0x0], $0xffff;
	_ =	sdelay $0x2  }
0x2d2: {  	v53 =	vor.u32 v7, v13;
	_ =	sdelay $0x1  }
0x2d3: {  	v14 =	vmul.f32 v14, v9  }
0x2d4: {  	s3 =	sadd.s32 $0x1, s3  }
0x2d5: {  	v54 =	vmov s3;
	[tilespmem:v52+s20+$0x0] =	vst.idx.msk $0xffff, v14  }
0x2d6: {  	v14 =	vand.u32 $0x7F, v54;
	v15 =	vld.idx.msk [tilespmem:v53+s23+$0x0], $0xffff  }
0x2d7: {  	v14 =	vbroadcast v14, $0x0;
	_ =	sdelay $0x1  }
0x2d8: {  	v55 =	vor.u32 v1, v14;
	_ =	sdelay $0x1  }
0x2d9: {  	v15 =	vmul.f32 v15, v8;
	_ =	sdelay $0x1  }
0x2da: {  	[tilespmem:v53+s20+$0x0] =	vst.idx.msk $0xffff, v15  }
0x2db: {  	v13 =	vld.idx.msk [tilespmem:v55+s23+$0x0], $0xffff;
	_ =	sdelay $0x2  }
0x2dc: {  	v56 =	vor.u32 v4, v14;
	_ =	sdelay $0x1  }
0x2dd: {  	v57 =	vmul.f32 v13, v12;
	_ =	sdelay $0x1  }
0x2de: {  	[tilespmem:v55+s20+$0x0] =	vst.idx.msk $0xffff, v57  }
0x2df: {  	v12 =	vld.idx.msk [tilespmem:v56+s23+$0x0], $0xffff;
	_ =	sdelay $0x2  }
0x2e0: {  	v58 =	vor.u32 v5, v14;
	_ =	sdelay $0x1  }
0x2e1: {  	v59 =	vmul.f32 v12, v11;
	_ =	sdelay $0x1  }
0x2e2: {  	[tilespmem:v56+s20+$0x0] =	vst.idx.msk $0xffff, v59  }
0x2e3: {  	v11 =	vld.idx.msk [tilespmem:v58+s23+$0x0], $0xffff;
	_ =	sdelay $0x2  }
0x2e4: {  	v60 =	vor.u32 v6, v14;
	_ =	sdelay $0x1  }
0x2e5: {  	v61 =	vmul.f32 v11, v10;
	_ =	sdelay $0x1  }
0x2e6: {  	[tilespmem:v58+s20+$0x0] =	vst.idx.msk $0xffff, v61  }
0x2e7: {  	v10 =	vld.idx.msk [tilespmem:v60+s23+$0x0], $0xffff;
	_ =	sdelay $0x2  }
0x2e8: {  	v62 =	vor.u32 v7, v14;
	_ =	sdelay $0x1  }
0x2e9: {  	v63 =	vmul.f32 v10, v9;
	_ =	sdelay $0x1  }
0x2ea: {  	[tilespmem:v60+s20+$0x0] =	vst.idx.msk $0xffff, v63  }
0x2eb: {  	v9 =	vld.idx.msk [tilespmem:v62+s23+$0x0], $0xffff;
	_ =	sdelay $0x4  }
0x2ec: {  	s18 =	sadd.s32 $0x1, s18;
	v8 =	vmul.f32 v9, v8  }
0x2ed: {  	p1 =	sne.s32 s18, $0x7D  }
.Ltmp9:
0x2ee: {  	[tilespmem:v62+s20+$0x0] =	vst.idx.msk $0xffff, v8;
	(pc) =	sbr.rel @p1 .LBB2_18-.Ltmp9, $4  }
0x2ef: {  	[spmem:s1] =	stream.indirect.scatter.add.f32 [tilespmem:s20], [sflag:$0x1], $0x80, s29, s21, $0xb8;
	[tilespmem:$0x1E680] =	vst v63  }
0x2f0: {  	_ =	swait.ge [sflag:s16], $0x2800  }
0x2f1: {  	[sflag:s16] =	ssyncset.done $0x0  }
0x2f2: {  	[sflag:s16] =	ssyncadd.s32 $0xFFFFD800  }
0x2f3: {  	[bflag:$0x0] =	sbarrier.arrive $0xFFFF  }
0x2f4: {  	[hbm:s25], [sflag:s31] =	dma.local [spmem:s0], $0xC80  }
0x2f5: {  	_ =	swait.ge [sflag:s16], $0xC80  }
0x2f6: {  	[sflag:s16] =	ssyncset.done $0x0  }
0x2f7: {  	[sflag:s16] =	ssyncadd.s32 $0xFFFFF380  }
0x2f8: {  	[bflag:$0x0] =	sbarrier.arrive $0xFFFF  }
0x2f9: {  	s18 =	rddreg [dreg:$0x8]  }
0x2fa: {  	[hbm4b:s18+s2] =	stream.linear.scatter [tilespmem:s28], [sflag:$0x1], $0x2710, $0x38;
	[tilespmem:$0x1E680] =	vst v63  }
0x2fb: {  	_ =	swait.ge [sflag:s16], $0x2710  }
0x2fc: {  	s30 =	sadd.s32 $0x1, s30;
	s31 =	rddreg [dreg:$0x9]  }
0x2fd: {  	p1 =	sne.s32 s30, s31  }
.Ltmp10:
0x2fe: {  	_ = 	snop;
	(pc) =	sbr.rel @p1 .LBB2_1-.Ltmp10, $3  }
0x2ff: {  	_ =	sdelay $0x1  }
0x300: {  	[sflag:s16] =	ssyncset.done $0x0  }
0x301: {  	[sflag:s16] =	ssyncadd.s32 $0xFFFFD8F0  }
0x302: {  	_ =	sfence.sel $0x180000  }
0x303: {  	[bflag:$0x0] =	sbarrier.arrive $0xFFFF  }
0x304: {  	_ =	strace $0x90000047  }
0x305: {  	[bflag:$0x2] =	sbarrier.arrive $0xFFFF  }
0x306: {  	s0 =	rddreg [dreg:$0x4]  }
0x307: {  	s0 =	sadd.s32 @!p0 $0x100000, s0  }
0x308: {  	[sflag:s0] =	ssyncadd.tile.s32 @!p0 $0x1;
	_ =	shalt  }
.Lfunc_end2:
_tile_overlayer_lowered:
.L_overlay_start_2:
0x309: {  	(tag) =	ssettag $0x2  }
0x30a: {  	s0 =	rddreg [dreg:$0x0];
	s2 =	stileid.u32  }
0x30b: {  	s1 =	rddreg [dreg:$0x1];
	p0 =	sne.s32 s2, $0x0  }
0x30c: {  	s3 =	rddreg [dreg:$0x2];
	[bflag:$0x3] =	sbarrier.arrive $0xFFFF;
	s2 =	simm.s32 @!p0 $0x1C01  }
0x30d: {  	[timem:s3], [sflag:s2] =	dma.local @!p0 [hbm:s0], s1  }
0x30e: {  	s0 =	simm.s32 @!p0 $0x1  }
0x30f: {  	_ =	swait.ge @!p0 [sflag:s0], s1  }
0x310: {  	s1 =	ssub.s32 @!p0 $0x0, s1;
	[sflag:s0] =	ssyncset.done @!p0 $0x0  }
0x311: {  	[sflag:s0] =	ssyncadd.s32 @!p0 s1  }
0x312: {  	[bflag:$0x3] =	sbarrier.arrive $0xFFFF  }
0x313: {  	_ =	shalt  }

</sc_bundles>
